<compile_context>
chip_gen: v7x
topology: tpu7x:2x2x1
jax: 0.10.2.dev20260603
libtpu: 0.0.44.dev20260713+nightly
codegen_flags: <defaults>
</compile_context>

<pallas_src>
import functools

import jax
import jax.numpy as jnp
from jax import lax
from jax.experimental import pallas as pl
from jax.experimental.pallas import tpu as pltpu
from jax.experimental.pallas import tpu_sc as plsc

NN = 10000
EE = 320000
D = 128
DH = D // 2
DW = 16
NC = 2
NS = 16
NW = NC * NS
KD, CD = 100, 100
KB, CB = 200, 100
NB = 5
ND = 16
NPAD = 10112
RPT = NPAD // NS
BLK = 1000

_mesh = plsc.VectorSubcoreMesh(core_axis_name="c", subcore_axis_name="s")


@functools.partial(
    pl.kernel,
    out_type=jax.ShapeDtypeStruct((NC, NPAD, DW), jnp.float32),
    mesh=_mesh,
    scratch_types=[
        pltpu.VMEM((KD, CD), jnp.int32),
        pltpu.VMEM((CD, DW), jnp.float32),
        pltpu.VMEM((RPT, DW), jnp.float32),
        pltpu.VMEM_SHARED((NPAD, DW), jnp.float32),
        pltpu.SemaphoreType.DMA,
    ],
    compiler_params=pltpu.CompilerParams(use_tc_tiling_on_sc=False),
)
def _sc_deg(dst_hbm, out_hbm, dst_v, ones_v, zb_v, acc, sem):
    cid = lax.axis_index("c")
    sid = lax.axis_index("s")
    wid = sid * NC + cid

    def fill(i, carry):
        ones_v.at[i][pl.ds(0, DW)] = jnp.ones((DW,), jnp.float32)
        return carry

    lax.fori_loop(0, CD, fill, 0)

    def zfill(i, carry):
        zb_v.at[i][pl.ds(0, DW)] = jnp.zeros((DW,), jnp.float32)
        return carry

    lax.fori_loop(0, RPT, zfill, 0)

    pltpu.sync_copy(dst_hbm.at[wid], dst_v)
    pltpu.sync_copy(zb_v, acc.at[pl.ds(sid * RPT, RPT)])
    plsc.subcore_barrier()

    for j in range(ND):
        pltpu.async_copy(ones_v, acc.at[dst_v.at[j]], sem, add=True)

    def body(j, carry):
        pltpu.make_async_copy(ones_v, acc.at[dst_v.at[0]], sem).wait()
        pltpu.async_copy(ones_v, acc.at[dst_v.at[j + ND]], sem, add=True)
        return carry

    lax.fori_loop(0, KD - ND, body, 0)
    for j in range(ND):
        pltpu.make_async_copy(ones_v, acc.at[dst_v.at[0]], sem).wait()

    plsc.subcore_barrier()
    pltpu.sync_copy(
        acc.at[pl.ds(sid * RPT, RPT)], out_hbm.at[cid].at[pl.ds(sid * RPT, RPT)]
    )


@functools.partial(
    pl.kernel,
    out_type=jax.ShapeDtypeStruct((NC, NPAD, DH), jnp.float32),
    mesh=_mesh,
    scratch_types=[
        pltpu.VMEM((KB, CB), jnp.int32),
        pltpu.VMEM((KB, CB), jnp.int32),
        pltpu.VMEM((NB, CB, DH), jnp.float32),
        pltpu.VMEM((80, DH), jnp.float32),
        pltpu.VMEM_SHARED((NPAD, DH), jnp.float32),
        [pltpu.SemaphoreType.DMA] * NB,
        [pltpu.SemaphoreType.DMA] * NB,
    ],
    compiler_params=pltpu.CompilerParams(use_tc_tiling_on_sc=False),
)
def _sc_agg(hs_hbm, src_hbm, dst_hbm, out_hbm,
            src_v, dst_v, gb, zb, acc, gsem, ssem):
    cid = lax.axis_index("c")
    sid = lax.axis_index("s")
    base = sid * RPT
    hsc = hs_hbm.at[cid]

    def zfill(i, carry):
        row = zb.at[i]
        for l in range(DH // 16):
            row[pl.ds(l * 16, 16)] = jnp.zeros((16,), jnp.float32)
        return carry

    lax.fori_loop(0, 80, zfill, 0)

    pltpu.sync_copy(src_hbm.at[sid], src_v)
    pltpu.sync_copy(dst_hbm.at[sid], dst_v)

    for k in range(RPT // 80):
        pltpu.sync_copy(zb, acc.at[pl.ds(base + k * 80, 80)])
    if RPT % 80:
        pltpu.sync_copy(
            zb.at[pl.ds(0, RPT % 80)],
            acc.at[pl.ds(base + RPT - RPT % 80, RPT % 80)],
        )
    plsc.subcore_barrier()

    for b in range(NB):
        pltpu.async_copy(hsc.at[src_v.at[b]], gb.at[b], gsem[b])

    def body(g, carry):
        for b in range(NB):
            j = NB * g + b
            pltpu.make_async_copy(hsc.at[src_v.at[0]], gb.at[b], gsem[b]).wait()
            pltpu.async_copy(gb.at[b], acc.at[dst_v.at[j]], ssem[b], add=True)

            @pl.when(j + NB < KB)
            def _():
                pltpu.make_async_copy(gb.at[b], acc.at[dst_v.at[0]], ssem[b]).wait()
                pltpu.async_copy(hsc.at[src_v.at[j + NB]], gb.at[b], gsem[b])

        return carry

    lax.fori_loop(0, KB // NB, body, 0)
    for b in range(NB):
        pltpu.make_async_copy(gb.at[b], acc.at[dst_v.at[0]], ssem[b]).wait()

    plsc.subcore_barrier()
    pltpu.sync_copy(
        acc.at[pl.ds(base, RPT)],
        out_hbm.at[cid].at[pl.ds(base, RPT)],
    )


def _deg_inv_sqrt(degp_ref):
    deg = degp_ref[0, :, 0] + degp_ref[1, :, 0] + 1.0
    return lax.rsqrt(deg)[:, None]


def _stacked_full(ref):
    return jnp.concatenate([ref[0], ref[1]], axis=1)


def _tc1_body(x_ref, w_ref, degp_ref, hs_ref):
    d = _deg_inv_sqrt(degp_ref)
    hs = jnp.dot(x_ref[...], w_ref[...], preferred_element_type=jnp.float32) * d
    hs_ref[0] = hs[:, :DH]
    hs_ref[1] = hs[:, DH:]


def _tc2_body(acc_ref, hs_ref, degp_ref, w_ref, b_ref, a_ref, out_ref):
    d = _deg_inv_sqrt(degp_ref)
    pre = (_stacked_full(acc_ref) + _stacked_full(hs_ref)) * d + b_ref[...]
    a = a_ref[0, 0]
    h1 = jnp.where(pre >= 0.0, pre, a * pre)
    hs2 = jnp.dot(h1, w_ref[...], preferred_element_type=jnp.float32) * d
    out_ref[0] = hs2[:, :DH]
    out_ref[1] = hs2[:, DH:]


def _tc3_body(acc_ref, hs_ref, degp_ref, b_ref, a_ref, out_ref):
    d = _deg_inv_sqrt(degp_ref)
    pre = (_stacked_full(acc_ref) + _stacked_full(hs_ref)) * d + b_ref[...]
    a = a_ref[0, 0]
    h2 = jnp.where(pre >= 0.0, pre, a * pre)
    m = jnp.max(h2, axis=1, keepdims=True)
    lse = jnp.log(jnp.sum(jnp.exp(h2 - m), axis=1, keepdims=True)) + m
    out_ref[...] = h2 - lse


_GRID = (NN // BLK,)
_row = pl.BlockSpec((BLK, D), lambda j: (j, 0))
_hspec = pl.BlockSpec((2, BLK, DH), lambda j: (0, j, 0))
_wspec = pl.BlockSpec((D, D), lambda j: (0, 0))
_degspec = pl.BlockSpec((NC, BLK, DW), lambda j: (0, j, 0))
_bspec = pl.BlockSpec((1, D), lambda j: (0, 0))
_aspec = pl.BlockSpec((1, 1), lambda j: (0, 0))
_hsout = jax.ShapeDtypeStruct((2, NN, DH), jnp.float32)

_tc1 = pl.pallas_call(
    _tc1_body, grid=_GRID,
    in_specs=[_row, _wspec, _degspec],
    out_specs=_hspec, out_shape=_hsout,
)
_tc2 = pl.pallas_call(
    _tc2_body, grid=_GRID,
    in_specs=[_hspec, _hspec, _degspec, _wspec, _bspec, _aspec],
    out_specs=_hspec, out_shape=_hsout,
)
_tc3 = pl.pallas_call(
    _tc3_body, grid=_GRID,
    in_specs=[_hspec, _hspec, _degspec, _bspec, _aspec],
    out_specs=_row, out_shape=jax.ShapeDtypeStruct((NN, D), jnp.float32),
)


def kernel(x, edge_index, W1, b1, W2, b2, prelu_a):
    dst_d = edge_index[1].reshape(NW, KD, CD)
    src_s = edge_index[0].reshape(NS, KB, CB)
    dst_s = edge_index[1].reshape(NS, KB, CB)

    degp = _sc_deg(dst_d)

    hs1 = _tc1(x, W1, degp)
    acc1 = _sc_agg(hs1, src_s, dst_s)
    hs2 = _tc2(acc1, hs1, degp, W2, b1.reshape(1, D), prelu_a.reshape(1, 1))
    acc2 = _sc_agg(hs2, src_s, dst_s)
    return _tc3(acc2, hs2, degp, b2.reshape(1, D), prelu_a.reshape(1, 1))

# --- scband reference (transcript-rebuilt; emitter-appended) ---
"""Pipeline reference for scband-gcn-60335700574378 (READ-ONLY COPY).

The authoritative reference and input builder live on the scoring server;
editing this copy changes nothing except your own understanding.
"""

import jax, jax.numpy as jnp
import numpy as np

N = 10000
E = 320000
IN_DIM = 128
HI_DIM = 128
OUT_DIM = 128


def setup_inputs(seed: int = 0) -> dict:
    key = jax.random.key(seed)
    k1, k2, k3, k4 = jax.random.split(key, 4)
    x = jax.random.normal(k1, (N, IN_DIM), dtype=jnp.float32)
    edge_index = jax.random.randint(k2, (2, E), 0, N, dtype=jnp.int32)
    # GCNConv layer 1 params (glorot-style scale)
    W1 = jax.random.normal(k3, (IN_DIM, HI_DIM), dtype=jnp.float32) * (1.0 / np.sqrt(IN_DIM))
    b1 = jnp.zeros((HI_DIM,), dtype=jnp.float32)
    # GCNConv layer 2 params
    W2 = jax.random.normal(k4, (HI_DIM, OUT_DIM), dtype=jnp.float32) * (1.0 / np.sqrt(HI_DIM))
    b2 = jnp.zeros((OUT_DIM,), dtype=jnp.float32)
    # PReLU shared parameter (torch default init 0.25, num_parameters=1)
    prelu_a = jnp.full((1,), 0.25, dtype=jnp.float32)
    return {"x": x, "edge_index": edge_index, "W1": W1, "b1": b1, "W2": W2, "b2": b2, "prelu_a": prelu_a}


def _gcn_conv(x, edge_index, W, b, num_nodes):
    # x' = D^{-1/2} (A + I) D^{-1/2} X W + b  (PyG GCNConv default: self-loops + sym norm)
    h = x @ W
    src = edge_index[0]
    dst = edge_index[1]
    loop = jnp.arange(num_nodes, dtype=src.dtype)
    src = jnp.concatenate([src, loop])
    dst = jnp.concatenate([dst, loop])
    ones = jnp.ones(src.shape[0], dtype=h.dtype)
    deg = jnp.zeros((num_nodes,), dtype=h.dtype).at[dst].add(ones)
    deg_inv_sqrt = jnp.where(deg > 0, jax.lax.rsqrt(jnp.maximum(deg, 1e-12)), 0.0)
    norm = deg_inv_sqrt[src] * deg_inv_sqrt[dst]
    msg = h[src] * norm[:, None]
    out = jax.ops.segment_sum(msg, dst, num_segments=num_nodes)
    return out + b


def _prelu(x, a):
    return jnp.where(x >= 0, x, a * x)


def reference(x, edge_index, W1, b1, W2, b2, prelu_a):
    h = _prelu(_gcn_conv(x, edge_index, W1, b1, N), prelu_a)
    # dropout is identity in eval mode
    h2 = _prelu(_gcn_conv(h, edge_index, W2, b2, N), prelu_a)
    return jax.nn.log_softmax(h2, axis=1)

if __name__ == "__main__":
    import jax
    _d = setup_inputs()
    print(jax.jit(kernel)(*tuple(_d.values())))

</pallas_src>

<mosaic_0001>
#map = affine_map<(d0, d1) -> (0, 0, 0)>
module attributes {stable_mosaic.version = 14 : i64} {
  func.func @_sc_agg(%arg0: i32, %arg1: i32, %arg2: memref<2x10000x64xf32, #tpu.memory_space<hbm>>, %arg3: memref<16x200x100xi32, #tpu.memory_space<hbm>>, %arg4: memref<16x200x100xi32, #tpu.memory_space<hbm>>, %arg5: memref<2x10112x64xf32, #tpu.memory_space<hbm>>, %arg6: memref<200x100xi32, #tpu.memory_space<vmem>>, %arg7: memref<200x100xi32, #tpu.memory_space<vmem>>, %arg8: memref<5x100x64xf32, #tpu.memory_space<vmem>>, %arg9: memref<80x64xf32, #tpu.memory_space<vmem>>, %arg10: memref<10112x64xf32, #tpu.memory_space<vmem_shared>>, %arg11: memref<!tpu.dma_semaphore, #tpu.memory_space<semaphore_mem>>, %arg12: memref<!tpu.dma_semaphore, #tpu.memory_space<semaphore_mem>>, %arg13: memref<!tpu.dma_semaphore, #tpu.memory_space<semaphore_mem>>, %arg14: memref<!tpu.dma_semaphore, #tpu.memory_space<semaphore_mem>>, %arg15: memref<!tpu.dma_semaphore, #tpu.memory_space<semaphore_mem>>, %arg16: memref<!tpu.dma_semaphore, #tpu.memory_space<semaphore_mem>>, %arg17: memref<!tpu.dma_semaphore, #tpu.memory_space<semaphore_mem>>, %arg18: memref<!tpu.dma_semaphore, #tpu.memory_space<semaphore_mem>>, %arg19: memref<!tpu.dma_semaphore, #tpu.memory_space<semaphore_mem>>, %arg20: memref<!tpu.dma_semaphore, #tpu.memory_space<semaphore_mem>>) attributes {dimension_semantics = [#tpu.dimension_semantics<core_parallel>, #tpu.dimension_semantics<subcore_parallel>], iteration_bounds = array<i64: 2, 16>, scalar_prefetch = 0 : i64, scratch_operands = 15 : i64, tpu.core_type = #tpu.core_type<sc_vector_subcore>, window_params = [{transform_indices = #map}, {transform_indices = #map}, {transform_indices = #map}, {transform_indices = #map}]} {
    %mul3A = arith.constant 632 : i32
    %mul3A_0 = arith.muli %arg1, %mul3A : i32
    %scan3A = arith.constant 0 : i32
    %scan3A_1 = arith.constant 0 : i32
    %scan3A_2 = arith.constant 80 : i32
    %scan3A_3 = arith.addi %scan3A_1, %scan3A_2 : i32
    %scan3A_4 = arith.constant 1 : i32
    scf.for %scan3A_167 = %scan3A_1 to %scan3A_3 step %scan3A_4  : i32 {
      %broadcast_in_dim3A = arith.constant 0.000000e+00 : f32
      %broadcast_in_dim3A_168 = vector.broadcast %broadcast_in_dim3A : f32 to vector<16xf32>
      %swap3A = arith.constant 0 : i32
      %swap3A_169 = tpu.memref_slice %arg9[%scan3A_167, %swap3A] : memref<80x64xf32, #tpu.memory_space<vmem>> -> memref<1x64xf32, #tpu.memory_space<vmem>>
      %swap3A_170 = tpu.memref_squeeze %swap3A_169 : memref<1x64xf32, #tpu.memory_space<vmem>> -> memref<64xf32, #tpu.memory_space<vmem>>
      %swap3A_171 = arith.constant 0 : index
      %swap3A_172 = tpu.vector_load %swap3A_170[%swap3A_171] {strides = array<i32>} : memref<64xf32, #tpu.memory_space<vmem>>, vector<16xf32>,
      %swap3A_173 = vector.shape_cast %swap3A_172 : vector<16xf32> to vector<16xf32>
      %swap3A_174 = vector.shape_cast %broadcast_in_dim3A_168 : vector<16xf32> to vector<16xf32>
      tpu.vector_store %swap3A_170[%swap3A_171], %swap3A_174 {strides = array<i32>} : memref<64xf32, #tpu.memory_space<vmem>>, vector<16xf32>,
      %broadcast_in_dim3A_175 = arith.constant 0.000000e+00 : f32
      %broadcast_in_dim3A_176 = vector.broadcast %broadcast_in_dim3A_175 : f32 to vector<16xf32>
      %swap3A_177 = arith.constant 0 : i32
      %swap3A_178 = tpu.memref_slice %arg9[%scan3A_167, %swap3A_177] : memref<80x64xf32, #tpu.memory_space<vmem>> -> memref<1x64xf32, #tpu.memory_space<vmem>>
      %swap3A_179 = tpu.memref_squeeze %swap3A_178 : memref<1x64xf32, #tpu.memory_space<vmem>> -> memref<64xf32, #tpu.memory_space<vmem>>
      %swap3A_180 = arith.constant 16 : index
      %swap3A_181 = tpu.vector_load %swap3A_179[%swap3A_180] {strides = array<i32>} : memref<64xf32, #tpu.memory_space<vmem>>, vector<16xf32>,
      %swap3A_182 = vector.shape_cast %swap3A_181 : vector<16xf32> to vector<16xf32>
      %swap3A_183 = vector.shape_cast %broadcast_in_dim3A_176 : vector<16xf32> to vector<16xf32>
      tpu.vector_store %swap3A_179[%swap3A_180], %swap3A_183 {strides = array<i32>} : memref<64xf32, #tpu.memory_space<vmem>>, vector<16xf32>,
      %broadcast_in_dim3A_184 = arith.constant 0.000000e+00 : f32
      %broadcast_in_dim3A_185 = vector.broadcast %broadcast_in_dim3A_184 : f32 to vector<16xf32>
      %swap3A_186 = arith.constant 0 : i32
      %swap3A_187 = tpu.memref_slice %arg9[%scan3A_167, %swap3A_186] : memref<80x64xf32, #tpu.memory_space<vmem>> -> memref<1x64xf32, #tpu.memory_space<vmem>>
      %swap3A_188 = tpu.memref_squeeze %swap3A_187 : memref<1x64xf32, #tpu.memory_space<vmem>> -> memref<64xf32, #tpu.memory_space<vmem>>
      %swap3A_189 = arith.constant 32 : index
      %swap3A_190 = tpu.vector_load %swap3A_188[%swap3A_189] {strides = array<i32>} : memref<64xf32, #tpu.memory_space<vmem>>, vector<16xf32>,
      %swap3A_191 = vector.shape_cast %swap3A_190 : vector<16xf32> to vector<16xf32>
      %swap3A_192 = vector.shape_cast %broadcast_in_dim3A_185 : vector<16xf32> to vector<16xf32>
      tpu.vector_store %swap3A_188[%swap3A_189], %swap3A_192 {strides = array<i32>} : memref<64xf32, #tpu.memory_space<vmem>>, vector<16xf32>,
      %broadcast_in_dim3A_193 = arith.constant 0.000000e+00 : f32
      %broadcast_in_dim3A_194 = vector.broadcast %broadcast_in_dim3A_193 : f32 to vector<16xf32>
      %swap3A_195 = arith.constant 0 : i32
      %swap3A_196 = tpu.memref_slice %arg9[%scan3A_167, %swap3A_195] : memref<80x64xf32, #tpu.memory_space<vmem>> -> memref<1x64xf32, #tpu.memory_space<vmem>>
      %swap3A_197 = tpu.memref_squeeze %swap3A_196 : memref<1x64xf32, #tpu.memory_space<vmem>> -> memref<64xf32, #tpu.memory_space<vmem>>
      %swap3A_198 = arith.constant 48 : index
      %swap3A_199 = tpu.vector_load %swap3A_197[%swap3A_198] {strides = array<i32>} : memref<64xf32, #tpu.memory_space<vmem>>, vector<16xf32>,
      %swap3A_200 = vector.shape_cast %swap3A_199 : vector<16xf32> to vector<16xf32>
      %swap3A_201 = vector.shape_cast %broadcast_in_dim3A_194 : vector<16xf32> to vector<16xf32>
      tpu.vector_store %swap3A_197[%swap3A_198], %swap3A_201 {strides = array<i32>} : memref<64xf32, #tpu.memory_space<vmem>>, vector<16xf32>,
    }
    %scan3A_5 = arith.constant 80 : i32
    "tpu.region"() ({
      %run_scoped3A = tpu.sem_alloc : memref<!tpu.dma_semaphore, #tpu.memory_space<semaphore_mem>>
      %dma_start3A_167 = arith.constant 0 : i32
      %dma_start3A_168 = arith.constant 0 : i32
      %dma_start3A_169 = tpu.memref_slice %arg3[%arg1, %dma_start3A_167, %dma_start3A_168] : memref<16x200x100xi32, #tpu.memory_space<hbm>> -> memref<1x200x100xi32, #tpu.memory_space<hbm>>
      %dma_start3A_170 = tpu.memref_squeeze %dma_start3A_169 : memref<1x200x100xi32, #tpu.memory_space<hbm>> -> memref<200x100xi32, #tpu.memory_space<hbm>>
      %dma_start3A_171 = arith.constant 0 : i32
      %dma_start3A_172 = arith.constant 0 : i32
      %dma_start3A_173 = tpu.memref_slice %arg3[%arg1, %dma_start3A_171, %dma_start3A_172] : memref<16x200x100xi32, #tpu.memory_space<hbm>> -> memref<1x200x100xi32, #tpu.memory_space<hbm>>
      %dma_start3A_174 = tpu.memref_squeeze %dma_start3A_173 : memref<1x200x100xi32, #tpu.memory_space<hbm>> -> memref<200x100xi32, #tpu.memory_space<hbm>>
      tpu.enqueue_dma source(%dma_start3A_174 : memref<200x100xi32, #tpu.memory_space<hbm>>) target(%arg6 : memref<200x100xi32, #tpu.memory_space<vmem>>) target_semaphore(%run_scoped3A : memref<!tpu.dma_semaphore, #tpu.memory_space<semaphore_mem>>)
      %dma_wait3A_175 = arith.constant 0 : i32
      %dma_wait3A_176 = arith.constant 0 : i32
      %dma_wait3A_177 = tpu.memref_slice %arg3[%arg1, %dma_wait3A_175, %dma_wait3A_176] : memref<16x200x100xi32, #tpu.memory_space<hbm>> -> memref<1x200x100xi32, #tpu.memory_space<hbm>>
      %dma_wait3A_178 = tpu.memref_squeeze %dma_wait3A_177 : memref<1x200x100xi32, #tpu.memory_space<hbm>> -> memref<200x100xi32, #tpu.memory_space<hbm>>
      %dma_wait3A_179 = arith.constant 0 : i32
      %dma_wait3A_180 = arith.constant 0 : i32
      %dma_wait3A_181 = tpu.memref_slice %arg3[%arg1, %dma_wait3A_179, %dma_wait3A_180] : memref<16x200x100xi32, #tpu.memory_space<hbm>> -> memref<1x200x100xi32, #tpu.memory_space<hbm>>
      %dma_wait3A_182 = tpu.memref_squeeze %dma_wait3A_181 : memref<1x200x100xi32, #tpu.memory_space<hbm>> -> memref<200x100xi32, #tpu.memory_space<hbm>>
      tpu.wait_dma2 semaphore(%run_scoped3A : memref<!tpu.dma_semaphore, #tpu.memory_space<semaphore_mem>>) src(%dma_wait3A_182 : memref<200x100xi32, #tpu.memory_space<hbm>>) dst(%arg6 : memref<200x100xi32, #tpu.memory_space<vmem>>)
      tpu.yield
    }) : () -> ()
    "tpu.region"() ({
      %run_scoped3A = tpu.sem_alloc : memref<!tpu.dma_semaphore, #tpu.memory_space<semaphore_mem>>
      %dma_start3A_167 = arith.constant 0 : i32
      %dma_start3A_168 = arith.constant 0 : i32
      %dma_start3A_169 = tpu.memref_slice %arg4[%arg1, %dma_start3A_167, %dma_start3A_168] : memref<16x200x100xi32, #tpu.memory_space<hbm>> -> memref<1x200x100xi32, #tpu.memory_space<hbm>>
      %dma_start3A_170 = tpu.memref_squeeze %dma_start3A_169 : memref<1x200x100xi32, #tpu.memory_space<hbm>> -> memref<200x100xi32, #tpu.memory_space<hbm>>
      %dma_start3A_171 = arith.constant 0 : i32
      %dma_start3A_172 = arith.constant 0 : i32
      %dma_start3A_173 = tpu.memref_slice %arg4[%arg1, %dma_start3A_171, %dma_start3A_172] : memref<16x200x100xi32, #tpu.memory_space<hbm>> -> memref<1x200x100xi32, #tpu.memory_space<hbm>>
      %dma_start3A_174 = tpu.memref_squeeze %dma_start3A_173 : memref<1x200x100xi32, #tpu.memory_space<hbm>> -> memref<200x100xi32, #tpu.memory_space<hbm>>
      tpu.enqueue_dma source(%dma_start3A_174 : memref<200x100xi32, #tpu.memory_space<hbm>>) target(%arg7 : memref<200x100xi32, #tpu.memory_space<vmem>>) target_semaphore(%run_scoped3A : memref<!tpu.dma_semaphore, #tpu.memory_space<semaphore_mem>>)
      %dma_wait3A_175 = arith.constant 0 : i32
      %dma_wait3A_176 = arith.constant 0 : i32
      %dma_wait3A_177 = tpu.memref_slice %arg4[%arg1, %dma_wait3A_175, %dma_wait3A_176] : memref<16x200x100xi32, #tpu.memory_space<hbm>> -> memref<1x200x100xi32, #tpu.memory_space<hbm>>
      %dma_wait3A_178 = tpu.memref_squeeze %dma_wait3A_177 : memref<1x200x100xi32, #tpu.memory_space<hbm>> -> memref<200x100xi32, #tpu.memory_space<hbm>>
      %dma_wait3A_179 = arith.constant 0 : i32
      %dma_wait3A_180 = arith.constant 0 : i32
      %dma_wait3A_181 = tpu.memref_slice %arg4[%arg1, %dma_wait3A_179, %dma_wait3A_180] : memref<16x200x100xi32, #tpu.memory_space<hbm>> -> memref<1x200x100xi32, #tpu.memory_space<hbm>>
      %dma_wait3A_182 = tpu.memref_squeeze %dma_wait3A_181 : memref<1x200x100xi32, #tpu.memory_space<hbm>> -> memref<200x100xi32, #tpu.memory_space<hbm>>
      tpu.wait_dma2 semaphore(%run_scoped3A : memref<!tpu.dma_semaphore, #tpu.memory_space<semaphore_mem>>) src(%dma_wait3A_182 : memref<200x100xi32, #tpu.memory_space<hbm>>) dst(%arg7 : memref<200x100xi32, #tpu.memory_space<vmem>>)
      tpu.yield
    }) : () -> ()
    %add3A = arith.constant 0 : i32
    %add3A_6 = arith.addi %mul3A_0, %add3A : i32
    "tpu.region"() ({
      %run_scoped3A = tpu.sem_alloc : memref<!tpu.dma_semaphore, #tpu.memory_space<semaphore_mem>>
      %dma_start3A_167 = arith.constant 0 : i32
      %dma_start3A_168 = tpu.memref_slice %arg10[%add3A_6, %dma_start3A_167] : memref<10112x64xf32, #tpu.memory_space<vmem_shared>> -> memref<80x64xf32, #tpu.memory_space<vmem_shared>>
      %dma_start3A_169 = arith.constant 0 : i32
      %dma_start3A_170 = tpu.memref_slice %arg10[%add3A_6, %dma_start3A_169] : memref<10112x64xf32, #tpu.memory_space<vmem_shared>> -> memref<80x64xf32, #tpu.memory_space<vmem_shared>>
      tpu.enqueue_dma source(%arg9 : memref<80x64xf32, #tpu.memory_space<vmem>>) target(%dma_start3A_170 : memref<80x64xf32, #tpu.memory_space<vmem_shared>>) target_semaphore(%run_scoped3A : memref<!tpu.dma_semaphore, #tpu.memory_space<semaphore_mem>>)
      %dma_wait3A_171 = arith.constant 0 : i32
      %dma_wait3A_172 = tpu.memref_slice %arg10[%add3A_6, %dma_wait3A_171] : memref<10112x64xf32, #tpu.memory_space<vmem_shared>> -> memref<80x64xf32, #tpu.memory_space<vmem_shared>>
      %dma_wait3A_173 = arith.constant 0 : i32
      %dma_wait3A_174 = tpu.memref_slice %arg10[%add3A_6, %dma_wait3A_173] : memref<10112x64xf32, #tpu.memory_space<vmem_shared>> -> memref<80x64xf32, #tpu.memory_space<vmem_shared>>
      tpu.wait_dma2 semaphore(%run_scoped3A : memref<!tpu.dma_semaphore, #tpu.memory_space<semaphore_mem>>) src(%arg9 : memref<80x64xf32, #tpu.memory_space<vmem>>) dst(%dma_wait3A_174 : memref<80x64xf32, #tpu.memory_space<vmem_shared>>)
      tpu.yield
    }) : () -> ()
    %add3A_7 = arith.constant 80 : i32
    %add3A_8 = arith.addi %mul3A_0, %add3A_7 : i32
    "tpu.region"() ({
      %run_scoped3A = tpu.sem_alloc : memref<!tpu.dma_semaphore, #tpu.memory_space<semaphore_mem>>
      %dma_start3A_167 = arith.constant 0 : i32
      %dma_start3A_168 = tpu.memref_slice %arg10[%add3A_8, %dma_start3A_167] : memref<10112x64xf32, #tpu.memory_space<vmem_shared>> -> memref<80x64xf32, #tpu.memory_space<vmem_shared>>
      %dma_start3A_169 = arith.constant 0 : i32
      %dma_start3A_170 = tpu.memref_slice %arg10[%add3A_8, %dma_start3A_169] : memref<10112x64xf32, #tpu.memory_space<vmem_shared>> -> memref<80x64xf32, #tpu.memory_space<vmem_shared>>
      tpu.enqueue_dma source(%arg9 : memref<80x64xf32, #tpu.memory_space<vmem>>) target(%dma_start3A_170 : memref<80x64xf32, #tpu.memory_space<vmem_shared>>) target_semaphore(%run_scoped3A : memref<!tpu.dma_semaphore, #tpu.memory_space<semaphore_mem>>)
      %dma_wait3A_171 = arith.constant 0 : i32
      %dma_wait3A_172 = tpu.memref_slice %arg10[%add3A_8, %dma_wait3A_171] : memref<10112x64xf32, #tpu.memory_space<vmem_shared>> -> memref<80x64xf32, #tpu.memory_space<vmem_shared>>
      %dma_wait3A_173 = arith.constant 0 : i32
      %dma_wait3A_174 = tpu.memref_slice %arg10[%add3A_8, %dma_wait3A_173] : memref<10112x64xf32, #tpu.memory_space<vmem_shared>> -> memref<80x64xf32, #tpu.memory_space<vmem_shared>>
      tpu.wait_dma2 semaphore(%run_scoped3A : memref<!tpu.dma_semaphore, #tpu.memory_space<semaphore_mem>>) src(%arg9 : memref<80x64xf32, #tpu.memory_space<vmem>>) dst(%dma_wait3A_174 : memref<80x64xf32, #tpu.memory_space<vmem_shared>>)
      tpu.yield
    }) : () -> ()
    %add3A_9 = arith.constant 160 : i32
    %add3A_10 = arith.addi %mul3A_0, %add3A_9 : i32
    "tpu.region"() ({
      %run_scoped3A = tpu.sem_alloc : memref<!tpu.dma_semaphore, #tpu.memory_space<semaphore_mem>>
      %dma_start3A_167 = arith.constant 0 : i32
      %dma_start3A_168 = tpu.memref_slice %arg10[%add3A_10, %dma_start3A_167] : memref<10112x64xf32, #tpu.memory_space<vmem_shared>> -> memref<80x64xf32, #tpu.memory_space<vmem_shared>>
      %dma_start3A_169 = arith.constant 0 : i32
      %dma_start3A_170 = tpu.memref_slice %arg10[%add3A_10, %dma_start3A_169] : memref<10112x64xf32, #tpu.memory_space<vmem_shared>> -> memref<80x64xf32, #tpu.memory_space<vmem_shared>>
      tpu.enqueue_dma source(%arg9 : memref<80x64xf32, #tpu.memory_space<vmem>>) target(%dma_start3A_170 : memref<80x64xf32, #tpu.memory_space<vmem_shared>>) target_semaphore(%run_scoped3A : memref<!tpu.dma_semaphore, #tpu.memory_space<semaphore_mem>>)
      %dma_wait3A_171 = arith.constant 0 : i32
      %dma_wait3A_172 = tpu.memref_slice %arg10[%add3A_10, %dma_wait3A_171] : memref<10112x64xf32, #tpu.memory_space<vmem_shared>> -> memref<80x64xf32, #tpu.memory_space<vmem_shared>>
      %dma_wait3A_173 = arith.constant 0 : i32
      %dma_wait3A_174 = tpu.memref_slice %arg10[%add3A_10, %dma_wait3A_173] : memref<10112x64xf32, #tpu.memory_space<vmem_shared>> -> memref<80x64xf32, #tpu.memory_space<vmem_shared>>
      tpu.wait_dma2 semaphore(%run_scoped3A : memref<!tpu.dma_semaphore, #tpu.memory_space<semaphore_mem>>) src(%arg9 : memref<80x64xf32, #tpu.memory_space<vmem>>) dst(%dma_wait3A_174 : memref<80x64xf32, #tpu.memory_space<vmem_shared>>)
      tpu.yield
    }) : () -> ()
    %add3A_11 = arith.constant 240 : i32
    %add3A_12 = arith.addi %mul3A_0, %add3A_11 : i32
    "tpu.region"() ({
      %run_scoped3A = tpu.sem_alloc : memref<!tpu.dma_semaphore, #tpu.memory_space<semaphore_mem>>
      %dma_start3A_167 = arith.constant 0 : i32
      %dma_start3A_168 = tpu.memref_slice %arg10[%add3A_12, %dma_start3A_167] : memref<10112x64xf32, #tpu.memory_space<vmem_shared>> -> memref<80x64xf32, #tpu.memory_space<vmem_shared>>
      %dma_start3A_169 = arith.constant 0 : i32
      %dma_start3A_170 = tpu.memref_slice %arg10[%add3A_12, %dma_start3A_169] : memref<10112x64xf32, #tpu.memory_space<vmem_shared>> -> memref<80x64xf32, #tpu.memory_space<vmem_shared>>
      tpu.enqueue_dma source(%arg9 : memref<80x64xf32, #tpu.memory_space<vmem>>) target(%dma_start3A_170 : memref<80x64xf32, #tpu.memory_space<vmem_shared>>) target_semaphore(%run_scoped3A : memref<!tpu.dma_semaphore, #tpu.memory_space<semaphore_mem>>)
      %dma_wait3A_171 = arith.constant 0 : i32
      %dma_wait3A_172 = tpu.memref_slice %arg10[%add3A_12, %dma_wait3A_171] : memref<10112x64xf32, #tpu.memory_space<vmem_shared>> -> memref<80x64xf32, #tpu.memory_space<vmem_shared>>
      %dma_wait3A_173 = arith.constant 0 : i32
      %dma_wait3A_174 = tpu.memref_slice %arg10[%add3A_12, %dma_wait3A_173] : memref<10112x64xf32, #tpu.memory_space<vmem_shared>> -> memref<80x64xf32, #tpu.memory_space<vmem_shared>>
      tpu.wait_dma2 semaphore(%run_scoped3A : memref<!tpu.dma_semaphore, #tpu.memory_space<semaphore_mem>>) src(%arg9 : memref<80x64xf32, #tpu.memory_space<vmem>>) dst(%dma_wait3A_174 : memref<80x64xf32, #tpu.memory_space<vmem_shared>>)
      tpu.yield
    }) : () -> ()
    %add3A_13 = arith.constant 320 : i32
    %add3A_14 = arith.addi %mul3A_0, %add3A_13 : i32
    "tpu.region"() ({
      %run_scoped3A = tpu.sem_alloc : memref<!tpu.dma_semaphore, #tpu.memory_space<semaphore_mem>>
      %dma_start3A_167 = arith.constant 0 : i32
      %dma_start3A_168 = tpu.memref_slice %arg10[%add3A_14, %dma_start3A_167] : memref<10112x64xf32, #tpu.memory_space<vmem_shared>> -> memref<80x64xf32, #tpu.memory_space<vmem_shared>>
      %dma_start3A_169 = arith.constant 0 : i32
      %dma_start3A_170 = tpu.memref_slice %arg10[%add3A_14, %dma_start3A_169] : memref<10112x64xf32, #tpu.memory_space<vmem_shared>> -> memref<80x64xf32, #tpu.memory_space<vmem_shared>>
      tpu.enqueue_dma source(%arg9 : memref<80x64xf32, #tpu.memory_space<vmem>>) target(%dma_start3A_170 : memref<80x64xf32, #tpu.memory_space<vmem_shared>>) target_semaphore(%run_scoped3A : memref<!tpu.dma_semaphore, #tpu.memory_space<semaphore_mem>>)
      %dma_wait3A_171 = arith.constant 0 : i32
      %dma_wait3A_172 = tpu.memref_slice %arg10[%add3A_14, %dma_wait3A_171] : memref<10112x64xf32, #tpu.memory_space<vmem_shared>> -> memref<80x64xf32, #tpu.memory_space<vmem_shared>>
      %dma_wait3A_173 = arith.constant 0 : i32
      %dma_wait3A_174 = tpu.memref_slice %arg10[%add3A_14, %dma_wait3A_173] : memref<10112x64xf32, #tpu.memory_space<vmem_shared>> -> memref<80x64xf32, #tpu.memory_space<vmem_shared>>
      tpu.wait_dma2 semaphore(%run_scoped3A : memref<!tpu.dma_semaphore, #tpu.memory_space<semaphore_mem>>) src(%arg9 : memref<80x64xf32, #tpu.memory_space<vmem>>) dst(%dma_wait3A_174 : memref<80x64xf32, #tpu.memory_space<vmem_shared>>)
      tpu.yield
    }) : () -> ()
    %add3A_15 = arith.constant 400 : i32
    %add3A_16 = arith.addi %mul3A_0, %add3A_15 : i32
    "tpu.region"() ({
      %run_scoped3A = tpu.sem_alloc : memref<!tpu.dma_semaphore, #tpu.memory_space<semaphore_mem>>
      %dma_start3A_167 = arith.constant 0 : i32
      %dma_start3A_168 = tpu.memref_slice %arg10[%add3A_16, %dma_start3A_167] : memref<10112x64xf32, #tpu.memory_space<vmem_shared>> -> memref<80x64xf32, #tpu.memory_space<vmem_shared>>
      %dma_start3A_169 = arith.constant 0 : i32
      %dma_start3A_170 = tpu.memref_slice %arg10[%add3A_16, %dma_start3A_169] : memref<10112x64xf32, #tpu.memory_space<vmem_shared>> -> memref<80x64xf32, #tpu.memory_space<vmem_shared>>
      tpu.enqueue_dma source(%arg9 : memref<80x64xf32, #tpu.memory_space<vmem>>) target(%dma_start3A_170 : memref<80x64xf32, #tpu.memory_space<vmem_shared>>) target_semaphore(%run_scoped3A : memref<!tpu.dma_semaphore, #tpu.memory_space<semaphore_mem>>)
      %dma_wait3A_171 = arith.constant 0 : i32
      %dma_wait3A_172 = tpu.memref_slice %arg10[%add3A_16, %dma_wait3A_171] : memref<10112x64xf32, #tpu.memory_space<vmem_shared>> -> memref<80x64xf32, #tpu.memory_space<vmem_shared>>
      %dma_wait3A_173 = arith.constant 0 : i32
      %dma_wait3A_174 = tpu.memref_slice %arg10[%add3A_16, %dma_wait3A_173] : memref<10112x64xf32, #tpu.memory_space<vmem_shared>> -> memref<80x64xf32, #tpu.memory_space<vmem_shared>>
      tpu.wait_dma2 semaphore(%run_scoped3A : memref<!tpu.dma_semaphore, #tpu.memory_space<semaphore_mem>>) src(%arg9 : memref<80x64xf32, #tpu.memory_space<vmem>>) dst(%dma_wait3A_174 : memref<80x64xf32, #tpu.memory_space<vmem_shared>>)
      tpu.yield
    }) : () -> ()
    %add3A_17 = arith.constant 480 : i32
    %add3A_18 = arith.addi %mul3A_0, %add3A_17 : i32
    "tpu.region"() ({
      %run_scoped3A = tpu.sem_alloc : memref<!tpu.dma_semaphore, #tpu.memory_space<semaphore_mem>>
      %dma_start3A_167 = arith.constant 0 : i32
      %dma_start3A_168 = tpu.memref_slice %arg10[%add3A_18, %dma_start3A_167] : memref<10112x64xf32, #tpu.memory_space<vmem_shared>> -> memref<80x64xf32, #tpu.memory_space<vmem_shared>>
      %dma_start3A_169 = arith.constant 0 : i32
      %dma_start3A_170 = tpu.memref_slice %arg10[%add3A_18, %dma_start3A_169] : memref<10112x64xf32, #tpu.memory_space<vmem_shared>> -> memref<80x64xf32, #tpu.memory_space<vmem_shared>>
      tpu.enqueue_dma source(%arg9 : memref<80x64xf32, #tpu.memory_space<vmem>>) target(%dma_start3A_170 : memref<80x64xf32, #tpu.memory_space<vmem_shared>>) target_semaphore(%run_scoped3A : memref<!tpu.dma_semaphore, #tpu.memory_space<semaphore_mem>>)
      %dma_wait3A_171 = arith.constant 0 : i32
      %dma_wait3A_172 = tpu.memref_slice %arg10[%add3A_18, %dma_wait3A_171] : memref<10112x64xf32, #tpu.memory_space<vmem_shared>> -> memref<80x64xf32, #tpu.memory_space<vmem_shared>>
      %dma_wait3A_173 = arith.constant 0 : i32
      %dma_wait3A_174 = tpu.memref_slice %arg10[%add3A_18, %dma_wait3A_173] : memref<10112x64xf32, #tpu.memory_space<vmem_shared>> -> memref<80x64xf32, #tpu.memory_space<vmem_shared>>
      tpu.wait_dma2 semaphore(%run_scoped3A : memref<!tpu.dma_semaphore, #tpu.memory_space<semaphore_mem>>) src(%arg9 : memref<80x64xf32, #tpu.memory_space<vmem>>) dst(%dma_wait3A_174 : memref<80x64xf32, #tpu.memory_space<vmem_shared>>)
      tpu.yield
    }) : () -> ()
    %add3A_19 = arith.constant 632 : i32
    %add3A_20 = arith.addi %mul3A_0, %add3A_19 : i32
    %sub3A = arith.constant 72 : i32
    %sub3A_21 = arith.subi %add3A_20, %sub3A : i32
    "tpu.region"() ({
      %run_scoped3A = tpu.sem_alloc : memref<!tpu.dma_semaphore, #tpu.memory_space<semaphore_mem>>
      %dma_start3A_167 = arith.constant 0 : i32
      %dma_start3A_168 = arith.constant 0 : i32
      %dma_start3A_169 = tpu.memref_slice %arg9[%dma_start3A_167, %dma_start3A_168] : memref<80x64xf32, #tpu.memory_space<vmem>> -> memref<72x64xf32, #tpu.memory_space<vmem>>
      %dma_start3A_170 = arith.constant 0 : i32
      %dma_start3A_171 = tpu.memref_slice %arg10[%sub3A_21, %dma_start3A_170] : memref<10112x64xf32, #tpu.memory_space<vmem_shared>> -> memref<72x64xf32, #tpu.memory_space<vmem_shared>>
      %dma_start3A_172 = arith.constant 0 : i32
      %dma_start3A_173 = tpu.memref_slice %arg10[%sub3A_21, %dma_start3A_172] : memref<10112x64xf32, #tpu.memory_space<vmem_shared>> -> memref<72x64xf32, #tpu.memory_space<vmem_shared>>
      %dma_start3A_174 = arith.constant 0 : i32
      %dma_start3A_175 = arith.constant 0 : i32
      %dma_start3A_176 = tpu.memref_slice %arg9[%dma_start3A_174, %dma_start3A_175] : memref<80x64xf32, #tpu.memory_space<vmem>> -> memref<72x64xf32, #tpu.memory_space<vmem>>
      tpu.enqueue_dma source(%dma_start3A_176 : memref<72x64xf32, #tpu.memory_space<vmem>>) target(%dma_start3A_173 : memref<72x64xf32, #tpu.memory_space<vmem_shared>>) target_semaphore(%run_scoped3A : memref<!tpu.dma_semaphore, #tpu.memory_space<semaphore_mem>>)
      %dma_wait3A_177 = arith.constant 0 : i32
      %dma_wait3A_178 = arith.constant 0 : i32
      %dma_wait3A_179 = tpu.memref_slice %arg9[%dma_wait3A_177, %dma_wait3A_178] : memref<80x64xf32, #tpu.memory_space<vmem>> -> memref<72x64xf32, #tpu.memory_space<vmem>>
      %dma_wait3A_180 = arith.constant 0 : i32
      %dma_wait3A_181 = tpu.memref_slice %arg10[%sub3A_21, %dma_wait3A_180] : memref<10112x64xf32, #tpu.memory_space<vmem_shared>> -> memref<72x64xf32, #tpu.memory_space<vmem_shared>>
      %dma_wait3A_182 = arith.constant 0 : i32
      %dma_wait3A_183 = tpu.memref_slice %arg10[%sub3A_21, %dma_wait3A_182] : memref<10112x64xf32, #tpu.memory_space<vmem_shared>> -> memref<72x64xf32, #tpu.memory_space<vmem_shared>>
      %dma_wait3A_184 = arith.constant 0 : i32
      %dma_wait3A_185 = arith.constant 0 : i32
      %dma_wait3A_186 = tpu.memref_slice %arg9[%dma_wait3A_184, %dma_wait3A_185] : memref<80x64xf32, #tpu.memory_space<vmem>> -> memref<72x64xf32, #tpu.memory_space<vmem>>
      tpu.wait_dma2 semaphore(%run_scoped3A : memref<!tpu.dma_semaphore, #tpu.memory_space<semaphore_mem>>) src(%dma_wait3A_186 : memref<72x64xf32, #tpu.memory_space<vmem>>) dst(%dma_wait3A_183 : memref<72x64xf32, #tpu.memory_space<vmem_shared>>)
      tpu.yield
    }) : () -> ()
    %barrier3A = arith.constant 0 : index
    tpu.barrier barrier_id(%barrier3A)
    %dma_start3A = arith.constant 0 : i32
    %dma_start3A_22 = arith.constant 0 : i32
    %dma_start3A_23 = arith.constant 0 : i32
    %dma_start3A_24 = arith.constant 0 : i32
    %dma_start3A_25 = tpu.memref_slice %arg8[%dma_start3A_22, %dma_start3A_23, %dma_start3A_24] : memref<5x100x64xf32, #tpu.memory_space<vmem>> -> memref<1x100x64xf32, #tpu.memory_space<vmem>>
    %dma_start3A_26 = tpu.memref_squeeze %dma_start3A_25 : memref<1x100x64xf32, #tpu.memory_space<vmem>> -> memref<100x64xf32, #tpu.memory_space<vmem>>
    %dma_start3A_27 = arith.constant 0 : i32
    %dma_start3A_28 = tpu.memref_slice %arg6[%dma_start3A, %dma_start3A_27] : memref<200x100xi32, #tpu.memory_space<vmem>> -> memref<1x100xi32, #tpu.memory_space<vmem>>
    %dma_start3A_29 = tpu.memref_squeeze %dma_start3A_28 : memref<1x100xi32, #tpu.memory_space<vmem>> -> memref<100xi32, #tpu.memory_space<vmem>>
    %dma_start3A_30 = arith.constant 0 : i32
    %dma_start3A_31 = arith.constant 0 : i32
    %dma_start3A_32 = tpu.memref_slice %arg2[%arg0, %dma_start3A_30, %dma_start3A_31] : memref<2x10000x64xf32, #tpu.memory_space<hbm>> -> memref<1x10000x64xf32, #tpu.memory_space<hbm>>
    %dma_start3A_33 = tpu.memref_squeeze %dma_start3A_32 : memref<1x10000x64xf32, #tpu.memory_space<hbm>> -> memref<10000x64xf32, #tpu.memory_space<hbm>>
    %dma_start3A_34 = arith.constant 0 : i32
    %dma_start3A_35 = arith.constant 0 : i32
    %dma_start3A_36 = tpu.memref_slice %dma_start3A_33[%dma_start3A_34, %dma_start3A_35] : memref<10000x64xf32, #tpu.memory_space<hbm>> -> memref<10000x64xf32, #tpu.memory_space<hbm>>
    tpu.enqueue_indirect_dma source(%dma_start3A_36 : memref<10000x64xf32, #tpu.memory_space<hbm>>) target(%dma_start3A_26 : memref<100x64xf32, #tpu.memory_space<vmem>>) offsets(%dma_start3A_29 : memref<100xi32, #tpu.memory_space<vmem>>) semaphore(%arg11 : memref<!tpu.dma_semaphore, #tpu.memory_space<semaphore_mem>>)
    %dma_start3A_37 = arith.constant 1 : i32
    %dma_start3A_38 = arith.constant 1 : i32
    %dma_start3A_39 = arith.constant 0 : i32
    %dma_start3A_40 = arith.constant 0 : i32
    %dma_start3A_41 = tpu.memref_slice %arg8[%dma_start3A_38, %dma_start3A_39, %dma_start3A_40] : memref<5x100x64xf32, #tpu.memory_space<vmem>> -> memref<1x100x64xf32, #tpu.memory_space<vmem>>
    %dma_start3A_42 = tpu.memref_squeeze %dma_start3A_41 : memref<1x100x64xf32, #tpu.memory_space<vmem>> -> memref<100x64xf32, #tpu.memory_space<vmem>>
    %dma_start3A_43 = arith.constant 0 : i32
    %dma_start3A_44 = tpu.memref_slice %arg6[%dma_start3A_37, %dma_start3A_43] : memref<200x100xi32, #tpu.memory_space<vmem>> -> memref<1x100xi32, #tpu.memory_space<vmem>>
    %dma_start3A_45 = tpu.memref_squeeze %dma_start3A_44 : memref<1x100xi32, #tpu.memory_space<vmem>> -> memref<100xi32, #tpu.memory_space<vmem>>
    %dma_start3A_46 = arith.constant 0 : i32
    %dma_start3A_47 = arith.constant 0 : i32
    %dma_start3A_48 = tpu.memref_slice %arg2[%arg0, %dma_start3A_46, %dma_start3A_47] : memref<2x10000x64xf32, #tpu.memory_space<hbm>> -> memref<1x10000x64xf32, #tpu.memory_space<hbm>>
    %dma_start3A_49 = tpu.memref_squeeze %dma_start3A_48 : memref<1x10000x64xf32, #tpu.memory_space<hbm>> -> memref<10000x64xf32, #tpu.memory_space<hbm>>
    %dma_start3A_50 = arith.constant 0 : i32
    %dma_start3A_51 = arith.constant 0 : i32
    %dma_start3A_52 = tpu.memref_slice %dma_start3A_49[%dma_start3A_50, %dma_start3A_51] : memref<10000x64xf32, #tpu.memory_space<hbm>> -> memref<10000x64xf32, #tpu.memory_space<hbm>>
    tpu.enqueue_indirect_dma source(%dma_start3A_52 : memref<10000x64xf32, #tpu.memory_space<hbm>>) target(%dma_start3A_42 : memref<100x64xf32, #tpu.memory_space<vmem>>) offsets(%dma_start3A_45 : memref<100xi32, #tpu.memory_space<vmem>>) semaphore(%arg12 : memref<!tpu.dma_semaphore, #tpu.memory_space<semaphore_mem>>)
    %dma_start3A_53 = arith.constant 2 : i32
    %dma_start3A_54 = arith.constant 2 : i32
    %dma_start3A_55 = arith.constant 0 : i32
    %dma_start3A_56 = arith.constant 0 : i32
    %dma_start3A_57 = tpu.memref_slice %arg8[%dma_start3A_54, %dma_start3A_55, %dma_start3A_56] : memref<5x100x64xf32, #tpu.memory_space<vmem>> -> memref<1x100x64xf32, #tpu.memory_space<vmem>>
    %dma_start3A_58 = tpu.memref_squeeze %dma_start3A_57 : memref<1x100x64xf32, #tpu.memory_space<vmem>> -> memref<100x64xf32, #tpu.memory_space<vmem>>
    %dma_start3A_59 = arith.constant 0 : i32
    %dma_start3A_60 = tpu.memref_slice %arg6[%dma_start3A_53, %dma_start3A_59] : memref<200x100xi32, #tpu.memory_space<vmem>> -> memref<1x100xi32, #tpu.memory_space<vmem>>
    %dma_start3A_61 = tpu.memref_squeeze %dma_start3A_60 : memref<1x100xi32, #tpu.memory_space<vmem>> -> memref<100xi32, #tpu.memory_space<vmem>>
    %dma_start3A_62 = arith.constant 0 : i32
    %dma_start3A_63 = arith.constant 0 : i32
    %dma_start3A_64 = tpu.memref_slice %arg2[%arg0, %dma_start3A_62, %dma_start3A_63] : memref<2x10000x64xf32, #tpu.memory_space<hbm>> -> memref<1x10000x64xf32, #tpu.memory_space<hbm>>
    %dma_start3A_65 = tpu.memref_squeeze %dma_start3A_64 : memref<1x10000x64xf32, #tpu.memory_space<hbm>> -> memref<10000x64xf32, #tpu.memory_space<hbm>>
    %dma_start3A_66 = arith.constant 0 : i32
    %dma_start3A_67 = arith.constant 0 : i32
    %dma_start3A_68 = tpu.memref_slice %dma_start3A_65[%dma_start3A_66, %dma_start3A_67] : memref<10000x64xf32, #tpu.memory_space<hbm>> -> memref<10000x64xf32, #tpu.memory_space<hbm>>
    tpu.enqueue_indirect_dma source(%dma_start3A_68 : memref<10000x64xf32, #tpu.memory_space<hbm>>) target(%dma_start3A_58 : memref<100x64xf32, #tpu.memory_space<vmem>>) offsets(%dma_start3A_61 : memref<100xi32, #tpu.memory_space<vmem>>) semaphore(%arg13 : memref<!tpu.dma_semaphore, #tpu.memory_space<semaphore_mem>>)
    %dma_start3A_69 = arith.constant 3 : i32
    %dma_start3A_70 = arith.constant 3 : i32
    %dma_start3A_71 = arith.constant 0 : i32
    %dma_start3A_72 = arith.constant 0 : i32
    %dma_start3A_73 = tpu.memref_slice %arg8[%dma_start3A_70, %dma_start3A_71, %dma_start3A_72] : memref<5x100x64xf32, #tpu.memory_space<vmem>> -> memref<1x100x64xf32, #tpu.memory_space<vmem>>
    %dma_start3A_74 = tpu.memref_squeeze %dma_start3A_73 : memref<1x100x64xf32, #tpu.memory_space<vmem>> -> memref<100x64xf32, #tpu.memory_space<vmem>>
    %dma_start3A_75 = arith.constant 0 : i32
    %dma_start3A_76 = tpu.memref_slice %arg6[%dma_start3A_69, %dma_start3A_75] : memref<200x100xi32, #tpu.memory_space<vmem>> -> memref<1x100xi32, #tpu.memory_space<vmem>>
    %dma_start3A_77 = tpu.memref_squeeze %dma_start3A_76 : memref<1x100xi32, #tpu.memory_space<vmem>> -> memref<100xi32, #tpu.memory_space<vmem>>
    %dma_start3A_78 = arith.constant 0 : i32
    %dma_start3A_79 = arith.constant 0 : i32
    %dma_start3A_80 = tpu.memref_slice %arg2[%arg0, %dma_start3A_78, %dma_start3A_79] : memref<2x10000x64xf32, #tpu.memory_space<hbm>> -> memref<1x10000x64xf32, #tpu.memory_space<hbm>>
    %dma_start3A_81 = tpu.memref_squeeze %dma_start3A_80 : memref<1x10000x64xf32, #tpu.memory_space<hbm>> -> memref<10000x64xf32, #tpu.memory_space<hbm>>
    %dma_start3A_82 = arith.constant 0 : i32
    %dma_start3A_83 = arith.constant 0 : i32
    %dma_start3A_84 = tpu.memref_slice %dma_start3A_81[%dma_start3A_82, %dma_start3A_83] : memref<10000x64xf32, #tpu.memory_space<hbm>> -> memref<10000x64xf32, #tpu.memory_space<hbm>>
    tpu.enqueue_indirect_dma source(%dma_start3A_84 : memref<10000x64xf32, #tpu.memory_space<hbm>>) target(%dma_start3A_74 : memref<100x64xf32, #tpu.memory_space<vmem>>) offsets(%dma_start3A_77 : memref<100xi32, #tpu.memory_space<vmem>>) semaphore(%arg14 : memref<!tpu.dma_semaphore, #tpu.memory_space<semaphore_mem>>)
    %dma_start3A_85 = arith.constant 4 : i32
    %dma_start3A_86 = arith.constant 4 : i32
    %dma_start3A_87 = arith.constant 0 : i32
    %dma_start3A_88 = arith.constant 0 : i32
    %dma_start3A_89 = tpu.memref_slice %arg8[%dma_start3A_86, %dma_start3A_87, %dma_start3A_88] : memref<5x100x64xf32, #tpu.memory_space<vmem>> -> memref<1x100x64xf32, #tpu.memory_space<vmem>>
    %dma_start3A_90 = tpu.memref_squeeze %dma_start3A_89 : memref<1x100x64xf32, #tpu.memory_space<vmem>> -> memref<100x64xf32, #tpu.memory_space<vmem>>
    %dma_start3A_91 = arith.constant 0 : i32
    %dma_start3A_92 = tpu.memref_slice %arg6[%dma_start3A_85, %dma_start3A_91] : memref<200x100xi32, #tpu.memory_space<vmem>> -> memref<1x100xi32, #tpu.memory_space<vmem>>
    %dma_start3A_93 = tpu.memref_squeeze %dma_start3A_92 : memref<1x100xi32, #tpu.memory_space<vmem>> -> memref<100xi32, #tpu.memory_space<vmem>>
    %dma_start3A_94 = arith.constant 0 : i32
    %dma_start3A_95 = arith.constant 0 : i32
    %dma_start3A_96 = tpu.memref_slice %arg2[%arg0, %dma_start3A_94, %dma_start3A_95] : memref<2x10000x64xf32, #tpu.memory_space<hbm>> -> memref<1x10000x64xf32, #tpu.memory_space<hbm>>
    %dma_start3A_97 = tpu.memref_squeeze %dma_start3A_96 : memref<1x10000x64xf32, #tpu.memory_space<hbm>> -> memref<10000x64xf32, #tpu.memory_space<hbm>>
    %dma_start3A_98 = arith.constant 0 : i32
    %dma_start3A_99 = arith.constant 0 : i32
    %dma_start3A_100 = tpu.memref_slice %dma_start3A_97[%dma_start3A_98, %dma_start3A_99] : memref<10000x64xf32, #tpu.memory_space<hbm>> -> memref<10000x64xf32, #tpu.memory_space<hbm>>
    tpu.enqueue_indirect_dma source(%dma_start3A_100 : memref<10000x64xf32, #tpu.memory_space<hbm>>) target(%dma_start3A_90 : memref<100x64xf32, #tpu.memory_space<vmem>>) offsets(%dma_start3A_93 : memref<100xi32, #tpu.memory_space<vmem>>) semaphore(%arg15 : memref<!tpu.dma_semaphore, #tpu.memory_space<semaphore_mem>>)
    %scan3A_101 = arith.constant 0 : i32
    %scan3A_102 = arith.constant 0 : i32
    %scan3A_103 = arith.constant 40 : i32
    %scan3A_104 = arith.addi %scan3A_102, %scan3A_103 : i32
    %scan3A_105 = arith.constant 1 : i32
    scf.for %scan3A_167 = %scan3A_102 to %scan3A_104 step %scan3A_105  : i32 {
      %mul3A_168 = arith.constant 5 : i32
      %mul3A_169 = arith.muli %mul3A_168, %scan3A_167 : i32
      %add3A_170 = arith.constant 0 : i32
      %add3A_171 = arith.addi %mul3A_169, %add3A_170 : i32
      %dma_wait3A_172 = arith.constant 0 : i32
      %dma_wait3A_173 = arith.constant 0 : i32
      %dma_wait3A_174 = arith.constant 0 : i32
      %dma_wait3A_175 = arith.constant 0 : i32
      %dma_wait3A_176 = tpu.memref_slice %arg8[%dma_wait3A_173, %dma_wait3A_174, %dma_wait3A_175] : memref<5x100x64xf32, #tpu.memory_space<vmem>> -> memref<1x100x64xf32, #tpu.memory_space<vmem>>
      %dma_wait3A_177 = tpu.memref_squeeze %dma_wait3A_176 : memref<1x100x64xf32, #tpu.memory_space<vmem>> -> memref<100x64xf32, #tpu.memory_space<vmem>>
      %dma_wait3A_178 = arith.constant 0 : i32
      %dma_wait3A_179 = tpu.memref_slice %arg6[%dma_wait3A_172, %dma_wait3A_178] : memref<200x100xi32, #tpu.memory_space<vmem>> -> memref<1x100xi32, #tpu.memory_space<vmem>>
      %dma_wait3A_180 = tpu.memref_squeeze %dma_wait3A_179 : memref<1x100xi32, #tpu.memory_space<vmem>> -> memref<100xi32, #tpu.memory_space<vmem>>
      %dma_wait3A_181 = arith.constant 0 : i32
      %dma_wait3A_182 = arith.constant 0 : i32
      %dma_wait3A_183 = tpu.memref_slice %arg2[%arg0, %dma_wait3A_181, %dma_wait3A_182] : memref<2x10000x64xf32, #tpu.memory_space<hbm>> -> memref<1x10000x64xf32, #tpu.memory_space<hbm>>
      %dma_wait3A_184 = tpu.memref_squeeze %dma_wait3A_183 : memref<1x10000x64xf32, #tpu.memory_space<hbm>> -> memref<10000x64xf32, #tpu.memory_space<hbm>>
      %dma_wait3A_185 = arith.constant 0 : i32
      %dma_wait3A_186 = arith.constant 0 : i32
      %dma_wait3A_187 = tpu.memref_slice %dma_wait3A_184[%dma_wait3A_185, %dma_wait3A_186] : memref<10000x64xf32, #tpu.memory_space<hbm>> -> memref<10000x64xf32, #tpu.memory_space<hbm>>
      tpu.wait_indirect_dma semaphore(%arg11 : memref<!tpu.dma_semaphore, #tpu.memory_space<semaphore_mem>>) src(%dma_wait3A_187 : memref<10000x64xf32, #tpu.memory_space<hbm>>) dst(%dma_wait3A_177 : memref<100x64xf32, #tpu.memory_space<vmem>>)
      %dma_start3A_188 = arith.constant 0 : i32
      %dma_start3A_189 = arith.constant 0 : i32
      %dma_start3A_190 = arith.constant 0 : i32
      %dma_start3A_191 = tpu.memref_slice %arg8[%dma_start3A_188, %dma_start3A_189, %dma_start3A_190] : memref<5x100x64xf32, #tpu.memory_space<vmem>> -> memref<1x100x64xf32, #tpu.memory_space<vmem>>
      %dma_start3A_192 = tpu.memref_squeeze %dma_start3A_191 : memref<1x100x64xf32, #tpu.memory_space<vmem>> -> memref<100x64xf32, #tpu.memory_space<vmem>>
      %dma_start3A_193 = arith.constant 0 : i32
      %dma_start3A_194 = tpu.memref_slice %arg7[%add3A_171, %dma_start3A_193] : memref<200x100xi32, #tpu.memory_space<vmem>> -> memref<1x100xi32, #tpu.memory_space<vmem>>
      %dma_start3A_195 = tpu.memref_squeeze %dma_start3A_194 : memref<1x100xi32, #tpu.memory_space<vmem>> -> memref<100xi32, #tpu.memory_space<vmem>>
      %dma_start3A_196 = arith.constant 0 : i32
      %dma_start3A_197 = arith.constant 0 : i32
      %dma_start3A_198 = tpu.memref_slice %arg10[%dma_start3A_196, %dma_start3A_197] : memref<10112x64xf32, #tpu.memory_space<vmem_shared>> -> memref<10112x64xf32, #tpu.memory_space<vmem_shared>>
      tpu.enqueue_indirect_dma source(%dma_start3A_192 : memref<100x64xf32, #tpu.memory_space<vmem>>) target(%dma_start3A_198 : memref<10112x64xf32, #tpu.memory_space<vmem_shared>>) offsets(%dma_start3A_195 : memref<100xi32, #tpu.memory_space<vmem>>) semaphore(%arg16 : memref<!tpu.dma_semaphore, #tpu.memory_space<semaphore_mem>>) {add = true}
      %add3A_199 = arith.constant 5 : i32
      %add3A_200 = arith.addi %add3A_171, %add3A_199 : i32
      %lt3A = arith.constant 200 : i32
      %lt3A_201 = arith.cmpi slt, %add3A_200, %lt3A : i32
      %convert_element_type3A = arith.extui %lt3A_201 : i1 to i32
      %cond3A = arith.constant 0 : i32
      %cond3A_202 = arith.cmpi ne, %convert_element_type3A, %cond3A : i32
      scf.if %cond3A_202 {
        %dma_wait3A_355 = arith.constant 0 : i32
        %dma_wait3A_356 = arith.constant 0 : i32
        %dma_wait3A_357 = arith.constant 0 : i32
        %dma_wait3A_358 = arith.constant 0 : i32
        %dma_wait3A_359 = tpu.memref_slice %arg8[%dma_wait3A_355, %dma_wait3A_357, %dma_wait3A_358] : memref<5x100x64xf32, #tpu.memory_space<vmem>> -> memref<1x100x64xf32, #tpu.memory_space<vmem>>
        %dma_wait3A_360 = tpu.memref_squeeze %dma_wait3A_359 : memref<1x100x64xf32, #tpu.memory_space<vmem>> -> memref<100x64xf32, #tpu.memory_space<vmem>>
        %dma_wait3A_361 = arith.constant 0 : i32
        %dma_wait3A_362 = tpu.memref_slice %arg7[%dma_wait3A_356, %dma_wait3A_361] : memref<200x100xi32, #tpu.memory_space<vmem>> -> memref<1x100xi32, #tpu.memory_space<vmem>>
        %dma_wait3A_363 = tpu.memref_squeeze %dma_wait3A_362 : memref<1x100xi32, #tpu.memory_space<vmem>> -> memref<100xi32, #tpu.memory_space<vmem>>
        %dma_wait3A_364 = arith.constant 0 : i32
        %dma_wait3A_365 = arith.constant 0 : i32
        %dma_wait3A_366 = tpu.memref_slice %arg10[%dma_wait3A_364, %dma_wait3A_365] : memref<10112x64xf32, #tpu.memory_space<vmem_shared>> -> memref<10112x64xf32, #tpu.memory_space<vmem_shared>>
        tpu.wait_indirect_dma semaphore(%arg16 : memref<!tpu.dma_semaphore, #tpu.memory_space<semaphore_mem>>) src(%dma_wait3A_360 : memref<100x64xf32, #tpu.memory_space<vmem>>) dst(%dma_wait3A_366 : memref<10112x64xf32, #tpu.memory_space<vmem_shared>>)
        %add3A_367 = arith.constant 5 : i32
        %add3A_368 = arith.addi %add3A_171, %add3A_367 : i32
        %dma_start3A_369 = arith.constant 0 : i32
        %dma_start3A_370 = arith.constant 0 : i32
        %dma_start3A_371 = arith.constant 0 : i32
        %dma_start3A_372 = tpu.memref_slice %arg8[%dma_start3A_369, %dma_start3A_370, %dma_start3A_371] : memref<5x100x64xf32, #tpu.memory_space<vmem>> -> memref<1x100x64xf32, #tpu.memory_space<vmem>>
        %dma_start3A_373 = tpu.memref_squeeze %dma_start3A_372 : memref<1x100x64xf32, #tpu.memory_space<vmem>> -> memref<100x64xf32, #tpu.memory_space<vmem>>
        %dma_start3A_374 = arith.constant 0 : i32
        %dma_start3A_375 = tpu.memref_slice %arg6[%add3A_368, %dma_start3A_374] : memref<200x100xi32, #tpu.memory_space<vmem>> -> memref<1x100xi32, #tpu.memory_space<vmem>>
        %dma_start3A_376 = tpu.memref_squeeze %dma_start3A_375 : memref<1x100xi32, #tpu.memory_space<vmem>> -> memref<100xi32, #tpu.memory_space<vmem>>
        %dma_start3A_377 = arith.constant 0 : i32
        %dma_start3A_378 = arith.constant 0 : i32
        %dma_start3A_379 = tpu.memref_slice %arg2[%arg0, %dma_start3A_377, %dma_start3A_378] : memref<2x10000x64xf32, #tpu.memory_space<hbm>> -> memref<1x10000x64xf32, #tpu.memory_space<hbm>>
        %dma_start3A_380 = tpu.memref_squeeze %dma_start3A_379 : memref<1x10000x64xf32, #tpu.memory_space<hbm>> -> memref<10000x64xf32, #tpu.memory_space<hbm>>
        %dma_start3A_381 = arith.constant 0 : i32
        %dma_start3A_382 = arith.constant 0 : i32
        %dma_start3A_383 = tpu.memref_slice %dma_start3A_380[%dma_start3A_381, %dma_start3A_382] : memref<10000x64xf32, #tpu.memory_space<hbm>> -> memref<10000x64xf32, #tpu.memory_space<hbm>>
        tpu.enqueue_indirect_dma source(%dma_start3A_383 : memref<10000x64xf32, #tpu.memory_space<hbm>>) target(%dma_start3A_373 : memref<100x64xf32, #tpu.memory_space<vmem>>) offsets(%dma_start3A_376 : memref<100xi32, #tpu.memory_space<vmem>>) semaphore(%arg11 : memref<!tpu.dma_semaphore, #tpu.memory_space<semaphore_mem>>)
      } else {
      }
      %mul3A_203 = arith.constant 5 : i32
      %mul3A_204 = arith.muli %mul3A_203, %scan3A_167 : i32
      %add3A_205 = arith.constant 1 : i32
      %add3A_206 = arith.addi %mul3A_204, %add3A_205 : i32
      %dma_wait3A_207 = arith.constant 0 : i32
      %dma_wait3A_208 = arith.constant 1 : i32
      %dma_wait3A_209 = arith.constant 0 : i32
      %dma_wait3A_210 = arith.constant 0 : i32
      %dma_wait3A_211 = tpu.memref_slice %arg8[%dma_wait3A_208, %dma_wait3A_209, %dma_wait3A_210] : memref<5x100x64xf32, #tpu.memory_space<vmem>> -> memref<1x100x64xf32, #tpu.memory_space<vmem>>
      %dma_wait3A_212 = tpu.memref_squeeze %dma_wait3A_211 : memref<1x100x64xf32, #tpu.memory_space<vmem>> -> memref<100x64xf32, #tpu.memory_space<vmem>>
      %dma_wait3A_213 = arith.constant 0 : i32
      %dma_wait3A_214 = tpu.memref_slice %arg6[%dma_wait3A_207, %dma_wait3A_213] : memref<200x100xi32, #tpu.memory_space<vmem>> -> memref<1x100xi32, #tpu.memory_space<vmem>>
      %dma_wait3A_215 = tpu.memref_squeeze %dma_wait3A_214 : memref<1x100xi32, #tpu.memory_space<vmem>> -> memref<100xi32, #tpu.memory_space<vmem>>
      %dma_wait3A_216 = arith.constant 0 : i32
      %dma_wait3A_217 = arith.constant 0 : i32
      %dma_wait3A_218 = tpu.memref_slice %arg2[%arg0, %dma_wait3A_216, %dma_wait3A_217] : memref<2x10000x64xf32, #tpu.memory_space<hbm>> -> memref<1x10000x64xf32, #tpu.memory_space<hbm>>
      %dma_wait3A_219 = tpu.memref_squeeze %dma_wait3A_218 : memref<1x10000x64xf32, #tpu.memory_space<hbm>> -> memref<10000x64xf32, #tpu.memory_space<hbm>>
      %dma_wait3A_220 = arith.constant 0 : i32
      %dma_wait3A_221 = arith.constant 0 : i32
      %dma_wait3A_222 = tpu.memref_slice %dma_wait3A_219[%dma_wait3A_220, %dma_wait3A_221] : memref<10000x64xf32, #tpu.memory_space<hbm>> -> memref<10000x64xf32, #tpu.memory_space<hbm>>
      tpu.wait_indirect_dma semaphore(%arg12 : memref<!tpu.dma_semaphore, #tpu.memory_space<semaphore_mem>>) src(%dma_wait3A_222 : memref<10000x64xf32, #tpu.memory_space<hbm>>) dst(%dma_wait3A_212 : memref<100x64xf32, #tpu.memory_space<vmem>>)
      %dma_start3A_223 = arith.constant 1 : i32
      %dma_start3A_224 = arith.constant 0 : i32
      %dma_start3A_225 = arith.constant 0 : i32
      %dma_start3A_226 = tpu.memref_slice %arg8[%dma_start3A_223, %dma_start3A_224, %dma_start3A_225] : memref<5x100x64xf32, #tpu.memory_space<vmem>> -> memref<1x100x64xf32, #tpu.memory_space<vmem>>
      %dma_start3A_227 = tpu.memref_squeeze %dma_start3A_226 : memref<1x100x64xf32, #tpu.memory_space<vmem>> -> memref<100x64xf32, #tpu.memory_space<vmem>>
      %dma_start3A_228 = arith.constant 0 : i32
      %dma_start3A_229 = tpu.memref_slice %arg7[%add3A_206, %dma_start3A_228] : memref<200x100xi32, #tpu.memory_space<vmem>> -> memref<1x100xi32, #tpu.memory_space<vmem>>
      %dma_start3A_230 = tpu.memref_squeeze %dma_start3A_229 : memref<1x100xi32, #tpu.memory_space<vmem>> -> memref<100xi32, #tpu.memory_space<vmem>>
      %dma_start3A_231 = arith.constant 0 : i32
      %dma_start3A_232 = arith.constant 0 : i32
      %dma_start3A_233 = tpu.memref_slice %arg10[%dma_start3A_231, %dma_start3A_232] : memref<10112x64xf32, #tpu.memory_space<vmem_shared>> -> memref<10112x64xf32, #tpu.memory_space<vmem_shared>>
      tpu.enqueue_indirect_dma source(%dma_start3A_227 : memref<100x64xf32, #tpu.memory_space<vmem>>) target(%dma_start3A_233 : memref<10112x64xf32, #tpu.memory_space<vmem_shared>>) offsets(%dma_start3A_230 : memref<100xi32, #tpu.memory_space<vmem>>) semaphore(%arg17 : memref<!tpu.dma_semaphore, #tpu.memory_space<semaphore_mem>>) {add = true}
      %add3A_234 = arith.constant 5 : i32
      %add3A_235 = arith.addi %add3A_206, %add3A_234 : i32
      %lt3A_236 = arith.constant 200 : i32
      %lt3A_237 = arith.cmpi slt, %add3A_235, %lt3A_236 : i32
      %convert_element_type3A_238 = arith.extui %lt3A_237 : i1 to i32
      %cond3A_239 = arith.constant 0 : i32
      %cond3A_240 = arith.cmpi ne, %convert_element_type3A_238, %cond3A_239 : i32
      scf.if %cond3A_240 {
        %dma_wait3A_355 = arith.constant 1 : i32
        %dma_wait3A_356 = arith.constant 0 : i32
        %dma_wait3A_357 = arith.constant 0 : i32
        %dma_wait3A_358 = arith.constant 0 : i32
        %dma_wait3A_359 = tpu.memref_slice %arg8[%dma_wait3A_355, %dma_wait3A_357, %dma_wait3A_358] : memref<5x100x64xf32, #tpu.memory_space<vmem>> -> memref<1x100x64xf32, #tpu.memory_space<vmem>>
        %dma_wait3A_360 = tpu.memref_squeeze %dma_wait3A_359 : memref<1x100x64xf32, #tpu.memory_space<vmem>> -> memref<100x64xf32, #tpu.memory_space<vmem>>
        %dma_wait3A_361 = arith.constant 0 : i32
        %dma_wait3A_362 = tpu.memref_slice %arg7[%dma_wait3A_356, %dma_wait3A_361] : memref<200x100xi32, #tpu.memory_space<vmem>> -> memref<1x100xi32, #tpu.memory_space<vmem>>
        %dma_wait3A_363 = tpu.memref_squeeze %dma_wait3A_362 : memref<1x100xi32, #tpu.memory_space<vmem>> -> memref<100xi32, #tpu.memory_space<vmem>>
        %dma_wait3A_364 = arith.constant 0 : i32
        %dma_wait3A_365 = arith.constant 0 : i32
        %dma_wait3A_366 = tpu.memref_slice %arg10[%dma_wait3A_364, %dma_wait3A_365] : memref<10112x64xf32, #tpu.memory_space<vmem_shared>> -> memref<10112x64xf32, #tpu.memory_space<vmem_shared>>
        tpu.wait_indirect_dma semaphore(%arg17 : memref<!tpu.dma_semaphore, #tpu.memory_space<semaphore_mem>>) src(%dma_wait3A_360 : memref<100x64xf32, #tpu.memory_space<vmem>>) dst(%dma_wait3A_366 : memref<10112x64xf32, #tpu.memory_space<vmem_shared>>)
        %add3A_367 = arith.constant 5 : i32
        %add3A_368 = arith.addi %add3A_206, %add3A_367 : i32
        %dma_start3A_369 = arith.constant 1 : i32
        %dma_start3A_370 = arith.constant 0 : i32
        %dma_start3A_371 = arith.constant 0 : i32
        %dma_start3A_372 = tpu.memref_slice %arg8[%dma_start3A_369, %dma_start3A_370, %dma_start3A_371] : memref<5x100x64xf32, #tpu.memory_space<vmem>> -> memref<1x100x64xf32, #tpu.memory_space<vmem>>
        %dma_start3A_373 = tpu.memref_squeeze %dma_start3A_372 : memref<1x100x64xf32, #tpu.memory_space<vmem>> -> memref<100x64xf32, #tpu.memory_space<vmem>>
        %dma_start3A_374 = arith.constant 0 : i32
        %dma_start3A_375 = tpu.memref_slice %arg6[%add3A_368, %dma_start3A_374] : memref<200x100xi32, #tpu.memory_space<vmem>> -> memref<1x100xi32, #tpu.memory_space<vmem>>
        %dma_start3A_376 = tpu.memref_squeeze %dma_start3A_375 : memref<1x100xi32, #tpu.memory_space<vmem>> -> memref<100xi32, #tpu.memory_space<vmem>>
        %dma_start3A_377 = arith.constant 0 : i32
        %dma_start3A_378 = arith.constant 0 : i32
        %dma_start3A_379 = tpu.memref_slice %arg2[%arg0, %dma_start3A_377, %dma_start3A_378] : memref<2x10000x64xf32, #tpu.memory_space<hbm>> -> memref<1x10000x64xf32, #tpu.memory_space<hbm>>
        %dma_start3A_380 = tpu.memref_squeeze %dma_start3A_379 : memref<1x10000x64xf32, #tpu.memory_space<hbm>> -> memref<10000x64xf32, #tpu.memory_space<hbm>>
        %dma_start3A_381 = arith.constant 0 : i32
        %dma_start3A_382 = arith.constant 0 : i32
        %dma_start3A_383 = tpu.memref_slice %dma_start3A_380[%dma_start3A_381, %dma_start3A_382] : memref<10000x64xf32, #tpu.memory_space<hbm>> -> memref<10000x64xf32, #tpu.memory_space<hbm>>
        tpu.enqueue_indirect_dma source(%dma_start3A_383 : memref<10000x64xf32, #tpu.memory_space<hbm>>) target(%dma_start3A_373 : memref<100x64xf32, #tpu.memory_space<vmem>>) offsets(%dma_start3A_376 : memref<100xi32, #tpu.memory_space<vmem>>) semaphore(%arg12 : memref<!tpu.dma_semaphore, #tpu.memory_space<semaphore_mem>>)
      } else {
      }
      %mul3A_241 = arith.constant 5 : i32
      %mul3A_242 = arith.muli %mul3A_241, %scan3A_167 : i32
      %add3A_243 = arith.constant 2 : i32
      %add3A_244 = arith.addi %mul3A_242, %add3A_243 : i32
      %dma_wait3A_245 = arith.constant 0 : i32
      %dma_wait3A_246 = arith.constant 2 : i32
      %dma_wait3A_247 = arith.constant 0 : i32
      %dma_wait3A_248 = arith.constant 0 : i32
      %dma_wait3A_249 = tpu.memref_slice %arg8[%dma_wait3A_246, %dma_wait3A_247, %dma_wait3A_248] : memref<5x100x64xf32, #tpu.memory_space<vmem>> -> memref<1x100x64xf32, #tpu.memory_space<vmem>>
      %dma_wait3A_250 = tpu.memref_squeeze %dma_wait3A_249 : memref<1x100x64xf32, #tpu.memory_space<vmem>> -> memref<100x64xf32, #tpu.memory_space<vmem>>
      %dma_wait3A_251 = arith.constant 0 : i32
      %dma_wait3A_252 = tpu.memref_slice %arg6[%dma_wait3A_245, %dma_wait3A_251] : memref<200x100xi32, #tpu.memory_space<vmem>> -> memref<1x100xi32, #tpu.memory_space<vmem>>
      %dma_wait3A_253 = tpu.memref_squeeze %dma_wait3A_252 : memref<1x100xi32, #tpu.memory_space<vmem>> -> memref<100xi32, #tpu.memory_space<vmem>>
      %dma_wait3A_254 = arith.constant 0 : i32
      %dma_wait3A_255 = arith.constant 0 : i32
      %dma_wait3A_256 = tpu.memref_slice %arg2[%arg0, %dma_wait3A_254, %dma_wait3A_255] : memref<2x10000x64xf32, #tpu.memory_space<hbm>> -> memref<1x10000x64xf32, #tpu.memory_space<hbm>>
      %dma_wait3A_257 = tpu.memref_squeeze %dma_wait3A_256 : memref<1x10000x64xf32, #tpu.memory_space<hbm>> -> memref<10000x64xf32, #tpu.memory_space<hbm>>
      %dma_wait3A_258 = arith.constant 0 : i32
      %dma_wait3A_259 = arith.constant 0 : i32
      %dma_wait3A_260 = tpu.memref_slice %dma_wait3A_257[%dma_wait3A_258, %dma_wait3A_259] : memref<10000x64xf32, #tpu.memory_space<hbm>> -> memref<10000x64xf32, #tpu.memory_space<hbm>>
      tpu.wait_indirect_dma semaphore(%arg13 : memref<!tpu.dma_semaphore, #tpu.memory_space<semaphore_mem>>) src(%dma_wait3A_260 : memref<10000x64xf32, #tpu.memory_space<hbm>>) dst(%dma_wait3A_250 : memref<100x64xf32, #tpu.memory_space<vmem>>)
      %dma_start3A_261 = arith.constant 2 : i32
      %dma_start3A_262 = arith.constant 0 : i32
      %dma_start3A_263 = arith.constant 0 : i32
      %dma_start3A_264 = tpu.memref_slice %arg8[%dma_start3A_261, %dma_start3A_262, %dma_start3A_263] : memref<5x100x64xf32, #tpu.memory_space<vmem>> -> memref<1x100x64xf32, #tpu.memory_space<vmem>>
      %dma_start3A_265 = tpu.memref_squeeze %dma_start3A_264 : memref<1x100x64xf32, #tpu.memory_space<vmem>> -> memref<100x64xf32, #tpu.memory_space<vmem>>
      %dma_start3A_266 = arith.constant 0 : i32
      %dma_start3A_267 = tpu.memref_slice %arg7[%add3A_244, %dma_start3A_266] : memref<200x100xi32, #tpu.memory_space<vmem>> -> memref<1x100xi32, #tpu.memory_space<vmem>>
      %dma_start3A_268 = tpu.memref_squeeze %dma_start3A_267 : memref<1x100xi32, #tpu.memory_space<vmem>> -> memref<100xi32, #tpu.memory_space<vmem>>
      %dma_start3A_269 = arith.constant 0 : i32
      %dma_start3A_270 = arith.constant 0 : i32
      %dma_start3A_271 = tpu.memref_slice %arg10[%dma_start3A_269, %dma_start3A_270] : memref<10112x64xf32, #tpu.memory_space<vmem_shared>> -> memref<10112x64xf32, #tpu.memory_space<vmem_shared>>
      tpu.enqueue_indirect_dma source(%dma_start3A_265 : memref<100x64xf32, #tpu.memory_space<vmem>>) target(%dma_start3A_271 : memref<10112x64xf32, #tpu.memory_space<vmem_shared>>) offsets(%dma_start3A_268 : memref<100xi32, #tpu.memory_space<vmem>>) semaphore(%arg18 : memref<!tpu.dma_semaphore, #tpu.memory_space<semaphore_mem>>) {add = true}
      %add3A_272 = arith.constant 5 : i32
      %add3A_273 = arith.addi %add3A_244, %add3A_272 : i32
      %lt3A_274 = arith.constant 200 : i32
      %lt3A_275 = arith.cmpi slt, %add3A_273, %lt3A_274 : i32
      %convert_element_type3A_276 = arith.extui %lt3A_275 : i1 to i32
      %cond3A_277 = arith.constant 0 : i32
      %cond3A_278 = arith.cmpi ne, %convert_element_type3A_276, %cond3A_277 : i32
      scf.if %cond3A_278 {
        %dma_wait3A_355 = arith.constant 2 : i32
        %dma_wait3A_356 = arith.constant 0 : i32
        %dma_wait3A_357 = arith.constant 0 : i32
        %dma_wait3A_358 = arith.constant 0 : i32
        %dma_wait3A_359 = tpu.memref_slice %arg8[%dma_wait3A_355, %dma_wait3A_357, %dma_wait3A_358] : memref<5x100x64xf32, #tpu.memory_space<vmem>> -> memref<1x100x64xf32, #tpu.memory_space<vmem>>
        %dma_wait3A_360 = tpu.memref_squeeze %dma_wait3A_359 : memref<1x100x64xf32, #tpu.memory_space<vmem>> -> memref<100x64xf32, #tpu.memory_space<vmem>>
        %dma_wait3A_361 = arith.constant 0 : i32
        %dma_wait3A_362 = tpu.memref_slice %arg7[%dma_wait3A_356, %dma_wait3A_361] : memref<200x100xi32, #tpu.memory_space<vmem>> -> memref<1x100xi32, #tpu.memory_space<vmem>>
        %dma_wait3A_363 = tpu.memref_squeeze %dma_wait3A_362 : memref<1x100xi32, #tpu.memory_space<vmem>> -> memref<100xi32, #tpu.memory_space<vmem>>
        %dma_wait3A_364 = arith.constant 0 : i32
        %dma_wait3A_365 = arith.constant 0 : i32
        %dma_wait3A_366 = tpu.memref_slice %arg10[%dma_wait3A_364, %dma_wait3A_365] : memref<10112x64xf32, #tpu.memory_space<vmem_shared>> -> memref<10112x64xf32, #tpu.memory_space<vmem_shared>>
        tpu.wait_indirect_dma semaphore(%arg18 : memref<!tpu.dma_semaphore, #tpu.memory_space<semaphore_mem>>) src(%dma_wait3A_360 : memref<100x64xf32, #tpu.memory_space<vmem>>) dst(%dma_wait3A_366 : memref<10112x64xf32, #tpu.memory_space<vmem_shared>>)
        %add3A_367 = arith.constant 5 : i32
        %add3A_368 = arith.addi %add3A_244, %add3A_367 : i32
        %dma_start3A_369 = arith.constant 2 : i32
        %dma_start3A_370 = arith.constant 0 : i32
        %dma_start3A_371 = arith.constant 0 : i32
        %dma_start3A_372 = tpu.memref_slice %arg8[%dma_start3A_369, %dma_start3A_370, %dma_start3A_371] : memref<5x100x64xf32, #tpu.memory_space<vmem>> -> memref<1x100x64xf32, #tpu.memory_space<vmem>>
        %dma_start3A_373 = tpu.memref_squeeze %dma_start3A_372 : memref<1x100x64xf32, #tpu.memory_space<vmem>> -> memref<100x64xf32, #tpu.memory_space<vmem>>
        %dma_start3A_374 = arith.constant 0 : i32
        %dma_start3A_375 = tpu.memref_slice %arg6[%add3A_368, %dma_start3A_374] : memref<200x100xi32, #tpu.memory_space<vmem>> -> memref<1x100xi32, #tpu.memory_space<vmem>>
        %dma_start3A_376 = tpu.memref_squeeze %dma_start3A_375 : memref<1x100xi32, #tpu.memory_space<vmem>> -> memref<100xi32, #tpu.memory_space<vmem>>
        %dma_start3A_377 = arith.constant 0 : i32
        %dma_start3A_378 = arith.constant 0 : i32
        %dma_start3A_379 = tpu.memref_slice %arg2[%arg0, %dma_start3A_377, %dma_start3A_378] : memref<2x10000x64xf32, #tpu.memory_space<hbm>> -> memref<1x10000x64xf32, #tpu.memory_space<hbm>>
        %dma_start3A_380 = tpu.memref_squeeze %dma_start3A_379 : memref<1x10000x64xf32, #tpu.memory_space<hbm>> -> memref<10000x64xf32, #tpu.memory_space<hbm>>
        %dma_start3A_381 = arith.constant 0 : i32
        %dma_start3A_382 = arith.constant 0 : i32
        %dma_start3A_383 = tpu.memref_slice %dma_start3A_380[%dma_start3A_381, %dma_start3A_382] : memref<10000x64xf32, #tpu.memory_space<hbm>> -> memref<10000x64xf32, #tpu.memory_space<hbm>>
        tpu.enqueue_indirect_dma source(%dma_start3A_383 : memref<10000x64xf32, #tpu.memory_space<hbm>>) target(%dma_start3A_373 : memref<100x64xf32, #tpu.memory_space<vmem>>) offsets(%dma_start3A_376 : memref<100xi32, #tpu.memory_space<vmem>>) semaphore(%arg13 : memref<!tpu.dma_semaphore, #tpu.memory_space<semaphore_mem>>)
      } else {
      }
      %mul3A_279 = arith.constant 5 : i32
      %mul3A_280 = arith.muli %mul3A_279, %scan3A_167 : i32
      %add3A_281 = arith.constant 3 : i32
      %add3A_282 = arith.addi %mul3A_280, %add3A_281 : i32
      %dma_wait3A_283 = arith.constant 0 : i32
      %dma_wait3A_284 = arith.constant 3 : i32
      %dma_wait3A_285 = arith.constant 0 : i32
      %dma_wait3A_286 = arith.constant 0 : i32
      %dma_wait3A_287 = tpu.memref_slice %arg8[%dma_wait3A_284, %dma_wait3A_285, %dma_wait3A_286] : memref<5x100x64xf32, #tpu.memory_space<vmem>> -> memref<1x100x64xf32, #tpu.memory_space<vmem>>
      %dma_wait3A_288 = tpu.memref_squeeze %dma_wait3A_287 : memref<1x100x64xf32, #tpu.memory_space<vmem>> -> memref<100x64xf32, #tpu.memory_space<vmem>>
      %dma_wait3A_289 = arith.constant 0 : i32
      %dma_wait3A_290 = tpu.memref_slice %arg6[%dma_wait3A_283, %dma_wait3A_289] : memref<200x100xi32, #tpu.memory_space<vmem>> -> memref<1x100xi32, #tpu.memory_space<vmem>>
      %dma_wait3A_291 = tpu.memref_squeeze %dma_wait3A_290 : memref<1x100xi32, #tpu.memory_space<vmem>> -> memref<100xi32, #tpu.memory_space<vmem>>
      %dma_wait3A_292 = arith.constant 0 : i32
      %dma_wait3A_293 = arith.constant 0 : i32
      %dma_wait3A_294 = tpu.memref_slice %arg2[%arg0, %dma_wait3A_292, %dma_wait3A_293] : memref<2x10000x64xf32, #tpu.memory_space<hbm>> -> memref<1x10000x64xf32, #tpu.memory_space<hbm>>
      %dma_wait3A_295 = tpu.memref_squeeze %dma_wait3A_294 : memref<1x10000x64xf32, #tpu.memory_space<hbm>> -> memref<10000x64xf32, #tpu.memory_space<hbm>>
      %dma_wait3A_296 = arith.constant 0 : i32
      %dma_wait3A_297 = arith.constant 0 : i32
      %dma_wait3A_298 = tpu.memref_slice %dma_wait3A_295[%dma_wait3A_296, %dma_wait3A_297] : memref<10000x64xf32, #tpu.memory_space<hbm>> -> memref<10000x64xf32, #tpu.memory_space<hbm>>
      tpu.wait_indirect_dma semaphore(%arg14 : memref<!tpu.dma_semaphore, #tpu.memory_space<semaphore_mem>>) src(%dma_wait3A_298 : memref<10000x64xf32, #tpu.memory_space<hbm>>) dst(%dma_wait3A_288 : memref<100x64xf32, #tpu.memory_space<vmem>>)
      %dma_start3A_299 = arith.constant 3 : i32
      %dma_start3A_300 = arith.constant 0 : i32
      %dma_start3A_301 = arith.constant 0 : i32
      %dma_start3A_302 = tpu.memref_slice %arg8[%dma_start3A_299, %dma_start3A_300, %dma_start3A_301] : memref<5x100x64xf32, #tpu.memory_space<vmem>> -> memref<1x100x64xf32, #tpu.memory_space<vmem>>
      %dma_start3A_303 = tpu.memref_squeeze %dma_start3A_302 : memref<1x100x64xf32, #tpu.memory_space<vmem>> -> memref<100x64xf32, #tpu.memory_space<vmem>>
      %dma_start3A_304 = arith.constant 0 : i32
      %dma_start3A_305 = tpu.memref_slice %arg7[%add3A_282, %dma_start3A_304] : memref<200x100xi32, #tpu.memory_space<vmem>> -> memref<1x100xi32, #tpu.memory_space<vmem>>
      %dma_start3A_306 = tpu.memref_squeeze %dma_start3A_305 : memref<1x100xi32, #tpu.memory_space<vmem>> -> memref<100xi32, #tpu.memory_space<vmem>>
      %dma_start3A_307 = arith.constant 0 : i32
      %dma_start3A_308 = arith.constant 0 : i32
      %dma_start3A_309 = tpu.memref_slice %arg10[%dma_start3A_307, %dma_start3A_308] : memref<10112x64xf32, #tpu.memory_space<vmem_shared>> -> memref<10112x64xf32, #tpu.memory_space<vmem_shared>>
      tpu.enqueue_indirect_dma source(%dma_start3A_303 : memref<100x64xf32, #tpu.memory_space<vmem>>) target(%dma_start3A_309 : memref<10112x64xf32, #tpu.memory_space<vmem_shared>>) offsets(%dma_start3A_306 : memref<100xi32, #tpu.memory_space<vmem>>) semaphore(%arg19 : memref<!tpu.dma_semaphore, #tpu.memory_space<semaphore_mem>>) {add = true}
      %add3A_310 = arith.constant 5 : i32
      %add3A_311 = arith.addi %add3A_282, %add3A_310 : i32
      %lt3A_312 = arith.constant 200 : i32
      %lt3A_313 = arith.cmpi slt, %add3A_311, %lt3A_312 : i32
      %convert_element_type3A_314 = arith.extui %lt3A_313 : i1 to i32
      %cond3A_315 = arith.constant 0 : i32
      %cond3A_316 = arith.cmpi ne, %convert_element_type3A_314, %cond3A_315 : i32
      scf.if %cond3A_316 {
        %dma_wait3A_355 = arith.constant 3 : i32
        %dma_wait3A_356 = arith.constant 0 : i32
        %dma_wait3A_357 = arith.constant 0 : i32
        %dma_wait3A_358 = arith.constant 0 : i32
        %dma_wait3A_359 = tpu.memref_slice %arg8[%dma_wait3A_355, %dma_wait3A_357, %dma_wait3A_358] : memref<5x100x64xf32, #tpu.memory_space<vmem>> -> memref<1x100x64xf32, #tpu.memory_space<vmem>>
        %dma_wait3A_360 = tpu.memref_squeeze %dma_wait3A_359 : memref<1x100x64xf32, #tpu.memory_space<vmem>> -> memref<100x64xf32, #tpu.memory_space<vmem>>
        %dma_wait3A_361 = arith.constant 0 : i32
        %dma_wait3A_362 = tpu.memref_slice %arg7[%dma_wait3A_356, %dma_wait3A_361] : memref<200x100xi32, #tpu.memory_space<vmem>> -> memref<1x100xi32, #tpu.memory_space<vmem>>
        %dma_wait3A_363 = tpu.memref_squeeze %dma_wait3A_362 : memref<1x100xi32, #tpu.memory_space<vmem>> -> memref<100xi32, #tpu.memory_space<vmem>>
        %dma_wait3A_364 = arith.constant 0 : i32
        %dma_wait3A_365 = arith.constant 0 : i32
        %dma_wait3A_366 = tpu.memref_slice %arg10[%dma_wait3A_364, %dma_wait3A_365] : memref<10112x64xf32, #tpu.memory_space<vmem_shared>> -> memref<10112x64xf32, #tpu.memory_space<vmem_shared>>
        tpu.wait_indirect_dma semaphore(%arg19 : memref<!tpu.dma_semaphore, #tpu.memory_space<semaphore_mem>>) src(%dma_wait3A_360 : memref<100x64xf32, #tpu.memory_space<vmem>>) dst(%dma_wait3A_366 : memref<10112x64xf32, #tpu.memory_space<vmem_shared>>)
        %add3A_367 = arith.constant 5 : i32
        %add3A_368 = arith.addi %add3A_282, %add3A_367 : i32
        %dma_start3A_369 = arith.constant 3 : i32
        %dma_start3A_370 = arith.constant 0 : i32
        %dma_start3A_371 = arith.constant 0 : i32
        %dma_start3A_372 = tpu.memref_slice %arg8[%dma_start3A_369, %dma_start3A_370, %dma_start3A_371] : memref<5x100x64xf32, #tpu.memory_space<vmem>> -> memref<1x100x64xf32, #tpu.memory_space<vmem>>
        %dma_start3A_373 = tpu.memref_squeeze %dma_start3A_372 : memref<1x100x64xf32, #tpu.memory_space<vmem>> -> memref<100x64xf32, #tpu.memory_space<vmem>>
        %dma_start3A_374 = arith.constant 0 : i32
        %dma_start3A_375 = tpu.memref_slice %arg6[%add3A_368, %dma_start3A_374] : memref<200x100xi32, #tpu.memory_space<vmem>> -> memref<1x100xi32, #tpu.memory_space<vmem>>
        %dma_start3A_376 = tpu.memref_squeeze %dma_start3A_375 : memref<1x100xi32, #tpu.memory_space<vmem>> -> memref<100xi32, #tpu.memory_space<vmem>>
        %dma_start3A_377 = arith.constant 0 : i32
        %dma_start3A_378 = arith.constant 0 : i32
        %dma_start3A_379 = tpu.memref_slice %arg2[%arg0, %dma_start3A_377, %dma_start3A_378] : memref<2x10000x64xf32, #tpu.memory_space<hbm>> -> memref<1x10000x64xf32, #tpu.memory_space<hbm>>
        %dma_start3A_380 = tpu.memref_squeeze %dma_start3A_379 : memref<1x10000x64xf32, #tpu.memory_space<hbm>> -> memref<10000x64xf32, #tpu.memory_space<hbm>>
        %dma_start3A_381 = arith.constant 0 : i32
        %dma_start3A_382 = arith.constant 0 : i32
        %dma_start3A_383 = tpu.memref_slice %dma_start3A_380[%dma_start3A_381, %dma_start3A_382] : memref<10000x64xf32, #tpu.memory_space<hbm>> -> memref<10000x64xf32, #tpu.memory_space<hbm>>
        tpu.enqueue_indirect_dma source(%dma_start3A_383 : memref<10000x64xf32, #tpu.memory_space<hbm>>) target(%dma_start3A_373 : memref<100x64xf32, #tpu.memory_space<vmem>>) offsets(%dma_start3A_376 : memref<100xi32, #tpu.memory_space<vmem>>) semaphore(%arg14 : memref<!tpu.dma_semaphore, #tpu.memory_space<semaphore_mem>>)
      } else {
      }
      %mul3A_317 = arith.constant 5 : i32
      %mul3A_318 = arith.muli %mul3A_317, %scan3A_167 : i32
      %add3A_319 = arith.constant 4 : i32
      %add3A_320 = arith.addi %mul3A_318, %add3A_319 : i32
      %dma_wait3A_321 = arith.constant 0 : i32
      %dma_wait3A_322 = arith.constant 4 : i32
      %dma_wait3A_323 = arith.constant 0 : i32
      %dma_wait3A_324 = arith.constant 0 : i32
      %dma_wait3A_325 = tpu.memref_slice %arg8[%dma_wait3A_322, %dma_wait3A_323, %dma_wait3A_324] : memref<5x100x64xf32, #tpu.memory_space<vmem>> -> memref<1x100x64xf32, #tpu.memory_space<vmem>>
      %dma_wait3A_326 = tpu.memref_squeeze %dma_wait3A_325 : memref<1x100x64xf32, #tpu.memory_space<vmem>> -> memref<100x64xf32, #tpu.memory_space<vmem>>
      %dma_wait3A_327 = arith.constant 0 : i32
      %dma_wait3A_328 = tpu.memref_slice %arg6[%dma_wait3A_321, %dma_wait3A_327] : memref<200x100xi32, #tpu.memory_space<vmem>> -> memref<1x100xi32, #tpu.memory_space<vmem>>
      %dma_wait3A_329 = tpu.memref_squeeze %dma_wait3A_328 : memref<1x100xi32, #tpu.memory_space<vmem>> -> memref<100xi32, #tpu.memory_space<vmem>>
      %dma_wait3A_330 = arith.constant 0 : i32
      %dma_wait3A_331 = arith.constant 0 : i32
      %dma_wait3A_332 = tpu.memref_slice %arg2[%arg0, %dma_wait3A_330, %dma_wait3A_331] : memref<2x10000x64xf32, #tpu.memory_space<hbm>> -> memref<1x10000x64xf32, #tpu.memory_space<hbm>>
      %dma_wait3A_333 = tpu.memref_squeeze %dma_wait3A_332 : memref<1x10000x64xf32, #tpu.memory_space<hbm>> -> memref<10000x64xf32, #tpu.memory_space<hbm>>
      %dma_wait3A_334 = arith.constant 0 : i32
      %dma_wait3A_335 = arith.constant 0 : i32
      %dma_wait3A_336 = tpu.memref_slice %dma_wait3A_333[%dma_wait3A_334, %dma_wait3A_335] : memref<10000x64xf32, #tpu.memory_space<hbm>> -> memref<10000x64xf32, #tpu.memory_space<hbm>>
      tpu.wait_indirect_dma semaphore(%arg15 : memref<!tpu.dma_semaphore, #tpu.memory_space<semaphore_mem>>) src(%dma_wait3A_336 : memref<10000x64xf32, #tpu.memory_space<hbm>>) dst(%dma_wait3A_326 : memref<100x64xf32, #tpu.memory_space<vmem>>)
      %dma_start3A_337 = arith.constant 4 : i32
      %dma_start3A_338 = arith.constant 0 : i32
      %dma_start3A_339 = arith.constant 0 : i32
      %dma_start3A_340 = tpu.memref_slice %arg8[%dma_start3A_337, %dma_start3A_338, %dma_start3A_339] : memref<5x100x64xf32, #tpu.memory_space<vmem>> -> memref<1x100x64xf32, #tpu.memory_space<vmem>>
      %dma_start3A_341 = tpu.memref_squeeze %dma_start3A_340 : memref<1x100x64xf32, #tpu.memory_space<vmem>> -> memref<100x64xf32, #tpu.memory_space<vmem>>
      %dma_start3A_342 = arith.constant 0 : i32
      %dma_start3A_343 = tpu.memref_slice %arg7[%add3A_320, %dma_start3A_342] : memref<200x100xi32, #tpu.memory_space<vmem>> -> memref<1x100xi32, #tpu.memory_space<vmem>>
      %dma_start3A_344 = tpu.memref_squeeze %dma_start3A_343 : memref<1x100xi32, #tpu.memory_space<vmem>> -> memref<100xi32, #tpu.memory_space<vmem>>
      %dma_start3A_345 = arith.constant 0 : i32
      %dma_start3A_346 = arith.constant 0 : i32
      %dma_start3A_347 = tpu.memref_slice %arg10[%dma_start3A_345, %dma_start3A_346] : memref<10112x64xf32, #tpu.memory_space<vmem_shared>> -> memref<10112x64xf32, #tpu.memory_space<vmem_shared>>
      tpu.enqueue_indirect_dma source(%dma_start3A_341 : memref<100x64xf32, #tpu.memory_space<vmem>>) target(%dma_start3A_347 : memref<10112x64xf32, #tpu.memory_space<vmem_shared>>) offsets(%dma_start3A_344 : memref<100xi32, #tpu.memory_space<vmem>>) semaphore(%arg20 : memref<!tpu.dma_semaphore, #tpu.memory_space<semaphore_mem>>) {add = true}
      %add3A_348 = arith.constant 5 : i32
      %add3A_349 = arith.addi %add3A_320, %add3A_348 : i32
      %lt3A_350 = arith.constant 200 : i32
      %lt3A_351 = arith.cmpi slt, %add3A_349, %lt3A_350 : i32
      %convert_element_type3A_352 = arith.extui %lt3A_351 : i1 to i32
      %cond3A_353 = arith.constant 0 : i32
      %cond3A_354 = arith.cmpi ne, %convert_element_type3A_352, %cond3A_353 : i32
      scf.if %cond3A_354 {
        %dma_wait3A_355 = arith.constant 4 : i32
        %dma_wait3A_356 = arith.constant 0 : i32
        %dma_wait3A_357 = arith.constant 0 : i32
        %dma_wait3A_358 = arith.constant 0 : i32
        %dma_wait3A_359 = tpu.memref_slice %arg8[%dma_wait3A_355, %dma_wait3A_357, %dma_wait3A_358] : memref<5x100x64xf32, #tpu.memory_space<vmem>> -> memref<1x100x64xf32, #tpu.memory_space<vmem>>
        %dma_wait3A_360 = tpu.memref_squeeze %dma_wait3A_359 : memref<1x100x64xf32, #tpu.memory_space<vmem>> -> memref<100x64xf32, #tpu.memory_space<vmem>>
        %dma_wait3A_361 = arith.constant 0 : i32
        %dma_wait3A_362 = tpu.memref_slice %arg7[%dma_wait3A_356, %dma_wait3A_361] : memref<200x100xi32, #tpu.memory_space<vmem>> -> memref<1x100xi32, #tpu.memory_space<vmem>>
        %dma_wait3A_363 = tpu.memref_squeeze %dma_wait3A_362 : memref<1x100xi32, #tpu.memory_space<vmem>> -> memref<100xi32, #tpu.memory_space<vmem>>
        %dma_wait3A_364 = arith.constant 0 : i32
        %dma_wait3A_365 = arith.constant 0 : i32
        %dma_wait3A_366 = tpu.memref_slice %arg10[%dma_wait3A_364, %dma_wait3A_365] : memref<10112x64xf32, #tpu.memory_space<vmem_shared>> -> memref<10112x64xf32, #tpu.memory_space<vmem_shared>>
        tpu.wait_indirect_dma semaphore(%arg20 : memref<!tpu.dma_semaphore, #tpu.memory_space<semaphore_mem>>) src(%dma_wait3A_360 : memref<100x64xf32, #tpu.memory_space<vmem>>) dst(%dma_wait3A_366 : memref<10112x64xf32, #tpu.memory_space<vmem_shared>>)
        %add3A_367 = arith.constant 5 : i32
        %add3A_368 = arith.addi %add3A_320, %add3A_367 : i32
        %dma_start3A_369 = arith.constant 4 : i32
        %dma_start3A_370 = arith.constant 0 : i32
        %dma_start3A_371 = arith.constant 0 : i32
        %dma_start3A_372 = tpu.memref_slice %arg8[%dma_start3A_369, %dma_start3A_370, %dma_start3A_371] : memref<5x100x64xf32, #tpu.memory_space<vmem>> -> memref<1x100x64xf32, #tpu.memory_space<vmem>>
        %dma_start3A_373 = tpu.memref_squeeze %dma_start3A_372 : memref<1x100x64xf32, #tpu.memory_space<vmem>> -> memref<100x64xf32, #tpu.memory_space<vmem>>
        %dma_start3A_374 = arith.constant 0 : i32
        %dma_start3A_375 = tpu.memref_slice %arg6[%add3A_368, %dma_start3A_374] : memref<200x100xi32, #tpu.memory_space<vmem>> -> memref<1x100xi32, #tpu.memory_space<vmem>>
        %dma_start3A_376 = tpu.memref_squeeze %dma_start3A_375 : memref<1x100xi32, #tpu.memory_space<vmem>> -> memref<100xi32, #tpu.memory_space<vmem>>
        %dma_start3A_377 = arith.constant 0 : i32
        %dma_start3A_378 = arith.constant 0 : i32
        %dma_start3A_379 = tpu.memref_slice %arg2[%arg0, %dma_start3A_377, %dma_start3A_378] : memref<2x10000x64xf32, #tpu.memory_space<hbm>> -> memref<1x10000x64xf32, #tpu.memory_space<hbm>>
        %dma_start3A_380 = tpu.memref_squeeze %dma_start3A_379 : memref<1x10000x64xf32, #tpu.memory_space<hbm>> -> memref<10000x64xf32, #tpu.memory_space<hbm>>
        %dma_start3A_381 = arith.constant 0 : i32
        %dma_start3A_382 = arith.constant 0 : i32
        %dma_start3A_383 = tpu.memref_slice %dma_start3A_380[%dma_start3A_381, %dma_start3A_382] : memref<10000x64xf32, #tpu.memory_space<hbm>> -> memref<10000x64xf32, #tpu.memory_space<hbm>>
        tpu.enqueue_indirect_dma source(%dma_start3A_383 : memref<10000x64xf32, #tpu.memory_space<hbm>>) target(%dma_start3A_373 : memref<100x64xf32, #tpu.memory_space<vmem>>) offsets(%dma_start3A_376 : memref<100xi32, #tpu.memory_space<vmem>>) semaphore(%arg15 : memref<!tpu.dma_semaphore, #tpu.memory_space<semaphore_mem>>)
      } else {
      }
    }
    %scan3A_106 = arith.constant 40 : i32
    %dma_wait3A = arith.constant 0 : i32
    %dma_wait3A_107 = arith.constant 0 : i32
    %dma_wait3A_108 = arith.constant 0 : i32
    %dma_wait3A_109 = arith.constant 0 : i32
    %dma_wait3A_110 = tpu.memref_slice %arg8[%dma_wait3A, %dma_wait3A_108, %dma_wait3A_109] : memref<5x100x64xf32, #tpu.memory_space<vmem>> -> memref<1x100x64xf32, #tpu.memory_space<vmem>>
    %dma_wait3A_111 = tpu.memref_squeeze %dma_wait3A_110 : memref<1x100x64xf32, #tpu.memory_space<vmem>> -> memref<100x64xf32, #tpu.memory_space<vmem>>
    %dma_wait3A_112 = arith.constant 0 : i32
    %dma_wait3A_113 = tpu.memref_slice %arg7[%dma_wait3A_107, %dma_wait3A_112] : memref<200x100xi32, #tpu.memory_space<vmem>> -> memref<1x100xi32, #tpu.memory_space<vmem>>
    %dma_wait3A_114 = tpu.memref_squeeze %dma_wait3A_113 : memref<1x100xi32, #tpu.memory_space<vmem>> -> memref<100xi32, #tpu.memory_space<vmem>>
    %dma_wait3A_115 = arith.constant 0 : i32
    %dma_wait3A_116 = arith.constant 0 : i32
    %dma_wait3A_117 = tpu.memref_slice %arg10[%dma_wait3A_115, %dma_wait3A_116] : memref<10112x64xf32, #tpu.memory_space<vmem_shared>> -> memref<10112x64xf32, #tpu.memory_space<vmem_shared>>
    tpu.wait_indirect_dma semaphore(%arg16 : memref<!tpu.dma_semaphore, #tpu.memory_space<semaphore_mem>>) src(%dma_wait3A_111 : memref<100x64xf32, #tpu.memory_space<vmem>>) dst(%dma_wait3A_117 : memref<10112x64xf32, #tpu.memory_space<vmem_shared>>)
    %dma_wait3A_118 = arith.constant 1 : i32
    %dma_wait3A_119 = arith.constant 0 : i32
    %dma_wait3A_120 = arith.constant 0 : i32
    %dma_wait3A_121 = arith.constant 0 : i32
    %dma_wait3A_122 = tpu.memref_slice %arg8[%dma_wait3A_118, %dma_wait3A_120, %dma_wait3A_121] : memref<5x100x64xf32, #tpu.memory_space<vmem>> -> memref<1x100x64xf32, #tpu.memory_space<vmem>>
    %dma_wait3A_123 = tpu.memref_squeeze %dma_wait3A_122 : memref<1x100x64xf32, #tpu.memory_space<vmem>> -> memref<100x64xf32, #tpu.memory_space<vmem>>
    %dma_wait3A_124 = arith.constant 0 : i32
    %dma_wait3A_125 = tpu.memref_slice %arg7[%dma_wait3A_119, %dma_wait3A_124] : memref<200x100xi32, #tpu.memory_space<vmem>> -> memref<1x100xi32, #tpu.memory_space<vmem>>
    %dma_wait3A_126 = tpu.memref_squeeze %dma_wait3A_125 : memref<1x100xi32, #tpu.memory_space<vmem>> -> memref<100xi32, #tpu.memory_space<vmem>>
    %dma_wait3A_127 = arith.constant 0 : i32
    %dma_wait3A_128 = arith.constant 0 : i32
    %dma_wait3A_129 = tpu.memref_slice %arg10[%dma_wait3A_127, %dma_wait3A_128] : memref<10112x64xf32, #tpu.memory_space<vmem_shared>> -> memref<10112x64xf32, #tpu.memory_space<vmem_shared>>
    tpu.wait_indirect_dma semaphore(%arg17 : memref<!tpu.dma_semaphore, #tpu.memory_space<semaphore_mem>>) src(%dma_wait3A_123 : memref<100x64xf32, #tpu.memory_space<vmem>>) dst(%dma_wait3A_129 : memref<10112x64xf32, #tpu.memory_space<vmem_shared>>)
    %dma_wait3A_130 = arith.constant 2 : i32
    %dma_wait3A_131 = arith.constant 0 : i32
    %dma_wait3A_132 = arith.constant 0 : i32
    %dma_wait3A_133 = arith.constant 0 : i32
    %dma_wait3A_134 = tpu.memref_slice %arg8[%dma_wait3A_130, %dma_wait3A_132, %dma_wait3A_133] : memref<5x100x64xf32, #tpu.memory_space<vmem>> -> memref<1x100x64xf32, #tpu.memory_space<vmem>>
    %dma_wait3A_135 = tpu.memref_squeeze %dma_wait3A_134 : memref<1x100x64xf32, #tpu.memory_space<vmem>> -> memref<100x64xf32, #tpu.memory_space<vmem>>
    %dma_wait3A_136 = arith.constant 0 : i32
    %dma_wait3A_137 = tpu.memref_slice %arg7[%dma_wait3A_131, %dma_wait3A_136] : memref<200x100xi32, #tpu.memory_space<vmem>> -> memref<1x100xi32, #tpu.memory_space<vmem>>
    %dma_wait3A_138 = tpu.memref_squeeze %dma_wait3A_137 : memref<1x100xi32, #tpu.memory_space<vmem>> -> memref<100xi32, #tpu.memory_space<vmem>>
    %dma_wait3A_139 = arith.constant 0 : i32
    %dma_wait3A_140 = arith.constant 0 : i32
    %dma_wait3A_141 = tpu.memref_slice %arg10[%dma_wait3A_139, %dma_wait3A_140] : memref<10112x64xf32, #tpu.memory_space<vmem_shared>> -> memref<10112x64xf32, #tpu.memory_space<vmem_shared>>
    tpu.wait_indirect_dma semaphore(%arg18 : memref<!tpu.dma_semaphore, #tpu.memory_space<semaphore_mem>>) src(%dma_wait3A_135 : memref<100x64xf32, #tpu.memory_space<vmem>>) dst(%dma_wait3A_141 : memref<10112x64xf32, #tpu.memory_space<vmem_shared>>)
    %dma_wait3A_142 = arith.constant 3 : i32
    %dma_wait3A_143 = arith.constant 0 : i32
    %dma_wait3A_144 = arith.constant 0 : i32
    %dma_wait3A_145 = arith.constant 0 : i32
    %dma_wait3A_146 = tpu.memref_slice %arg8[%dma_wait3A_142, %dma_wait3A_144, %dma_wait3A_145] : memref<5x100x64xf32, #tpu.memory_space<vmem>> -> memref<1x100x64xf32, #tpu.memory_space<vmem>>
    %dma_wait3A_147 = tpu.memref_squeeze %dma_wait3A_146 : memref<1x100x64xf32, #tpu.memory_space<vmem>> -> memref<100x64xf32, #tpu.memory_space<vmem>>
    %dma_wait3A_148 = arith.constant 0 : i32
    %dma_wait3A_149 = tpu.memref_slice %arg7[%dma_wait3A_143, %dma_wait3A_148] : memref<200x100xi32, #tpu.memory_space<vmem>> -> memref<1x100xi32, #tpu.memory_space<vmem>>
    %dma_wait3A_150 = tpu.memref_squeeze %dma_wait3A_149 : memref<1x100xi32, #tpu.memory_space<vmem>> -> memref<100xi32, #tpu.memory_space<vmem>>
    %dma_wait3A_151 = arith.constant 0 : i32
    %dma_wait3A_152 = arith.constant 0 : i32
    %dma_wait3A_153 = tpu.memref_slice %arg10[%dma_wait3A_151, %dma_wait3A_152] : memref<10112x64xf32, #tpu.memory_space<vmem_shared>> -> memref<10112x64xf32, #tpu.memory_space<vmem_shared>>
    tpu.wait_indirect_dma semaphore(%arg19 : memref<!tpu.dma_semaphore, #tpu.memory_space<semaphore_mem>>) src(%dma_wait3A_147 : memref<100x64xf32, #tpu.memory_space<vmem>>) dst(%dma_wait3A_153 : memref<10112x64xf32, #tpu.memory_space<vmem_shared>>)
    %dma_wait3A_154 = arith.constant 4 : i32
    %dma_wait3A_155 = arith.constant 0 : i32
    %dma_wait3A_156 = arith.constant 0 : i32
    %dma_wait3A_157 = arith.constant 0 : i32
    %dma_wait3A_158 = tpu.memref_slice %arg8[%dma_wait3A_154, %dma_wait3A_156, %dma_wait3A_157] : memref<5x100x64xf32, #tpu.memory_space<vmem>> -> memref<1x100x64xf32, #tpu.memory_space<vmem>>
    %dma_wait3A_159 = tpu.memref_squeeze %dma_wait3A_158 : memref<1x100x64xf32, #tpu.memory_space<vmem>> -> memref<100x64xf32, #tpu.memory_space<vmem>>
    %dma_wait3A_160 = arith.constant 0 : i32
    %dma_wait3A_161 = tpu.memref_slice %arg7[%dma_wait3A_155, %dma_wait3A_160] : memref<200x100xi32, #tpu.memory_space<vmem>> -> memref<1x100xi32, #tpu.memory_space<vmem>>
    %dma_wait3A_162 = tpu.memref_squeeze %dma_wait3A_161 : memref<1x100xi32, #tpu.memory_space<vmem>> -> memref<100xi32, #tpu.memory_space<vmem>>
    %dma_wait3A_163 = arith.constant 0 : i32
    %dma_wait3A_164 = arith.constant 0 : i32
    %dma_wait3A_165 = tpu.memref_slice %arg10[%dma_wait3A_163, %dma_wait3A_164] : memref<10112x64xf32, #tpu.memory_space<vmem_shared>> -> memref<10112x64xf32, #tpu.memory_space<vmem_shared>>
    tpu.wait_indirect_dma semaphore(%arg20 : memref<!tpu.dma_semaphore, #tpu.memory_space<semaphore_mem>>) src(%dma_wait3A_159 : memref<100x64xf32, #tpu.memory_space<vmem>>) dst(%dma_wait3A_165 : memref<10112x64xf32, #tpu.memory_space<vmem_shared>>)
    %barrier3A_166 = arith.constant 0 : index
    tpu.barrier barrier_id(%barrier3A_166)
    "tpu.region"() ({
      %run_scoped3A = tpu.sem_alloc : memref<!tpu.dma_semaphore, #tpu.memory_space<semaphore_mem>>
      %dma_start3A_167 = arith.constant 0 : i32
      %dma_start3A_168 = arith.constant 0 : i32
      %dma_start3A_169 = tpu.memref_slice %arg5[%arg0, %dma_start3A_167, %dma_start3A_168] : memref<2x10112x64xf32, #tpu.memory_space<hbm>> -> memref<1x10112x64xf32, #tpu.memory_space<hbm>>
      %dma_start3A_170 = tpu.memref_squeeze %dma_start3A_169 : memref<1x10112x64xf32, #tpu.memory_space<hbm>> -> memref<10112x64xf32, #tpu.memory_space<hbm>>
      %dma_start3A_171 = arith.constant 0 : i32
      %dma_start3A_172 = tpu.memref_slice %dma_start3A_170[%mul3A_0, %dma_start3A_171] : memref<10112x64xf32, #tpu.memory_space<hbm>> -> memref<632x64xf32, #tpu.memory_space<hbm>>
      %dma_start3A_173 = arith.constant 0 : i32
      %dma_start3A_174 = tpu.memref_slice %arg10[%mul3A_0, %dma_start3A_173] : memref<10112x64xf32, #tpu.memory_space<vmem_shared>> -> memref<632x64xf32, #tpu.memory_space<vmem_shared>>
      tpu.enqueue_dma source(%dma_start3A_174 : memref<632x64xf32, #tpu.memory_space<vmem_shared>>) target(%dma_start3A_172 : memref<632x64xf32, #tpu.memory_space<hbm>>) target_semaphore(%run_scoped3A : memref<!tpu.dma_semaphore, #tpu.memory_space<semaphore_mem>>)
      %dma_wait3A_175 = arith.constant 0 : i32
      %dma_wait3A_176 = arith.constant 0 : i32
      %dma_wait3A_177 = tpu.memref_slice %arg5[%arg0, %dma_wait3A_175, %dma_wait3A_176] : memref<2x10112x64xf32, #tpu.memory_space<hbm>> -> memref<1x10112x64xf32, #tpu.memory_space<hbm>>
      %dma_wait3A_178 = tpu.memref_squeeze %dma_wait3A_177 : memref<1x10112x64xf32, #tpu.memory_space<hbm>> -> memref<10112x64xf32, #tpu.memory_space<hbm>>
      %dma_wait3A_179 = arith.constant 0 : i32
      %dma_wait3A_180 = tpu.memref_slice %dma_wait3A_178[%mul3A_0, %dma_wait3A_179] : memref<10112x64xf32, #tpu.memory_space<hbm>> -> memref<632x64xf32, #tpu.memory_space<hbm>>
      %dma_wait3A_181 = arith.constant 0 : i32
      %dma_wait3A_182 = tpu.memref_slice %arg10[%mul3A_0, %dma_wait3A_181] : memref<10112x64xf32, #tpu.memory_space<vmem_shared>> -> memref<632x64xf32, #tpu.memory_space<vmem_shared>>
      tpu.wait_dma2 semaphore(%run_scoped3A : memref<!tpu.dma_semaphore, #tpu.memory_space<semaphore_mem>>) src(%dma_wait3A_182 : memref<632x64xf32, #tpu.memory_space<vmem_shared>>) dst(%dma_wait3A_180 : memref<632x64xf32, #tpu.memory_space<hbm>>)
      tpu.yield
    }) : () -> ()
    return
  }
}

#map = affine_map<(d0, d1) -> (0, 0, 0)>
module attributes {stable_mosaic.version = 14 : i64} {
  func.func @_sc_agg(%arg0: i32, %arg1: i32, %arg2: memref<2x10000x64xf32, #tpu.memory_space<hbm>>, %arg3: memref<16x200x100xi32, #tpu.memory_space<hbm>>, %arg4: memref<16x200x100xi32, #tpu.memory_space<hbm>>, %arg5: memref<2x10112x64xf32, #tpu.memory_space<hbm>>, %arg6: memref<200x100xi32, #tpu.memory_space<vmem>>, %arg7: memref<200x100xi32, #tpu.memory_space<vmem>>, %arg8: memref<5x100x64xf32, #tpu.memory_space<vmem>>, %arg9: memref<80x64xf32, #tpu.memory_space<vmem>>, %arg10: memref<10112x64xf32, #tpu.memory_space<vmem_shared>>, %arg11: memref<!tpu.dma_semaphore, #tpu.memory_space<semaphore_mem>>, %arg12: memref<!tpu.dma_semaphore, #tpu.memory_space<semaphore_mem>>, %arg13: memref<!tpu.dma_semaphore, #tpu.memory_space<semaphore_mem>>, %arg14: memref<!tpu.dma_semaphore, #tpu.memory_space<semaphore_mem>>, %arg15: memref<!tpu.dma_semaphore, #tpu.memory_space<semaphore_mem>>, %arg16: memref<!tpu.dma_semaphore, #tpu.memory_space<semaphore_mem>>, %arg17: memref<!tpu.dma_semaphore, #tpu.memory_space<semaphore_mem>>, %arg18: memref<!tpu.dma_semaphore, #tpu.memory_space<semaphore_mem>>, %arg19: memref<!tpu.dma_semaphore, #tpu.memory_space<semaphore_mem>>, %arg20: memref<!tpu.dma_semaphore, #tpu.memory_space<semaphore_mem>>) attributes {dimension_semantics = [#tpu.dimension_semantics<core_parallel>, #tpu.dimension_semantics<subcore_parallel>], iteration_bounds = array<i64: 2, 16>, scalar_prefetch = 0 : i64, scratch_operands = 15 : i64, tpu.core_type = #tpu.core_type<sc_vector_subcore>, window_params = [{transform_indices = #map}, {transform_indices = #map}, {transform_indices = #map}, {transform_indices = #map}]} {
    %mul3A = arith.constant 632 : i32
    %mul3A_0 = arith.muli %arg1, %mul3A : i32
    %scan3A = arith.constant 0 : i32
    %scan3A_1 = arith.constant 0 : i32
    %scan3A_2 = arith.constant 80 : i32
    %scan3A_3 = arith.addi %scan3A_1, %scan3A_2 : i32
    %scan3A_4 = arith.constant 1 : i32
    scf.for %scan3A_167 = %scan3A_1 to %scan3A_3 step %scan3A_4  : i32 {
      %broadcast_in_dim3A = arith.constant 0.000000e+00 : f32
      %broadcast_in_dim3A_168 = vector.broadcast %broadcast_in_dim3A : f32 to vector<16xf32>
      %swap3A = arith.constant 0 : i32
      %swap3A_169 = tpu.memref_slice %arg9[%scan3A_167, %swap3A] : memref<80x64xf32, #tpu.memory_space<vmem>> -> memref<1x64xf32, #tpu.memory_space<vmem>>
      %swap3A_170 = tpu.memref_squeeze %swap3A_169 : memref<1x64xf32, #tpu.memory_space<vmem>> -> memref<64xf32, #tpu.memory_space<vmem>>
      %swap3A_171 = arith.constant 0 : index
      %swap3A_172 = tpu.vector_load %swap3A_170[%swap3A_171] {strides = array<i32>} : memref<64xf32, #tpu.memory_space<vmem>>, vector<16xf32>,
      %swap3A_173 = vector.shape_cast %swap3A_172 : vector<16xf32> to vector<16xf32>
      %swap3A_174 = vector.shape_cast %broadcast_in_dim3A_168 : vector<16xf32> to vector<16xf32>
      tpu.vector_store %swap3A_170[%swap3A_171], %swap3A_174 {strides = array<i32>} : memref<64xf32, #tpu.memory_space<vmem>>, vector<16xf32>,
      %broadcast_in_dim3A_175 = arith.constant 0.000000e+00 : f32
      %broadcast_in_dim3A_176 = vector.broadcast %broadcast_in_dim3A_175 : f32 to vector<16xf32>
      %swap3A_177 = arith.constant 0 : i32
      %swap3A_178 = tpu.memref_slice %arg9[%scan3A_167, %swap3A_177] : memref<80x64xf32, #tpu.memory_space<vmem>> -> memref<1x64xf32, #tpu.memory_space<vmem>>
      %swap3A_179 = tpu.memref_squeeze %swap3A_178 : memref<1x64xf32, #tpu.memory_space<vmem>> -> memref<64xf32, #tpu.memory_space<vmem>>
      %swap3A_180 = arith.constant 16 : index
      %swap3A_181 = tpu.vector_load %swap3A_179[%swap3A_180] {strides = array<i32>} : memref<64xf32, #tpu.memory_space<vmem>>, vector<16xf32>,
      %swap3A_182 = vector.shape_cast %swap3A_181 : vector<16xf32> to vector<16xf32>
      %swap3A_183 = vector.shape_cast %broadcast_in_dim3A_176 : vector<16xf32> to vector<16xf32>
      tpu.vector_store %swap3A_179[%swap3A_180], %swap3A_183 {strides = array<i32>} : memref<64xf32, #tpu.memory_space<vmem>>, vector<16xf32>,
      %broadcast_in_dim3A_184 = arith.constant 0.000000e+00 : f32
      %broadcast_in_dim3A_185 = vector.broadcast %broadcast_in_dim3A_184 : f32 to vector<16xf32>
      %swap3A_186 = arith.constant 0 : i32
      %swap3A_187 = tpu.memref_slice %arg9[%scan3A_167, %swap3A_186] : memref<80x64xf32, #tpu.memory_space<vmem>> -> memref<1x64xf32, #tpu.memory_space<vmem>>
      %swap3A_188 = tpu.memref_squeeze %swap3A_187 : memref<1x64xf32, #tpu.memory_space<vmem>> -> memref<64xf32, #tpu.memory_space<vmem>>
      %swap3A_189 = arith.constant 32 : index
      %swap3A_190 = tpu.vector_load %swap3A_188[%swap3A_189] {strides = array<i32>} : memref<64xf32, #tpu.memory_space<vmem>>, vector<16xf32>,
      %swap3A_191 = vector.shape_cast %swap3A_190 : vector<16xf32> to vector<16xf32>
      %swap3A_192 = vector.shape_cast %broadcast_in_dim3A_185 : vector<16xf32> to vector<16xf32>
      tpu.vector_store %swap3A_188[%swap3A_189], %swap3A_192 {strides = array<i32>} : memref<64xf32, #tpu.memory_space<vmem>>, vector<16xf32>,
      %broadcast_in_dim3A_193 = arith.constant 0.000000e+00 : f32
      %broadcast_in_dim3A_194 = vector.broadcast %broadcast_in_dim3A_193 : f32 to vector<16xf32>
      %swap3A_195 = arith.constant 0 : i32
      %swap3A_196 = tpu.memref_slice %arg9[%scan3A_167, %swap3A_195] : memref<80x64xf32, #tpu.memory_space<vmem>> -> memref<1x64xf32, #tpu.memory_space<vmem>>
      %swap3A_197 = tpu.memref_squeeze %swap3A_196 : memref<1x64xf32, #tpu.memory_space<vmem>> -> memref<64xf32, #tpu.memory_space<vmem>>
      %swap3A_198 = arith.constant 48 : index
      %swap3A_199 = tpu.vector_load %swap3A_197[%swap3A_198] {strides = array<i32>} : memref<64xf32, #tpu.memory_space<vmem>>, vector<16xf32>,
      %swap3A_200 = vector.shape_cast %swap3A_199 : vector<16xf32> to vector<16xf32>
      %swap3A_201 = vector.shape_cast %broadcast_in_dim3A_194 : vector<16xf32> to vector<16xf32>
      tpu.vector_store %swap3A_197[%swap3A_198], %swap3A_201 {strides = array<i32>} : memref<64xf32, #tpu.memory_space<vmem>>, vector<16xf32>,
    }
    %scan3A_5 = arith.constant 80 : i32
    "tpu.region"() ({
      %run_scoped3A = tpu.sem_alloc : memref<!tpu.dma_semaphore, #tpu.memory_space<semaphore_mem>>
      %dma_start3A_167 = arith.constant 0 : i32
      %dma_start3A_168 = arith.constant 0 : i32
      %dma_start3A_169 = tpu.memref_slice %arg3[%arg1, %dma_start3A_167, %dma_start3A_168] : memref<16x200x100xi32, #tpu.memory_space<hbm>> -> memref<1x200x100xi32, #tpu.memory_space<hbm>>
      %dma_start3A_170 = tpu.memref_squeeze %dma_start3A_169 : memref<1x200x100xi32, #tpu.memory_space<hbm>> -> memref<200x100xi32, #tpu.memory_space<hbm>>
      %dma_start3A_171 = arith.constant 0 : i32
      %dma_start3A_172 = arith.constant 0 : i32
      %dma_start3A_173 = tpu.memref_slice %arg3[%arg1, %dma_start3A_171, %dma_start3A_172] : memref<16x200x100xi32, #tpu.memory_space<hbm>> -> memref<1x200x100xi32, #tpu.memory_space<hbm>>
      %dma_start3A_174 = tpu.memref_squeeze %dma_start3A_173 : memref<1x200x100xi32, #tpu.memory_space<hbm>> -> memref<200x100xi32, #tpu.memory_space<hbm>>
      tpu.enqueue_dma source(%dma_start3A_174 : memref<200x100xi32, #tpu.memory_space<hbm>>) target(%arg6 : memref<200x100xi32, #tpu.memory_space<vmem>>) target_semaphore(%run_scoped3A : memref<!tpu.dma_semaphore, #tpu.memory_space<semaphore_mem>>)
      %dma_wait3A_175 = arith.constant 0 : i32
      %dma_wait3A_176 = arith.constant 0 : i32
      %dma_wait3A_177 = tpu.memref_slice %arg3[%arg1, %dma_wait3A_175, %dma_wait3A_176] : memref<16x200x100xi32, #tpu.memory_space<hbm>> -> memref<1x200x100xi32, #tpu.memory_space<hbm>>
      %dma_wait3A_178 = tpu.memref_squeeze %dma_wait3A_177 : memref<1x200x100xi32, #tpu.memory_space<hbm>> -> memref<200x100xi32, #tpu.memory_space<hbm>>
      %dma_wait3A_179 = arith.constant 0 : i32
      %dma_wait3A_180 = arith.constant 0 : i32
      %dma_wait3A_181 = tpu.memref_slice %arg3[%arg1, %dma_wait3A_179, %dma_wait3A_180] : memref<16x200x100xi32, #tpu.memory_space<hbm>> -> memref<1x200x100xi32, #tpu.memory_space<hbm>>
      %dma_wait3A_182 = tpu.memref_squeeze %dma_wait3A_181 : memref<1x200x100xi32, #tpu.memory_space<hbm>> -> memref<200x100xi32, #tpu.memory_space<hbm>>
      tpu.wait_dma2 semaphore(%run_scoped3A : memref<!tpu.dma_semaphore, #tpu.memory_space<semaphore_mem>>) src(%dma_wait3A_182 : memref<200x100xi32, #tpu.memory_space<hbm>>) dst(%arg6 : memref<200x100xi32, #tpu.memory_space<vmem>>)
      tpu.yield
    }) : () -> ()
    "tpu.region"() ({
      %run_scoped3A = tpu.sem_alloc : memref<!tpu.dma_semaphore, #tpu.memory_space<semaphore_mem>>
      %dma_start3A_167 = arith.constant 0 : i32
      %dma_start3A_168 = arith.constant 0 : i32
      %dma_start3A_169 = tpu.memref_slice %arg4[%arg1, %dma_start3A_167, %dma_start3A_168] : memref<16x200x100xi32, #tpu.memory_space<hbm>> -> memref<1x200x100xi32, #tpu.memory_space<hbm>>
      %dma_start3A_170 = tpu.memref_squeeze %dma_start3A_169 : memref<1x200x100xi32, #tpu.memory_space<hbm>> -> memref<200x100xi32, #tpu.memory_space<hbm>>
      %dma_start3A_171 = arith.constant 0 : i32
      %dma_start3A_172 = arith.constant 0 : i32
      %dma_start3A_173 = tpu.memref_slice %arg4[%arg1, %dma_start3A_171, %dma_start3A_172] : memref<16x200x100xi32, #tpu.memory_space<hbm>> -> memref<1x200x100xi32, #tpu.memory_space<hbm>>
      %dma_start3A_174 = tpu.memref_squeeze %dma_start3A_173 : memref<1x200x100xi32, #tpu.memory_space<hbm>> -> memref<200x100xi32, #tpu.memory_space<hbm>>
      tpu.enqueue_dma source(%dma_start3A_174 : memref<200x100xi32, #tpu.memory_space<hbm>>) target(%arg7 : memref<200x100xi32, #tpu.memory_space<vmem>>) target_semaphore(%run_scoped3A : memref<!tpu.dma_semaphore, #tpu.memory_space<semaphore_mem>>)
      %dma_wait3A_175 = arith.constant 0 : i32
      %dma_wait3A_176 = arith.constant 0 : i32
      %dma_wait3A_177 = tpu.memref_slice %arg4[%arg1, %dma_wait3A_175, %dma_wait3A_176] : memref<16x200x100xi32, #tpu.memory_space<hbm>> -> memref<1x200x100xi32, #tpu.memory_space<hbm>>
      %dma_wait3A_178 = tpu.memref_squeeze %dma_wait3A_177 : memref<1x200x100xi32, #tpu.memory_space<hbm>> -> memref<200x100xi32, #tpu.memory_space<hbm>>
      %dma_wait3A_179 = arith.constant 0 : i32
      %dma_wait3A_180 = arith.constant 0 : i32
      %dma_wait3A_181 = tpu.memref_slice %arg4[%arg1, %dma_wait3A_179, %dma_wait3A_180] : memref<16x200x100xi32, #tpu.memory_space<hbm>> -> memref<1x200x100xi32, #tpu.memory_space<hbm>>
      %dma_wait3A_182 = tpu.memref_squeeze %dma_wait3A_181 : memref<1x200x100xi32, #tpu.memory_space<hbm>> -> memref<200x100xi32, #tpu.memory_space<hbm>>
      tpu.wait_dma2 semaphore(%run_scoped3A : memref<!tpu.dma_semaphore, #tpu.memory_space<semaphore_mem>>) src(%dma_wait3A_182 : memref<200x100xi32, #tpu.memory_space<hbm>>) dst(%arg7 : memref<200x100xi32, #tpu.memory_space<vmem>>)
      tpu.yield
    }) : () -> ()
    %add3A = arith.constant 0 : i32
    %add3A_6 = arith.addi %mul3A_0, %add3A : i32
    "tpu.region"() ({
      %run_scoped3A = tpu.sem_alloc : memref<!tpu.dma_semaphore, #tpu.memory_space<semaphore_mem>>
      %dma_start3A_167 = arith.constant 0 : i32
      %dma_start3A_168 = tpu.memref_slice %arg10[%add3A_6, %dma_start3A_167] : memref<10112x64xf32, #tpu.memory_space<vmem_shared>> -> memref<80x64xf32, #tpu.memory_space<vmem_shared>>
      %dma_start3A_169 = arith.constant 0 : i32
      %dma_start3A_170 = tpu.memref_slice %arg10[%add3A_6, %dma_start3A_169] : memref<10112x64xf32, #tpu.memory_space<vmem_shared>> -> memref<80x64xf32, #tpu.memory_space<vmem_shared>>
      tpu.enqueue_dma source(%arg9 : memref<80x64xf32, #tpu.memory_space<vmem>>) target(%dma_start3A_170 : memref<80x64xf32, #tpu.memory_space<vmem_shared>>) target_semaphore(%run_scoped3A : memref<!tpu.dma_semaphore, #tpu.memory_space<semaphore_mem>>)
      %dma_wait3A_171 = arith.constant 0 : i32
      %dma_wait3A_172 = tpu.memref_slice %arg10[%add3A_6, %dma_wait3A_171] : memref<10112x64xf32, #tpu.memory_space<vmem_shared>> -> memref<80x64xf32, #tpu.memory_space<vmem_shared>>
      %dma_wait3A_173 = arith.constant 0 : i32
      %dma_wait3A_174 = tpu.memref_slice %arg10[%add3A_6, %dma_wait3A_173] : memref<10112x64xf32, #tpu.memory_space<vmem_shared>> -> memref<80x64xf32, #tpu.memory_space<vmem_shared>>
      tpu.wait_dma2 semaphore(%run_scoped3A : memref<!tpu.dma_semaphore, #tpu.memory_space<semaphore_mem>>) src(%arg9 : memref<80x64xf32, #tpu.memory_space<vmem>>) dst(%dma_wait3A_174 : memref<80x64xf32, #tpu.memory_space<vmem_shared>>)
      tpu.yield
    }) : () -> ()
    %add3A_7 = arith.constant 80 : i32
    %add3A_8 = arith.addi %mul3A_0, %add3A_7 : i32
    "tpu.region"() ({
      %run_scoped3A = tpu.sem_alloc : memref<!tpu.dma_semaphore, #tpu.memory_space<semaphore_mem>>
      %dma_start3A_167 = arith.constant 0 : i32
      %dma_start3A_168 = tpu.memref_slice %arg10[%add3A_8, %dma_start3A_167] : memref<10112x64xf32, #tpu.memory_space<vmem_shared>> -> memref<80x64xf32, #tpu.memory_space<vmem_shared>>
      %dma_start3A_169 = arith.constant 0 : i32
      %dma_start3A_170 = tpu.memref_slice %arg10[%add3A_8, %dma_start3A_169] : memref<10112x64xf32, #tpu.memory_space<vmem_shared>> -> memref<80x64xf32, #tpu.memory_space<vmem_shared>>
      tpu.enqueue_dma source(%arg9 : memref<80x64xf32, #tpu.memory_space<vmem>>) target(%dma_start3A_170 : memref<80x64xf32, #tpu.memory_space<vmem_shared>>) target_semaphore(%run_scoped3A : memref<!tpu.dma_semaphore, #tpu.memory_space<semaphore_mem>>)
      %dma_wait3A_171 = arith.constant 0 : i32
      %dma_wait3A_172 = tpu.memref_slice %arg10[%add3A_8, %dma_wait3A_171] : memref<10112x64xf32, #tpu.memory_space<vmem_shared>> -> memref<80x64xf32, #tpu.memory_space<vmem_shared>>
      %dma_wait3A_173 = arith.constant 0 : i32
      %dma_wait3A_174 = tpu.memref_slice %arg10[%add3A_8, %dma_wait3A_173] : memref<10112x64xf32, #tpu.memory_space<vmem_shared>> -> memref<80x64xf32, #tpu.memory_space<vmem_shared>>
      tpu.wait_dma2 semaphore(%run_scoped3A : memref<!tpu.dma_semaphore, #tpu.memory_space<semaphore_mem>>) src(%arg9 : memref<80x64xf32, #tpu.memory_space<vmem>>) dst(%dma_wait3A_174 : memref<80x64xf32, #tpu.memory_space<vmem_shared>>)
      tpu.yield
    }) : () -> ()
    %add3A_9 = arith.constant 160 : i32
    %add3A_10 = arith.addi %mul3A_0, %add3A_9 : i32
    "tpu.region"() ({
      %run_scoped3A = tpu.sem_alloc : memref<!tpu.dma_semaphore, #tpu.memory_space<semaphore_mem>>
      %dma_start3A_167 = arith.constant 0 : i32
      %dma_start3A_168 = tpu.memref_slice %arg10[%add3A_10, %dma_start3A_167] : memref<10112x64xf32, #tpu.memory_space<vmem_shared>> -> memref<80x64xf32, #tpu.memory_space<vmem_shared>>
      %dma_start3A_169 = arith.constant 0 : i32
      %dma_start3A_170 = tpu.memref_slice %arg10[%add3A_10, %dma_start3A_169] : memref<10112x64xf32, #tpu.memory_space<vmem_shared>> -> memref<80x64xf32, #tpu.memory_space<vmem_shared>>
      tpu.enqueue_dma source(%arg9 : memref<80x64xf32, #tpu.memory_space<vmem>>) target(%dma_start3A_170 : memref<80x64xf32, #tpu.memory_space<vmem_shared>>) target_semaphore(%run_scoped3A : memref<!tpu.dma_semaphore, #tpu.memory_space<semaphore_mem>>)
      %dma_wait3A_171 = arith.constant 0 : i32
      %dma_wait3A_172 = tpu.memref_slice %arg10[%add3A_10, %dma_wait3A_171] : memref<10112x64xf32, #tpu.memory_space<vmem_shared>> -> memref<80x64xf32, #tpu.memory_space<vmem_shared>>
      %dma_wait3A_173 = arith.constant 0 : i32
      %dma_wait3A_174 = tpu.memref_slice %arg10[%add3A_10, %dma_wait3A_173] : memref<10112x64xf32, #tpu.memory_space<vmem_shared>> -> memref<80x64xf32, #tpu.memory_space<vmem_shared>>
      tpu.wait_dma2 semaphore(%run_scoped3A : memref<!tpu.dma_semaphore, #tpu.memory_space<semaphore_mem>>) src(%arg9 : memref<80x64xf32, #tpu.memory_space<vmem>>) dst(%dma_wait3A_174 : memref<80x64xf32, #tpu.memory_space<vmem_shared>>)
      tpu.yield
    }) : () -> ()
    %add3A_11 = arith.constant 240 : i32
    %add3A_12 = arith.addi %mul3A_0, %add3A_11 : i32
    "tpu.region"() ({
      %run_scoped3A = tpu.sem_alloc : memref<!tpu.dma_semaphore, #tpu.memory_space<semaphore_mem>>
      %dma_start3A_167 = arith.constant 0 : i32
      %dma_start3A_168 = tpu.memref_slice %arg10[%add3A_12, %dma_start3A_167] : memref<10112x64xf32, #tpu.memory_space<vmem_shared>> -> memref<80x64xf32, #tpu.memory_space<vmem_shared>>
      %dma_start3A_169 = arith.constant 0 : i32
      %dma_start3A_170 = tpu.memref_slice %arg10[%add3A_12, %dma_start3A_169] : memref<10112x64xf32, #tpu.memory_space<vmem_shared>> -> memref<80x64xf32, #tpu.memory_space<vmem_shared>>
      tpu.enqueue_dma source(%arg9 : memref<80x64xf32, #tpu.memory_space<vmem>>) target(%dma_start3A_170 : memref<80x64xf32, #tpu.memory_space<vmem_shared>>) target_semaphore(%run_scoped3A : memref<!tpu.dma_semaphore, #tpu.memory_space<semaphore_mem>>)
      %dma_wait3A_171 = arith.constant 0 : i32
      %dma_wait3A_172 = tpu.memref_slice %arg10[%add3A_12, %dma_wait3A_171] : memref<10112x64xf32, #tpu.memory_space<vmem_shared>> -> memref<80x64xf32, #tpu.memory_space<vmem_shared>>
      %dma_wait3A_173 = arith.constant 0 : i32
      %dma_wait3A_174 = tpu.memref_slice %arg10[%add3A_12, %dma_wait3A_173] : memref<10112x64xf32, #tpu.memory_space<vmem_shared>> -> memref<80x64xf32, #tpu.memory_space<vmem_shared>>
      tpu.wait_dma2 semaphore(%run_scoped3A : memref<!tpu.dma_semaphore, #tpu.memory_space<semaphore_mem>>) src(%arg9 : memref<80x64xf32, #tpu.memory_space<vmem>>) dst(%dma_wait3A_174 : memref<80x64xf32, #tpu.memory_space<vmem_shared>>)
      tpu.yield
    }) : () -> ()
    %add3A_13 = arith.constant 320 : i32
    %add3A_14 = arith.addi %mul3A_0, %add3A_13 : i32
    "tpu.region"() ({
      %run_scoped3A = tpu.sem_alloc : memref<!tpu.dma_semaphore, #tpu.memory_space<semaphore_mem>>
      %dma_start3A_167 = arith.constant 0 : i32
      %dma_start3A_168 = tpu.memref_slice %arg10[%add3A_14, %dma_start3A_167] : memref<10112x64xf32, #tpu.memory_space<vmem_shared>> -> memref<80x64xf32, #tpu.memory_space<vmem_shared>>
      %dma_start3A_169 = arith.constant 0 : i32
      %dma_start3A_170 = tpu.memref_slice %arg10[%add3A_14, %dma_start3A_169] : memref<10112x64xf32, #tpu.memory_space<vmem_shared>> -> memref<80x64xf32, #tpu.memory_space<vmem_shared>>
      tpu.enqueue_dma source(%arg9 : memref<80x64xf32, #tpu.memory_space<vmem>>) target(%dma_start3A_170 : memref<80x64xf32, #tpu.memory_space<vmem_shared>>) target_semaphore(%run_scoped3A : memref<!tpu.dma_semaphore, #tpu.memory_space<semaphore_mem>>)
      %dma_wait3A_171 = arith.constant 0 : i32
      %dma_wait3A_172 = tpu.memref_slice %arg10[%add3A_14, %dma_wait3A_171] : memref<10112x64xf32, #tpu.memory_space<vmem_shared>> -> memref<80x64xf32, #tpu.memory_space<vmem_shared>>
      %dma_wait3A_173 = arith.constant 0 : i32
      %dma_wait3A_174 = tpu.memref_slice %arg10[%add3A_14, %dma_wait3A_173] : memref<10112x64xf32, #tpu.memory_space<vmem_shared>> -> memref<80x64xf32, #tpu.memory_space<vmem_shared>>
      tpu.wait_dma2 semaphore(%run_scoped3A : memref<!tpu.dma_semaphore, #tpu.memory_space<semaphore_mem>>) src(%arg9 : memref<80x64xf32, #tpu.memory_space<vmem>>) dst(%dma_wait3A_174 : memref<80x64xf32, #tpu.memory_space<vmem_shared>>)
      tpu.yield
    }) : () -> ()
    %add3A_15 = arith.constant 400 : i32
    %add3A_16 = arith.addi %mul3A_0, %add3A_15 : i32
    "tpu.region"() ({
      %run_scoped3A = tpu.sem_alloc : memref<!tpu.dma_semaphore, #tpu.memory_space<semaphore_mem>>
      %dma_start3A_167 = arith.constant 0 : i32
      %dma_start3A_168 = tpu.memref_slice %arg10[%add3A_16, %dma_start3A_167] : memref<10112x64xf32, #tpu.memory_space<vmem_shared>> -> memref<80x64xf32, #tpu.memory_space<vmem_shared>>
      %dma_start3A_169 = arith.constant 0 : i32
      %dma_start3A_170 = tpu.memref_slice %arg10[%add3A_16, %dma_start3A_169] : memref<10112x64xf32, #tpu.memory_space<vmem_shared>> -> memref<80x64xf32, #tpu.memory_space<vmem_shared>>
      tpu.enqueue_dma source(%arg9 : memref<80x64xf32, #tpu.memory_space<vmem>>) target(%dma_start3A_170 : memref<80x64xf32, #tpu.memory_space<vmem_shared>>) target_semaphore(%run_scoped3A : memref<!tpu.dma_semaphore, #tpu.memory_space<semaphore_mem>>)
      %dma_wait3A_171 = arith.constant 0 : i32
      %dma_wait3A_172 = tpu.memref_slice %arg10[%add3A_16, %dma_wait3A_171] : memref<10112x64xf32, #tpu.memory_space<vmem_shared>> -> memref<80x64xf32, #tpu.memory_space<vmem_shared>>
      %dma_wait3A_173 = arith.constant 0 : i32
      %dma_wait3A_174 = tpu.memref_slice %arg10[%add3A_16, %dma_wait3A_173] : memref<10112x64xf32, #tpu.memory_space<vmem_shared>> -> memref<80x64xf32, #tpu.memory_space<vmem_shared>>
      tpu.wait_dma2 semaphore(%run_scoped3A : memref<!tpu.dma_semaphore, #tpu.memory_space<semaphore_mem>>) src(%arg9 : memref<80x64xf32, #tpu.memory_space<vmem>>) dst(%dma_wait3A_174 : memref<80x64xf32, #tpu.memory_space<vmem_shared>>)
      tpu.yield
    }) : () -> ()
    %add3A_17 = arith.constant 480 : i32
    %add3A_18 = arith.addi %mul3A_0, %add3A_17 : i32
    "tpu.region"() ({
      %run_scoped3A = tpu.sem_alloc : memref<!tpu.dma_semaphore, #tpu.memory_space<semaphore_mem>>
      %dma_start3A_167 = arith.constant 0 : i32
      %dma_start3A_168 = tpu.memref_slice %arg10[%add3A_18, %dma_start3A_167] : memref<10112x64xf32, #tpu.memory_space<vmem_shared>> -> memref<80x64xf32, #tpu.memory_space<vmem_shared>>
      %dma_start3A_169 = arith.constant 0 : i32
      %dma_start3A_170 = tpu.memref_slice %arg10[%add3A_18, %dma_start3A_169] : memref<10112x64xf32, #tpu.memory_space<vmem_shared>> -> memref<80x64xf32, #tpu.memory_space<vmem_shared>>
      tpu.enqueue_dma source(%arg9 : memref<80x64xf32, #tpu.memory_space<vmem>>) target(%dma_start3A_170 : memref<80x64xf32, #tpu.memory_space<vmem_shared>>) target_semaphore(%run_scoped3A : memref<!tpu.dma_semaphore, #tpu.memory_space<semaphore_mem>>)
      %dma_wait3A_171 = arith.constant 0 : i32
      %dma_wait3A_172 = tpu.memref_slice %arg10[%add3A_18, %dma_wait3A_171] : memref<10112x64xf32, #tpu.memory_space<vmem_shared>> -> memref<80x64xf32, #tpu.memory_space<vmem_shared>>
      %dma_wait3A_173 = arith.constant 0 : i32
      %dma_wait3A_174 = tpu.memref_slice %arg10[%add3A_18, %dma_wait3A_173] : memref<10112x64xf32, #tpu.memory_space<vmem_shared>> -> memref<80x64xf32, #tpu.memory_space<vmem_shared>>
      tpu.wait_dma2 semaphore(%run_scoped3A : memref<!tpu.dma_semaphore, #tpu.memory_space<semaphore_mem>>) src(%arg9 : memref<80x64xf32, #tpu.memory_space<vmem>>) dst(%dma_wait3A_174 : memref<80x64xf32, #tpu.memory_space<vmem_shared>>)
      tpu.yield
    }) : () -> ()
    %add3A_19 = arith.constant 632 : i32
    %add3A_20 = arith.addi %mul3A_0, %add3A_19 : i32
    %sub3A = arith.constant 72 : i32
    %sub3A_21 = arith.subi %add3A_20, %sub3A : i32
    "tpu.region"() ({
      %run_scoped3A = tpu.sem_alloc : memref<!tpu.dma_semaphore, #tpu.memory_space<semaphore_mem>>
      %dma_start3A_167 = arith.constant 0 : i32
      %dma_start3A_168 = arith.constant 0 : i32
      %dma_start3A_169 = tpu.memref_slice %arg9[%dma_start3A_167, %dma_start3A_168] : memref<80x64xf32, #tpu.memory_space<vmem>> -> memref<72x64xf32, #tpu.memory_space<vmem>>
      %dma_start3A_170 = arith.constant 0 : i32
      %dma_start3A_171 = tpu.memref_slice %arg10[%sub3A_21, %dma_start3A_170] : memref<10112x64xf32, #tpu.memory_space<vmem_shared>> -> memref<72x64xf32, #tpu.memory_space<vmem_shared>>
      %dma_start3A_172 = arith.constant 0 : i32
      %dma_start3A_173 = tpu.memref_slice %arg10[%sub3A_21, %dma_start3A_172] : memref<10112x64xf32, #tpu.memory_space<vmem_shared>> -> memref<72x64xf32, #tpu.memory_space<vmem_shared>>
      %dma_start3A_174 = arith.constant 0 : i32
      %dma_start3A_175 = arith.constant 0 : i32
      %dma_start3A_176 = tpu.memref_slice %arg9[%dma_start3A_174, %dma_start3A_175] : memref<80x64xf32, #tpu.memory_space<vmem>> -> memref<72x64xf32, #tpu.memory_space<vmem>>
      tpu.enqueue_dma source(%dma_start3A_176 : memref<72x64xf32, #tpu.memory_space<vmem>>) target(%dma_start3A_173 : memref<72x64xf32, #tpu.memory_space<vmem_shared>>) target_semaphore(%run_scoped3A : memref<!tpu.dma_semaphore, #tpu.memory_space<semaphore_mem>>)
      %dma_wait3A_177 = arith.constant 0 : i32
      %dma_wait3A_178 = arith.constant 0 : i32
      %dma_wait3A_179 = tpu.memref_slice %arg9[%dma_wait3A_177, %dma_wait3A_178] : memref<80x64xf32, #tpu.memory_space<vmem>> -> memref<72x64xf32, #tpu.memory_space<vmem>>
      %dma_wait3A_180 = arith.constant 0 : i32
      %dma_wait3A_181 = tpu.memref_slice %arg10[%sub3A_21, %dma_wait3A_180] : memref<10112x64xf32, #tpu.memory_space<vmem_shared>> -> memref<72x64xf32, #tpu.memory_space<vmem_shared>>
      %dma_wait3A_182 = arith.constant 0 : i32
      %dma_wait3A_183 = tpu.memref_slice %arg10[%sub3A_21, %dma_wait3A_182] : memref<10112x64xf32, #tpu.memory_space<vmem_shared>> -> memref<72x64xf32, #tpu.memory_space<vmem_shared>>
      %dma_wait3A_184 = arith.constant 0 : i32
      %dma_wait3A_185 = arith.constant 0 : i32
      %dma_wait3A_186 = tpu.memref_slice %arg9[%dma_wait3A_184, %dma_wait3A_185] : memref<80x64xf32, #tpu.memory_space<vmem>> -> memref<72x64xf32, #tpu.memory_space<vmem>>
      tpu.wait_dma2 semaphore(%run_scoped3A : memref<!tpu.dma_semaphore, #tpu.memory_space<semaphore_mem>>) src(%dma_wait3A_186 : memref<72x64xf32, #tpu.memory_space<vmem>>) dst(%dma_wait3A_183 : memref<72x64xf32, #tpu.memory_space<vmem_shared>>)
      tpu.yield
    }) : () -> ()
    %barrier3A = arith.constant 0 : index
    tpu.barrier barrier_id(%barrier3A)
    %dma_start3A = arith.constant 0 : i32
    %dma_start3A_22 = arith.constant 0 : i32
    %dma_start3A_23 = arith.constant 0 : i32
    %dma_start3A_24 = arith.constant 0 : i32
    %dma_start3A_25 = tpu.memref_slice %arg8[%dma_start3A_22, %dma_start3A_23, %dma_start3A_24] : memref<5x100x64xf32, #tpu.memory_space<vmem>> -> memref<1x100x64xf32, #tpu.memory_space<vmem>>
    %dma_start3A_26 = tpu.memref_squeeze %dma_start3A_25 : memref<1x100x64xf32, #tpu.memory_space<vmem>> -> memref<100x64xf32, #tpu.memory_space<vmem>>
    %dma_start3A_27 = arith.constant 0 : i32
    %dma_start3A_28 = tpu.memref_slice %arg6[%dma_start3A, %dma_start3A_27] : memref<200x100xi32, #tpu.memory_space<vmem>> -> memref<1x100xi32, #tpu.memory_space<vmem>>
    %dma_start3A_29 = tpu.memref_squeeze %dma_start3A_28 : memref<1x100xi32, #tpu.memory_space<vmem>> -> memref<100xi32, #tpu.memory_space<vmem>>
    %dma_start3A_30 = arith.constant 0 : i32
    %dma_start3A_31 = arith.constant 0 : i32
    %dma_start3A_32 = tpu.memref_slice %arg2[%arg0, %dma_start3A_30, %dma_start3A_31] : memref<2x10000x64xf32, #tpu.memory_space<hbm>> -> memref<1x10000x64xf32, #tpu.memory_space<hbm>>
    %dma_start3A_33 = tpu.memref_squeeze %dma_start3A_32 : memref<1x10000x64xf32, #tpu.memory_space<hbm>> -> memref<10000x64xf32, #tpu.memory_space<hbm>>
    %dma_start3A_34 = arith.constant 0 : i32
    %dma_start3A_35 = arith.constant 0 : i32
    %dma_start3A_36 = tpu.memref_slice %dma_start3A_33[%dma_start3A_34, %dma_start3A_35] : memref<10000x64xf32, #tpu.memory_space<hbm>> -> memref<10000x64xf32, #tpu.memory_space<hbm>>
    tpu.enqueue_indirect_dma source(%dma_start3A_36 : memref<10000x64xf32, #tpu.memory_space<hbm>>) target(%dma_start3A_26 : memref<100x64xf32, #tpu.memory_space<vmem>>) offsets(%dma_start3A_29 : memref<100xi32, #tpu.memory_space<vmem>>) semaphore(%arg11 : memref<!tpu.dma_semaphore, #tpu.memory_space<semaphore_mem>>)
    %dma_start3A_37 = arith.constant 1 : i32
    %dma_start3A_38 = arith.constant 1 : i32
    %dma_start3A_39 = arith.constant 0 : i32
    %dma_start3A_40 = arith.constant 0 : i32
    %dma_start3A_41 = tpu.memref_slice %arg8[%dma_start3A_38, %dma_start3A_39, %dma_start3A_40] : memref<5x100x64xf32, #tpu.memory_space<vmem>> -> memref<1x100x64xf32, #tpu.memory_space<vmem>>
    %dma_start3A_42 = tpu.memref_squeeze %dma_start3A_41 : memref<1x100x64xf32, #tpu.memory_space<vmem>> -> memref<100x64xf32, #tpu.memory_space<vmem>>
    %dma_start3A_43 = arith.constant 0 : i32
    %dma_start3A_44 = tpu.memref_slice %arg6[%dma_start3A_37, %dma_start3A_43] : memref<200x100xi32, #tpu.memory_space<vmem>> -> memref<1x100xi32, #tpu.memory_space<vmem>>
    %dma_start3A_45 = tpu.memref_squeeze %dma_start3A_44 : memref<1x100xi32, #tpu.memory_space<vmem>> -> memref<100xi32, #tpu.memory_space<vmem>>
    %dma_start3A_46 = arith.constant 0 : i32
    %dma_start3A_47 = arith.constant 0 : i32
    %dma_start3A_48 = tpu.memref_slice %arg2[%arg0, %dma_start3A_46, %dma_start3A_47] : memref<2x10000x64xf32, #tpu.memory_space<hbm>> -> memref<1x10000x64xf32, #tpu.memory_space<hbm>>
    %dma_start3A_49 = tpu.memref_squeeze %dma_start3A_48 : memref<1x10000x64xf32, #tpu.memory_space<hbm>> -> memref<10000x64xf32, #tpu.memory_space<hbm>>
    %dma_start3A_50 = arith.constant 0 : i32
    %dma_start3A_51 = arith.constant 0 : i32
    %dma_start3A_52 = tpu.memref_slice %dma_start3A_49[%dma_start3A_50, %dma_start3A_51] : memref<10000x64xf32, #tpu.memory_space<hbm>> -> memref<10000x64xf32, #tpu.memory_space<hbm>>
    tpu.enqueue_indirect_dma source(%dma_start3A_52 : memref<10000x64xf32, #tpu.memory_space<hbm>>) target(%dma_start3A_42 : memref<100x64xf32, #tpu.memory_space<vmem>>) offsets(%dma_start3A_45 : memref<100xi32, #tpu.memory_space<vmem>>) semaphore(%arg12 : memref<!tpu.dma_semaphore, #tpu.memory_space<semaphore_mem>>)
    %dma_start3A_53 = arith.constant 2 : i32
    %dma_start3A_54 = arith.constant 2 : i32
    %dma_start3A_55 = arith.constant 0 : i32
    %dma_start3A_56 = arith.constant 0 : i32
    %dma_start3A_57 = tpu.memref_slice %arg8[%dma_start3A_54, %dma_start3A_55, %dma_start3A_56] : memref<5x100x64xf32, #tpu.memory_space<vmem>> -> memref<1x100x64xf32, #tpu.memory_space<vmem>>
    %dma_start3A_58 = tpu.memref_squeeze %dma_start3A_57 : memref<1x100x64xf32, #tpu.memory_space<vmem>> -> memref<100x64xf32, #tpu.memory_space<vmem>>
    %dma_start3A_59 = arith.constant 0 : i32
    %dma_start3A_60 = tpu.memref_slice %arg6[%dma_start3A_53, %dma_start3A_59] : memref<200x100xi32, #tpu.memory_space<vmem>> -> memref<1x100xi32, #tpu.memory_space<vmem>>
    %dma_start3A_61 = tpu.memref_squeeze %dma_start3A_60 : memref<1x100xi32, #tpu.memory_space<vmem>> -> memref<100xi32, #tpu.memory_space<vmem>>
    %dma_start3A_62 = arith.constant 0 : i32
    %dma_start3A_63 = arith.constant 0 : i32
    %dma_start3A_64 = tpu.memref_slice %arg2[%arg0, %dma_start3A_62, %dma_start3A_63] : memref<2x10000x64xf32, #tpu.memory_space<hbm>> -> memref<1x10000x64xf32, #tpu.memory_space<hbm>>
    %dma_start3A_65 = tpu.memref_squeeze %dma_start3A_64 : memref<1x10000x64xf32, #tpu.memory_space<hbm>> -> memref<10000x64xf32, #tpu.memory_space<hbm>>
    %dma_start3A_66 = arith.constant 0 : i32
    %dma_start3A_67 = arith.constant 0 : i32
    %dma_start3A_68 = tpu.memref_slice %dma_start3A_65[%dma_start3A_66, %dma_start3A_67] : memref<10000x64xf32, #tpu.memory_space<hbm>> -> memref<10000x64xf32, #tpu.memory_space<hbm>>
    tpu.enqueue_indirect_dma source(%dma_start3A_68 : memref<10000x64xf32, #tpu.memory_space<hbm>>) target(%dma_start3A_58 : memref<100x64xf32, #tpu.memory_space<vmem>>) offsets(%dma_start3A_61 : memref<100xi32, #tpu.memory_space<vmem>>) semaphore(%arg13 : memref<!tpu.dma_semaphore, #tpu.memory_space<semaphore_mem>>)
    %dma_start3A_69 = arith.constant 3 : i32
    %dma_start3A_70 = arith.constant 3 : i32
    %dma_start3A_71 = arith.constant 0 : i32
    %dma_start3A_72 = arith.constant 0 : i32
    %dma_start3A_73 = tpu.memref_slice %arg8[%dma_start3A_70, %dma_start3A_71, %dma_start3A_72] : memref<5x100x64xf32, #tpu.memory_space<vmem>> -> memref<1x100x64xf32, #tpu.memory_space<vmem>>
    %dma_start3A_74 = tpu.memref_squeeze %dma_start3A_73 : memref<1x100x64xf32, #tpu.memory_space<vmem>> -> memref<100x64xf32, #tpu.memory_space<vmem>>
    %dma_start3A_75 = arith.constant 0 : i32
    %dma_start3A_76 = tpu.memref_slice %arg6[%dma_start3A_69, %dma_start3A_75] : memref<200x100xi32, #tpu.memory_space<vmem>> -> memref<1x100xi32, #tpu.memory_space<vmem>>
    %dma_start3A_77 = tpu.memref_squeeze %dma_start3A_76 : memref<1x100xi32, #tpu.memory_space<vmem>> -> memref<100xi32, #tpu.memory_space<vmem>>
    %dma_start3A_78 = arith.constant 0 : i32
    %dma_start3A_79 = arith.constant 0 : i32
    %dma_start3A_80 = tpu.memref_slice %arg2[%arg0, %dma_start3A_78, %dma_start3A_79] : memref<2x10000x64xf32, #tpu.memory_space<hbm>> -> memref<1x10000x64xf32, #tpu.memory_space<hbm>>
    %dma_start3A_81 = tpu.memref_squeeze %dma_start3A_80 : memref<1x10000x64xf32, #tpu.memory_space<hbm>> -> memref<10000x64xf32, #tpu.memory_space<hbm>>
    %dma_start3A_82 = arith.constant 0 : i32
    %dma_start3A_83 = arith.constant 0 : i32
    %dma_start3A_84 = tpu.memref_slice %dma_start3A_81[%dma_start3A_82, %dma_start3A_83] : memref<10000x64xf32, #tpu.memory_space<hbm>> -> memref<10000x64xf32, #tpu.memory_space<hbm>>
    tpu.enqueue_indirect_dma source(%dma_start3A_84 : memref<10000x64xf32, #tpu.memory_space<hbm>>) target(%dma_start3A_74 : memref<100x64xf32, #tpu.memory_space<vmem>>) offsets(%dma_start3A_77 : memref<100xi32, #tpu.memory_space<vmem>>) semaphore(%arg14 : memref<!tpu.dma_semaphore, #tpu.memory_space<semaphore_mem>>)
    %dma_start3A_85 = arith.constant 4 : i32
    %dma_start3A_86 = arith.constant 4 : i32
    %dma_start3A_87 = arith.constant 0 : i32
    %dma_start3A_88 = arith.constant 0 : i32
    %dma_start3A_89 = tpu.memref_slice %arg8[%dma_start3A_86, %dma_start3A_87, %dma_start3A_88] : memref<5x100x64xf32, #tpu.memory_space<vmem>> -> memref<1x100x64xf32, #tpu.memory_space<vmem>>
    %dma_start3A_90 = tpu.memref_squeeze %dma_start3A_89 : memref<1x100x64xf32, #tpu.memory_space<vmem>> -> memref<100x64xf32, #tpu.memory_space<vmem>>
    %dma_start3A_91 = arith.constant 0 : i32
    %dma_start3A_92 = tpu.memref_slice %arg6[%dma_start3A_85, %dma_start3A_91] : memref<200x100xi32, #tpu.memory_space<vmem>> -> memref<1x100xi32, #tpu.memory_space<vmem>>
    %dma_start3A_93 = tpu.memref_squeeze %dma_start3A_92 : memref<1x100xi32, #tpu.memory_space<vmem>> -> memref<100xi32, #tpu.memory_space<vmem>>
    %dma_start3A_94 = arith.constant 0 : i32
    %dma_start3A_95 = arith.constant 0 : i32
    %dma_start3A_96 = tpu.memref_slice %arg2[%arg0, %dma_start3A_94, %dma_start3A_95] : memref<2x10000x64xf32, #tpu.memory_space<hbm>> -> memref<1x10000x64xf32, #tpu.memory_space<hbm>>
    %dma_start3A_97 = tpu.memref_squeeze %dma_start3A_96 : memref<1x10000x64xf32, #tpu.memory_space<hbm>> -> memref<10000x64xf32, #tpu.memory_space<hbm>>
    %dma_start3A_98 = arith.constant 0 : i32
    %dma_start3A_99 = arith.constant 0 : i32
    %dma_start3A_100 = tpu.memref_slice %dma_start3A_97[%dma_start3A_98, %dma_start3A_99] : memref<10000x64xf32, #tpu.memory_space<hbm>> -> memref<10000x64xf32, #tpu.memory_space<hbm>>
    tpu.enqueue_indirect_dma source(%dma_start3A_100 : memref<10000x64xf32, #tpu.memory_space<hbm>>) target(%dma_start3A_90 : memref<100x64xf32, #tpu.memory_space<vmem>>) offsets(%dma_start3A_93 : memref<100xi32, #tpu.memory_space<vmem>>) semaphore(%arg15 : memref<!tpu.dma_semaphore, #tpu.memory_space<semaphore_mem>>)
    %scan3A_101 = arith.constant 0 : i32
    %scan3A_102 = arith.constant 0 : i32
    %scan3A_103 = arith.constant 40 : i32
    %scan3A_104 = arith.addi %scan3A_102, %scan3A_103 : i32
    %scan3A_105 = arith.constant 1 : i32
    scf.for %scan3A_167 = %scan3A_102 to %scan3A_104 step %scan3A_105  : i32 {
      %mul3A_168 = arith.constant 5 : i32
      %mul3A_169 = arith.muli %mul3A_168, %scan3A_167 : i32
      %add3A_170 = arith.constant 0 : i32
      %add3A_171 = arith.addi %mul3A_169, %add3A_170 : i32
      %dma_wait3A_172 = arith.constant 0 : i32
      %dma_wait3A_173 = arith.constant 0 : i32
      %dma_wait3A_174 = arith.constant 0 : i32
      %dma_wait3A_175 = arith.constant 0 : i32
      %dma_wait3A_176 = tpu.memref_slice %arg8[%dma_wait3A_173, %dma_wait3A_174, %dma_wait3A_175] : memref<5x100x64xf32, #tpu.memory_space<vmem>> -> memref<1x100x64xf32, #tpu.memory_space<vmem>>
      %dma_wait3A_177 = tpu.memref_squeeze %dma_wait3A_176 : memref<1x100x64xf32, #tpu.memory_space<vmem>> -> memref<100x64xf32, #tpu.memory_space<vmem>>
      %dma_wait3A_178 = arith.constant 0 : i32
      %dma_wait3A_179 = tpu.memref_slice %arg6[%dma_wait3A_172, %dma_wait3A_178] : memref<200x100xi32, #tpu.memory_space<vmem>> -> memref<1x100xi32, #tpu.memory_space<vmem>>
      %dma_wait3A_180 = tpu.memref_squeeze %dma_wait3A_179 : memref<1x100xi32, #tpu.memory_space<vmem>> -> memref<100xi32, #tpu.memory_space<vmem>>
      %dma_wait3A_181 = arith.constant 0 : i32
      %dma_wait3A_182 = arith.constant 0 : i32
      %dma_wait3A_183 = tpu.memref_slice %arg2[%arg0, %dma_wait3A_181, %dma_wait3A_182] : memref<2x10000x64xf32, #tpu.memory_space<hbm>> -> memref<1x10000x64xf32, #tpu.memory_space<hbm>>
      %dma_wait3A_184 = tpu.memref_squeeze %dma_wait3A_183 : memref<1x10000x64xf32, #tpu.memory_space<hbm>> -> memref<10000x64xf32, #tpu.memory_space<hbm>>
      %dma_wait3A_185 = arith.constant 0 : i32
      %dma_wait3A_186 = arith.constant 0 : i32
      %dma_wait3A_187 = tpu.memref_slice %dma_wait3A_184[%dma_wait3A_185, %dma_wait3A_186] : memref<10000x64xf32, #tpu.memory_space<hbm>> -> memref<10000x64xf32, #tpu.memory_space<hbm>>
      tpu.wait_indirect_dma semaphore(%arg11 : memref<!tpu.dma_semaphore, #tpu.memory_space<semaphore_mem>>) src(%dma_wait3A_187 : memref<10000x64xf32, #tpu.memory_space<hbm>>) dst(%dma_wait3A_177 : memref<100x64xf32, #tpu.memory_space<vmem>>)
      %dma_start3A_188 = arith.constant 0 : i32
      %dma_start3A_189 = arith.constant 0 : i32
      %dma_start3A_190 = arith.constant 0 : i32
      %dma_start3A_191 = tpu.memref_slice %arg8[%dma_start3A_188, %dma_start3A_189, %dma_start3A_190] : memref<5x100x64xf32, #tpu.memory_space<vmem>> -> memref<1x100x64xf32, #tpu.memory_space<vmem>>
      %dma_start3A_192 = tpu.memref_squeeze %dma_start3A_191 : memref<1x100x64xf32, #tpu.memory_space<vmem>> -> memref<100x64xf32, #tpu.memory_space<vmem>>
      %dma_start3A_193 = arith.constant 0 : i32
      %dma_start3A_194 = tpu.memref_slice %arg7[%add3A_171, %dma_start3A_193] : memref<200x100xi32, #tpu.memory_space<vmem>> -> memref<1x100xi32, #tpu.memory_space<vmem>>
      %dma_start3A_195 = tpu.memref_squeeze %dma_start3A_194 : memref<1x100xi32, #tpu.memory_space<vmem>> -> memref<100xi32, #tpu.memory_space<vmem>>
      %dma_start3A_196 = arith.constant 0 : i32
      %dma_start3A_197 = arith.constant 0 : i32
      %dma_start3A_198 = tpu.memref_slice %arg10[%dma_start3A_196, %dma_start3A_197] : memref<10112x64xf32, #tpu.memory_space<vmem_shared>> -> memref<10112x64xf32, #tpu.memory_space<vmem_shared>>
      tpu.enqueue_indirect_dma source(%dma_start3A_192 : memref<100x64xf32, #tpu.memory_space<vmem>>) target(%dma_start3A_198 : memref<10112x64xf32, #tpu.memory_space<vmem_shared>>) offsets(%dma_start3A_195 : memref<100xi32, #tpu.memory_space<vmem>>) semaphore(%arg16 : memref<!tpu.dma_semaphore, #tpu.memory_space<semaphore_mem>>) {add = true}
      %add3A_199 = arith.constant 5 : i32
      %add3A_200 = arith.addi %add3A_171, %add3A_199 : i32
      %lt3A = arith.constant 200 : i32
      %lt3A_201 = arith.cmpi slt, %add3A_200, %lt3A : i32
      %convert_element_type3A = arith.extui %lt3A_201 : i1 to i32
      %cond3A = arith.constant 0 : i32
      %cond3A_202 = arith.cmpi ne, %convert_element_type3A, %cond3A : i32
      scf.if %cond3A_202 {
        %dma_wait3A_355 = arith.constant 0 : i32
        %dma_wait3A_356 = arith.constant 0 : i32
        %dma_wait3A_357 = arith.constant 0 : i32
        %dma_wait3A_358 = arith.constant 0 : i32
        %dma_wait3A_359 = tpu.memref_slice %arg8[%dma_wait3A_355, %dma_wait3A_357, %dma_wait3A_358] : memref<5x100x64xf32, #tpu.memory_space<vmem>> -> memref<1x100x64xf32, #tpu.memory_space<vmem>>
        %dma_wait3A_360 = tpu.memref_squeeze %dma_wait3A_359 : memref<1x100x64xf32, #tpu.memory_space<vmem>> -> memref<100x64xf32, #tpu.memory_space<vmem>>
        %dma_wait3A_361 = arith.constant 0 : i32
        %dma_wait3A_362 = tpu.memref_slice %arg7[%dma_wait3A_356, %dma_wait3A_361] : memref<200x100xi32, #tpu.memory_space<vmem>> -> memref<1x100xi32, #tpu.memory_space<vmem>>
        %dma_wait3A_363 = tpu.memref_squeeze %dma_wait3A_362 : memref<1x100xi32, #tpu.memory_space<vmem>> -> memref<100xi32, #tpu.memory_space<vmem>>
        %dma_wait3A_364 = arith.constant 0 : i32
        %dma_wait3A_365 = arith.constant 0 : i32
        %dma_wait3A_366 = tpu.memref_slice %arg10[%dma_wait3A_364, %dma_wait3A_365] : memref<10112x64xf32, #tpu.memory_space<vmem_shared>> -> memref<10112x64xf32, #tpu.memory_space<vmem_shared>>
        tpu.wait_indirect_dma semaphore(%arg16 : memref<!tpu.dma_semaphore, #tpu.memory_space<semaphore_mem>>) src(%dma_wait3A_360 : memref<100x64xf32, #tpu.memory_space<vmem>>) dst(%dma_wait3A_366 : memref<10112x64xf32, #tpu.memory_space<vmem_shared>>)
        %add3A_367 = arith.constant 5 : i32
        %add3A_368 = arith.addi %add3A_171, %add3A_367 : i32
        %dma_start3A_369 = arith.constant 0 : i32
        %dma_start3A_370 = arith.constant 0 : i32
        %dma_start3A_371 = arith.constant 0 : i32
        %dma_start3A_372 = tpu.memref_slice %arg8[%dma_start3A_369, %dma_start3A_370, %dma_start3A_371] : memref<5x100x64xf32, #tpu.memory_space<vmem>> -> memref<1x100x64xf32, #tpu.memory_space<vmem>>
        %dma_start3A_373 = tpu.memref_squeeze %dma_start3A_372 : memref<1x100x64xf32, #tpu.memory_space<vmem>> -> memref<100x64xf32, #tpu.memory_space<vmem>>
        %dma_start3A_374 = arith.constant 0 : i32
        %dma_start3A_375 = tpu.memref_slice %arg6[%add3A_368, %dma_start3A_374] : memref<200x100xi32, #tpu.memory_space<vmem>> -> memref<1x100xi32, #tpu.memory_space<vmem>>
        %dma_start3A_376 = tpu.memref_squeeze %dma_start3A_375 : memref<1x100xi32, #tpu.memory_space<vmem>> -> memref<100xi32, #tpu.memory_space<vmem>>
        %dma_start3A_377 = arith.constant 0 : i32
        %dma_start3A_378 = arith.constant 0 : i32
        %dma_start3A_379 = tpu.memref_slice %arg2[%arg0, %dma_start3A_377, %dma_start3A_378] : memref<2x10000x64xf32, #tpu.memory_space<hbm>> -> memref<1x10000x64xf32, #tpu.memory_space<hbm>>
        %dma_start3A_380 = tpu.memref_squeeze %dma_start3A_379 : memref<1x10000x64xf32, #tpu.memory_space<hbm>> -> memref<10000x64xf32, #tpu.memory_space<hbm>>
        %dma_start3A_381 = arith.constant 0 : i32
        %dma_start3A_382 = arith.constant 0 : i32
        %dma_start3A_383 = tpu.memref_slice %dma_start3A_380[%dma_start3A_381, %dma_start3A_382] : memref<10000x64xf32, #tpu.memory_space<hbm>> -> memref<10000x64xf32, #tpu.memory_space<hbm>>
        tpu.enqueue_indirect_dma source(%dma_start3A_383 : memref<10000x64xf32, #tpu.memory_space<hbm>>) target(%dma_start3A_373 : memref<100x64xf32, #tpu.memory_space<vmem>>) offsets(%dma_start3A_376 : memref<100xi32, #tpu.memory_space<vmem>>) semaphore(%arg11 : memref<!tpu.dma_semaphore, #tpu.memory_space<semaphore_mem>>)
      } else {
      }
      %mul3A_203 = arith.constant 5 : i32
      %mul3A_204 = arith.muli %mul3A_203, %scan3A_167 : i32
      %add3A_205 = arith.constant 1 : i32
      %add3A_206 = arith.addi %mul3A_204, %add3A_205 : i32
      %dma_wait3A_207 = arith.constant 0 : i32
      %dma_wait3A_208 = arith.constant 1 : i32
      %dma_wait3A_209 = arith.constant 0 : i32
      %dma_wait3A_210 = arith.constant 0 : i32
      %dma_wait3A_211 = tpu.memref_slice %arg8[%dma_wait3A_208, %dma_wait3A_209, %dma_wait3A_210] : memref<5x100x64xf32, #tpu.memory_space<vmem>> -> memref<1x100x64xf32, #tpu.memory_space<vmem>>
      %dma_wait3A_212 = tpu.memref_squeeze %dma_wait3A_211 : memref<1x100x64xf32, #tpu.memory_space<vmem>> -> memref<100x64xf32, #tpu.memory_space<vmem>>
      %dma_wait3A_213 = arith.constant 0 : i32
      %dma_wait3A_214 = tpu.memref_slice %arg6[%dma_wait3A_207, %dma_wait3A_213] : memref<200x100xi32, #tpu.memory_space<vmem>> -> memref<1x100xi32, #tpu.memory_space<vmem>>
      %dma_wait3A_215 = tpu.memref_squeeze %dma_wait3A_214 : memref<1x100xi32, #tpu.memory_space<vmem>> -> memref<100xi32, #tpu.memory_space<vmem>>
      %dma_wait3A_216 = arith.constant 0 : i32
      %dma_wait3A_217 = arith.constant 0 : i32
      %dma_wait3A_218 = tpu.memref_slice %arg2[%arg0, %dma_wait3A_216, %dma_wait3A_217] : memref<2x10000x64xf32, #tpu.memory_space<hbm>> -> memref<1x10000x64xf32, #tpu.memory_space<hbm>>
      %dma_wait3A_219 = tpu.memref_squeeze %dma_wait3A_218 : memref<1x10000x64xf32, #tpu.memory_space<hbm>> -> memref<10000x64xf32, #tpu.memory_space<hbm>>
      %dma_wait3A_220 = arith.constant 0 : i32
      %dma_wait3A_221 = arith.constant 0 : i32
      %dma_wait3A_222 = tpu.memref_slice %dma_wait3A_219[%dma_wait3A_220, %dma_wait3A_221] : memref<10000x64xf32, #tpu.memory_space<hbm>> -> memref<10000x64xf32, #tpu.memory_space<hbm>>
      tpu.wait_indirect_dma semaphore(%arg12 : memref<!tpu.dma_semaphore, #tpu.memory_space<semaphore_mem>>) src(%dma_wait3A_222 : memref<10000x64xf32, #tpu.memory_space<hbm>>) dst(%dma_wait3A_212 : memref<100x64xf32, #tpu.memory_space<vmem>>)
      %dma_start3A_223 = arith.constant 1 : i32
      %dma_start3A_224 = arith.constant 0 : i32
      %dma_start3A_225 = arith.constant 0 : i32
      %dma_start3A_226 = tpu.memref_slice %arg8[%dma_start3A_223, %dma_start3A_224, %dma_start3A_225] : memref<5x100x64xf32, #tpu.memory_space<vmem>> -> memref<1x100x64xf32, #tpu.memory_space<vmem>>
      %dma_start3A_227 = tpu.memref_squeeze %dma_start3A_226 : memref<1x100x64xf32, #tpu.memory_space<vmem>> -> memref<100x64xf32, #tpu.memory_space<vmem>>
      %dma_start3A_228 = arith.constant 0 : i32
      %dma_start3A_229 = tpu.memref_slice %arg7[%add3A_206, %dma_start3A_228] : memref<200x100xi32, #tpu.memory_space<vmem>> -> memref<1x100xi32, #tpu.memory_space<vmem>>
      %dma_start3A_230 = tpu.memref_squeeze %dma_start3A_229 : memref<1x100xi32, #tpu.memory_space<vmem>> -> memref<100xi32, #tpu.memory_space<vmem>>
      %dma_start3A_231 = arith.constant 0 : i32
      %dma_start3A_232 = arith.constant 0 : i32
      %dma_start3A_233 = tpu.memref_slice %arg10[%dma_start3A_231, %dma_start3A_232] : memref<10112x64xf32, #tpu.memory_space<vmem_shared>> -> memref<10112x64xf32, #tpu.memory_space<vmem_shared>>
      tpu.enqueue_indirect_dma source(%dma_start3A_227 : memref<100x64xf32, #tpu.memory_space<vmem>>) target(%dma_start3A_233 : memref<10112x64xf32, #tpu.memory_space<vmem_shared>>) offsets(%dma_start3A_230 : memref<100xi32, #tpu.memory_space<vmem>>) semaphore(%arg17 : memref<!tpu.dma_semaphore, #tpu.memory_space<semaphore_mem>>) {add = true}
      %add3A_234 = arith.constant 5 : i32
      %add3A_235 = arith.addi %add3A_206, %add3A_234 : i32
      %lt3A_236 = arith.constant 200 : i32
      %lt3A_237 = arith.cmpi slt, %add3A_235, %lt3A_236 : i32
      %convert_element_type3A_238 = arith.extui %lt3A_237 : i1 to i32
      %cond3A_239 = arith.constant 0 : i32
      %cond3A_240 = arith.cmpi ne, %convert_element_type3A_238, %cond3A_239 : i32
      scf.if %cond3A_240 {
        %dma_wait3A_355 = arith.constant 1 : i32
        %dma_wait3A_356 = arith.constant 0 : i32
        %dma_wait3A_357 = arith.constant 0 : i32
        %dma_wait3A_358 = arith.constant 0 : i32
        %dma_wait3A_359 = tpu.memref_slice %arg8[%dma_wait3A_355, %dma_wait3A_357, %dma_wait3A_358] : memref<5x100x64xf32, #tpu.memory_space<vmem>> -> memref<1x100x64xf32, #tpu.memory_space<vmem>>
        %dma_wait3A_360 = tpu.memref_squeeze %dma_wait3A_359 : memref<1x100x64xf32, #tpu.memory_space<vmem>> -> memref<100x64xf32, #tpu.memory_space<vmem>>
        %dma_wait3A_361 = arith.constant 0 : i32
        %dma_wait3A_362 = tpu.memref_slice %arg7[%dma_wait3A_356, %dma_wait3A_361] : memref<200x100xi32, #tpu.memory_space<vmem>> -> memref<1x100xi32, #tpu.memory_space<vmem>>
        %dma_wait3A_363 = tpu.memref_squeeze %dma_wait3A_362 : memref<1x100xi32, #tpu.memory_space<vmem>> -> memref<100xi32, #tpu.memory_space<vmem>>
        %dma_wait3A_364 = arith.constant 0 : i32
        %dma_wait3A_365 = arith.constant 0 : i32
        %dma_wait3A_366 = tpu.memref_slice %arg10[%dma_wait3A_364, %dma_wait3A_365] : memref<10112x64xf32, #tpu.memory_space<vmem_shared>> -> memref<10112x64xf32, #tpu.memory_space<vmem_shared>>
        tpu.wait_indirect_dma semaphore(%arg17 : memref<!tpu.dma_semaphore, #tpu.memory_space<semaphore_mem>>) src(%dma_wait3A_360 : memref<100x64xf32, #tpu.memory_space<vmem>>) dst(%dma_wait3A_366 : memref<10112x64xf32, #tpu.memory_space<vmem_shared>>)
        %add3A_367 = arith.constant 5 : i32
        %add3A_368 = arith.addi %add3A_206, %add3A_367 : i32
        %dma_start3A_369 = arith.constant 1 : i32
        %dma_start3A_370 = arith.constant 0 : i32
        %dma_start3A_371 = arith.constant 0 : i32
        %dma_start3A_372 = tpu.memref_slice %arg8[%dma_start3A_369, %dma_start3A_370, %dma_start3A_371] : memref<5x100x64xf32, #tpu.memory_space<vmem>> -> memref<1x100x64xf32, #tpu.memory_space<vmem>>
        %dma_start3A_373 = tpu.memref_squeeze %dma_start3A_372 : memref<1x100x64xf32, #tpu.memory_space<vmem>> -> memref<100x64xf32, #tpu.memory_space<vmem>>
        %dma_start3A_374 = arith.constant 0 : i32
        %dma_start3A_375 = tpu.memref_slice %arg6[%add3A_368, %dma_start3A_374] : memref<200x100xi32, #tpu.memory_space<vmem>> -> memref<1x100xi32, #tpu.memory_space<vmem>>
        %dma_start3A_376 = tpu.memref_squeeze %dma_start3A_375 : memref<1x100xi32, #tpu.memory_space<vmem>> -> memref<100xi32, #tpu.memory_space<vmem>>
        %dma_start3A_377 = arith.constant 0 : i32
        %dma_start3A_378 = arith.constant 0 : i32
        %dma_start3A_379 = tpu.memref_slice %arg2[%arg0, %dma_start3A_377, %dma_start3A_378] : memref<2x10000x64xf32, #tpu.memory_space<hbm>> -> memref<1x10000x64xf32, #tpu.memory_space<hbm>>
        %dma_start3A_380 = tpu.memref_squeeze %dma_start3A_379 : memref<1x10000x64xf32, #tpu.memory_space<hbm>> -> memref<10000x64xf32, #tpu.memory_space<hbm>>
        %dma_start3A_381 = arith.constant 0 : i32
        %dma_start3A_382 = arith.constant 0 : i32
        %dma_start3A_383 = tpu.memref_slice %dma_start3A_380[%dma_start3A_381, %dma_start3A_382] : memref<10000x64xf32, #tpu.memory_space<hbm>> -> memref<10000x64xf32, #tpu.memory_space<hbm>>
        tpu.enqueue_indirect_dma source(%dma_start3A_383 : memref<10000x64xf32, #tpu.memory_space<hbm>>) target(%dma_start3A_373 : memref<100x64xf32, #tpu.memory_space<vmem>>) offsets(%dma_start3A_376 : memref<100xi32, #tpu.memory_space<vmem>>) semaphore(%arg12 : memref<!tpu.dma_semaphore, #tpu.memory_space<semaphore_mem>>)
      } else {
      }
      %mul3A_241 = arith.constant 5 : i32
      %mul3A_242 = arith.muli %mul3A_241, %scan3A_167 : i32
      %add3A_243 = arith.constant 2 : i32
      %add3A_244 = arith.addi %mul3A_242, %add3A_243 : i32
      %dma_wait3A_245 = arith.constant 0 : i32
      %dma_wait3A_246 = arith.constant 2 : i32
      %dma_wait3A_247 = arith.constant 0 : i32
      %dma_wait3A_248 = arith.constant 0 : i32
      %dma_wait3A_249 = tpu.memref_slice %arg8[%dma_wait3A_246, %dma_wait3A_247, %dma_wait3A_248] : memref<5x100x64xf32, #tpu.memory_space<vmem>> -> memref<1x100x64xf32, #tpu.memory_space<vmem>>
      %dma_wait3A_250 = tpu.memref_squeeze %dma_wait3A_249 : memref<1x100x64xf32, #tpu.memory_space<vmem>> -> memref<100x64xf32, #tpu.memory_space<vmem>>
      %dma_wait3A_251 = arith.constant 0 : i32
      %dma_wait3A_252 = tpu.memref_slice %arg6[%dma_wait3A_245, %dma_wait3A_251] : memref<200x100xi32, #tpu.memory_space<vmem>> -> memref<1x100xi32, #tpu.memory_space<vmem>>
      %dma_wait3A_253 = tpu.memref_squeeze %dma_wait3A_252 : memref<1x100xi32, #tpu.memory_space<vmem>> -> memref<100xi32, #tpu.memory_space<vmem>>
      %dma_wait3A_254 = arith.constant 0 : i32
      %dma_wait3A_255 = arith.constant 0 : i32
      %dma_wait3A_256 = tpu.memref_slice %arg2[%arg0, %dma_wait3A_254, %dma_wait3A_255] : memref<2x10000x64xf32, #tpu.memory_space<hbm>> -> memref<1x10000x64xf32, #tpu.memory_space<hbm>>
      %dma_wait3A_257 = tpu.memref_squeeze %dma_wait3A_256 : memref<1x10000x64xf32, #tpu.memory_space<hbm>> -> memref<10000x64xf32, #tpu.memory_space<hbm>>
      %dma_wait3A_258 = arith.constant 0 : i32
      %dma_wait3A_259 = arith.constant 0 : i32
      %dma_wait3A_260 = tpu.memref_slice %dma_wait3A_257[%dma_wait3A_258, %dma_wait3A_259] : memref<10000x64xf32, #tpu.memory_space<hbm>> -> memref<10000x64xf32, #tpu.memory_space<hbm>>
      tpu.wait_indirect_dma semaphore(%arg13 : memref<!tpu.dma_semaphore, #tpu.memory_space<semaphore_mem>>) src(%dma_wait3A_260 : memref<10000x64xf32, #tpu.memory_space<hbm>>) dst(%dma_wait3A_250 : memref<100x64xf32, #tpu.memory_space<vmem>>)
      %dma_start3A_261 = arith.constant 2 : i32
      %dma_start3A_262 = arith.constant 0 : i32
      %dma_start3A_263 = arith.constant 0 : i32
      %dma_start3A_264 = tpu.memref_slice %arg8[%dma_start3A_261, %dma_start3A_262, %dma_start3A_263] : memref<5x100x64xf32, #tpu.memory_space<vmem>> -> memref<1x100x64xf32, #tpu.memory_space<vmem>>
      %dma_start3A_265 = tpu.memref_squeeze %dma_start3A_264 : memref<1x100x64xf32, #tpu.memory_space<vmem>> -> memref<100x64xf32, #tpu.memory_space<vmem>>
      %dma_start3A_266 = arith.constant 0 : i32
      %dma_start3A_267 = tpu.memref_slice %arg7[%add3A_244, %dma_start3A_266] : memref<200x100xi32, #tpu.memory_space<vmem>> -> memref<1x100xi32, #tpu.memory_space<vmem>>
      %dma_start3A_268 = tpu.memref_squeeze %dma_start3A_267 : memref<1x100xi32, #tpu.memory_space<vmem>> -> memref<100xi32, #tpu.memory_space<vmem>>
      %dma_start3A_269 = arith.constant 0 : i32
      %dma_start3A_270 = arith.constant 0 : i32
      %dma_start3A_271 = tpu.memref_slice %arg10[%dma_start3A_269, %dma_start3A_270] : memref<10112x64xf32, #tpu.memory_space<vmem_shared>> -> memref<10112x64xf32, #tpu.memory_space<vmem_shared>>
      tpu.enqueue_indirect_dma source(%dma_start3A_265 : memref<100x64xf32, #tpu.memory_space<vmem>>) target(%dma_start3A_271 : memref<10112x64xf32, #tpu.memory_space<vmem_shared>>) offsets(%dma_start3A_268 : memref<100xi32, #tpu.memory_space<vmem>>) semaphore(%arg18 : memref<!tpu.dma_semaphore, #tpu.memory_space<semaphore_mem>>) {add = true}
      %add3A_272 = arith.constant 5 : i32
      %add3A_273 = arith.addi %add3A_244, %add3A_272 : i32
      %lt3A_274 = arith.constant 200 : i32
      %lt3A_275 = arith.cmpi slt, %add3A_273, %lt3A_274 : i32
      %convert_element_type3A_276 = arith.extui %lt3A_275 : i1 to i32
      %cond3A_277 = arith.constant 0 : i32
      %cond3A_278 = arith.cmpi ne, %convert_element_type3A_276, %cond3A_277 : i32
      scf.if %cond3A_278 {
        %dma_wait3A_355 = arith.constant 2 : i32
        %dma_wait3A_356 = arith.constant 0 : i32
        %dma_wait3A_357 = arith.constant 0 : i32
        %dma_wait3A_358 = arith.constant 0 : i32
        %dma_wait3A_359 = tpu.memref_slice %arg8[%dma_wait3A_355, %dma_wait3A_357, %dma_wait3A_358] : memref<5x100x64xf32, #tpu.memory_space<vmem>> -> memref<1x100x64xf32, #tpu.memory_space<vmem>>
        %dma_wait3A_360 = tpu.memref_squeeze %dma_wait3A_359 : memref<1x100x64xf32, #tpu.memory_space<vmem>> -> memref<100x64xf32, #tpu.memory_space<vmem>>
        %dma_wait3A_361 = arith.constant 0 : i32
        %dma_wait3A_362 = tpu.memref_slice %arg7[%dma_wait3A_356, %dma_wait3A_361] : memref<200x100xi32, #tpu.memory_space<vmem>> -> memref<1x100xi32, #tpu.memory_space<vmem>>
        %dma_wait3A_363 = tpu.memref_squeeze %dma_wait3A_362 : memref<1x100xi32, #tpu.memory_space<vmem>> -> memref<100xi32, #tpu.memory_space<vmem>>
        %dma_wait3A_364 = arith.constant 0 : i32
        %dma_wait3A_365 = arith.constant 0 : i32
        %dma_wait3A_366 = tpu.memref_slice %arg10[%dma_wait3A_364, %dma_wait3A_365] : memref<10112x64xf32, #tpu.memory_space<vmem_shared>> -> memref<10112x64xf32, #tpu.memory_space<vmem_shared>>
        tpu.wait_indirect_dma semaphore(%arg18 : memref<!tpu.dma_semaphore, #tpu.memory_space<semaphore_mem>>) src(%dma_wait3A_360 : memref<100x64xf32, #tpu.memory_space<vmem>>) dst(%dma_wait3A_366 : memref<10112x64xf32, #tpu.memory_space<vmem_shared>>)
        %add3A_367 = arith.constant 5 : i32
        %add3A_368 = arith.addi %add3A_244, %add3A_367 : i32
        %dma_start3A_369 = arith.constant 2 : i32
        %dma_start3A_370 = arith.constant 0 : i32
        %dma_start3A_371 = arith.constant 0 : i32
        %dma_start3A_372 = tpu.memref_slice %arg8[%dma_start3A_369, %dma_start3A_370, %dma_start3A_371] : memref<5x100x64xf32, #tpu.memory_space<vmem>> -> memref<1x100x64xf32, #tpu.memory_space<vmem>>
        %dma_start3A_373 = tpu.memref_squeeze %dma_start3A_372 : memref<1x100x64xf32, #tpu.memory_space<vmem>> -> memref<100x64xf32, #tpu.memory_space<vmem>>
        %dma_start3A_374 = arith.constant 0 : i32
        %dma_start3A_375 = tpu.memref_slice %arg6[%add3A_368, %dma_start3A_374] : memref<200x100xi32, #tpu.memory_space<vmem>> -> memref<1x100xi32, #tpu.memory_space<vmem>>
        %dma_start3A_376 = tpu.memref_squeeze %dma_start3A_375 : memref<1x100xi32, #tpu.memory_space<vmem>> -> memref<100xi32, #tpu.memory_space<vmem>>
        %dma_start3A_377 = arith.constant 0 : i32
        %dma_start3A_378 = arith.constant 0 : i32
        %dma_start3A_379 = tpu.memref_slice %arg2[%arg0, %dma_start3A_377, %dma_start3A_378] : memref<2x10000x64xf32, #tpu.memory_space<hbm>> -> memref<1x10000x64xf32, #tpu.memory_space<hbm>>
        %dma_start3A_380 = tpu.memref_squeeze %dma_start3A_379 : memref<1x10000x64xf32, #tpu.memory_space<hbm>> -> memref<10000x64xf32, #tpu.memory_space<hbm>>
        %dma_start3A_381 = arith.constant 0 : i32
        %dma_start3A_382 = arith.constant 0 : i32
        %dma_start3A_383 = tpu.memref_slice %dma_start3A_380[%dma_start3A_381, %dma_start3A_382] : memref<10000x64xf32, #tpu.memory_space<hbm>> -> memref<10000x64xf32, #tpu.memory_space<hbm>>
        tpu.enqueue_indirect_dma source(%dma_start3A_383 : memref<10000x64xf32, #tpu.memory_space<hbm>>) target(%dma_start3A_373 : memref<100x64xf32, #tpu.memory_space<vmem>>) offsets(%dma_start3A_376 : memref<100xi32, #tpu.memory_space<vmem>>) semaphore(%arg13 : memref<!tpu.dma_semaphore, #tpu.memory_space<semaphore_mem>>)
      } else {
      }
      %mul3A_279 = arith.constant 5 : i32
      %mul3A_280 = arith.muli %mul3A_279, %scan3A_167 : i32
      %add3A_281 = arith.constant 3 : i32
      %add3A_282 = arith.addi %mul3A_280, %add3A_281 : i32
      %dma_wait3A_283 = arith.constant 0 : i32
      %dma_wait3A_284 = arith.constant 3 : i32
      %dma_wait3A_285 = arith.constant 0 : i32
      %dma_wait3A_286 = arith.constant 0 : i32
      %dma_wait3A_287 = tpu.memref_slice %arg8[%dma_wait3A_284, %dma_wait3A_285, %dma_wait3A_286] : memref<5x100x64xf32, #tpu.memory_space<vmem>> -> memref<1x100x64xf32, #tpu.memory_space<vmem>>
      %dma_wait3A_288 = tpu.memref_squeeze %dma_wait3A_287 : memref<1x100x64xf32, #tpu.memory_space<vmem>> -> memref<100x64xf32, #tpu.memory_space<vmem>>
      %dma_wait3A_289 = arith.constant 0 : i32
      %dma_wait3A_290 = tpu.memref_slice %arg6[%dma_wait3A_283, %dma_wait3A_289] : memref<200x100xi32, #tpu.memory_space<vmem>> -> memref<1x100xi32, #tpu.memory_space<vmem>>
      %dma_wait3A_291 = tpu.memref_squeeze %dma_wait3A_290 : memref<1x100xi32, #tpu.memory_space<vmem>> -> memref<100xi32, #tpu.memory_space<vmem>>
      %dma_wait3A_292 = arith.constant 0 : i32
      %dma_wait3A_293 = arith.constant 0 : i32
      %dma_wait3A_294 = tpu.memref_slice %arg2[%arg0, %dma_wait3A_292, %dma_wait3A_293] : memref<2x10000x64xf32, #tpu.memory_space<hbm>> -> memref<1x10000x64xf32, #tpu.memory_space<hbm>>
      %dma_wait3A_295 = tpu.memref_squeeze %dma_wait3A_294 : memref<1x10000x64xf32, #tpu.memory_space<hbm>> -> memref<10000x64xf32, #tpu.memory_space<hbm>>
      %dma_wait3A_296 = arith.constant 0 : i32
      %dma_wait3A_297 = arith.constant 0 : i32
      %dma_wait3A_298 = tpu.memref_slice %dma_wait3A_295[%dma_wait3A_296, %dma_wait3A_297] : memref<10000x64xf32, #tpu.memory_space<hbm>> -> memref<10000x64xf32, #tpu.memory_space<hbm>>
      tpu.wait_indirect_dma semaphore(%arg14 : memref<!tpu.dma_semaphore, #tpu.memory_space<semaphore_mem>>) src(%dma_wait3A_298 : memref<10000x64xf32, #tpu.memory_space<hbm>>) dst(%dma_wait3A_288 : memref<100x64xf32, #tpu.memory_space<vmem>>)
      %dma_start3A_299 = arith.constant 3 : i32
      %dma_start3A_300 = arith.constant 0 : i32
      %dma_start3A_301 = arith.constant 0 : i32
      %dma_start3A_302 = tpu.memref_slice %arg8[%dma_start3A_299, %dma_start3A_300, %dma_start3A_301] : memref<5x100x64xf32, #tpu.memory_space<vmem>> -> memref<1x100x64xf32, #tpu.memory_space<vmem>>
      %dma_start3A_303 = tpu.memref_squeeze %dma_start3A_302 : memref<1x100x64xf32, #tpu.memory_space<vmem>> -> memref<100x64xf32, #tpu.memory_space<vmem>>
      %dma_start3A_304 = arith.constant 0 : i32
      %dma_start3A_305 = tpu.memref_slice %arg7[%add3A_282, %dma_start3A_304] : memref<200x100xi32, #tpu.memory_space<vmem>> -> memref<1x100xi32, #tpu.memory_space<vmem>>
      %dma_start3A_306 = tpu.memref_squeeze %dma_start3A_305 : memref<1x100xi32, #tpu.memory_space<vmem>> -> memref<100xi32, #tpu.memory_space<vmem>>
      %dma_start3A_307 = arith.constant 0 : i32
      %dma_start3A_308 = arith.constant 0 : i32
      %dma_start3A_309 = tpu.memref_slice %arg10[%dma_start3A_307, %dma_start3A_308] : memref<10112x64xf32, #tpu.memory_space<vmem_shared>> -> memref<10112x64xf32, #tpu.memory_space<vmem_shared>>
      tpu.enqueue_indirect_dma source(%dma_start3A_303 : memref<100x64xf32, #tpu.memory_space<vmem>>) target(%dma_start3A_309 : memref<10112x64xf32, #tpu.memory_space<vmem_shared>>) offsets(%dma_start3A_306 : memref<100xi32, #tpu.memory_space<vmem>>) semaphore(%arg19 : memref<!tpu.dma_semaphore, #tpu.memory_space<semaphore_mem>>) {add = true}
      %add3A_310 = arith.constant 5 : i32
      %add3A_311 = arith.addi %add3A_282, %add3A_310 : i32
      %lt3A_312 = arith.constant 200 : i32
      %lt3A_313 = arith.cmpi slt, %add3A_311, %lt3A_312 : i32
      %convert_element_type3A_314 = arith.extui %lt3A_313 : i1 to i32
      %cond3A_315 = arith.constant 0 : i32
      %cond3A_316 = arith.cmpi ne, %convert_element_type3A_314, %cond3A_315 : i32
      scf.if %cond3A_316 {
        %dma_wait3A_355 = arith.constant 3 : i32
        %dma_wait3A_356 = arith.constant 0 : i32
        %dma_wait3A_357 = arith.constant 0 : i32
        %dma_wait3A_358 = arith.constant 0 : i32
        %dma_wait3A_359 = tpu.memref_slice %arg8[%dma_wait3A_355, %dma_wait3A_357, %dma_wait3A_358] : memref<5x100x64xf32, #tpu.memory_space<vmem>> -> memref<1x100x64xf32, #tpu.memory_space<vmem>>
        %dma_wait3A_360 = tpu.memref_squeeze %dma_wait3A_359 : memref<1x100x64xf32, #tpu.memory_space<vmem>> -> memref<100x64xf32, #tpu.memory_space<vmem>>
        %dma_wait3A_361 = arith.constant 0 : i32
        %dma_wait3A_362 = tpu.memref_slice %arg7[%dma_wait3A_356, %dma_wait3A_361] : memref<200x100xi32, #tpu.memory_space<vmem>> -> memref<1x100xi32, #tpu.memory_space<vmem>>
        %dma_wait3A_363 = tpu.memref_squeeze %dma_wait3A_362 : memref<1x100xi32, #tpu.memory_space<vmem>> -> memref<100xi32, #tpu.memory_space<vmem>>
        %dma_wait3A_364 = arith.constant 0 : i32
        %dma_wait3A_365 = arith.constant 0 : i32
        %dma_wait3A_366 = tpu.memref_slice %arg10[%dma_wait3A_364, %dma_wait3A_365] : memref<10112x64xf32, #tpu.memory_space<vmem_shared>> -> memref<10112x64xf32, #tpu.memory_space<vmem_shared>>
        tpu.wait_indirect_dma semaphore(%arg19 : memref<!tpu.dma_semaphore, #tpu.memory_space<semaphore_mem>>) src(%dma_wait3A_360 : memref<100x64xf32, #tpu.memory_space<vmem>>) dst(%dma_wait3A_366 : memref<10112x64xf32, #tpu.memory_space<vmem_shared>>)
        %add3A_367 = arith.constant 5 : i32
        %add3A_368 = arith.addi %add3A_282, %add3A_367 : i32
        %dma_start3A_369 = arith.constant 3 : i32
        %dma_start3A_370 = arith.constant 0 : i32
        %dma_start3A_371 = arith.constant 0 : i32
        %dma_start3A_372 = tpu.memref_slice %arg8[%dma_start3A_369, %dma_start3A_370, %dma_start3A_371] : memref<5x100x64xf32, #tpu.memory_space<vmem>> -> memref<1x100x64xf32, #tpu.memory_space<vmem>>
        %dma_start3A_373 = tpu.memref_squeeze %dma_start3A_372 : memref<1x100x64xf32, #tpu.memory_space<vmem>> -> memref<100x64xf32, #tpu.memory_space<vmem>>
        %dma_start3A_374 = arith.constant 0 : i32
        %dma_start3A_375 = tpu.memref_slice %arg6[%add3A_368, %dma_start3A_374] : memref<200x100xi32, #tpu.memory_space<vmem>> -> memref<1x100xi32, #tpu.memory_space<vmem>>
        %dma_start3A_376 = tpu.memref_squeeze %dma_start3A_375 : memref<1x100xi32, #tpu.memory_space<vmem>> -> memref<100xi32, #tpu.memory_space<vmem>>
        %dma_start3A_377 = arith.constant 0 : i32
        %dma_start3A_378 = arith.constant 0 : i32
        %dma_start3A_379 = tpu.memref_slice %arg2[%arg0, %dma_start3A_377, %dma_start3A_378] : memref<2x10000x64xf32, #tpu.memory_space<hbm>> -> memref<1x10000x64xf32, #tpu.memory_space<hbm>>
        %dma_start3A_380 = tpu.memref_squeeze %dma_start3A_379 : memref<1x10000x64xf32, #tpu.memory_space<hbm>> -> memref<10000x64xf32, #tpu.memory_space<hbm>>
        %dma_start3A_381 = arith.constant 0 : i32
        %dma_start3A_382 = arith.constant 0 : i32
        %dma_start3A_383 = tpu.memref_slice %dma_start3A_380[%dma_start3A_381, %dma_start3A_382] : memref<10000x64xf32, #tpu.memory_space<hbm>> -> memref<10000x64xf32, #tpu.memory_space<hbm>>
        tpu.enqueue_indirect_dma source(%dma_start3A_383 : memref<10000x64xf32, #tpu.memory_space<hbm>>) target(%dma_start3A_373 : memref<100x64xf32, #tpu.memory_space<vmem>>) offsets(%dma_start3A_376 : memref<100xi32, #tpu.memory_space<vmem>>) semaphore(%arg14 : memref<!tpu.dma_semaphore, #tpu.memory_space<semaphore_mem>>)
      } else {
      }
      %mul3A_317 = arith.constant 5 : i32
      %mul3A_318 = arith.muli %mul3A_317, %scan3A_167 : i32
      %add3A_319 = arith.constant 4 : i32
      %add3A_320 = arith.addi %mul3A_318, %add3A_319 : i32
      %dma_wait3A_321 = arith.constant 0 : i32
      %dma_wait3A_322 = arith.constant 4 : i32
      %dma_wait3A_323 = arith.constant 0 : i32
      %dma_wait3A_324 = arith.constant 0 : i32
      %dma_wait3A_325 = tpu.memref_slice %arg8[%dma_wait3A_322, %dma_wait3A_323, %dma_wait3A_324] : memref<5x100x64xf32, #tpu.memory_space<vmem>> -> memref<1x100x64xf32, #tpu.memory_space<vmem>>
      %dma_wait3A_326 = tpu.memref_squeeze %dma_wait3A_325 : memref<1x100x64xf32, #tpu.memory_space<vmem>> -> memref<100x64xf32, #tpu.memory_space<vmem>>
      %dma_wait3A_327 = arith.constant 0 : i32
      %dma_wait3A_328 = tpu.memref_slice %arg6[%dma_wait3A_321, %dma_wait3A_327] : memref<200x100xi32, #tpu.memory_space<vmem>> -> memref<1x100xi32, #tpu.memory_space<vmem>>
      %dma_wait3A_329 = tpu.memref_squeeze %dma_wait3A_328 : memref<1x100xi32, #tpu.memory_space<vmem>> -> memref<100xi32, #tpu.memory_space<vmem>>
      %dma_wait3A_330 = arith.constant 0 : i32
      %dma_wait3A_331 = arith.constant 0 : i32
      %dma_wait3A_332 = tpu.memref_slice %arg2[%arg0, %dma_wait3A_330, %dma_wait3A_331] : memref<2x10000x64xf32, #tpu.memory_space<hbm>> -> memref<1x10000x64xf32, #tpu.memory_space<hbm>>
      %dma_wait3A_333 = tpu.memref_squeeze %dma_wait3A_332 : memref<1x10000x64xf32, #tpu.memory_space<hbm>> -> memref<10000x64xf32, #tpu.memory_space<hbm>>
      %dma_wait3A_334 = arith.constant 0 : i32
      %dma_wait3A_335 = arith.constant 0 : i32
      %dma_wait3A_336 = tpu.memref_slice %dma_wait3A_333[%dma_wait3A_334, %dma_wait3A_335] : memref<10000x64xf32, #tpu.memory_space<hbm>> -> memref<10000x64xf32, #tpu.memory_space<hbm>>
      tpu.wait_indirect_dma semaphore(%arg15 : memref<!tpu.dma_semaphore, #tpu.memory_space<semaphore_mem>>) src(%dma_wait3A_336 : memref<10000x64xf32, #tpu.memory_space<hbm>>) dst(%dma_wait3A_326 : memref<100x64xf32, #tpu.memory_space<vmem>>)
      %dma_start3A_337 = arith.constant 4 : i32
      %dma_start3A_338 = arith.constant 0 : i32
      %dma_start3A_339 = arith.constant 0 : i32
      %dma_start3A_340 = tpu.memref_slice %arg8[%dma_start3A_337, %dma_start3A_338, %dma_start3A_339] : memref<5x100x64xf32, #tpu.memory_space<vmem>> -> memref<1x100x64xf32, #tpu.memory_space<vmem>>
      %dma_start3A_341 = tpu.memref_squeeze %dma_start3A_340 : memref<1x100x64xf32, #tpu.memory_space<vmem>> -> memref<100x64xf32, #tpu.memory_space<vmem>>
      %dma_start3A_342 = arith.constant 0 : i32
      %dma_start3A_343 = tpu.memref_slice %arg7[%add3A_320, %dma_start3A_342] : memref<200x100xi32, #tpu.memory_space<vmem>> -> memref<1x100xi32, #tpu.memory_space<vmem>>
      %dma_start3A_344 = tpu.memref_squeeze %dma_start3A_343 : memref<1x100xi32, #tpu.memory_space<vmem>> -> memref<100xi32, #tpu.memory_space<vmem>>
      %dma_start3A_345 = arith.constant 0 : i32
      %dma_start3A_346 = arith.constant 0 : i32
      %dma_start3A_347 = tpu.memref_slice %arg10[%dma_start3A_345, %dma_start3A_346] : memref<10112x64xf32, #tpu.memory_space<vmem_shared>> -> memref<10112x64xf32, #tpu.memory_space<vmem_shared>>
      tpu.enqueue_indirect_dma source(%dma_start3A_341 : memref<100x64xf32, #tpu.memory_space<vmem>>) target(%dma_start3A_347 : memref<10112x64xf32, #tpu.memory_space<vmem_shared>>) offsets(%dma_start3A_344 : memref<100xi32, #tpu.memory_space<vmem>>) semaphore(%arg20 : memref<!tpu.dma_semaphore, #tpu.memory_space<semaphore_mem>>) {add = true}
      %add3A_348 = arith.constant 5 : i32
      %add3A_349 = arith.addi %add3A_320, %add3A_348 : i32
      %lt3A_350 = arith.constant 200 : i32
      %lt3A_351 = arith.cmpi slt, %add3A_349, %lt3A_350 : i32
      %convert_element_type3A_352 = arith.extui %lt3A_351 : i1 to i32
      %cond3A_353 = arith.constant 0 : i32
      %cond3A_354 = arith.cmpi ne, %convert_element_type3A_352, %cond3A_353 : i32
      scf.if %cond3A_354 {
        %dma_wait3A_355 = arith.constant 4 : i32
        %dma_wait3A_356 = arith.constant 0 : i32
        %dma_wait3A_357 = arith.constant 0 : i32
        %dma_wait3A_358 = arith.constant 0 : i32
        %dma_wait3A_359 = tpu.memref_slice %arg8[%dma_wait3A_355, %dma_wait3A_357, %dma_wait3A_358] : memref<5x100x64xf32, #tpu.memory_space<vmem>> -> memref<1x100x64xf32, #tpu.memory_space<vmem>>
        %dma_wait3A_360 = tpu.memref_squeeze %dma_wait3A_359 : memref<1x100x64xf32, #tpu.memory_space<vmem>> -> memref<100x64xf32, #tpu.memory_space<vmem>>
        %dma_wait3A_361 = arith.constant 0 : i32
        %dma_wait3A_362 = tpu.memref_slice %arg7[%dma_wait3A_356, %dma_wait3A_361] : memref<200x100xi32, #tpu.memory_space<vmem>> -> memref<1x100xi32, #tpu.memory_space<vmem>>
        %dma_wait3A_363 = tpu.memref_squeeze %dma_wait3A_362 : memref<1x100xi32, #tpu.memory_space<vmem>> -> memref<100xi32, #tpu.memory_space<vmem>>
        %dma_wait3A_364 = arith.constant 0 : i32
        %dma_wait3A_365 = arith.constant 0 : i32
        %dma_wait3A_366 = tpu.memref_slice %arg10[%dma_wait3A_364, %dma_wait3A_365] : memref<10112x64xf32, #tpu.memory_space<vmem_shared>> -> memref<10112x64xf32, #tpu.memory_space<vmem_shared>>
        tpu.wait_indirect_dma semaphore(%arg20 : memref<!tpu.dma_semaphore, #tpu.memory_space<semaphore_mem>>) src(%dma_wait3A_360 : memref<100x64xf32, #tpu.memory_space<vmem>>) dst(%dma_wait3A_366 : memref<10112x64xf32, #tpu.memory_space<vmem_shared>>)
        %add3A_367 = arith.constant 5 : i32
        %add3A_368 = arith.addi %add3A_320, %add3A_367 : i32
        %dma_start3A_369 = arith.constant 4 : i32
        %dma_start3A_370 = arith.constant 0 : i32
        %dma_start3A_371 = arith.constant 0 : i32
        %dma_start3A_372 = tpu.memref_slice %arg8[%dma_start3A_369, %dma_start3A_370, %dma_start3A_371] : memref<5x100x64xf32, #tpu.memory_space<vmem>> -> memref<1x100x64xf32, #tpu.memory_space<vmem>>
        %dma_start3A_373 = tpu.memref_squeeze %dma_start3A_372 : memref<1x100x64xf32, #tpu.memory_space<vmem>> -> memref<100x64xf32, #tpu.memory_space<vmem>>
        %dma_start3A_374 = arith.constant 0 : i32
        %dma_start3A_375 = tpu.memref_slice %arg6[%add3A_368, %dma_start3A_374] : memref<200x100xi32, #tpu.memory_space<vmem>> -> memref<1x100xi32, #tpu.memory_space<vmem>>
        %dma_start3A_376 = tpu.memref_squeeze %dma_start3A_375 : memref<1x100xi32, #tpu.memory_space<vmem>> -> memref<100xi32, #tpu.memory_space<vmem>>
        %dma_start3A_377 = arith.constant 0 : i32
        %dma_start3A_378 = arith.constant 0 : i32
        %dma_start3A_379 = tpu.memref_slice %arg2[%arg0, %dma_start3A_377, %dma_start3A_378] : memref<2x10000x64xf32, #tpu.memory_space<hbm>> -> memref<1x10000x64xf32, #tpu.memory_space<hbm>>
        %dma_start3A_380 = tpu.memref_squeeze %dma_start3A_379 : memref<1x10000x64xf32, #tpu.memory_space<hbm>> -> memref<10000x64xf32, #tpu.memory_space<hbm>>
        %dma_start3A_381 = arith.constant 0 : i32
        %dma_start3A_382 = arith.constant 0 : i32
        %dma_start3A_383 = tpu.memref_slice %dma_start3A_380[%dma_start3A_381, %dma_start3A_382] : memref<10000x64xf32, #tpu.memory_space<hbm>> -> memref<10000x64xf32, #tpu.memory_space<hbm>>
        tpu.enqueue_indirect_dma source(%dma_start3A_383 : memref<10000x64xf32, #tpu.memory_space<hbm>>) target(%dma_start3A_373 : memref<100x64xf32, #tpu.memory_space<vmem>>) offsets(%dma_start3A_376 : memref<100xi32, #tpu.memory_space<vmem>>) semaphore(%arg15 : memref<!tpu.dma_semaphore, #tpu.memory_space<semaphore_mem>>)
      } else {
      }
    }
    %scan3A_106 = arith.constant 40 : i32
    %dma_wait3A = arith.constant 0 : i32
    %dma_wait3A_107 = arith.constant 0 : i32
    %dma_wait3A_108 = arith.constant 0 : i32
    %dma_wait3A_109 = arith.constant 0 : i32
    %dma_wait3A_110 = tpu.memref_slice %arg8[%dma_wait3A, %dma_wait3A_108, %dma_wait3A_109] : memref<5x100x64xf32, #tpu.memory_space<vmem>> -> memref<1x100x64xf32, #tpu.memory_space<vmem>>
    %dma_wait3A_111 = tpu.memref_squeeze %dma_wait3A_110 : memref<1x100x64xf32, #tpu.memory_space<vmem>> -> memref<100x64xf32, #tpu.memory_space<vmem>>
    %dma_wait3A_112 = arith.constant 0 : i32
    %dma_wait3A_113 = tpu.memref_slice %arg7[%dma_wait3A_107, %dma_wait3A_112] : memref<200x100xi32, #tpu.memory_space<vmem>> -> memref<1x100xi32, #tpu.memory_space<vmem>>
    %dma_wait3A_114 = tpu.memref_squeeze %dma_wait3A_113 : memref<1x100xi32, #tpu.memory_space<vmem>> -> memref<100xi32, #tpu.memory_space<vmem>>
    %dma_wait3A_115 = arith.constant 0 : i32
    %dma_wait3A_116 = arith.constant 0 : i32
    %dma_wait3A_117 = tpu.memref_slice %arg10[%dma_wait3A_115, %dma_wait3A_116] : memref<10112x64xf32, #tpu.memory_space<vmem_shared>> -> memref<10112x64xf32, #tpu.memory_space<vmem_shared>>
    tpu.wait_indirect_dma semaphore(%arg16 : memref<!tpu.dma_semaphore, #tpu.memory_space<semaphore_mem>>) src(%dma_wait3A_111 : memref<100x64xf32, #tpu.memory_space<vmem>>) dst(%dma_wait3A_117 : memref<10112x64xf32, #tpu.memory_space<vmem_shared>>)
    %dma_wait3A_118 = arith.constant 1 : i32
    %dma_wait3A_119 = arith.constant 0 : i32
    %dma_wait3A_120 = arith.constant 0 : i32
    %dma_wait3A_121 = arith.constant 0 : i32
    %dma_wait3A_122 = tpu.memref_slice %arg8[%dma_wait3A_118, %dma_wait3A_120, %dma_wait3A_121] : memref<5x100x64xf32, #tpu.memory_space<vmem>> -> memref<1x100x64xf32, #tpu.memory_space<vmem>>
    %dma_wait3A_123 = tpu.memref_squeeze %dma_wait3A_122 : memref<1x100x64xf32, #tpu.memory_space<vmem>> -> memref<100x64xf32, #tpu.memory_space<vmem>>
    %dma_wait3A_124 = arith.constant 0 : i32
    %dma_wait3A_125 = tpu.memref_slice %arg7[%dma_wait3A_119, %dma_wait3A_124] : memref<200x100xi32, #tpu.memory_space<vmem>> -> memref<1x100xi32, #tpu.memory_space<vmem>>
    %dma_wait3A_126 = tpu.memref_squeeze %dma_wait3A_125 : memref<1x100xi32, #tpu.memory_space<vmem>> -> memref<100xi32, #tpu.memory_space<vmem>>
    %dma_wait3A_127 = arith.constant 0 : i32
    %dma_wait3A_128 = arith.constant 0 : i32
    %dma_wait3A_129 = tpu.memref_slice %arg10[%dma_wait3A_127, %dma_wait3A_128] : memref<10112x64xf32, #tpu.memory_space<vmem_shared>> -> memref<10112x64xf32, #tpu.memory_space<vmem_shared>>
    tpu.wait_indirect_dma semaphore(%arg17 : memref<!tpu.dma_semaphore, #tpu.memory_space<semaphore_mem>>) src(%dma_wait3A_123 : memref<100x64xf32, #tpu.memory_space<vmem>>) dst(%dma_wait3A_129 : memref<10112x64xf32, #tpu.memory_space<vmem_shared>>)
    %dma_wait3A_130 = arith.constant 2 : i32
    %dma_wait3A_131 = arith.constant 0 : i32
    %dma_wait3A_132 = arith.constant 0 : i32
    %dma_wait3A_133 = arith.constant 0 : i32
    %dma_wait3A_134 = tpu.memref_slice %arg8[%dma_wait3A_130, %dma_wait3A_132, %dma_wait3A_133] : memref<5x100x64xf32, #tpu.memory_space<vmem>> -> memref<1x100x64xf32, #tpu.memory_space<vmem>>
    %dma_wait3A_135 = tpu.memref_squeeze %dma_wait3A_134 : memref<1x100x64xf32, #tpu.memory_space<vmem>> -> memref<100x64xf32, #tpu.memory_space<vmem>>
    %dma_wait3A_136 = arith.constant 0 : i32
    %dma_wait3A_137 = tpu.memref_slice %arg7[%dma_wait3A_131, %dma_wait3A_136] : memref<200x100xi32, #tpu.memory_space<vmem>> -> memref<1x100xi32, #tpu.memory_space<vmem>>
    %dma_wait3A_138 = tpu.memref_squeeze %dma_wait3A_137 : memref<1x100xi32, #tpu.memory_space<vmem>> -> memref<100xi32, #tpu.memory_space<vmem>>
    %dma_wait3A_139 = arith.constant 0 : i32
    %dma_wait3A_140 = arith.constant 0 : i32
    %dma_wait3A_141 = tpu.memref_slice %arg10[%dma_wait3A_139, %dma_wait3A_140] : memref<10112x64xf32, #tpu.memory_space<vmem_shared>> -> memref<10112x64xf32, #tpu.memory_space<vmem_shared>>
    tpu.wait_indirect_dma semaphore(%arg18 : memref<!tpu.dma_semaphore, #tpu.memory_space<semaphore_mem>>) src(%dma_wait3A_135 : memref<100x64xf32, #tpu.memory_space<vmem>>) dst(%dma_wait3A_141 : memref<10112x64xf32, #tpu.memory_space<vmem_shared>>)
    %dma_wait3A_142 = arith.constant 3 : i32
    %dma_wait3A_143 = arith.constant 0 : i32
    %dma_wait3A_144 = arith.constant 0 : i32
    %dma_wait3A_145 = arith.constant 0 : i32
    %dma_wait3A_146 = tpu.memref_slice %arg8[%dma_wait3A_142, %dma_wait3A_144, %dma_wait3A_145] : memref<5x100x64xf32, #tpu.memory_space<vmem>> -> memref<1x100x64xf32, #tpu.memory_space<vmem>>
    %dma_wait3A_147 = tpu.memref_squeeze %dma_wait3A_146 : memref<1x100x64xf32, #tpu.memory_space<vmem>> -> memref<100x64xf32, #tpu.memory_space<vmem>>
    %dma_wait3A_148 = arith.constant 0 : i32
    %dma_wait3A_149 = tpu.memref_slice %arg7[%dma_wait3A_143, %dma_wait3A_148] : memref<200x100xi32, #tpu.memory_space<vmem>> -> memref<1x100xi32, #tpu.memory_space<vmem>>
    %dma_wait3A_150 = tpu.memref_squeeze %dma_wait3A_149 : memref<1x100xi32, #tpu.memory_space<vmem>> -> memref<100xi32, #tpu.memory_space<vmem>>
    %dma_wait3A_151 = arith.constant 0 : i32
    %dma_wait3A_152 = arith.constant 0 : i32
    %dma_wait3A_153 = tpu.memref_slice %arg10[%dma_wait3A_151, %dma_wait3A_152] : memref<10112x64xf32, #tpu.memory_space<vmem_shared>> -> memref<10112x64xf32, #tpu.memory_space<vmem_shared>>
    tpu.wait_indirect_dma semaphore(%arg19 : memref<!tpu.dma_semaphore, #tpu.memory_space<semaphore_mem>>) src(%dma_wait3A_147 : memref<100x64xf32, #tpu.memory_space<vmem>>) dst(%dma_wait3A_153 : memref<10112x64xf32, #tpu.memory_space<vmem_shared>>)
    %dma_wait3A_154 = arith.constant 4 : i32
    %dma_wait3A_155 = arith.constant 0 : i32
    %dma_wait3A_156 = arith.constant 0 : i32
    %dma_wait3A_157 = arith.constant 0 : i32
    %dma_wait3A_158 = tpu.memref_slice %arg8[%dma_wait3A_154, %dma_wait3A_156, %dma_wait3A_157] : memref<5x100x64xf32, #tpu.memory_space<vmem>> -> memref<1x100x64xf32, #tpu.memory_space<vmem>>
    %dma_wait3A_159 = tpu.memref_squeeze %dma_wait3A_158 : memref<1x100x64xf32, #tpu.memory_space<vmem>> -> memref<100x64xf32, #tpu.memory_space<vmem>>
    %dma_wait3A_160 = arith.constant 0 : i32
    %dma_wait3A_161 = tpu.memref_slice %arg7[%dma_wait3A_155, %dma_wait3A_160] : memref<200x100xi32, #tpu.memory_space<vmem>> -> memref<1x100xi32, #tpu.memory_space<vmem>>
    %dma_wait3A_162 = tpu.memref_squeeze %dma_wait3A_161 : memref<1x100xi32, #tpu.memory_space<vmem>> -> memref<100xi32, #tpu.memory_space<vmem>>
    %dma_wait3A_163 = arith.constant 0 : i32
    %dma_wait3A_164 = arith.constant 0 : i32
    %dma_wait3A_165 = tpu.memref_slice %arg10[%dma_wait3A_163, %dma_wait3A_164] : memref<10112x64xf32, #tpu.memory_space<vmem_shared>> -> memref<10112x64xf32, #tpu.memory_space<vmem_shared>>
    tpu.wait_indirect_dma semaphore(%arg20 : memref<!tpu.dma_semaphore, #tpu.memory_space<semaphore_mem>>) src(%dma_wait3A_159 : memref<100x64xf32, #tpu.memory_space<vmem>>) dst(%dma_wait3A_165 : memref<10112x64xf32, #tpu.memory_space<vmem_shared>>)
    %barrier3A_166 = arith.constant 0 : index
    tpu.barrier barrier_id(%barrier3A_166)
    "tpu.region"() ({
      %run_scoped3A = tpu.sem_alloc : memref<!tpu.dma_semaphore, #tpu.memory_space<semaphore_mem>>
      %dma_start3A_167 = arith.constant 0 : i32
      %dma_start3A_168 = arith.constant 0 : i32
      %dma_start3A_169 = tpu.memref_slice %arg5[%arg0, %dma_start3A_167, %dma_start3A_168] : memref<2x10112x64xf32, #tpu.memory_space<hbm>> -> memref<1x10112x64xf32, #tpu.memory_space<hbm>>
      %dma_start3A_170 = tpu.memref_squeeze %dma_start3A_169 : memref<1x10112x64xf32, #tpu.memory_space<hbm>> -> memref<10112x64xf32, #tpu.memory_space<hbm>>
      %dma_start3A_171 = arith.constant 0 : i32
      %dma_start3A_172 = tpu.memref_slice %dma_start3A_170[%mul3A_0, %dma_start3A_171] : memref<10112x64xf32, #tpu.memory_space<hbm>> -> memref<632x64xf32, #tpu.memory_space<hbm>>
      %dma_start3A_173 = arith.constant 0 : i32
      %dma_start3A_174 = tpu.memref_slice %arg10[%mul3A_0, %dma_start3A_173] : memref<10112x64xf32, #tpu.memory_space<vmem_shared>> -> memref<632x64xf32, #tpu.memory_space<vmem_shared>>
      tpu.enqueue_dma source(%dma_start3A_174 : memref<632x64xf32, #tpu.memory_space<vmem_shared>>) target(%dma_start3A_172 : memref<632x64xf32, #tpu.memory_space<hbm>>) target_semaphore(%run_scoped3A : memref<!tpu.dma_semaphore, #tpu.memory_space<semaphore_mem>>)
      %dma_wait3A_175 = arith.constant 0 : i32
      %dma_wait3A_176 = arith.constant 0 : i32
      %dma_wait3A_177 = tpu.memref_slice %arg5[%arg0, %dma_wait3A_175, %dma_wait3A_176] : memref<2x10112x64xf32, #tpu.memory_space<hbm>> -> memref<1x10112x64xf32, #tpu.memory_space<hbm>>
      %dma_wait3A_178 = tpu.memref_squeeze %dma_wait3A_177 : memref<1x10112x64xf32, #tpu.memory_space<hbm>> -> memref<10112x64xf32, #tpu.memory_space<hbm>>
      %dma_wait3A_179 = arith.constant 0 : i32
      %dma_wait3A_180 = tpu.memref_slice %dma_wait3A_178[%mul3A_0, %dma_wait3A_179] : memref<10112x64xf32, #tpu.memory_space<hbm>> -> memref<632x64xf32, #tpu.memory_space<hbm>>
      %dma_wait3A_181 = arith.constant 0 : i32
      %dma_wait3A_182 = tpu.memref_slice %arg10[%mul3A_0, %dma_wait3A_181] : memref<10112x64xf32, #tpu.memory_space<vmem_shared>> -> memref<632x64xf32, #tpu.memory_space<vmem_shared>>
      tpu.wait_dma2 semaphore(%run_scoped3A : memref<!tpu.dma_semaphore, #tpu.memory_space<semaphore_mem>>) src(%dma_wait3A_182 : memref<632x64xf32, #tpu.memory_space<vmem_shared>>) dst(%dma_wait3A_180 : memref<632x64xf32, #tpu.memory_space<hbm>>)
      tpu.yield
    }) : () -> ()
    return
  }
}

#map = affine_map<(d0, d1) -> (0, 0, 0)>
module attributes {stable_mosaic.version = 14 : i64} {
  func.func @_sc_deg(%arg0: i32, %arg1: i32, %arg2: memref<32x100x100xi32, #tpu.memory_space<hbm>>, %arg3: memref<2x10112x16xf32, #tpu.memory_space<hbm>>, %arg4: memref<100x100xi32, #tpu.memory_space<vmem>>, %arg5: memref<100x16xf32, #tpu.memory_space<vmem>>, %arg6: memref<632x16xf32, #tpu.memory_space<vmem>>, %arg7: memref<10112x16xf32, #tpu.memory_space<vmem_shared>>, %arg8: memref<!tpu.dma_semaphore, #tpu.memory_space<semaphore_mem>>) attributes {dimension_semantics = [#tpu.dimension_semantics<core_parallel>, #tpu.dimension_semantics<subcore_parallel>], iteration_bounds = array<i64: 2, 16>, scalar_prefetch = 0 : i64, scratch_operands = 5 : i64, tpu.core_type = #tpu.core_type<sc_vector_subcore>, window_params = [{transform_indices = #map}, {transform_indices = #map}]} {
    %mul3A = arith.constant 2 : i32
    %mul3A_0 = arith.muli %arg1, %mul3A : i32
    %add3A = arith.addi %mul3A_0, %arg0 : i32
    %scan3A = arith.constant 0 : i32
    %scan3A_1 = arith.constant 0 : i32
    %scan3A_2 = arith.constant 100 : i32
    %scan3A_3 = arith.addi %scan3A_1, %scan3A_2 : i32
    %scan3A_4 = arith.constant 1 : i32
    scf.for %scan3A_247 = %scan3A_1 to %scan3A_3 step %scan3A_4  : i32 {
      %broadcast_in_dim3A = arith.constant 1.000000e+00 : f32
      %broadcast_in_dim3A_248 = vector.broadcast %broadcast_in_dim3A : f32 to vector<16xf32>
      %swap3A = arith.constant 0 : i32
      %swap3A_249 = tpu.memref_slice %arg5[%scan3A_247, %swap3A] : memref<100x16xf32, #tpu.memory_space<vmem>> -> memref<1x16xf32, #tpu.memory_space<vmem>>
      %swap3A_250 = tpu.memref_squeeze %swap3A_249 : memref<1x16xf32, #tpu.memory_space<vmem>> -> memref<16xf32, #tpu.memory_space<vmem>>
      %swap3A_251 = arith.constant 0 : index
      %swap3A_252 = tpu.vector_load %swap3A_250[%swap3A_251] {strides = array<i32>} : memref<16xf32, #tpu.memory_space<vmem>>, vector<16xf32>,
      %swap3A_253 = vector.shape_cast %swap3A_252 : vector<16xf32> to vector<16xf32>
      %swap3A_254 = vector.shape_cast %broadcast_in_dim3A_248 : vector<16xf32> to vector<16xf32>
      tpu.vector_store %swap3A_250[%swap3A_251], %swap3A_254 {strides = array<i32>} : memref<16xf32, #tpu.memory_space<vmem>>, vector<16xf32>,
    }
    %scan3A_5 = arith.constant 100 : i32
    %scan3A_6 = arith.constant 0 : i32
    %scan3A_7 = arith.constant 0 : i32
    %scan3A_8 = arith.constant 632 : i32
    %scan3A_9 = arith.addi %scan3A_7, %scan3A_8 : i32
    %scan3A_10 = arith.constant 1 : i32
    scf.for %scan3A_247 = %scan3A_7 to %scan3A_9 step %scan3A_10  : i32 {
      %broadcast_in_dim3A = arith.constant 0.000000e+00 : f32
      %broadcast_in_dim3A_248 = vector.broadcast %broadcast_in_dim3A : f32 to vector<16xf32>
      %swap3A = arith.constant 0 : i32
      %swap3A_249 = tpu.memref_slice %arg6[%scan3A_247, %swap3A] : memref<632x16xf32, #tpu.memory_space<vmem>> -> memref<1x16xf32, #tpu.memory_space<vmem>>
      %swap3A_250 = tpu.memref_squeeze %swap3A_249 : memref<1x16xf32, #tpu.memory_space<vmem>> -> memref<16xf32, #tpu.memory_space<vmem>>
      %swap3A_251 = arith.constant 0 : index
      %swap3A_252 = tpu.vector_load %swap3A_250[%swap3A_251] {strides = array<i32>} : memref<16xf32, #tpu.memory_space<vmem>>, vector<16xf32>,
      %swap3A_253 = vector.shape_cast %swap3A_252 : vector<16xf32> to vector<16xf32>
      %swap3A_254 = vector.shape_cast %broadcast_in_dim3A_248 : vector<16xf32> to vector<16xf32>
      tpu.vector_store %swap3A_250[%swap3A_251], %swap3A_254 {strides = array<i32>} : memref<16xf32, #tpu.memory_space<vmem>>, vector<16xf32>,
    }
    %scan3A_11 = arith.constant 632 : i32
    "tpu.region"() ({
      %run_scoped3A = tpu.sem_alloc : memref<!tpu.dma_semaphore, #tpu.memory_space<semaphore_mem>>
      %dma_start3A_247 = arith.constant 0 : i32
      %dma_start3A_248 = arith.constant 0 : i32
      %dma_start3A_249 = tpu.memref_slice %arg2[%add3A, %dma_start3A_247, %dma_start3A_248] : memref<32x100x100xi32, #tpu.memory_space<hbm>> -> memref<1x100x100xi32, #tpu.memory_space<hbm>>
      %dma_start3A_250 = tpu.memref_squeeze %dma_start3A_249 : memref<1x100x100xi32, #tpu.memory_space<hbm>> -> memref<100x100xi32, #tpu.memory_space<hbm>>
      %dma_start3A_251 = arith.constant 0 : i32
      %dma_start3A_252 = arith.constant 0 : i32
      %dma_start3A_253 = tpu.memref_slice %arg2[%add3A, %dma_start3A_251, %dma_start3A_252] : memref<32x100x100xi32, #tpu.memory_space<hbm>> -> memref<1x100x100xi32, #tpu.memory_space<hbm>>
      %dma_start3A_254 = tpu.memref_squeeze %dma_start3A_253 : memref<1x100x100xi32, #tpu.memory_space<hbm>> -> memref<100x100xi32, #tpu.memory_space<hbm>>
      tpu.enqueue_dma source(%dma_start3A_254 : memref<100x100xi32, #tpu.memory_space<hbm>>) target(%arg4 : memref<100x100xi32, #tpu.memory_space<vmem>>) target_semaphore(%run_scoped3A : memref<!tpu.dma_semaphore, #tpu.memory_space<semaphore_mem>>)
      %dma_wait3A_255 = arith.constant 0 : i32
      %dma_wait3A_256 = arith.constant 0 : i32
      %dma_wait3A_257 = tpu.memref_slice %arg2[%add3A, %dma_wait3A_255, %dma_wait3A_256] : memref<32x100x100xi32, #tpu.memory_space<hbm>> -> memref<1x100x100xi32, #tpu.memory_space<hbm>>
      %dma_wait3A_258 = tpu.memref_squeeze %dma_wait3A_257 : memref<1x100x100xi32, #tpu.memory_space<hbm>> -> memref<100x100xi32, #tpu.memory_space<hbm>>
      %dma_wait3A_259 = arith.constant 0 : i32
      %dma_wait3A_260 = arith.constant 0 : i32
      %dma_wait3A_261 = tpu.memref_slice %arg2[%add3A, %dma_wait3A_259, %dma_wait3A_260] : memref<32x100x100xi32, #tpu.memory_space<hbm>> -> memref<1x100x100xi32, #tpu.memory_space<hbm>>
      %dma_wait3A_262 = tpu.memref_squeeze %dma_wait3A_261 : memref<1x100x100xi32, #tpu.memory_space<hbm>> -> memref<100x100xi32, #tpu.memory_space<hbm>>
      tpu.wait_dma2 semaphore(%run_scoped3A : memref<!tpu.dma_semaphore, #tpu.memory_space<semaphore_mem>>) src(%dma_wait3A_262 : memref<100x100xi32, #tpu.memory_space<hbm>>) dst(%arg4 : memref<100x100xi32, #tpu.memory_space<vmem>>)
      tpu.yield
    }) : () -> ()
    %mul3A_12 = arith.constant 632 : i32
    %mul3A_13 = arith.muli %arg1, %mul3A_12 : i32
    "tpu.region"() ({
      %run_scoped3A = tpu.sem_alloc : memref<!tpu.dma_semaphore, #tpu.memory_space<semaphore_mem>>
      %dma_start3A_247 = arith.constant 0 : i32
      %dma_start3A_248 = tpu.memref_slice %arg7[%mul3A_13, %dma_start3A_247] : memref<10112x16xf32, #tpu.memory_space<vmem_shared>> -> memref<632x16xf32, #tpu.memory_space<vmem_shared>>
      %dma_start3A_249 = arith.constant 0 : i32
      %dma_start3A_250 = tpu.memref_slice %arg7[%mul3A_13, %dma_start3A_249] : memref<10112x16xf32, #tpu.memory_space<vmem_shared>> -> memref<632x16xf32, #tpu.memory_space<vmem_shared>>
      tpu.enqueue_dma source(%arg6 : memref<632x16xf32, #tpu.memory_space<vmem>>) target(%dma_start3A_250 : memref<632x16xf32, #tpu.memory_space<vmem_shared>>) target_semaphore(%run_scoped3A : memref<!tpu.dma_semaphore, #tpu.memory_space<semaphore_mem>>)
      %dma_wait3A_251 = arith.constant 0 : i32
      %dma_wait3A_252 = tpu.memref_slice %arg7[%mul3A_13, %dma_wait3A_251] : memref<10112x16xf32, #tpu.memory_space<vmem_shared>> -> memref<632x16xf32, #tpu.memory_space<vmem_shared>>
      %dma_wait3A_253 = arith.constant 0 : i32
      %dma_wait3A_254 = tpu.memref_slice %arg7[%mul3A_13, %dma_wait3A_253] : memref<10112x16xf32, #tpu.memory_space<vmem_shared>> -> memref<632x16xf32, #tpu.memory_space<vmem_shared>>
      tpu.wait_dma2 semaphore(%run_scoped3A : memref<!tpu.dma_semaphore, #tpu.memory_space<semaphore_mem>>) src(%arg6 : memref<632x16xf32, #tpu.memory_space<vmem>>) dst(%dma_wait3A_254 : memref<632x16xf32, #tpu.memory_space<vmem_shared>>)
      tpu.yield
    }) : () -> ()
    %barrier3A = arith.constant 0 : index
    tpu.barrier barrier_id(%barrier3A)
    %dma_start3A = arith.constant 0 : i32
    %dma_start3A_14 = arith.constant 0 : i32
    %dma_start3A_15 = tpu.memref_slice %arg4[%dma_start3A, %dma_start3A_14] : memref<100x100xi32, #tpu.memory_space<vmem>> -> memref<1x100xi32, #tpu.memory_space<vmem>>
    %dma_start3A_16 = tpu.memref_squeeze %dma_start3A_15 : memref<1x100xi32, #tpu.memory_space<vmem>> -> memref<100xi32, #tpu.memory_space<vmem>>
    %dma_start3A_17 = arith.constant 0 : i32
    %dma_start3A_18 = arith.constant 0 : i32
    %dma_start3A_19 = tpu.memref_slice %arg7[%dma_start3A_17, %dma_start3A_18] : memref<10112x16xf32, #tpu.memory_space<vmem_shared>> -> memref<10112x16xf32, #tpu.memory_space<vmem_shared>>
    tpu.enqueue_indirect_dma source(%arg5 : memref<100x16xf32, #tpu.memory_space<vmem>>) target(%dma_start3A_19 : memref<10112x16xf32, #tpu.memory_space<vmem_shared>>) offsets(%dma_start3A_16 : memref<100xi32, #tpu.memory_space<vmem>>) semaphore(%arg8 : memref<!tpu.dma_semaphore, #tpu.memory_space<semaphore_mem>>) {add = true}
    %dma_start3A_20 = arith.constant 1 : i32
    %dma_start3A_21 = arith.constant 0 : i32
    %dma_start3A_22 = tpu.memref_slice %arg4[%dma_start3A_20, %dma_start3A_21] : memref<100x100xi32, #tpu.memory_space<vmem>> -> memref<1x100xi32, #tpu.memory_space<vmem>>
    %dma_start3A_23 = tpu.memref_squeeze %dma_start3A_22 : memref<1x100xi32, #tpu.memory_space<vmem>> -> memref<100xi32, #tpu.memory_space<vmem>>
    %dma_start3A_24 = arith.constant 0 : i32
    %dma_start3A_25 = arith.constant 0 : i32
    %dma_start3A_26 = tpu.memref_slice %arg7[%dma_start3A_24, %dma_start3A_25] : memref<10112x16xf32, #tpu.memory_space<vmem_shared>> -> memref<10112x16xf32, #tpu.memory_space<vmem_shared>>
    tpu.enqueue_indirect_dma source(%arg5 : memref<100x16xf32, #tpu.memory_space<vmem>>) target(%dma_start3A_26 : memref<10112x16xf32, #tpu.memory_space<vmem_shared>>) offsets(%dma_start3A_23 : memref<100xi32, #tpu.memory_space<vmem>>) semaphore(%arg8 : memref<!tpu.dma_semaphore, #tpu.memory_space<semaphore_mem>>) {add = true}
    %dma_start3A_27 = arith.constant 2 : i32
    %dma_start3A_28 = arith.constant 0 : i32
    %dma_start3A_29 = tpu.memref_slice %arg4[%dma_start3A_27, %dma_start3A_28] : memref<100x100xi32, #tpu.memory_space<vmem>> -> memref<1x100xi32, #tpu.memory_space<vmem>>
    %dma_start3A_30 = tpu.memref_squeeze %dma_start3A_29 : memref<1x100xi32, #tpu.memory_space<vmem>> -> memref<100xi32, #tpu.memory_space<vmem>>
    %dma_start3A_31 = arith.constant 0 : i32
    %dma_start3A_32 = arith.constant 0 : i32
    %dma_start3A_33 = tpu.memref_slice %arg7[%dma_start3A_31, %dma_start3A_32] : memref<10112x16xf32, #tpu.memory_space<vmem_shared>> -> memref<10112x16xf32, #tpu.memory_space<vmem_shared>>
    tpu.enqueue_indirect_dma source(%arg5 : memref<100x16xf32, #tpu.memory_space<vmem>>) target(%dma_start3A_33 : memref<10112x16xf32, #tpu.memory_space<vmem_shared>>) offsets(%dma_start3A_30 : memref<100xi32, #tpu.memory_space<vmem>>) semaphore(%arg8 : memref<!tpu.dma_semaphore, #tpu.memory_space<semaphore_mem>>) {add = true}
    %dma_start3A_34 = arith.constant 3 : i32
    %dma_start3A_35 = arith.constant 0 : i32
    %dma_start3A_36 = tpu.memref_slice %arg4[%dma_start3A_34, %dma_start3A_35] : memref<100x100xi32, #tpu.memory_space<vmem>> -> memref<1x100xi32, #tpu.memory_space<vmem>>
    %dma_start3A_37 = tpu.memref_squeeze %dma_start3A_36 : memref<1x100xi32, #tpu.memory_space<vmem>> -> memref<100xi32, #tpu.memory_space<vmem>>
    %dma_start3A_38 = arith.constant 0 : i32
    %dma_start3A_39 = arith.constant 0 : i32
    %dma_start3A_40 = tpu.memref_slice %arg7[%dma_start3A_38, %dma_start3A_39] : memref<10112x16xf32, #tpu.memory_space<vmem_shared>> -> memref<10112x16xf32, #tpu.memory_space<vmem_shared>>
    tpu.enqueue_indirect_dma source(%arg5 : memref<100x16xf32, #tpu.memory_space<vmem>>) target(%dma_start3A_40 : memref<10112x16xf32, #tpu.memory_space<vmem_shared>>) offsets(%dma_start3A_37 : memref<100xi32, #tpu.memory_space<vmem>>) semaphore(%arg8 : memref<!tpu.dma_semaphore, #tpu.memory_space<semaphore_mem>>) {add = true}
    %dma_start3A_41 = arith.constant 4 : i32
    %dma_start3A_42 = arith.constant 0 : i32
    %dma_start3A_43 = tpu.memref_slice %arg4[%dma_start3A_41, %dma_start3A_42] : memref<100x100xi32, #tpu.memory_space<vmem>> -> memref<1x100xi32, #tpu.memory_space<vmem>>
    %dma_start3A_44 = tpu.memref_squeeze %dma_start3A_43 : memref<1x100xi32, #tpu.memory_space<vmem>> -> memref<100xi32, #tpu.memory_space<vmem>>
    %dma_start3A_45 = arith.constant 0 : i32
    %dma_start3A_46 = arith.constant 0 : i32
    %dma_start3A_47 = tpu.memref_slice %arg7[%dma_start3A_45, %dma_start3A_46] : memref<10112x16xf32, #tpu.memory_space<vmem_shared>> -> memref<10112x16xf32, #tpu.memory_space<vmem_shared>>
    tpu.enqueue_indirect_dma source(%arg5 : memref<100x16xf32, #tpu.memory_space<vmem>>) target(%dma_start3A_47 : memref<10112x16xf32, #tpu.memory_space<vmem_shared>>) offsets(%dma_start3A_44 : memref<100xi32, #tpu.memory_space<vmem>>) semaphore(%arg8 : memref<!tpu.dma_semaphore, #tpu.memory_space<semaphore_mem>>) {add = true}
    %dma_start3A_48 = arith.constant 5 : i32
    %dma_start3A_49 = arith.constant 0 : i32
    %dma_start3A_50 = tpu.memref_slice %arg4[%dma_start3A_48, %dma_start3A_49] : memref<100x100xi32, #tpu.memory_space<vmem>> -> memref<1x100xi32, #tpu.memory_space<vmem>>
    %dma_start3A_51 = tpu.memref_squeeze %dma_start3A_50 : memref<1x100xi32, #tpu.memory_space<vmem>> -> memref<100xi32, #tpu.memory_space<vmem>>
    %dma_start3A_52 = arith.constant 0 : i32
    %dma_start3A_53 = arith.constant 0 : i32
    %dma_start3A_54 = tpu.memref_slice %arg7[%dma_start3A_52, %dma_start3A_53] : memref<10112x16xf32, #tpu.memory_space<vmem_shared>> -> memref<10112x16xf32, #tpu.memory_space<vmem_shared>>
    tpu.enqueue_indirect_dma source(%arg5 : memref<100x16xf32, #tpu.memory_space<vmem>>) target(%dma_start3A_54 : memref<10112x16xf32, #tpu.memory_space<vmem_shared>>) offsets(%dma_start3A_51 : memref<100xi32, #tpu.memory_space<vmem>>) semaphore(%arg8 : memref<!tpu.dma_semaphore, #tpu.memory_space<semaphore_mem>>) {add = true}
    %dma_start3A_55 = arith.constant 6 : i32
    %dma_start3A_56 = arith.constant 0 : i32
    %dma_start3A_57 = tpu.memref_slice %arg4[%dma_start3A_55, %dma_start3A_56] : memref<100x100xi32, #tpu.memory_space<vmem>> -> memref<1x100xi32, #tpu.memory_space<vmem>>
    %dma_start3A_58 = tpu.memref_squeeze %dma_start3A_57 : memref<1x100xi32, #tpu.memory_space<vmem>> -> memref<100xi32, #tpu.memory_space<vmem>>
    %dma_start3A_59 = arith.constant 0 : i32
    %dma_start3A_60 = arith.constant 0 : i32
    %dma_start3A_61 = tpu.memref_slice %arg7[%dma_start3A_59, %dma_start3A_60] : memref<10112x16xf32, #tpu.memory_space<vmem_shared>> -> memref<10112x16xf32, #tpu.memory_space<vmem_shared>>
    tpu.enqueue_indirect_dma source(%arg5 : memref<100x16xf32, #tpu.memory_space<vmem>>) target(%dma_start3A_61 : memref<10112x16xf32, #tpu.memory_space<vmem_shared>>) offsets(%dma_start3A_58 : memref<100xi32, #tpu.memory_space<vmem>>) semaphore(%arg8 : memref<!tpu.dma_semaphore, #tpu.memory_space<semaphore_mem>>) {add = true}
    %dma_start3A_62 = arith.constant 7 : i32
    %dma_start3A_63 = arith.constant 0 : i32
    %dma_start3A_64 = tpu.memref_slice %arg4[%dma_start3A_62, %dma_start3A_63] : memref<100x100xi32, #tpu.memory_space<vmem>> -> memref<1x100xi32, #tpu.memory_space<vmem>>
    %dma_start3A_65 = tpu.memref_squeeze %dma_start3A_64 : memref<1x100xi32, #tpu.memory_space<vmem>> -> memref<100xi32, #tpu.memory_space<vmem>>
    %dma_start3A_66 = arith.constant 0 : i32
    %dma_start3A_67 = arith.constant 0 : i32
    %dma_start3A_68 = tpu.memref_slice %arg7[%dma_start3A_66, %dma_start3A_67] : memref<10112x16xf32, #tpu.memory_space<vmem_shared>> -> memref<10112x16xf32, #tpu.memory_space<vmem_shared>>
    tpu.enqueue_indirect_dma source(%arg5 : memref<100x16xf32, #tpu.memory_space<vmem>>) target(%dma_start3A_68 : memref<10112x16xf32, #tpu.memory_space<vmem_shared>>) offsets(%dma_start3A_65 : memref<100xi32, #tpu.memory_space<vmem>>) semaphore(%arg8 : memref<!tpu.dma_semaphore, #tpu.memory_space<semaphore_mem>>) {add = true}
    %dma_start3A_69 = arith.constant 8 : i32
    %dma_start3A_70 = arith.constant 0 : i32
    %dma_start3A_71 = tpu.memref_slice %arg4[%dma_start3A_69, %dma_start3A_70] : memref<100x100xi32, #tpu.memory_space<vmem>> -> memref<1x100xi32, #tpu.memory_space<vmem>>
    %dma_start3A_72 = tpu.memref_squeeze %dma_start3A_71 : memref<1x100xi32, #tpu.memory_space<vmem>> -> memref<100xi32, #tpu.memory_space<vmem>>
    %dma_start3A_73 = arith.constant 0 : i32
    %dma_start3A_74 = arith.constant 0 : i32
    %dma_start3A_75 = tpu.memref_slice %arg7[%dma_start3A_73, %dma_start3A_74] : memref<10112x16xf32, #tpu.memory_space<vmem_shared>> -> memref<10112x16xf32, #tpu.memory_space<vmem_shared>>
    tpu.enqueue_indirect_dma source(%arg5 : memref<100x16xf32, #tpu.memory_space<vmem>>) target(%dma_start3A_75 : memref<10112x16xf32, #tpu.memory_space<vmem_shared>>) offsets(%dma_start3A_72 : memref<100xi32, #tpu.memory_space<vmem>>) semaphore(%arg8 : memref<!tpu.dma_semaphore, #tpu.memory_space<semaphore_mem>>) {add = true}
    %dma_start3A_76 = arith.constant 9 : i32
    %dma_start3A_77 = arith.constant 0 : i32
    %dma_start3A_78 = tpu.memref_slice %arg4[%dma_start3A_76, %dma_start3A_77] : memref<100x100xi32, #tpu.memory_space<vmem>> -> memref<1x100xi32, #tpu.memory_space<vmem>>
    %dma_start3A_79 = tpu.memref_squeeze %dma_start3A_78 : memref<1x100xi32, #tpu.memory_space<vmem>> -> memref<100xi32, #tpu.memory_space<vmem>>
    %dma_start3A_80 = arith.constant 0 : i32
    %dma_start3A_81 = arith.constant 0 : i32
    %dma_start3A_82 = tpu.memref_slice %arg7[%dma_start3A_80, %dma_start3A_81] : memref<10112x16xf32, #tpu.memory_space<vmem_shared>> -> memref<10112x16xf32, #tpu.memory_space<vmem_shared>>
    tpu.enqueue_indirect_dma source(%arg5 : memref<100x16xf32, #tpu.memory_space<vmem>>) target(%dma_start3A_82 : memref<10112x16xf32, #tpu.memory_space<vmem_shared>>) offsets(%dma_start3A_79 : memref<100xi32, #tpu.memory_space<vmem>>) semaphore(%arg8 : memref<!tpu.dma_semaphore, #tpu.memory_space<semaphore_mem>>) {add = true}
    %dma_start3A_83 = arith.constant 10 : i32
    %dma_start3A_84 = arith.constant 0 : i32
    %dma_start3A_85 = tpu.memref_slice %arg4[%dma_start3A_83, %dma_start3A_84] : memref<100x100xi32, #tpu.memory_space<vmem>> -> memref<1x100xi32, #tpu.memory_space<vmem>>
    %dma_start3A_86 = tpu.memref_squeeze %dma_start3A_85 : memref<1x100xi32, #tpu.memory_space<vmem>> -> memref<100xi32, #tpu.memory_space<vmem>>
    %dma_start3A_87 = arith.constant 0 : i32
    %dma_start3A_88 = arith.constant 0 : i32
    %dma_start3A_89 = tpu.memref_slice %arg7[%dma_start3A_87, %dma_start3A_88] : memref<10112x16xf32, #tpu.memory_space<vmem_shared>> -> memref<10112x16xf32, #tpu.memory_space<vmem_shared>>
    tpu.enqueue_indirect_dma source(%arg5 : memref<100x16xf32, #tpu.memory_space<vmem>>) target(%dma_start3A_89 : memref<10112x16xf32, #tpu.memory_space<vmem_shared>>) offsets(%dma_start3A_86 : memref<100xi32, #tpu.memory_space<vmem>>) semaphore(%arg8 : memref<!tpu.dma_semaphore, #tpu.memory_space<semaphore_mem>>) {add = true}
    %dma_start3A_90 = arith.constant 11 : i32
    %dma_start3A_91 = arith.constant 0 : i32
    %dma_start3A_92 = tpu.memref_slice %arg4[%dma_start3A_90, %dma_start3A_91] : memref<100x100xi32, #tpu.memory_space<vmem>> -> memref<1x100xi32, #tpu.memory_space<vmem>>
    %dma_start3A_93 = tpu.memref_squeeze %dma_start3A_92 : memref<1x100xi32, #tpu.memory_space<vmem>> -> memref<100xi32, #tpu.memory_space<vmem>>
    %dma_start3A_94 = arith.constant 0 : i32
    %dma_start3A_95 = arith.constant 0 : i32
    %dma_start3A_96 = tpu.memref_slice %arg7[%dma_start3A_94, %dma_start3A_95] : memref<10112x16xf32, #tpu.memory_space<vmem_shared>> -> memref<10112x16xf32, #tpu.memory_space<vmem_shared>>
    tpu.enqueue_indirect_dma source(%arg5 : memref<100x16xf32, #tpu.memory_space<vmem>>) target(%dma_start3A_96 : memref<10112x16xf32, #tpu.memory_space<vmem_shared>>) offsets(%dma_start3A_93 : memref<100xi32, #tpu.memory_space<vmem>>) semaphore(%arg8 : memref<!tpu.dma_semaphore, #tpu.memory_space<semaphore_mem>>) {add = true}
    %dma_start3A_97 = arith.constant 12 : i32
    %dma_start3A_98 = arith.constant 0 : i32
    %dma_start3A_99 = tpu.memref_slice %arg4[%dma_start3A_97, %dma_start3A_98] : memref<100x100xi32, #tpu.memory_space<vmem>> -> memref<1x100xi32, #tpu.memory_space<vmem>>
    %dma_start3A_100 = tpu.memref_squeeze %dma_start3A_99 : memref<1x100xi32, #tpu.memory_space<vmem>> -> memref<100xi32, #tpu.memory_space<vmem>>
    %dma_start3A_101 = arith.constant 0 : i32
    %dma_start3A_102 = arith.constant 0 : i32
    %dma_start3A_103 = tpu.memref_slice %arg7[%dma_start3A_101, %dma_start3A_102] : memref<10112x16xf32, #tpu.memory_space<vmem_shared>> -> memref<10112x16xf32, #tpu.memory_space<vmem_shared>>
    tpu.enqueue_indirect_dma source(%arg5 : memref<100x16xf32, #tpu.memory_space<vmem>>) target(%dma_start3A_103 : memref<10112x16xf32, #tpu.memory_space<vmem_shared>>) offsets(%dma_start3A_100 : memref<100xi32, #tpu.memory_space<vmem>>) semaphore(%arg8 : memref<!tpu.dma_semaphore, #tpu.memory_space<semaphore_mem>>) {add = true}
    %dma_start3A_104 = arith.constant 13 : i32
    %dma_start3A_105 = arith.constant 0 : i32
    %dma_start3A_106 = tpu.memref_slice %arg4[%dma_start3A_104, %dma_start3A_105] : memref<100x100xi32, #tpu.memory_space<vmem>> -> memref<1x100xi32, #tpu.memory_space<vmem>>
    %dma_start3A_107 = tpu.memref_squeeze %dma_start3A_106 : memref<1x100xi32, #tpu.memory_space<vmem>> -> memref<100xi32, #tpu.memory_space<vmem>>
    %dma_start3A_108 = arith.constant 0 : i32
    %dma_start3A_109 = arith.constant 0 : i32
    %dma_start3A_110 = tpu.memref_slice %arg7[%dma_start3A_108, %dma_start3A_109] : memref<10112x16xf32, #tpu.memory_space<vmem_shared>> -> memref<10112x16xf32, #tpu.memory_space<vmem_shared>>
    tpu.enqueue_indirect_dma source(%arg5 : memref<100x16xf32, #tpu.memory_space<vmem>>) target(%dma_start3A_110 : memref<10112x16xf32, #tpu.memory_space<vmem_shared>>) offsets(%dma_start3A_107 : memref<100xi32, #tpu.memory_space<vmem>>) semaphore(%arg8 : memref<!tpu.dma_semaphore, #tpu.memory_space<semaphore_mem>>) {add = true}
    %dma_start3A_111 = arith.constant 14 : i32
    %dma_start3A_112 = arith.constant 0 : i32
    %dma_start3A_113 = tpu.memref_slice %arg4[%dma_start3A_111, %dma_start3A_112] : memref<100x100xi32, #tpu.memory_space<vmem>> -> memref<1x100xi32, #tpu.memory_space<vmem>>
    %dma_start3A_114 = tpu.memref_squeeze %dma_start3A_113 : memref<1x100xi32, #tpu.memory_space<vmem>> -> memref<100xi32, #tpu.memory_space<vmem>>
    %dma_start3A_115 = arith.constant 0 : i32
    %dma_start3A_116 = arith.constant 0 : i32
    %dma_start3A_117 = tpu.memref_slice %arg7[%dma_start3A_115, %dma_start3A_116] : memref<10112x16xf32, #tpu.memory_space<vmem_shared>> -> memref<10112x16xf32, #tpu.memory_space<vmem_shared>>
    tpu.enqueue_indirect_dma source(%arg5 : memref<100x16xf32, #tpu.memory_space<vmem>>) target(%dma_start3A_117 : memref<10112x16xf32, #tpu.memory_space<vmem_shared>>) offsets(%dma_start3A_114 : memref<100xi32, #tpu.memory_space<vmem>>) semaphore(%arg8 : memref<!tpu.dma_semaphore, #tpu.memory_space<semaphore_mem>>) {add = true}
    %dma_start3A_118 = arith.constant 15 : i32
    %dma_start3A_119 = arith.constant 0 : i32
    %dma_start3A_120 = tpu.memref_slice %arg4[%dma_start3A_118, %dma_start3A_119] : memref<100x100xi32, #tpu.memory_space<vmem>> -> memref<1x100xi32, #tpu.memory_space<vmem>>
    %dma_start3A_121 = tpu.memref_squeeze %dma_start3A_120 : memref<1x100xi32, #tpu.memory_space<vmem>> -> memref<100xi32, #tpu.memory_space<vmem>>
    %dma_start3A_122 = arith.constant 0 : i32
    %dma_start3A_123 = arith.constant 0 : i32
    %dma_start3A_124 = tpu.memref_slice %arg7[%dma_start3A_122, %dma_start3A_123] : memref<10112x16xf32, #tpu.memory_space<vmem_shared>> -> memref<10112x16xf32, #tpu.memory_space<vmem_shared>>
    tpu.enqueue_indirect_dma source(%arg5 : memref<100x16xf32, #tpu.memory_space<vmem>>) target(%dma_start3A_124 : memref<10112x16xf32, #tpu.memory_space<vmem_shared>>) offsets(%dma_start3A_121 : memref<100xi32, #tpu.memory_space<vmem>>) semaphore(%arg8 : memref<!tpu.dma_semaphore, #tpu.memory_space<semaphore_mem>>) {add = true}
    %scan3A_125 = arith.constant 0 : i32
    %scan3A_126 = arith.constant 0 : i32
    %scan3A_127 = arith.constant 84 : i32
    %scan3A_128 = arith.addi %scan3A_126, %scan3A_127 : i32
    %scan3A_129 = arith.constant 1 : i32
    scf.for %scan3A_247 = %scan3A_126 to %scan3A_128 step %scan3A_129  : i32 {
      %dma_wait3A_248 = arith.constant 0 : i32
      %dma_wait3A_249 = arith.constant 0 : i32
      %dma_wait3A_250 = tpu.memref_slice %arg4[%dma_wait3A_248, %dma_wait3A_249] : memref<100x100xi32, #tpu.memory_space<vmem>> -> memref<1x100xi32, #tpu.memory_space<vmem>>
      %dma_wait3A_251 = tpu.memref_squeeze %dma_wait3A_250 : memref<1x100xi32, #tpu.memory_space<vmem>> -> memref<100xi32, #tpu.memory_space<vmem>>
      %dma_wait3A_252 = arith.constant 0 : i32
      %dma_wait3A_253 = arith.constant 0 : i32
      %dma_wait3A_254 = tpu.memref_slice %arg7[%dma_wait3A_252, %dma_wait3A_253] : memref<10112x16xf32, #tpu.memory_space<vmem_shared>> -> memref<10112x16xf32, #tpu.memory_space<vmem_shared>>
      tpu.wait_indirect_dma semaphore(%arg8 : memref<!tpu.dma_semaphore, #tpu.memory_space<semaphore_mem>>) src(%arg5 : memref<100x16xf32, #tpu.memory_space<vmem>>) dst(%dma_wait3A_254 : memref<10112x16xf32, #tpu.memory_space<vmem_shared>>)
      %add3A_255 = arith.constant 16 : i32
      %add3A_256 = arith.addi %scan3A_247, %add3A_255 : i32
      %dma_start3A_257 = arith.constant 0 : i32
      %dma_start3A_258 = tpu.memref_slice %arg4[%add3A_256, %dma_start3A_257] : memref<100x100xi32, #tpu.memory_space<vmem>> -> memref<1x100xi32, #tpu.memory_space<vmem>>
      %dma_start3A_259 = tpu.memref_squeeze %dma_start3A_258 : memref<1x100xi32, #tpu.memory_space<vmem>> -> memref<100xi32, #tpu.memory_space<vmem>>
      %dma_start3A_260 = arith.constant 0 : i32
      %dma_start3A_261 = arith.constant 0 : i32
      %dma_start3A_262 = tpu.memref_slice %arg7[%dma_start3A_260, %dma_start3A_261] : memref<10112x16xf32, #tpu.memory_space<vmem_shared>> -> memref<10112x16xf32, #tpu.memory_space<vmem_shared>>
      tpu.enqueue_indirect_dma source(%arg5 : memref<100x16xf32, #tpu.memory_space<vmem>>) target(%dma_start3A_262 : memref<10112x16xf32, #tpu.memory_space<vmem_shared>>) offsets(%dma_start3A_259 : memref<100xi32, #tpu.memory_space<vmem>>) semaphore(%arg8 : memref<!tpu.dma_semaphore, #tpu.memory_space<semaphore_mem>>) {add = true}
    }
    %scan3A_130 = arith.constant 84 : i32
    %dma_wait3A = arith.constant 0 : i32
    %dma_wait3A_131 = arith.constant 0 : i32
    %dma_wait3A_132 = tpu.memref_slice %arg4[%dma_wait3A, %dma_wait3A_131] : memref<100x100xi32, #tpu.memory_space<vmem>> -> memref<1x100xi32, #tpu.memory_space<vmem>>
    %dma_wait3A_133 = tpu.memref_squeeze %dma_wait3A_132 : memref<1x100xi32, #tpu.memory_space<vmem>> -> memref<100xi32, #tpu.memory_space<vmem>>
    %dma_wait3A_134 = arith.constant 0 : i32
    %dma_wait3A_135 = arith.constant 0 : i32
    %dma_wait3A_136 = tpu.memref_slice %arg7[%dma_wait3A_134, %dma_wait3A_135] : memref<10112x16xf32, #tpu.memory_space<vmem_shared>> -> memref<10112x16xf32, #tpu.memory_space<vmem_shared>>
    tpu.wait_indirect_dma semaphore(%arg8 : memref<!tpu.dma_semaphore, #tpu.memory_space<semaphore_mem>>) src(%arg5 : memref<100x16xf32, #tpu.memory_space<vmem>>) dst(%dma_wait3A_136 : memref<10112x16xf32, #tpu.memory_space<vmem_shared>>)
    %dma_wait3A_137 = arith.constant 0 : i32
    %dma_wait3A_138 = arith.constant 0 : i32
    %dma_wait3A_139 = tpu.memref_slice %arg4[%dma_wait3A_137, %dma_wait3A_138] : memref<100x100xi32, #tpu.memory_space<vmem>> -> memref<1x100xi32, #tpu.memory_space<vmem>>
    %dma_wait3A_140 = tpu.memref_squeeze %dma_wait3A_139 : memref<1x100xi32, #tpu.memory_space<vmem>> -> memref<100xi32, #tpu.memory_space<vmem>>
    %dma_wait3A_141 = arith.constant 0 : i32
    %dma_wait3A_142 = arith.constant 0 : i32
    %dma_wait3A_143 = tpu.memref_slice %arg7[%dma_wait3A_141, %dma_wait3A_142] : memref<10112x16xf32, #tpu.memory_space<vmem_shared>> -> memref<10112x16xf32, #tpu.memory_space<vmem_shared>>
    tpu.wait_indirect_dma semaphore(%arg8 : memref<!tpu.dma_semaphore, #tpu.memory_space<semaphore_mem>>) src(%arg5 : memref<100x16xf32, #tpu.memory_space<vmem>>) dst(%dma_wait3A_143 : memref<10112x16xf32, #tpu.memory_space<vmem_shared>>)
    %dma_wait3A_144 = arith.constant 0 : i32
    %dma_wait3A_145 = arith.constant 0 : i32
    %dma_wait3A_146 = tpu.memref_slice %arg4[%dma_wait3A_144, %dma_wait3A_145] : memref<100x100xi32, #tpu.memory_space<vmem>> -> memref<1x100xi32, #tpu.memory_space<vmem>>
    %dma_wait3A_147 = tpu.memref_squeeze %dma_wait3A_146 : memref<1x100xi32, #tpu.memory_space<vmem>> -> memref<100xi32, #tpu.memory_space<vmem>>
    %dma_wait3A_148 = arith.constant 0 : i32
    %dma_wait3A_149 = arith.constant 0 : i32
    %dma_wait3A_150 = tpu.memref_slice %arg7[%dma_wait3A_148, %dma_wait3A_149] : memref<10112x16xf32, #tpu.memory_space<vmem_shared>> -> memref<10112x16xf32, #tpu.memory_space<vmem_shared>>
    tpu.wait_indirect_dma semaphore(%arg8 : memref<!tpu.dma_semaphore, #tpu.memory_space<semaphore_mem>>) src(%arg5 : memref<100x16xf32, #tpu.memory_space<vmem>>) dst(%dma_wait3A_150 : memref<10112x16xf32, #tpu.memory_space<vmem_shared>>)
    %dma_wait3A_151 = arith.constant 0 : i32
    %dma_wait3A_152 = arith.constant 0 : i32
    %dma_wait3A_153 = tpu.memref_slice %arg4[%dma_wait3A_151, %dma_wait3A_152] : memref<100x100xi32, #tpu.memory_space<vmem>> -> memref<1x100xi32, #tpu.memory_space<vmem>>
    %dma_wait3A_154 = tpu.memref_squeeze %dma_wait3A_153 : memref<1x100xi32, #tpu.memory_space<vmem>> -> memref<100xi32, #tpu.memory_space<vmem>>
    %dma_wait3A_155 = arith.constant 0 : i32
    %dma_wait3A_156 = arith.constant 0 : i32
    %dma_wait3A_157 = tpu.memref_slice %arg7[%dma_wait3A_155, %dma_wait3A_156] : memref<10112x16xf32, #tpu.memory_space<vmem_shared>> -> memref<10112x16xf32, #tpu.memory_space<vmem_shared>>
    tpu.wait_indirect_dma semaphore(%arg8 : memref<!tpu.dma_semaphore, #tpu.memory_space<semaphore_mem>>) src(%arg5 : memref<100x16xf32, #tpu.memory_space<vmem>>) dst(%dma_wait3A_157 : memref<10112x16xf32, #tpu.memory_space<vmem_shared>>)
    %dma_wait3A_158 = arith.constant 0 : i32
    %dma_wait3A_159 = arith.constant 0 : i32
    %dma_wait3A_160 = tpu.memref_slice %arg4[%dma_wait3A_158, %dma_wait3A_159] : memref<100x100xi32, #tpu.memory_space<vmem>> -> memref<1x100xi32, #tpu.memory_space<vmem>>
    %dma_wait3A_161 = tpu.memref_squeeze %dma_wait3A_160 : memref<1x100xi32, #tpu.memory_space<vmem>> -> memref<100xi32, #tpu.memory_space<vmem>>
    %dma_wait3A_162 = arith.constant 0 : i32
    %dma_wait3A_163 = arith.constant 0 : i32
    %dma_wait3A_164 = tpu.memref_slice %arg7[%dma_wait3A_162, %dma_wait3A_163] : memref<10112x16xf32, #tpu.memory_space<vmem_shared>> -> memref<10112x16xf32, #tpu.memory_space<vmem_shared>>
    tpu.wait_indirect_dma semaphore(%arg8 : memref<!tpu.dma_semaphore, #tpu.memory_space<semaphore_mem>>) src(%arg5 : memref<100x16xf32, #tpu.memory_space<vmem>>) dst(%dma_wait3A_164 : memref<10112x16xf32, #tpu.memory_space<vmem_shared>>)
    %dma_wait3A_165 = arith.constant 0 : i32
    %dma_wait3A_166 = arith.constant 0 : i32
    %dma_wait3A_167 = tpu.memref_slice %arg4[%dma_wait3A_165, %dma_wait3A_166] : memref<100x100xi32, #tpu.memory_space<vmem>> -> memref<1x100xi32, #tpu.memory_space<vmem>>
    %dma_wait3A_168 = tpu.memref_squeeze %dma_wait3A_167 : memref<1x100xi32, #tpu.memory_space<vmem>> -> memref<100xi32, #tpu.memory_space<vmem>>
    %dma_wait3A_169 = arith.constant 0 : i32
    %dma_wait3A_170 = arith.constant 0 : i32
    %dma_wait3A_171 = tpu.memref_slice %arg7[%dma_wait3A_169, %dma_wait3A_170] : memref<10112x16xf32, #tpu.memory_space<vmem_shared>> -> memref<10112x16xf32, #tpu.memory_space<vmem_shared>>
    tpu.wait_indirect_dma semaphore(%arg8 : memref<!tpu.dma_semaphore, #tpu.memory_space<semaphore_mem>>) src(%arg5 : memref<100x16xf32, #tpu.memory_space<vmem>>) dst(%dma_wait3A_171 : memref<10112x16xf32, #tpu.memory_space<vmem_shared>>)
    %dma_wait3A_172 = arith.constant 0 : i32
    %dma_wait3A_173 = arith.constant 0 : i32
    %dma_wait3A_174 = tpu.memref_slice %arg4[%dma_wait3A_172, %dma_wait3A_173] : memref<100x100xi32, #tpu.memory_space<vmem>> -> memref<1x100xi32, #tpu.memory_space<vmem>>
    %dma_wait3A_175 = tpu.memref_squeeze %dma_wait3A_174 : memref<1x100xi32, #tpu.memory_space<vmem>> -> memref<100xi32, #tpu.memory_space<vmem>>
    %dma_wait3A_176 = arith.constant 0 : i32
    %dma_wait3A_177 = arith.constant 0 : i32
    %dma_wait3A_178 = tpu.memref_slice %arg7[%dma_wait3A_176, %dma_wait3A_177] : memref<10112x16xf32, #tpu.memory_space<vmem_shared>> -> memref<10112x16xf32, #tpu.memory_space<vmem_shared>>
    tpu.wait_indirect_dma semaphore(%arg8 : memref<!tpu.dma_semaphore, #tpu.memory_space<semaphore_mem>>) src(%arg5 : memref<100x16xf32, #tpu.memory_space<vmem>>) dst(%dma_wait3A_178 : memref<10112x16xf32, #tpu.memory_space<vmem_shared>>)
    %dma_wait3A_179 = arith.constant 0 : i32
    %dma_wait3A_180 = arith.constant 0 : i32
    %dma_wait3A_181 = tpu.memref_slice %arg4[%dma_wait3A_179, %dma_wait3A_180] : memref<100x100xi32, #tpu.memory_space<vmem>> -> memref<1x100xi32, #tpu.memory_space<vmem>>
    %dma_wait3A_182 = tpu.memref_squeeze %dma_wait3A_181 : memref<1x100xi32, #tpu.memory_space<vmem>> -> memref<100xi32, #tpu.memory_space<vmem>>
    %dma_wait3A_183 = arith.constant 0 : i32
    %dma_wait3A_184 = arith.constant 0 : i32
    %dma_wait3A_185 = tpu.memref_slice %arg7[%dma_wait3A_183, %dma_wait3A_184] : memref<10112x16xf32, #tpu.memory_space<vmem_shared>> -> memref<10112x16xf32, #tpu.memory_space<vmem_shared>>
    tpu.wait_indirect_dma semaphore(%arg8 : memref<!tpu.dma_semaphore, #tpu.memory_space<semaphore_mem>>) src(%arg5 : memref<100x16xf32, #tpu.memory_space<vmem>>) dst(%dma_wait3A_185 : memref<10112x16xf32, #tpu.memory_space<vmem_shared>>)
    %dma_wait3A_186 = arith.constant 0 : i32
    %dma_wait3A_187 = arith.constant 0 : i32
    %dma_wait3A_188 = tpu.memref_slice %arg4[%dma_wait3A_186, %dma_wait3A_187] : memref<100x100xi32, #tpu.memory_space<vmem>> -> memref<1x100xi32, #tpu.memory_space<vmem>>
    %dma_wait3A_189 = tpu.memref_squeeze %dma_wait3A_188 : memref<1x100xi32, #tpu.memory_space<vmem>> -> memref<100xi32, #tpu.memory_space<vmem>>
    %dma_wait3A_190 = arith.constant 0 : i32
    %dma_wait3A_191 = arith.constant 0 : i32
    %dma_wait3A_192 = tpu.memref_slice %arg7[%dma_wait3A_190, %dma_wait3A_191] : memref<10112x16xf32, #tpu.memory_space<vmem_shared>> -> memref<10112x16xf32, #tpu.memory_space<vmem_shared>>
    tpu.wait_indirect_dma semaphore(%arg8 : memref<!tpu.dma_semaphore, #tpu.memory_space<semaphore_mem>>) src(%arg5 : memref<100x16xf32, #tpu.memory_space<vmem>>) dst(%dma_wait3A_192 : memref<10112x16xf32, #tpu.memory_space<vmem_shared>>)
    %dma_wait3A_193 = arith.constant 0 : i32
    %dma_wait3A_194 = arith.constant 0 : i32
    %dma_wait3A_195 = tpu.memref_slice %arg4[%dma_wait3A_193, %dma_wait3A_194] : memref<100x100xi32, #tpu.memory_space<vmem>> -> memref<1x100xi32, #tpu.memory_space<vmem>>
    %dma_wait3A_196 = tpu.memref_squeeze %dma_wait3A_195 : memref<1x100xi32, #tpu.memory_space<vmem>> -> memref<100xi32, #tpu.memory_space<vmem>>
    %dma_wait3A_197 = arith.constant 0 : i32
    %dma_wait3A_198 = arith.constant 0 : i32
    %dma_wait3A_199 = tpu.memref_slice %arg7[%dma_wait3A_197, %dma_wait3A_198] : memref<10112x16xf32, #tpu.memory_space<vmem_shared>> -> memref<10112x16xf32, #tpu.memory_space<vmem_shared>>
    tpu.wait_indirect_dma semaphore(%arg8 : memref<!tpu.dma_semaphore, #tpu.memory_space<semaphore_mem>>) src(%arg5 : memref<100x16xf32, #tpu.memory_space<vmem>>) dst(%dma_wait3A_199 : memref<10112x16xf32, #tpu.memory_space<vmem_shared>>)
    %dma_wait3A_200 = arith.constant 0 : i32
    %dma_wait3A_201 = arith.constant 0 : i32
    %dma_wait3A_202 = tpu.memref_slice %arg4[%dma_wait3A_200, %dma_wait3A_201] : memref<100x100xi32, #tpu.memory_space<vmem>> -> memref<1x100xi32, #tpu.memory_space<vmem>>
    %dma_wait3A_203 = tpu.memref_squeeze %dma_wait3A_202 : memref<1x100xi32, #tpu.memory_space<vmem>> -> memref<100xi32, #tpu.memory_space<vmem>>
    %dma_wait3A_204 = arith.constant 0 : i32
    %dma_wait3A_205 = arith.constant 0 : i32
    %dma_wait3A_206 = tpu.memref_slice %arg7[%dma_wait3A_204, %dma_wait3A_205] : memref<10112x16xf32, #tpu.memory_space<vmem_shared>> -> memref<10112x16xf32, #tpu.memory_space<vmem_shared>>
    tpu.wait_indirect_dma semaphore(%arg8 : memref<!tpu.dma_semaphore, #tpu.memory_space<semaphore_mem>>) src(%arg5 : memref<100x16xf32, #tpu.memory_space<vmem>>) dst(%dma_wait3A_206 : memref<10112x16xf32, #tpu.memory_space<vmem_shared>>)
    %dma_wait3A_207 = arith.constant 0 : i32
    %dma_wait3A_208 = arith.constant 0 : i32
    %dma_wait3A_209 = tpu.memref_slice %arg4[%dma_wait3A_207, %dma_wait3A_208] : memref<100x100xi32, #tpu.memory_space<vmem>> -> memref<1x100xi32, #tpu.memory_space<vmem>>
    %dma_wait3A_210 = tpu.memref_squeeze %dma_wait3A_209 : memref<1x100xi32, #tpu.memory_space<vmem>> -> memref<100xi32, #tpu.memory_space<vmem>>
    %dma_wait3A_211 = arith.constant 0 : i32
    %dma_wait3A_212 = arith.constant 0 : i32
    %dma_wait3A_213 = tpu.memref_slice %arg7[%dma_wait3A_211, %dma_wait3A_212] : memref<10112x16xf32, #tpu.memory_space<vmem_shared>> -> memref<10112x16xf32, #tpu.memory_space<vmem_shared>>
    tpu.wait_indirect_dma semaphore(%arg8 : memref<!tpu.dma_semaphore, #tpu.memory_space<semaphore_mem>>) src(%arg5 : memref<100x16xf32, #tpu.memory_space<vmem>>) dst(%dma_wait3A_213 : memref<10112x16xf32, #tpu.memory_space<vmem_shared>>)
    %dma_wait3A_214 = arith.constant 0 : i32
    %dma_wait3A_215 = arith.constant 0 : i32
    %dma_wait3A_216 = tpu.memref_slice %arg4[%dma_wait3A_214, %dma_wait3A_215] : memref<100x100xi32, #tpu.memory_space<vmem>> -> memref<1x100xi32, #tpu.memory_space<vmem>>
    %dma_wait3A_217 = tpu.memref_squeeze %dma_wait3A_216 : memref<1x100xi32, #tpu.memory_space<vmem>> -> memref<100xi32, #tpu.memory_space<vmem>>
    %dma_wait3A_218 = arith.constant 0 : i32
    %dma_wait3A_219 = arith.constant 0 : i32
    %dma_wait3A_220 = tpu.memref_slice %arg7[%dma_wait3A_218, %dma_wait3A_219] : memref<10112x16xf32, #tpu.memory_space<vmem_shared>> -> memref<10112x16xf32, #tpu.memory_space<vmem_shared>>
    tpu.wait_indirect_dma semaphore(%arg8 : memref<!tpu.dma_semaphore, #tpu.memory_space<semaphore_mem>>) src(%arg5 : memref<100x16xf32, #tpu.memory_space<vmem>>) dst(%dma_wait3A_220 : memref<10112x16xf32, #tpu.memory_space<vmem_shared>>)
    %dma_wait3A_221 = arith.constant 0 : i32
    %dma_wait3A_222 = arith.constant 0 : i32
    %dma_wait3A_223 = tpu.memref_slice %arg4[%dma_wait3A_221, %dma_wait3A_222] : memref<100x100xi32, #tpu.memory_space<vmem>> -> memref<1x100xi32, #tpu.memory_space<vmem>>
    %dma_wait3A_224 = tpu.memref_squeeze %dma_wait3A_223 : memref<1x100xi32, #tpu.memory_space<vmem>> -> memref<100xi32, #tpu.memory_space<vmem>>
    %dma_wait3A_225 = arith.constant 0 : i32
    %dma_wait3A_226 = arith.constant 0 : i32
    %dma_wait3A_227 = tpu.memref_slice %arg7[%dma_wait3A_225, %dma_wait3A_226] : memref<10112x16xf32, #tpu.memory_space<vmem_shared>> -> memref<10112x16xf32, #tpu.memory_space<vmem_shared>>
    tpu.wait_indirect_dma semaphore(%arg8 : memref<!tpu.dma_semaphore, #tpu.memory_space<semaphore_mem>>) src(%arg5 : memref<100x16xf32, #tpu.memory_space<vmem>>) dst(%dma_wait3A_227 : memref<10112x16xf32, #tpu.memory_space<vmem_shared>>)
    %dma_wait3A_228 = arith.constant 0 : i32
    %dma_wait3A_229 = arith.constant 0 : i32
    %dma_wait3A_230 = tpu.memref_slice %arg4[%dma_wait3A_228, %dma_wait3A_229] : memref<100x100xi32, #tpu.memory_space<vmem>> -> memref<1x100xi32, #tpu.memory_space<vmem>>
    %dma_wait3A_231 = tpu.memref_squeeze %dma_wait3A_230 : memref<1x100xi32, #tpu.memory_space<vmem>> -> memref<100xi32, #tpu.memory_space<vmem>>
    %dma_wait3A_232 = arith.constant 0 : i32
    %dma_wait3A_233 = arith.constant 0 : i32
    %dma_wait3A_234 = tpu.memref_slice %arg7[%dma_wait3A_232, %dma_wait3A_233] : memref<10112x16xf32, #tpu.memory_space<vmem_shared>> -> memref<10112x16xf32, #tpu.memory_space<vmem_shared>>
    tpu.wait_indirect_dma semaphore(%arg8 : memref<!tpu.dma_semaphore, #tpu.memory_space<semaphore_mem>>) src(%arg5 : memref<100x16xf32, #tpu.memory_space<vmem>>) dst(%dma_wait3A_234 : memref<10112x16xf32, #tpu.memory_space<vmem_shared>>)
    %dma_wait3A_235 = arith.constant 0 : i32
    %dma_wait3A_236 = arith.constant 0 : i32
    %dma_wait3A_237 = tpu.memref_slice %arg4[%dma_wait3A_235, %dma_wait3A_236] : memref<100x100xi32, #tpu.memory_space<vmem>> -> memref<1x100xi32, #tpu.memory_space<vmem>>
    %dma_wait3A_238 = tpu.memref_squeeze %dma_wait3A_237 : memref<1x100xi32, #tpu.memory_space<vmem>> -> memref<100xi32, #tpu.memory_space<vmem>>
    %dma_wait3A_239 = arith.constant 0 : i32
    %dma_wait3A_240 = arith.constant 0 : i32
    %dma_wait3A_241 = tpu.memref_slice %arg7[%dma_wait3A_239, %dma_wait3A_240] : memref<10112x16xf32, #tpu.memory_space<vmem_shared>> -> memref<10112x16xf32, #tpu.memory_space<vmem_shared>>
    tpu.wait_indirect_dma semaphore(%arg8 : memref<!tpu.dma_semaphore, #tpu.memory_space<semaphore_mem>>) src(%arg5 : memref<100x16xf32, #tpu.memory_space<vmem>>) dst(%dma_wait3A_241 : memref<10112x16xf32, #tpu.memory_space<vmem_shared>>)
    %barrier3A_242 = arith.constant 0 : index
    tpu.barrier barrier_id(%barrier3A_242)
    %mul3A_243 = arith.constant 632 : i32
    %mul3A_244 = arith.muli %arg1, %mul3A_243 : i32
    %mul3A_245 = arith.constant 632 : i32
    %mul3A_246 = arith.muli %arg1, %mul3A_245 : i32
    "tpu.region"() ({
      %run_scoped3A = tpu.sem_alloc : memref<!tpu.dma_semaphore, #tpu.memory_space<semaphore_mem>>
      %dma_start3A_247 = arith.constant 0 : i32
      %dma_start3A_248 = arith.constant 0 : i32
      %dma_start3A_249 = tpu.memref_slice %arg3[%arg0, %dma_start3A_247, %dma_start3A_248] : memref<2x10112x16xf32, #tpu.memory_space<hbm>> -> memref<1x10112x16xf32, #tpu.memory_space<hbm>>
      %dma_start3A_250 = tpu.memref_squeeze %dma_start3A_249 : memref<1x10112x16xf32, #tpu.memory_space<hbm>> -> memref<10112x16xf32, #tpu.memory_space<hbm>>
      %dma_start3A_251 = arith.constant 0 : i32
      %dma_start3A_252 = tpu.memref_slice %dma_start3A_250[%mul3A_246, %dma_start3A_251] : memref<10112x16xf32, #tpu.memory_space<hbm>> -> memref<632x16xf32, #tpu.memory_space<hbm>>
      %dma_start3A_253 = arith.constant 0 : i32
      %dma_start3A_254 = tpu.memref_slice %arg7[%mul3A_244, %dma_start3A_253] : memref<10112x16xf32, #tpu.memory_space<vmem_shared>> -> memref<632x16xf32, #tpu.memory_space<vmem_shared>>
      tpu.enqueue_dma source(%dma_start3A_254 : memref<632x16xf32, #tpu.memory_space<vmem_shared>>) target(%dma_start3A_252 : memref<632x16xf32, #tpu.memory_space<hbm>>) target_semaphore(%run_scoped3A : memref<!tpu.dma_semaphore, #tpu.memory_space<semaphore_mem>>)
      %dma_wait3A_255 = arith.constant 0 : i32
      %dma_wait3A_256 = arith.constant 0 : i32
      %dma_wait3A_257 = tpu.memref_slice %arg3[%arg0, %dma_wait3A_255, %dma_wait3A_256] : memref<2x10112x16xf32, #tpu.memory_space<hbm>> -> memref<1x10112x16xf32, #tpu.memory_space<hbm>>
      %dma_wait3A_258 = tpu.memref_squeeze %dma_wait3A_257 : memref<1x10112x16xf32, #tpu.memory_space<hbm>> -> memref<10112x16xf32, #tpu.memory_space<hbm>>
      %dma_wait3A_259 = arith.constant 0 : i32
      %dma_wait3A_260 = tpu.memref_slice %dma_wait3A_258[%mul3A_246, %dma_wait3A_259] : memref<10112x16xf32, #tpu.memory_space<hbm>> -> memref<632x16xf32, #tpu.memory_space<hbm>>
      %dma_wait3A_261 = arith.constant 0 : i32
      %dma_wait3A_262 = tpu.memref_slice %arg7[%mul3A_244, %dma_wait3A_261] : memref<10112x16xf32, #tpu.memory_space<vmem_shared>> -> memref<632x16xf32, #tpu.memory_space<vmem_shared>>
      tpu.wait_dma2 semaphore(%run_scoped3A : memref<!tpu.dma_semaphore, #tpu.memory_space<semaphore_mem>>) src(%dma_wait3A_262 : memref<632x16xf32, #tpu.memory_space<vmem_shared>>) dst(%dma_wait3A_260 : memref<632x16xf32, #tpu.memory_space<hbm>>)
      tpu.yield
    }) : () -> ()
    return
  }
}

module attributes {stable_mosaic.version = 14 : i64} {
  func.func @_tc1_body(%arg0: i32, %arg1: memref<1000x128xf32, #tpu.memory_space<vmem>>, %arg2: memref<128x128xf32, #tpu.memory_space<vmem>>, %arg3: memref<2x1000x16xf32, #tpu.memory_space<vmem>>, %arg4: memref<2x1000x64xf32, #tpu.memory_space<vmem>>) attributes {dimension_semantics = [#tpu.dimension_semantics<arbitrary>], iteration_bounds = array<i64: 10>, scalar_prefetch = 0 : i64, scratch_operands = 0 : i64, tpu.core_type = #tpu.core_type<tc>, window_params = [{transform_indices = @transform_0, window_bounds = array<i64: 1000, 128>}, {pipeline_mode = #tpu.pipeline_mode<synchronous>, transform_indices = @transform_1, window_bounds = array<i64: 128, 128>}, {transform_indices = @transform_2, window_bounds = array<i64: 2, 1000, 16>}, {transform_indices = @transform_3, window_bounds = array<i64: 2, 1000, 64>}]} {
    %get3A = arith.constant 0 : index
    %get3A_0 = arith.constant 0 : index
    %get3A_1 = arith.constant 0 : index
    %get3A_2 = vector.load %arg3[%get3A, %get3A_0, %get3A_1] : memref<2x1000x16xf32, #tpu.memory_space<vmem>>, vector<1x1000x1xf32>
    %get3A_3 = vector.shape_cast %get3A_2 : vector<1x1000x1xf32> to vector<1000xf32>
    %get3A_4 = arith.constant 1 : index
    %get3A_5 = arith.constant 0 : index
    %get3A_6 = arith.constant 0 : index
    %get3A_7 = vector.load %arg3[%get3A_4, %get3A_5, %get3A_6] : memref<2x1000x16xf32, #tpu.memory_space<vmem>>, vector<1x1000x1xf32>
    %get3A_8 = vector.shape_cast %get3A_7 : vector<1x1000x1xf32> to vector<1000xf32>
    %add3A = arith.addf %get3A_3, %get3A_8 : vector<1000xf32>
    %add3A_9 = arith.constant 1.000000e+00 : f32
    %add3A_10 = vector.broadcast %add3A_9 : f32 to vector<1000xf32>
    %add3A_11 = arith.addf %add3A, %add3A_10 : vector<1000xf32>
    %rsqrt3A = math.rsqrt %add3A_11 : vector<1000xf32>
    %broadcast_in_dim3A = vector.shape_cast %rsqrt3A : vector<1000xf32> to vector<1000x1xf32>
    %get3A_12 = arith.constant 0 : index
    %get3A_13 = arith.constant 0 : index
    %get3A_14 = vector.load %arg1[%get3A_12, %get3A_13] : memref<1000x128xf32, #tpu.memory_space<vmem>>, vector<1000x128xf32>
    %get3A_15 = arith.constant 0 : index
    %get3A_16 = arith.constant 0 : index
    %get3A_17 = vector.load %arg2[%get3A_15, %get3A_16] : memref<128x128xf32, #tpu.memory_space<vmem>>, vector<128x128xf32>
    %dot_general3A = arith.constant dense<0.000000e+00> : vector<1000x128xf32>
    %dot_general3A_18 = tpu.matmul %get3A_14, %get3A_17, %dot_general3A {dimension_numbers = #tpu.dot_dimension_numbers<[1], [0], [0], [1], [0, 0, 1, 1], [], []>, transpose_lhs_hint = false} : vector<1000x128xf32>, vector<128x128xf32>, vector<1000x128xf32> -> vector<1000x128xf32>
    %mul3A = vector.broadcast %broadcast_in_dim3A : vector<1000x1xf32> to vector<1000x128xf32>
    %mul3A_19 = arith.mulf %dot_general3A_18, %mul3A : vector<1000x128xf32>
    %slice3A = vector.extract_strided_slice %mul3A_19 {offsets = [0, 0], sizes = [1000, 64], strides = [1, 1]} : vector<1000x128xf32> to vector<1000x64xf32>
    %swap3A = arith.constant 0 : index
    %swap3A_20 = arith.constant 0 : index
    %swap3A_21 = arith.constant 0 : index
    %swap3A_22 = vector.load %arg4[%swap3A, %swap3A_20, %swap3A_21] : memref<2x1000x64xf32, #tpu.memory_space<vmem>>, vector<1x1000x64xf32>
    %swap3A_23 = vector.shape_cast %swap3A_22 : vector<1x1000x64xf32> to vector<1000x64xf32>
    %swap3A_24 = vector.shape_cast %slice3A : vector<1000x64xf32> to vector<1x1000x64xf32>
    tpu.vector_store %arg4[%swap3A, %swap3A_20, %swap3A_21], %swap3A_24 {strides = array<i32>} : memref<2x1000x64xf32, #tpu.memory_space<vmem>>, vector<1x1000x64xf32>,
    %slice3A_25 = vector.extract_strided_slice %mul3A_19 {offsets = [0, 64], sizes = [1000, 64], strides = [1, 1]} : vector<1000x128xf32> to vector<1000x64xf32>
    %swap3A_26 = arith.constant 1 : index
    %swap3A_27 = arith.constant 0 : index
    %swap3A_28 = arith.constant 0 : index
    %swap3A_29 = vector.load %arg4[%swap3A_26, %swap3A_27, %swap3A_28] : memref<2x1000x64xf32, #tpu.memory_space<vmem>>, vector<1x1000x64xf32>
    %swap3A_30 = vector.shape_cast %swap3A_29 : vector<1x1000x64xf32> to vector<1000x64xf32>
    %swap3A_31 = vector.shape_cast %slice3A_25 : vector<1000x64xf32> to vector<1x1000x64xf32>
    tpu.vector_store %arg4[%swap3A_26, %swap3A_27, %swap3A_28], %swap3A_31 {strides = array<i32>} : memref<2x1000x64xf32, #tpu.memory_space<vmem>>, vector<1x1000x64xf32>,
    return
  }
  func.func @transform_0(%arg0: i32) -> (i32, i32) {
    %c0_i32 = arith.constant 0 : i32
    %c0_i32_0 = arith.constant 0 : i32
    return %arg0, %c0_i32 : i32, i32
  }
  func.func @transform_1(%arg0: i32) -> (i32, i32) {
    %c0_i32 = arith.constant 0 : i32
    %c0_i32_0 = arith.constant 0 : i32
    %c0_i32_1 = arith.constant 0 : i32
    return %c0_i32, %c0_i32_0 : i32, i32
  }
  func.func @transform_2(%arg0: i32) -> (i32, i32, i32) {
    %c0_i32 = arith.constant 0 : i32
    %c0_i32_0 = arith.constant 0 : i32
    %c0_i32_1 = arith.constant 0 : i32
    return %c0_i32, %arg0, %c0_i32_0 : i32, i32, i32
  }
  func.func @transform_3(%arg0: i32) -> (i32, i32, i32) {
    %c0_i32 = arith.constant 0 : i32
    %c0_i32_0 = arith.constant 0 : i32
    %c0_i32_1 = arith.constant 0 : i32
    return %c0_i32, %arg0, %c0_i32_0 : i32, i32, i32
  }
}

module attributes {stable_mosaic.version = 14 : i64} {
  func.func @_tc2_body(%arg0: i32, %arg1: memref<2x1000x64xf32, #tpu.memory_space<vmem>>, %arg2: memref<2x1000x64xf32, #tpu.memory_space<vmem>>, %arg3: memref<2x1000x16xf32, #tpu.memory_space<vmem>>, %arg4: memref<128x128xf32, #tpu.memory_space<vmem>>, %arg5: memref<1x128xf32, #tpu.memory_space<vmem>>, %arg6: memref<1x1xf32, #tpu.memory_space<vmem>>, %arg7: memref<2x1000x64xf32, #tpu.memory_space<vmem>>) attributes {dimension_semantics = [#tpu.dimension_semantics<arbitrary>], iteration_bounds = array<i64: 10>, scalar_prefetch = 0 : i64, scratch_operands = 0 : i64, tpu.core_type = #tpu.core_type<tc>, window_params = [{transform_indices = @transform_0, window_bounds = array<i64: 2, 1000, 64>}, {transform_indices = @transform_1, window_bounds = array<i64: 2, 1000, 64>}, {transform_indices = @transform_2, window_bounds = array<i64: 2, 1000, 16>}, {pipeline_mode = #tpu.pipeline_mode<synchronous>, transform_indices = @transform_3, window_bounds = array<i64: 128, 128>}, {pipeline_mode = #tpu.pipeline_mode<synchronous>, transform_indices = @transform_4, window_bounds = array<i64: 1, 128>}, {pipeline_mode = #tpu.pipeline_mode<synchronous>, transform_indices = @transform_5, window_bounds = array<i64: 1, 1>}, {transform_indices = @transform_6, window_bounds = array<i64: 2, 1000, 64>}]} {
    %get3A = arith.constant 0 : index
    %get3A_0 = arith.constant 0 : index
    %get3A_1 = arith.constant 0 : index
    %get3A_2 = vector.load %arg3[%get3A, %get3A_0, %get3A_1] : memref<2x1000x16xf32, #tpu.memory_space<vmem>>, vector<1x1000x1xf32>
    %get3A_3 = vector.shape_cast %get3A_2 : vector<1x1000x1xf32> to vector<1000xf32>
    %get3A_4 = arith.constant 1 : index
    %get3A_5 = arith.constant 0 : index
    %get3A_6 = arith.constant 0 : index
    %get3A_7 = vector.load %arg3[%get3A_4, %get3A_5, %get3A_6] : memref<2x1000x16xf32, #tpu.memory_space<vmem>>, vector<1x1000x1xf32>
    %get3A_8 = vector.shape_cast %get3A_7 : vector<1x1000x1xf32> to vector<1000xf32>
    %add3A = arith.addf %get3A_3, %get3A_8 : vector<1000xf32>
    %add3A_9 = arith.constant 1.000000e+00 : f32
    %add3A_10 = vector.broadcast %add3A_9 : f32 to vector<1000xf32>
    %add3A_11 = arith.addf %add3A, %add3A_10 : vector<1000xf32>
    %rsqrt3A = math.rsqrt %add3A_11 : vector<1000xf32>
    %broadcast_in_dim3A = vector.shape_cast %rsqrt3A : vector<1000xf32> to vector<1000x1xf32>
    %get3A_12 = arith.constant 0 : index
    %get3A_13 = arith.constant 0 : index
    %get3A_14 = arith.constant 0 : index
    %get3A_15 = vector.load %arg1[%get3A_12, %get3A_13, %get3A_14] : memref<2x1000x64xf32, #tpu.memory_space<vmem>>, vector<1x1000x64xf32>
    %get3A_16 = vector.shape_cast %get3A_15 : vector<1x1000x64xf32> to vector<1000x64xf32>
    %get3A_17 = arith.constant 1 : index
    %get3A_18 = arith.constant 0 : index
    %get3A_19 = arith.constant 0 : index
    %get3A_20 = vector.load %arg1[%get3A_17, %get3A_18, %get3A_19] : memref<2x1000x64xf32, #tpu.memory_space<vmem>>, vector<1x1000x64xf32>
    %get3A_21 = vector.shape_cast %get3A_20 : vector<1x1000x64xf32> to vector<1000x64xf32>
    %concatenate3A = tpu.concatenate %get3A_16, %get3A_21 in 1 : vector<1000x64xf32>, vector<1000x64xf32> -> vector<1000x128xf32>
    %get3A_22 = arith.constant 0 : index
    %get3A_23 = arith.constant 0 : index
    %get3A_24 = arith.constant 0 : index
    %get3A_25 = vector.load %arg2[%get3A_22, %get3A_23, %get3A_24] : memref<2x1000x64xf32, #tpu.memory_space<vmem>>, vector<1x1000x64xf32>
    %get3A_26 = vector.shape_cast %get3A_25 : vector<1x1000x64xf32> to vector<1000x64xf32>
    %get3A_27 = arith.constant 1 : index
    %get3A_28 = arith.constant 0 : index
    %get3A_29 = arith.constant 0 : index
    %get3A_30 = vector.load %arg2[%get3A_27, %get3A_28, %get3A_29] : memref<2x1000x64xf32, #tpu.memory_space<vmem>>, vector<1x1000x64xf32>
    %get3A_31 = vector.shape_cast %get3A_30 : vector<1x1000x64xf32> to vector<1000x64xf32>
    %concatenate3A_32 = tpu.concatenate %get3A_26, %get3A_31 in 1 : vector<1000x64xf32>, vector<1000x64xf32> -> vector<1000x128xf32>
    %add3A_33 = arith.addf %concatenate3A, %concatenate3A_32 : vector<1000x128xf32>
    %mul3A = vector.broadcast %broadcast_in_dim3A : vector<1000x1xf32> to vector<1000x128xf32>
    %mul3A_34 = arith.mulf %add3A_33, %mul3A : vector<1000x128xf32>
    %get3A_35 = arith.constant 0 : index
    %get3A_36 = arith.constant 0 : index
    %get3A_37 = vector.load %arg5[%get3A_35, %get3A_36] : memref<1x128xf32, #tpu.memory_space<vmem>>, vector<1x128xf32>
    %add3A_38 = vector.broadcast %get3A_37 : vector<1x128xf32> to vector<1000x128xf32>
    %add3A_39 = arith.addf %mul3A_34, %add3A_38 : vector<1000x128xf32>
    %get3A_40 = arith.constant 0 : index
    %get3A_41 = arith.constant 0 : index
    %get3A_42 = vector.load %arg6[%get3A_40, %get3A_41] : memref<1x1xf32, #tpu.memory_space<vmem>>, vector<1x1xf32>
    %get3A_43 = vector.extract %get3A_42[0, 0] : f32 from vector<1x1xf32>
    %ge3A = arith.constant 0.000000e+00 : f32
    %ge3A_44 = vector.broadcast %ge3A : f32 to vector<1000x128xf32>
    %ge3A_45 = arith.cmpf oge, %add3A_39, %ge3A_44 : vector<1000x128xf32>
    %mul3A_46 = vector.broadcast %get3A_43 : f32 to vector<1000x128xf32>
    %mul3A_47 = arith.mulf %mul3A_46, %add3A_39 : vector<1000x128xf32>
    %select_n3A = arith.select %ge3A_45, %add3A_39, %mul3A_47 : vector<1000x128xi1>, vector<1000x128xf32>
    %get3A_48 = arith.constant 0 : index
    %get3A_49 = arith.constant 0 : index
    %get3A_50 = vector.load %arg4[%get3A_48, %get3A_49] : memref<128x128xf32, #tpu.memory_space<vmem>>, vector<128x128xf32>
    %dot_general3A = arith.constant dense<0.000000e+00> : vector<1000x128xf32>
    %dot_general3A_51 = tpu.matmul %select_n3A, %get3A_50, %dot_general3A {dimension_numbers = #tpu.dot_dimension_numbers<[1], [0], [0], [1], [0, 0, 1, 1], [], []>, transpose_lhs_hint = false} : vector<1000x128xf32>, vector<128x128xf32>, vector<1000x128xf32> -> vector<1000x128xf32>
    %mul3A_52 = vector.broadcast %broadcast_in_dim3A : vector<1000x1xf32> to vector<1000x128xf32>
    %mul3A_53 = arith.mulf %dot_general3A_51, %mul3A_52 : vector<1000x128xf32>
    %slice3A = vector.extract_strided_slice %mul3A_53 {offsets = [0, 0], sizes = [1000, 64], strides = [1, 1]} : vector<1000x128xf32> to vector<1000x64xf32>
    %swap3A = arith.constant 0 : index
    %swap3A_54 = arith.constant 0 : index
    %swap3A_55 = arith.constant 0 : index
    %swap3A_56 = vector.load %arg7[%swap3A, %swap3A_54, %swap3A_55] : memref<2x1000x64xf32, #tpu.memory_space<vmem>>, vector<1x1000x64xf32>
    %swap3A_57 = vector.shape_cast %swap3A_56 : vector<1x1000x64xf32> to vector<1000x64xf32>
    %swap3A_58 = vector.shape_cast %slice3A : vector<1000x64xf32> to vector<1x1000x64xf32>
    tpu.vector_store %arg7[%swap3A, %swap3A_54, %swap3A_55], %swap3A_58 {strides = array<i32>} : memref<2x1000x64xf32, #tpu.memory_space<vmem>>, vector<1x1000x64xf32>,
    %slice3A_59 = vector.extract_strided_slice %mul3A_53 {offsets = [0, 64], sizes = [1000, 64], strides = [1, 1]} : vector<1000x128xf32> to vector<1000x64xf32>
    %swap3A_60 = arith.constant 1 : index
    %swap3A_61 = arith.constant 0 : index
    %swap3A_62 = arith.constant 0 : index
    %swap3A_63 = vector.load %arg7[%swap3A_60, %swap3A_61, %swap3A_62] : memref<2x1000x64xf32, #tpu.memory_space<vmem>>, vector<1x1000x64xf32>
    %swap3A_64 = vector.shape_cast %swap3A_63 : vector<1x1000x64xf32> to vector<1000x64xf32>
    %swap3A_65 = vector.shape_cast %slice3A_59 : vector<1000x64xf32> to vector<1x1000x64xf32>
    tpu.vector_store %arg7[%swap3A_60, %swap3A_61, %swap3A_62], %swap3A_65 {strides = array<i32>} : memref<2x1000x64xf32, #tpu.memory_space<vmem>>, vector<1x1000x64xf32>,
    return
  }
  func.func @transform_0(%arg0: i32) -> (i32, i32, i32) {
    %c0_i32 = arith.constant 0 : i32
    %c0_i32_0 = arith.constant 0 : i32
    %c0_i32_1 = arith.constant 0 : i32
    return %c0_i32, %arg0, %c0_i32_0 : i32, i32, i32
  }
  func.func @transform_1(%arg0: i32) -> (i32, i32, i32) {
    %c0_i32 = arith.constant 0 : i32
    %c0_i32_0 = arith.constant 0 : i32
    %c0_i32_1 = arith.constant 0 : i32
    return %c0_i32, %arg0, %c0_i32_0 : i32, i32, i32
  }
  func.func @transform_2(%arg0: i32) -> (i32, i32, i32) {
    %c0_i32 = arith.constant 0 : i32
    %c0_i32_0 = arith.constant 0 : i32
    %c0_i32_1 = arith.constant 0 : i32
    return %c0_i32, %arg0, %c0_i32_0 : i32, i32, i32
  }
  func.func @transform_3(%arg0: i32) -> (i32, i32) {
    %c0_i32 = arith.constant 0 : i32
    %c0_i32_0 = arith.constant 0 : i32
    %c0_i32_1 = arith.constant 0 : i32
    return %c0_i32, %c0_i32_0 : i32, i32
  }
  func.func @transform_4(%arg0: i32) -> (i32, i32) {
    %c0_i32 = arith.constant 0 : i32
    %c0_i32_0 = arith.constant 0 : i32
    %c0_i32_1 = arith.constant 0 : i32
    return %c0_i32, %c0_i32_0 : i32, i32
  }
  func.func @transform_5(%arg0: i32) -> (i32, i32) {
    %c0_i32 = arith.constant 0 : i32
    %c0_i32_0 = arith.constant 0 : i32
    %c0_i32_1 = arith.constant 0 : i32
    return %c0_i32, %c0_i32_0 : i32, i32
  }
  func.func @transform_6(%arg0: i32) -> (i32, i32, i32) {
    %c0_i32 = arith.constant 0 : i32
    %c0_i32_0 = arith.constant 0 : i32
    %c0_i32_1 = arith.constant 0 : i32
    return %c0_i32, %arg0, %c0_i32_0 : i32, i32, i32
  }
}

module attributes {stable_mosaic.version = 14 : i64} {
  func.func @_tc3_body(%arg0: i32, %arg1: memref<2x1000x64xf32, #tpu.memory_space<vmem>>, %arg2: memref<2x1000x64xf32, #tpu.memory_space<vmem>>, %arg3: memref<2x1000x16xf32, #tpu.memory_space<vmem>>, %arg4: memref<1x128xf32, #tpu.memory_space<vmem>>, %arg5: memref<1x1xf32, #tpu.memory_space<vmem>>, %arg6: memref<1000x128xf32, #tpu.memory_space<vmem>>) attributes {dimension_semantics = [#tpu.dimension_semantics<arbitrary>], iteration_bounds = array<i64: 10>, scalar_prefetch = 0 : i64, scratch_operands = 0 : i64, tpu.core_type = #tpu.core_type<tc>, window_params = [{transform_indices = @transform_0, window_bounds = array<i64: 2, 1000, 64>}, {transform_indices = @transform_1, window_bounds = array<i64: 2, 1000, 64>}, {transform_indices = @transform_2, window_bounds = array<i64: 2, 1000, 16>}, {pipeline_mode = #tpu.pipeline_mode<synchronous>, transform_indices = @transform_3, window_bounds = array<i64: 1, 128>}, {pipeline_mode = #tpu.pipeline_mode<synchronous>, transform_indices = @transform_4, window_bounds = array<i64: 1, 1>}, {transform_indices = @transform_5, window_bounds = array<i64: 1000, 128>}]} {
    %get3A = arith.constant 0 : index
    %get3A_0 = arith.constant 0 : index
    %get3A_1 = arith.constant 0 : index
    %get3A_2 = vector.load %arg3[%get3A, %get3A_0, %get3A_1] : memref<2x1000x16xf32, #tpu.memory_space<vmem>>, vector<1x1000x1xf32>
    %get3A_3 = vector.shape_cast %get3A_2 : vector<1x1000x1xf32> to vector<1000xf32>
    %get3A_4 = arith.constant 1 : index
    %get3A_5 = arith.constant 0 : index
    %get3A_6 = arith.constant 0 : index
    %get3A_7 = vector.load %arg3[%get3A_4, %get3A_5, %get3A_6] : memref<2x1000x16xf32, #tpu.memory_space<vmem>>, vector<1x1000x1xf32>
    %get3A_8 = vector.shape_cast %get3A_7 : vector<1x1000x1xf32> to vector<1000xf32>
    %add3A = arith.addf %get3A_3, %get3A_8 : vector<1000xf32>
    %add3A_9 = arith.constant 1.000000e+00 : f32
    %add3A_10 = vector.broadcast %add3A_9 : f32 to vector<1000xf32>
    %add3A_11 = arith.addf %add3A, %add3A_10 : vector<1000xf32>
    %rsqrt3A = math.rsqrt %add3A_11 : vector<1000xf32>
    %broadcast_in_dim3A = vector.shape_cast %rsqrt3A : vector<1000xf32> to vector<1000x1xf32>
    %get3A_12 = arith.constant 0 : index
    %get3A_13 = arith.constant 0 : index
    %get3A_14 = arith.constant 0 : index
    %get3A_15 = vector.load %arg1[%get3A_12, %get3A_13, %get3A_14] : memref<2x1000x64xf32, #tpu.memory_space<vmem>>, vector<1x1000x64xf32>
    %get3A_16 = vector.shape_cast %get3A_15 : vector<1x1000x64xf32> to vector<1000x64xf32>
    %get3A_17 = arith.constant 1 : index
    %get3A_18 = arith.constant 0 : index
    %get3A_19 = arith.constant 0 : index
    %get3A_20 = vector.load %arg1[%get3A_17, %get3A_18, %get3A_19] : memref<2x1000x64xf32, #tpu.memory_space<vmem>>, vector<1x1000x64xf32>
    %get3A_21 = vector.shape_cast %get3A_20 : vector<1x1000x64xf32> to vector<1000x64xf32>
    %concatenate3A = tpu.concatenate %get3A_16, %get3A_21 in 1 : vector<1000x64xf32>, vector<1000x64xf32> -> vector<1000x128xf32>
    %get3A_22 = arith.constant 0 : index
    %get3A_23 = arith.constant 0 : index
    %get3A_24 = arith.constant 0 : index
    %get3A_25 = vector.load %arg2[%get3A_22, %get3A_23, %get3A_24] : memref<2x1000x64xf32, #tpu.memory_space<vmem>>, vector<1x1000x64xf32>
    %get3A_26 = vector.shape_cast %get3A_25 : vector<1x1000x64xf32> to vector<1000x64xf32>
    %get3A_27 = arith.constant 1 : index
    %get3A_28 = arith.constant 0 : index
    %get3A_29 = arith.constant 0 : index
    %get3A_30 = vector.load %arg2[%get3A_27, %get3A_28, %get3A_29] : memref<2x1000x64xf32, #tpu.memory_space<vmem>>, vector<1x1000x64xf32>
    %get3A_31 = vector.shape_cast %get3A_30 : vector<1x1000x64xf32> to vector<1000x64xf32>
    %concatenate3A_32 = tpu.concatenate %get3A_26, %get3A_31 in 1 : vector<1000x64xf32>, vector<1000x64xf32> -> vector<1000x128xf32>
    %add3A_33 = arith.addf %concatenate3A, %concatenate3A_32 : vector<1000x128xf32>
    %mul3A = vector.broadcast %broadcast_in_dim3A : vector<1000x1xf32> to vector<1000x128xf32>
    %mul3A_34 = arith.mulf %add3A_33, %mul3A : vector<1000x128xf32>
    %get3A_35 = arith.constant 0 : index
    %get3A_36 = arith.constant 0 : index
    %get3A_37 = vector.load %arg4[%get3A_35, %get3A_36] : memref<1x128xf32, #tpu.memory_space<vmem>>, vector<1x128xf32>
    %add3A_38 = vector.broadcast %get3A_37 : vector<1x128xf32> to vector<1000x128xf32>
    %add3A_39 = arith.addf %mul3A_34, %add3A_38 : vector<1000x128xf32>
    %get3A_40 = arith.constant 0 : index
    %get3A_41 = arith.constant 0 : index
    %get3A_42 = vector.load %arg5[%get3A_40, %get3A_41] : memref<1x1xf32, #tpu.memory_space<vmem>>, vector<1x1xf32>
    %get3A_43 = vector.extract %get3A_42[0, 0] : f32 from vector<1x1xf32>
    %ge3A = arith.constant 0.000000e+00 : f32
    %ge3A_44 = vector.broadcast %ge3A : f32 to vector<1000x128xf32>
    %ge3A_45 = arith.cmpf oge, %add3A_39, %ge3A_44 : vector<1000x128xf32>
    %mul3A_46 = vector.broadcast %get3A_43 : f32 to vector<1000x128xf32>
    %mul3A_47 = arith.mulf %mul3A_46, %add3A_39 : vector<1000x128xf32>
    %select_n3A = arith.select %ge3A_45, %add3A_39, %mul3A_47 : vector<1000x128xi1>, vector<1000x128xf32>
    %reduce_max3A = arith.constant dense<0xFF800000> : vector<1000xf32>
    %reduce_max3A_48 = vector.multi_reduction <maximumf>, %select_n3A, %reduce_max3A [1] : vector<1000x128xf32> to vector<1000xf32>
    %broadcast_in_dim3A_49 = vector.shape_cast %reduce_max3A_48 : vector<1000xf32> to vector<1000x1xf32>
    %sub3A = vector.broadcast %broadcast_in_dim3A_49 : vector<1000x1xf32> to vector<1000x128xf32>
    %sub3A_50 = arith.subf %select_n3A, %sub3A : vector<1000x128xf32>
    %exp3A = math.exp %sub3A_50 : vector<1000x128xf32>
    %reduce_sum3A = arith.constant dense<0.000000e+00> : vector<1000xf32>
    %reduce_sum3A_51 = vector.multi_reduction <add>, %exp3A, %reduce_sum3A [1] : vector<1000x128xf32> to vector<1000xf32>
    %broadcast_in_dim3A_52 = vector.shape_cast %reduce_sum3A_51 : vector<1000xf32> to vector<1000x1xf32>
    %log3A = math.log %broadcast_in_dim3A_52 : vector<1000x1xf32>
    %add3A_53 = arith.addf %log3A, %broadcast_in_dim3A_49 : vector<1000x1xf32>
    %sub3A_54 = vector.broadcast %add3A_53 : vector<1000x1xf32> to vector<1000x128xf32>
    %sub3A_55 = arith.subf %select_n3A, %sub3A_54 : vector<1000x128xf32>
    %swap3A = arith.constant 0 : index
    %swap3A_56 = arith.constant 0 : index
    %swap3A_57 = vector.load %arg6[%swap3A, %swap3A_56] : memref<1000x128xf32, #tpu.memory_space<vmem>>, vector<1000x128xf32>
    tpu.vector_store %arg6[%swap3A, %swap3A_56], %sub3A_55 {strides = array<i32>} : memref<1000x128xf32, #tpu.memory_space<vmem>>, vector<1000x128xf32>,
    return
  }
  func.func @transform_0(%arg0: i32) -> (i32, i32, i32) {
    %c0_i32 = arith.constant 0 : i32
    %c0_i32_0 = arith.constant 0 : i32
    %c0_i32_1 = arith.constant 0 : i32
    return %c0_i32, %arg0, %c0_i32_0 : i32, i32, i32
  }
  func.func @transform_1(%arg0: i32) -> (i32, i32, i32) {
    %c0_i32 = arith.constant 0 : i32
    %c0_i32_0 = arith.constant 0 : i32
    %c0_i32_1 = arith.constant 0 : i32
    return %c0_i32, %arg0, %c0_i32_0 : i32, i32, i32
  }
  func.func @transform_2(%arg0: i32) -> (i32, i32, i32) {
    %c0_i32 = arith.constant 0 : i32
    %c0_i32_0 = arith.constant 0 : i32
    %c0_i32_1 = arith.constant 0 : i32
    return %c0_i32, %arg0, %c0_i32_0 : i32, i32, i32
  }
  func.func @transform_3(%arg0: i32) -> (i32, i32) {
    %c0_i32 = arith.constant 0 : i32
    %c0_i32_0 = arith.constant 0 : i32
    %c0_i32_1 = arith.constant 0 : i32
    return %c0_i32, %c0_i32_0 : i32, i32
  }
  func.func @transform_4(%arg0: i32) -> (i32, i32) {
    %c0_i32 = arith.constant 0 : i32
    %c0_i32_0 = arith.constant 0 : i32
    %c0_i32_1 = arith.constant 0 : i32
    return %c0_i32, %c0_i32_0 : i32, i32
  }
  func.func @transform_5(%arg0: i32) -> (i32, i32) {
    %c0_i32 = arith.constant 0 : i32
    %c0_i32_0 = arith.constant 0 : i32
    return %arg0, %c0_i32 : i32, i32
  }
}

</mosaic_0001>

<sc_bundles>
// kernel: kernel.11.cloned.1.call-start
scs
__scs_entry_jumppad:
0x0: {  	(pc) =	sbr.rel $0x88, $3  }
0x1: {  	(tag) =	ssettag $0x0;
	lr =	simm.s32 $0x1  }
0x2: {  	[smem:$0x3F9A] =	sst lr;
	_ =	strace $0xD0000000  }
0x3: {  	_ = 	snop  }
0x4: {  	_ = 	snop  }
0x5: {  	_ = 	snop  }
0x6: {  	_ = 	snop  }
0x7: {  	_ = 	snop  }
__scs_overlays_trampoline_lowered:
0x8: {  	[smem:$0x3FA9] =	sst s0  }
0x9: {  	[smem:$0x3FAA] =	sst s1  }
0xa: {  	[smem:$0x3FAB] =	sst s2  }
0xb: {  	[smem:$0x3FAC] =	sst s3  }
0xc: {  	[smem:$0x3FAD] =	sst s4  }
0xd: {  	[smem:$0x3FAE] =	sst s5  }
0xe: {  	[smem:$0x3FAF] =	sst s6  }
0xf: {  	[smem:$0x3FB0] =	sst s7  }
0x10: {  	[smem:$0x3FB1] =	sst s8  }
0x11: {  	[smem:$0x3FB2] =	sst s9;
	s0 =	simm.s32 @!p0 $0x0  }
0x12: {  	s1 =	sld [smem:$0x3F98];
	s0 =	simm.s32 @p0 $0x1  }
0x13: {  	[smem:$0x3FB3] =	sst s0;
	s0 =	simm.s32 @!p1 $0x0  }
0x14: {  	s2 =	sld [smem:$0x3F97];
	s0 =	simm.s32 @p1 $0x1  }
0x15: {  	[smem:$0x3FB4] =	sst s0;
	s0 =	simm.s32 @!p2 $0x0  }
0x16: {  	s3 =	sld [smem:$0x3FDB];
	s0 =	simm.s32 @p2 $0x1  }
0x17: {  	s4 =	simm.s32 $0x1BF5;
	[smem:$0x3FB6] =	sst s0  }
0x18: {  	s0 =	sld [smem:$0x3F99];
	_ =	swait.ge [sflag:s4], $0x0  }
0x19: {  	s7 =	sld [smem:$0x3F9A]  }
0x1a: {  	s8 =	sadd.s32 $0xFFFFE003, lr  }
0x1b: {  	s9 =	sadd.s32 $0xFFFFFEF7, lr;
	s5 =	simm.s32 $0xFFFFFFFF;
	p2 =	slt.u32 s8, $0xFFFFF086  }
0x1c: {  	p1 =	slt.u32 s9, $0xF7A;
	s5 =	simm.s32 @!p2 $0x0  }
0x1d: {  	s5 =	simm.s32 @p1 $0x1;
	p0 =	seq.s32 s7, s2  }
0x1e: {  	s7 =	smul.u32 @!p0 $0xF7A, s2;
	p2 =	seq.s32 @!p0 s5, $0x0  }
0x1f: {  	s9 =	smul.u32 $0xF7A, s1;
	s8 =	simm.s32 @!p0 $0x1BF5;
	p2 =	por !p2, p0  }
0x20: {  	[sflag:s8] =	ssyncset.s32 @!p0 $0xFFFFF086;
	s6 =	sadd.s32 @!p0 s3, s7;
	s7 =	simm.s32 @!p0 $0x108  }
0x21: {  	s3 =	sadd.s32 s3, s9;
	s6 =	sadd.s32 @!p0 $0x88, s6;
	s7 =	simm.s32 @p2 $0x1082  }
0x22: {  	[simem:s7], [sflag:s8] =	dma.local @!p0 [hbm:s6], $0xF7A  }
0x23: {  	s9 =	sor.u32 $0xD0000000, s2;
	s6 =	simm.s32 $0x108;
	_ =	swait.ge @!p0 [sflag:s8], $0x0  }
0x24: {  	s3 =	sadd.s32 $0x88, s3;
	s6 =	simm.s32 @!p1 $0x1082;
	[sflag:s4] =	ssyncset.s32 $0xFFFFF086  }
0x25: {  	[simem:s6], [sflag:s4] =	dma.local [hbm:s3], $0xF7A  }
0x26: {  	[smem:$0x3F9A] =	sst s1;
	(tag) =	ssettag s2;
	_ =	strace s9  }
0x27: {  	s1 =	sld [smem:$0x3FAA]  }
0x28: {  	s2 =	sld [smem:$0x3FAB]  }
0x29: {  	s4 =	sld [smem:$0x3FAD]  }
0x2a: {  	p0 =	seq.s32 s5, $0x0;
	s5 =	sld [smem:$0x3FAE]  }
0x2b: {  	s6 =	sld [smem:$0x3FAF]  }
0x2c: {  	s7 =	sld [smem:$0x3FB0]  }
0x2d: {  	s3 =	simm.s32 $0x108;
	s8 =	sld [smem:$0x3FB1]  }
0x2e: {  	s3 =	simm.s32 @!p0 $0x1082;
	s9 =	sld [smem:$0x3FB2]  }
0x2f: {  	lr =	sadd.s32 s0, s3;
	s0 =	sld [smem:$0x3FA9]  }
0x30: {  	s3 =	sld [smem:$0x3FAC]  }
0x31: {  	[smem:$0x3FB5] =	sst s10  }
0x32: {  	s10 =	sld [smem:$0x3FB3];
	_ =	sdelay $0x3  }
0x33: {  	p0 =	seq.s32 s10, $0x1;
	s10 =	sld [smem:$0x3FB5];
	_ =	sdelay $0x3  }
0x34: {  	[smem:$0x3FB5] =	sst s10  }
0x35: {  	s10 =	sld [smem:$0x3FB4];
	_ =	sdelay $0x3  }
0x36: {  	p1 =	seq.s32 s10, $0x1;
	s10 =	sld [smem:$0x3FB5];
	_ =	sdelay $0x3  }
0x37: {  	[smem:$0x3FB5] =	sst s10  }
0x38: {  	s10 =	sld [smem:$0x3FB6]  }
0x39: {  	_ = 	snop;
	(pc) =	sbr.ind lr, $3  }
0x3a: {  	_ = 	snop  }
0x3b: {  	_ = 	snop  }
0x3c: {  	p2 =	seq.s32 s10, $0x1;
	s10 =	sld [smem:$0x3FB5]  }
0x3d: {  	_ =	shalt  }
0x3e: {  	_ =	shalt  }
0x3f: {  	_ =	shalt  }
0x40: {  	_ =	shalt  }
0x41: {  	_ =	shalt  }
0x42: {  	_ =	shalt  }
0x43: {  	_ =	shalt  }
0x44: {  	_ =	shalt  }
0x45: {  	_ =	shalt  }
0x46: {  	_ =	shalt  }
0x47: {  	_ =	shalt  }
0x48: {  	_ =	shalt  }
0x49: {  	_ =	shalt  }
0x4a: {  	_ =	shalt  }
0x4b: {  	_ =	shalt  }
0x4c: {  	_ =	shalt  }
0x4d: {  	_ =	shalt  }
0x4e: {  	_ =	shalt  }
0x4f: {  	_ =	shalt  }
0x50: {  	_ =	shalt  }
0x51: {  	_ =	shalt  }
0x52: {  	_ =	shalt  }
0x53: {  	_ =	shalt  }
0x54: {  	_ =	shalt  }
0x55: {  	_ =	shalt  }
0x56: {  	_ =	shalt  }
0x57: {  	_ =	shalt  }
0x58: {  	_ =	shalt  }
0x59: {  	_ =	shalt  }
0x5a: {  	_ =	shalt  }
0x5b: {  	_ =	shalt  }
0x5c: {  	_ =	shalt  }
0x5d: {  	_ =	shalt  }
0x5e: {  	_ =	shalt  }
0x5f: {  	_ =	shalt  }
0x60: {  	_ =	shalt  }
0x61: {  	_ =	shalt  }
0x62: {  	_ =	shalt  }
0x63: {  	_ =	shalt  }
0x64: {  	_ =	shalt  }
0x65: {  	_ =	shalt  }
0x66: {  	_ =	shalt  }
0x67: {  	_ =	shalt  }
0x68: {  	_ =	shalt  }
0x69: {  	_ =	shalt  }
0x6a: {  	_ =	shalt  }
0x6b: {  	_ =	shalt  }
0x6c: {  	_ =	shalt  }
0x6d: {  	_ =	shalt  }
0x6e: {  	_ =	shalt  }
0x6f: {  	_ =	shalt  }
0x70: {  	_ =	shalt  }
0x71: {  	_ =	shalt  }
0x72: {  	_ =	shalt  }
0x73: {  	_ =	shalt  }
0x74: {  	_ =	shalt  }
0x75: {  	_ =	shalt  }
0x76: {  	_ =	shalt  }
0x77: {  	_ =	shalt  }
0x78: {  	_ =	shalt  }
0x79: {  	_ =	shalt  }
0x7a: {  	_ =	shalt  }
0x7b: {  	_ =	shalt  }
0x7c: {  	_ =	shalt  }
0x7d: {  	_ =	shalt  }
0x7e: {  	_ =	shalt  }
0x7f: {  	_ =	shalt  }
0x80: {  	_ =	shalt  }
0x81: {  	_ =	shalt  }
0x82: {  	_ =	shalt  }
0x83: {  	_ =	shalt  }
0x84: {  	_ =	shalt  }
0x85: {  	_ =	shalt  }
0x86: {  	_ =	shalt  }
0x87: {  	_ =	shalt  }
.Lfunc_end0:
.L_simem_size_0:
called_computation.1_lowered:
.L_overlay_start_0:
0x88: {  	s2 =	sld [smem:$0x3FD9]  }
0x89: {  	s3 =	sld [smem:$0x3FFE];
	_ =	sdelay $0x1  }
0x8a: {  	s1 =	srdreg.scid  }
0x8b: {  	s0 =	sand.u32 $0x1, s1  }
0x8c: {  	s17 =	sshll.u32 s0, $0xA;
	s2 =	sadd.s32 s3, s2  }
0x8d: {  	s2 =	sadd.s32 s2, s17  }
0x8e: {  	[smem:$0x3FC1] =	sst s2  }
0x8f: {  	_ = 	snop  }
0x90: {  	s2 =	sld [smem:$0x3FD0];
	(tm) =	ssettm $0x1  }
0x91: {  	s18 =	sld [smem:$0x3FFB];
	_ =	sdelay $0x3  }
0x92: {  	_ =	strace s18  }
0x93: {  	s3 =	sld [smem:$0x3FFC];
	_ =	sdelay $0x3  }
0x94: {  	_ =	strace s3  }
0x95: {  	s3 =	sld [smem:$0x3FFD];
	_ =	sdelay $0x3  }
0x96: {  	_ =	strace s3  }
0x97: {  	_ =	strace $0x8FFFFFFF  }
0x98: {  	s19 =	sld [smem:$0x3FDB];
	_ =	sdelay $0x1  }
0x99: {  	s4 =	simm.s32 $_scs_section_size  }
0x9a: {  	s5 =	simm.s32 $_size__tile_overlayer_lowered;
	s6 =	simm.s32 $_tile_overlayer_lowered  }
0x9b: {  	s22 =	simm.s32 $0x1BFF;
	s21 =	sshll.u32 s6, $0x1;
	s3 =	sadd.s32 s4, s19  }
0x9c: {  	s7 =	simm.s32 $0x0;
	s20 =	sshll.u32 s5, $0x1;
	s5 =	sadd.s32 s21, s3  }
0x9d: {  	[timem:s7], [sflag:s22] =	dma.local [hbm:s5], s20  }
0x9e: {  	_ =	swait.ge [sflag:s22], s20  }
0x9f: {  	s4 =	ssub.s32 $0x0, s20;
	[sflag:s22] =	ssyncset.done $0x0  }
0xa0: {  	[sflag:s22] =	ssyncadd.s32 s4;
	_ =	sdelay $0x1  }
0xa1: {  	s23 =	simm.s32 $0x1B8B  }
0xa2: {  	_ =	swait.ge [sflag:s23], $0x1  }
0xa3: {  	[sflag:s23] =	ssyncset.done $0x0  }
0xa4: {  	s25 =	simm.s32 $0x1B8E;
	s24 =	sld [smem:$0x3FFE];
	[sflag:s23] =	ssyncadd.s32 $0xFFFFFFFF  }
0xa5: {  	s26 =	simm.s32 $execute0_lowered;
	[smem:$0x3FD2] =	sst s25  }
0xa6: {  	s5 =	sshll.u32 s26, $0x1;
	_ =	strace $0x80000049;
	[dreg:$0x1] =	wrdreg $0xFFFFFFFF  }
0xa7: {  	s28 =	simm.s32 $_size_execute0_lowered;
	s3 =	sadd.s32 s3, s5;
	[dreg:$0x0] =	wrdreg $0x0  }
0xa8: {  	s5 =	sshll.u32 s28, $0x1;
	[dreg:$0x2] =	wrdreg s3  }
0xa9: {  	[dreg:$0x3] =	wrdreg s5  }
0xaa: {  	[dreg:$0x4] =	wrdreg $0xC0  }
0xab: {  	_ =	task [dreg:s7], $0x5FFFF  }
0xac: {  	[dreg:$0x1] =	wrdreg $0xFFFFFFFF  }
0xad: {  	[dreg:$0x0] =	wrdreg $0x60  }
0xae: {  	[dreg:$0x2] =	wrdreg s2  }
0xaf: {  	[dreg:$0x3] =	wrdreg s24  }
0xb0: {  	[dreg:$0x4] =	wrdreg $0x133800  }
0xb1: {  	[dreg:$0x5] =	wrdreg $0x9  }
0xb2: {  	_ =	task.clear_ibuf [dreg:s7], $0x6FFFF;
	_ =	strace $0x90000049  }
0xb3: {  	s29 =	simm.s32 $0x9;
	_ =	strace $0x8000004B  }
0xb4: {  	_ =	swait.ge [sflag:s29], $0x1  }
0xb5: {  	[sflag:s29] =	ssyncadd.s32 $0xFFFFFFFF  }
0xb6: {  	_ =	strace $0x9000004B  }
0xb7: {  	_ =	sfence  }
0xb8: {  	s30 =	sld [smem:$0x0];
	_ =	sdelay $0x2  }
0xb9: {  	s31 =	sshll.u32 s1, $0xD;
	s1 =	sshrl.u32 s1, $0x2  }
0xba: {  	s3 =	sand.u32 $0x4000, s31;
	s1 =	sadd.s32 s1, s30  }
0xbb: {  	s0 =	sor.u32 s3, s0;
	s1 =	sshll.u32 s1, $0x11  }
0xbc: {  	s0 =	sor.u32 s1, s0  }
0xbd: {  	s0 =	sadd.s32 $0x8F2B, s0  }
0xbe: {  	[sflag:s0] =	ssyncadd.remote.s32 $0x1  }
0xbf: {  	_ =	sfence.sel $0xFFFF  }
0xc0: {  	[dreg:$0x0] =	wrdreg $0xFFFFFFFF;
	(pc) =	sbr.abs _section_cstart, $3  }
0xc1: {  	[dreg:$0x1] =	wrdreg $0xFFFFFFFF  }
0xc2: {  	_ =	task.clear_ibuf [dreg:s7], $0x2FFFF;
	_ =	strace $0x9FFFFFFF  }
0xc3: {  	(tm) =	ssettm $0x7FFFFFFF  }
tec
execute0_lowered:
.L_overlay_start_1:
0x0: {  	(tag) =	ssettag $0x1  }
0x1: {  	s0 =	rddreg [dreg:$0x0]  }
0x2: {  	s1 =	rddreg [dreg:$0x1]  }
0x3: {  	s2 =	rddreg [dreg:$0x2]  }
0x4: {  	s9 =	stileid.u32;
	s4 =	srdreg.scid  }
0x5: {  	s3 =	simm.s32 $0x0;
	s16 =	simm.s32 $0xB;
	s28 =	simm.s32 $0xED80  }
0x6: {  	s30 =	simm.s32 $0x10680;
	s31 =	simm.s32 $0x1;
	s5 =	smul.u32 $0xA28, s9  }
0x7: {  	s17 =	simm.s32 $0x2;
	s29 =	simm.s32 $0x9;
	s8 =	smul.u32 $0x27800, s9  }
0x8: {  	s4 =	sand.u32 $0x1, s4;
	[smem:$0x7FF] =	sst s3;
	s15 =	smul.u32 $0x9E00, s9  }
0x9: {  	s6 =	smul.u32 $0x13C00, s4;
	_ =	strace $0x8000004A;
	s7 =	ssub.s32 $0x2, s4  }
0xa: {  	s4 =	smul.u32 $0x13880, s4;
	s5 =	sadd.s32 s5, s1;
	s18 =	sshrl.u32 s7, $0x1  }
0xb: {  	s19 =	sshrl.u32 s8, $0x2;
	s26 =	sshrl.u32 s15, $0x3;
	s1 =	sadd.s32 s6, s1  }
0xc: {  	s7 =	ssub.s32 s7, s18;
	s20 =	sadd.s32 $0xB200, s5;
	s5 =	sadd.s32 $0x15600, s5  }
0xd: {  	s21 =	sadd.s32 s19, s2;
	s6 =	sadd.s32 s15, s2;
	s14 =	sadd.s32 s0, s4  }
0xe: {  	s18 =	simm.s32 $0x11F80;
	s19 =	simm.s32 $0x64;
	[dreg:$0x4] =	wrdreg s20  }
0xf: {  	s0 =	simm.s32 $0x6;
	s4 =	simm.s32 $0x5;
	[dreg:$0x5] =	wrdreg s5  }
0x10: {  	s22 =	sadd.s32 $0x1400, s21;
	s23 =	sadd.s32 $0x2800, s21;
	s24 =	sadd.s32 $0x3C00, s21  }
0x11: {  	s10 =	sadd.s32 $0x5000, s21;
	s11 =	sadd.s32 $0x6400, s21;
	s12 =	sadd.s32 $0x7800, s21  }
0x12: {  	s13 =	sadd.s32 $0x8C00, s21;
	s25 =	sadd.s32 $0x6EA00, s1;
	s15 =	smax.u32 s7, $0x1  }
0x13: {  	s20 =	simm.s32 $0xA280;
	s1 =	simm.s32 $0x7;
	[dreg:$0x6] =	wrdreg s22  }
0x14: {  	s21 =	simm.s32 $0x3;
	s5 =	simm.s32 $0xA;
	[dreg:$0x7] =	wrdreg s23  }
0x15: {  	[dreg:$0x8] =	wrdreg s24;
	s22 =	simm.s32 $0xBB80;
	s24 =	sadd.s32 s26, s25  }
0x16: {  	v0 =	vimm.f32 $0.0e+00;
	s25 =	simm.s32 $0xD480;
	s23 =	simm.s32 $0x8;
	s26 =	simm.s32 $0x4  }
.LBB2_1:
0x17: {  	s8 =	simm.s32 $0x100;
	s7 =	simm.s32 $0x0  }
.LBB2_2:
0x18: {  	p0 =	sne.s32 s8, $0x4F00;
	[tilespmem:s7+$0x11FB0] =	vst v0;
	s9 =	smov.u32 s8;
	s8 =	sadd.s32 $0x100, s8  }
.Ltmp0:
0x19: {  	[tilespmem:s7+$0x11FA0] =	vst v0;
	(pc) =	sbr.rel @p0 .LBB2_2-.Ltmp0, $3  }
0x1a: {  	[tilespmem:s7+$0x11F80] =	vst v0  }
0x1b: {  	[tilespmem:s7+$0x11F90] =	vst v0;
	_ =	sdelay $0x1  }
0x1c: {  	s7 =	sshra.s32 s9, $0x2  }
0x1d: {  	[tilespmem:s7+$0x11FB0] =	vst v0  }
0x1e: {  	[tilespmem:s7+$0x11FA0] =	vst v0  }
0x1f: {  	[tilespmem:s7+$0x11F80] =	vst v0  }
0x20: {  	[tilespmem:s7+$0x11F90] =	vst v0;
	s7 =	simm.s32 $0x0;
	s8 =	rddreg [dreg:$0x4]  }
0x21: {  	[tilespmem:s7], [sflag:$0xB] =	stream.linear.gather [hbm4b:s8+s7], $0x5140, $0x38;
	[tilespmem:$0x1D180] =	vst v63  }
0x22: {  	_ =	swait.ge [sflag:s16], $0x5140  }
0x23: {  	[sflag:s16] =	ssyncset.done $0x0  }
0x24: {  	s9 =	simm.s32 $0x5140;
	s8 =	rddreg [dreg:$0x5];
	[sflag:s16] =	ssyncadd.s32 $0xFFFFAEC0  }
0x25: {  	[tilespmem:s9], [sflag:$0xB] =	stream.linear.gather [hbm4b:s8+s7], $0x5140, $0x38;
	[tilespmem:$0x1D180] =	vst v63  }
0x26: {  	_ =	swait.ge [sflag:s16], $0x5140  }
0x27: {  	[sflag:s16] =	ssyncset.done $0x0  }
0x28: {  	[sflag:s16] =	ssyncadd.s32 $0xFFFFAEC0  }
0x29: {  	[spmem:s6] =	stream.linear.scatter [tilespmem:s18], [sflag:$0xB], $0x1400, $0x38;
	[tilespmem:$0x1D180] =	vst v63  }
0x2a: {  	_ =	swait.ge [sflag:s16], $0x1400  }
0x2b: {  	[sflag:s16] =	ssyncset.done $0x0  }
0x2c: {  	s9 =	rddreg [dreg:$0x6];
	[sflag:s16] =	ssyncadd.s32 $0xFFFFEC00  }
0x2d: {  	[spmem:s9] =	stream.linear.scatter [tilespmem:s18], [sflag:$0xB], $0x1400, $0x38;
	[tilespmem:$0x1D180] =	vst v63  }
0x2e: {  	_ =	swait.ge [sflag:s16], $0x1400  }
0x2f: {  	[sflag:s16] =	ssyncset.done $0x0  }
0x30: {  	s9 =	rddreg [dreg:$0x7];
	[sflag:s16] =	ssyncadd.s32 $0xFFFFEC00  }
0x31: {  	[spmem:s9] =	stream.linear.scatter [tilespmem:s18], [sflag:$0xB], $0x1400, $0x38;
	[tilespmem:$0x1D180] =	vst v63  }
0x32: {  	_ =	swait.ge [sflag:s16], $0x1400  }
0x33: {  	[sflag:s16] =	ssyncset.done $0x0  }
0x34: {  	s9 =	rddreg [dreg:$0x8];
	[sflag:s16] =	ssyncadd.s32 $0xFFFFEC00  }
0x35: {  	[spmem:s9] =	stream.linear.scatter [tilespmem:s18], [sflag:$0xB], $0x1400, $0x38;
	[tilespmem:$0x1D180] =	vst v63  }
0x36: {  	_ =	swait.ge [sflag:s16], $0x1400  }
0x37: {  	[sflag:s16] =	ssyncset.done $0x0  }
0x38: {  	[sflag:s16] =	ssyncadd.s32 $0xFFFFEC00  }
0x39: {  	[spmem:s10] =	stream.linear.scatter [tilespmem:s18], [sflag:$0xB], $0x1400, $0x38;
	[tilespmem:$0x1D180] =	vst v63  }
0x3a: {  	_ =	swait.ge [sflag:s16], $0x1400  }
0x3b: {  	[sflag:s16] =	ssyncset.done $0x0  }
0x3c: {  	[sflag:s16] =	ssyncadd.s32 $0xFFFFEC00  }
0x3d: {  	[spmem:s11] =	stream.linear.scatter [tilespmem:s18], [sflag:$0xB], $0x1400, $0x38;
	[tilespmem:$0x1D180] =	vst v63  }
0x3e: {  	_ =	swait.ge [sflag:s16], $0x1400  }
0x3f: {  	[sflag:s16] =	ssyncset.done $0x0  }
0x40: {  	[sflag:s16] =	ssyncadd.s32 $0xFFFFEC00  }
0x41: {  	[spmem:s12] =	stream.linear.scatter [tilespmem:s18], [sflag:$0xB], $0x1400, $0x38;
	[tilespmem:$0x1D180] =	vst v63  }
0x42: {  	_ =	swait.ge [sflag:s16], $0x1400  }
0x43: {  	[sflag:s16] =	ssyncset.done $0x0  }
0x44: {  	[sflag:s16] =	ssyncadd.s32 $0xFFFFEC00  }
0x45: {  	[spmem:s13] =	stream.linear.scatter [tilespmem:s18], [sflag:$0xB], $0x1200, $0x38;
	[tilespmem:$0x1D180] =	vst v63  }
0x46: {  	_ =	swait.ge [sflag:s16], $0x1200  }
0x47: {  	[sflag:s16] =	ssyncset.done $0x0  }
0x48: {  	[sflag:s16] =	ssyncadd.s32 $0xFFFFEE00  }
0x49: {  	[bflag:$0x0] =	sbarrier.arrive $0xFFFF  }
0x4a: {  	[tilespmem:s20], [sflag:$0x1] =	stream.indirect.gather [hbm4b:s14+s19], $0x40, s7, s19, $0xb8;
	[tilespmem:$0x1D180] =	vst v63  }
0x4b: {  	s9 =	simm.s32 $0x68  }
0x4c: {  	[tilespmem:s22], [sflag:$0x2] =	stream.indirect.gather [hbm4b:s14+s19], $0x40, s9, s19, $0xb8;
	[tilespmem:$0x1D180] =	vst v63  }
0x4d: {  	s8 =	simm.s32 $0xD0  }
0x4e: {  	[tilespmem:s25], [sflag:$0x3] =	stream.indirect.gather [hbm4b:s14+s19], $0x40, s8, s19, $0xb8;
	[tilespmem:$0x1D180] =	vst v63  }
0x4f: {  	s9 =	simm.s32 $0x138  }
0x50: {  	[tilespmem:s28], [sflag:$0x4] =	stream.indirect.gather [hbm4b:s14+s19], $0x40, s9, s19, $0xb8;
	[tilespmem:$0x1D180] =	vst v63  }
0x51: {  	s8 =	simm.s32 $0x1A0  }
0x52: {  	[tilespmem:s30], [sflag:$0x5] =	stream.indirect.gather [hbm4b:s14+s19], $0x40, s8, s19, $0xb8;
	[tilespmem:$0x1D180] =	vst v63  }
0x53: {  	_ =	swait.ge [sflag:s31], $0x1900  }
0x54: {  	[sflag:s31] =	ssyncset.done $0x0  }
0x55: {  	s9 =	simm.s32 $0x5140;
	[sflag:s31] =	ssyncadd.s32 $0xFFFFE700  }
0x56: {  	[spmem:s2] =	stream.indirect.scatter.add.f32 [tilespmem:s20], [sflag:$0x6], $0x40, s9, s19, $0xb8;
	[tilespmem:$0x1D180] =	vst v63  }
0x57: {  	_ =	swait.ge [sflag:s0], $0x1900  }
0x58: {  	[sflag:s0] =	ssyncset.done $0x0  }
0x59: {  	s8 =	simm.s32 $0x208;
	[sflag:s0] =	ssyncadd.s32 $0xFFFFE700  }
0x5a: {  	[tilespmem:s20], [sflag:$0x1] =	stream.indirect.gather [hbm4b:s14+s19], $0x40, s8, s19, $0xb8;
	[tilespmem:$0x1D180] =	vst v63  }
0x5b: {  	_ =	swait.ge [sflag:s17], $0x1900  }
0x5c: {  	[sflag:s17] =	ssyncset.done $0x0  }
0x5d: {  	s9 =	simm.s32 $0x51A8;
	[sflag:s17] =	ssyncadd.s32 $0xFFFFE700  }
0x5e: {  	[spmem:s2] =	stream.indirect.scatter.add.f32 [tilespmem:s22], [sflag:$0x7], $0x40, s9, s19, $0xb8;
	[tilespmem:$0x1D180] =	vst v63  }
0x5f: {  	_ =	swait.ge [sflag:s1], $0x1900  }
0x60: {  	[sflag:s1] =	ssyncset.done $0x0  }
0x61: {  	s8 =	simm.s32 $0x270;
	[sflag:s1] =	ssyncadd.s32 $0xFFFFE700  }
0x62: {  	[tilespmem:s22], [sflag:$0x2] =	stream.indirect.gather [hbm4b:s14+s19], $0x40, s8, s19, $0xb8;
	[tilespmem:$0x1D180] =	vst v63  }
0x63: {  	_ =	swait.ge [sflag:s21], $0x1900  }
0x64: {  	[sflag:s21] =	ssyncset.done $0x0  }
0x65: {  	s9 =	simm.s32 $0x5210;
	[sflag:s21] =	ssyncadd.s32 $0xFFFFE700  }
0x66: {  	[spmem:s2] =	stream.indirect.scatter.add.f32 [tilespmem:s25], [sflag:$0x8], $0x40, s9, s19, $0xb8;
	[tilespmem:$0x1D180] =	vst v63  }
0x67: {  	_ =	swait.ge [sflag:s23], $0x1900  }
0x68: {  	[sflag:s23] =	ssyncset.done $0x0  }
0x69: {  	s8 =	simm.s32 $0x2D8;
	[sflag:s23] =	ssyncadd.s32 $0xFFFFE700  }
0x6a: {  	[tilespmem:s25], [sflag:$0x3] =	stream.indirect.gather [hbm4b:s14+s19], $0x40, s8, s19, $0xb8;
	[tilespmem:$0x1D180] =	vst v63  }
0x6b: {  	_ =	swait.ge [sflag:s26], $0x1900  }
0x6c: {  	[sflag:s26] =	ssyncset.done $0x0  }
0x6d: {  	s9 =	simm.s32 $0x5278;
	[sflag:s26] =	ssyncadd.s32 $0xFFFFE700  }
0x6e: {  	[spmem:s2] =	stream.indirect.scatter.add.f32 [tilespmem:s28], [sflag:$0x9], $0x40, s9, s19, $0xb8;
	[tilespmem:$0x1D180] =	vst v63  }
0x6f: {  	_ =	swait.ge [sflag:s29], $0x1900  }
0x70: {  	[sflag:s29] =	ssyncset.done $0x0  }
0x71: {  	s8 =	simm.s32 $0x340;
	[sflag:s29] =	ssyncadd.s32 $0xFFFFE700  }
0x72: {  	[tilespmem:s28], [sflag:$0x4] =	stream.indirect.gather [hbm4b:s14+s19], $0x40, s8, s19, $0xb8;
	[tilespmem:$0x1D180] =	vst v63  }
0x73: {  	_ =	swait.ge [sflag:s4], $0x1900  }
0x74: {  	[sflag:s4] =	ssyncset.done $0x0  }
0x75: {  	s9 =	simm.s32 $0x52E0;
	[sflag:s4] =	ssyncadd.s32 $0xFFFFE700  }
0x76: {  	[spmem:s2] =	stream.indirect.scatter.add.f32 [tilespmem:s30], [sflag:$0xA], $0x40, s9, s19, $0xb8;
	[tilespmem:$0x1D180] =	vst v63  }
0x77: {  	_ =	swait.ge [sflag:s5], $0x1900  }
0x78: {  	[sflag:s5] =	ssyncset.done $0x0  }
0x79: {  	s7 =	simm.s32 $0x820;
	s8 =	simm.s32 $0x3A8;
	[sflag:s5] =	ssyncadd.s32 $0xFFFFE700  }
.LBB2_4:
0x7a: {  	[tilespmem:s30], [sflag:$0x5] =	stream.indirect.gather [hbm4b:s14+s19], $0x40, s8, s19, $0xb8;
	[tilespmem:$0x1D180] =	vst v63  }
0x7b: {  	s8 =	smov.u32 s7  }
0x7c: {  	p0 =	sne.s32 s7, $0x134C0;
	s7 =	sadd.s32 $0x820, s7;
	_ =	swait.ge [sflag:s31], $0x1900  }
0x7d: {  	s8 =	sshra.s32 s8, $0x2;
	[sflag:s31] =	ssyncset.done $0x0  }
0x7e: {  	s9 =	sadd.s32 $0x5140, s8;
	[sflag:s31] =	ssyncadd.s32 $0xFFFFE700  }
0x7f: {  	[spmem:s2] =	stream.indirect.scatter.add.f32 [tilespmem:s20], [sflag:$0x6], $0x40, s9, s19, $0xb8;
	[tilespmem:$0x1D180] =	vst v63  }
0x80: {  	_ =	swait.ge [sflag:s0], $0x1900  }
0x81: {  	[sflag:s0] =	ssyncset.done $0x0  }
0x82: {  	s9 =	sadd.s32 $0x208, s8;
	[sflag:s0] =	ssyncadd.s32 $0xFFFFE700  }
0x83: {  	[tilespmem:s20], [sflag:$0x1] =	stream.indirect.gather [hbm4b:s14+s19], $0x40, s9, s19, $0xb8;
	[tilespmem:$0x1D180] =	vst v63  }
0x84: {  	_ =	swait.ge [sflag:s17], $0x1900  }
0x85: {  	[sflag:s17] =	ssyncset.done $0x0  }
0x86: {  	s9 =	sadd.s32 $0x51A8, s8;
	[sflag:s17] =	ssyncadd.s32 $0xFFFFE700  }
0x87: {  	[spmem:s2] =	stream.indirect.scatter.add.f32 [tilespmem:s22], [sflag:$0x7], $0x40, s9, s19, $0xb8;
	[tilespmem:$0x1D180] =	vst v63  }
0x88: {  	_ =	swait.ge [sflag:s1], $0x1900  }
0x89: {  	[sflag:s1] =	ssyncset.done $0x0  }
0x8a: {  	s9 =	sadd.s32 $0x270, s8;
	[sflag:s1] =	ssyncadd.s32 $0xFFFFE700  }
0x8b: {  	[tilespmem:s22], [sflag:$0x2] =	stream.indirect.gather [hbm4b:s14+s19], $0x40, s9, s19, $0xb8;
	[tilespmem:$0x1D180] =	vst v63  }
0x8c: {  	_ =	swait.ge [sflag:s21], $0x1900  }
0x8d: {  	[sflag:s21] =	ssyncset.done $0x0  }
0x8e: {  	s9 =	sadd.s32 $0x5210, s8;
	[sflag:s21] =	ssyncadd.s32 $0xFFFFE700  }
0x8f: {  	[spmem:s2] =	stream.indirect.scatter.add.f32 [tilespmem:s25], [sflag:$0x8], $0x40, s9, s19, $0xb8;
	[tilespmem:$0x1D180] =	vst v63  }
0x90: {  	_ =	swait.ge [sflag:s23], $0x1900  }
0x91: {  	[sflag:s23] =	ssyncset.done $0x0  }
0x92: {  	s9 =	sadd.s32 $0x2D8, s8;
	[sflag:s23] =	ssyncadd.s32 $0xFFFFE700  }
0x93: {  	[tilespmem:s25], [sflag:$0x3] =	stream.indirect.gather [hbm4b:s14+s19], $0x40, s9, s19, $0xb8;
	[tilespmem:$0x1D180] =	vst v63  }
0x94: {  	_ =	swait.ge [sflag:s26], $0x1900  }
0x95: {  	[sflag:s26] =	ssyncset.done $0x0  }
0x96: {  	s9 =	sadd.s32 $0x5278, s8;
	[sflag:s26] =	ssyncadd.s32 $0xFFFFE700  }
0x97: {  	[spmem:s2] =	stream.indirect.scatter.add.f32 [tilespmem:s28], [sflag:$0x9], $0x40, s9, s19, $0xb8;
	[tilespmem:$0x1D180] =	vst v63  }
0x98: {  	_ =	swait.ge [sflag:s29], $0x1900  }
0x99: {  	[sflag:s29] =	ssyncset.done $0x0  }
0x9a: {  	s9 =	sadd.s32 $0x340, s8;
	[sflag:s29] =	ssyncadd.s32 $0xFFFFE700  }
0x9b: {  	[tilespmem:s28], [sflag:$0x4] =	stream.indirect.gather [hbm4b:s14+s19], $0x40, s9, s19, $0xb8;
	[tilespmem:$0x1D180] =	vst v63  }
0x9c: {  	_ =	swait.ge [sflag:s4], $0x1900  }
0x9d: {  	[sflag:s4] =	ssyncset.done $0x0  }
.Ltmp1:
0x9e: {  	s9 =	sadd.s32 $0x52E0, s8;
	[sflag:s4] =	ssyncadd.s32 $0xFFFFE700;
	(pc) =	sbr.rel @p0 .LBB2_4-.Ltmp1, $4  }
0x9f: {  	[spmem:s2] =	stream.indirect.scatter.add.f32 [tilespmem:s30], [sflag:$0xA], $0x40, s9, s19, $0xb8;
	[tilespmem:$0x1D180] =	vst v63  }
0xa0: {  	_ =	swait.ge [sflag:s5], $0x1900  }
0xa1: {  	[sflag:s5] =	ssyncset.done $0x0  }
0xa2: {  	s8 =	sadd.s32 $0x3A8, s8;
	[sflag:s5] =	ssyncadd.s32 $0xFFFFE700  }
0xa3: {  	[tilespmem:s30], [sflag:$0x5] =	stream.indirect.gather [hbm4b:s14+s19], $0x40, s8, s19, $0xb8;
	[tilespmem:$0x1D180] =	vst v63  }
0xa4: {  	_ =	swait.ge [sflag:s31], $0x1900  }
0xa5: {  	[sflag:s31] =	ssyncset.done $0x0  }
0xa6: {  	s7 =	simm.s32 $0xA078;
	[sflag:s31] =	ssyncadd.s32 $0xFFFFE700  }
0xa7: {  	[spmem:s2] =	stream.indirect.scatter.add.f32 [tilespmem:s20], [sflag:$0x6], $0x40, s7, s19, $0xb8;
	[tilespmem:$0x1D180] =	vst v63  }
0xa8: {  	_ =	swait.ge [sflag:s17], $0x1900  }
0xa9: {  	[sflag:s17] =	ssyncset.done $0x0  }
0xaa: {  	s8 =	simm.s32 $0xA0E0;
	[sflag:s17] =	ssyncadd.s32 $0xFFFFE700  }
0xab: {  	[spmem:s2] =	stream.indirect.scatter.add.f32 [tilespmem:s22], [sflag:$0x7], $0x40, s8, s19, $0xb8;
	[tilespmem:$0x1D180] =	vst v63  }
0xac: {  	_ =	swait.ge [sflag:s21], $0x1900  }
0xad: {  	[sflag:s21] =	ssyncset.done $0x0  }
0xae: {  	s9 =	simm.s32 $0xA148;
	[sflag:s21] =	ssyncadd.s32 $0xFFFFE700  }
0xaf: {  	[spmem:s2] =	stream.indirect.scatter.add.f32 [tilespmem:s25], [sflag:$0x8], $0x40, s9, s19, $0xb8;
	[tilespmem:$0x1D180] =	vst v63  }
0xb0: {  	_ =	swait.ge [sflag:s26], $0x1900  }
0xb1: {  	[sflag:s26] =	ssyncset.done $0x0  }
0xb2: {  	s8 =	simm.s32 $0xA1B0;
	[sflag:s26] =	ssyncadd.s32 $0xFFFFE700  }
0xb3: {  	[spmem:s2] =	stream.indirect.scatter.add.f32 [tilespmem:s28], [sflag:$0x9], $0x40, s8, s19, $0xb8;
	[tilespmem:$0x1D180] =	vst v63  }
0xb4: {  	_ =	swait.ge [sflag:s4], $0x1900  }
0xb5: {  	[sflag:s4] =	ssyncset.done $0x0  }
0xb6: {  	s9 =	simm.s32 $0xA218;
	[sflag:s4] =	ssyncadd.s32 $0xFFFFE700  }
0xb7: {  	[spmem:s2] =	stream.indirect.scatter.add.f32 [tilespmem:s30], [sflag:$0xA], $0x40, s9, s19, $0xb8;
	[tilespmem:$0x1D180] =	vst v63  }
0xb8: {  	_ =	swait.ge [sflag:s0], $0x1900  }
0xb9: {  	[sflag:s0] =	ssyncset.done $0x0  }
0xba: {  	[sflag:s0] =	ssyncadd.s32 $0xFFFFE700  }
0xbb: {  	_ =	swait.ge [sflag:s1], $0x1900  }
0xbc: {  	[sflag:s1] =	ssyncset.done $0x0  }
0xbd: {  	[sflag:s1] =	ssyncadd.s32 $0xFFFFE700  }
0xbe: {  	_ =	swait.ge [sflag:s23], $0x1900  }
0xbf: {  	[sflag:s23] =	ssyncset.done $0x0  }
0xc0: {  	[sflag:s23] =	ssyncadd.s32 $0xFFFFE700  }
0xc1: {  	_ =	swait.ge [sflag:s29], $0x1900  }
0xc2: {  	[sflag:s29] =	ssyncset.done $0x0  }
0xc3: {  	[sflag:s29] =	ssyncadd.s32 $0xFFFFE700  }
0xc4: {  	s8 =	stileid.u32;
	_ =	swait.ge [sflag:s5], $0x1900  }
0xc5: {  	s3 =	sadd.s32 $0x1, s3;
	s7 =	sshll.u32 s8, $0x6;
	[sflag:s5] =	ssyncset.done $0x0  }
0xc6: {  	p0 =	sne.s32 s3, s15;
	s7 =	sor.u32 $0x1C0B, s7;
	[sflag:s5] =	ssyncadd.s32 $0xFFFFE700  }
.Ltmp2:
0xc7: {  	s9 =	sshrl.u32 s6, $0x3;
	[bflag:$0x0] =	sbarrier.arrive $0xFFFF;
	(pc) =	sbr.rel @p0 .LBB2_1-.Ltmp2, $4  }
0xc8: {  	[hbm:s24], [sflag:s7] =	dma.local [spmem:s9], $0x13C0  }
0xc9: {  	_ =	swait.ge [sflag:s16], $0x13C0  }
0xca: {  	[sflag:s16] =	ssyncset.done $0x0  }
0xcb: {  	[sflag:s16] =	ssyncadd.s32 $0xFFFFEC40  }
0xcc: {  	_ =	sfence.sel $0x180000  }
0xcd: {  	[bflag:$0x0] =	sbarrier.arrive $0xFFFF  }
0xce: {  	_ =	strace $0x9000004A  }
0xcf: {  	s0 =	stileid.u32;
	[bflag:$0x2] =	sbarrier.arrive $0xFFFF  }
0xd0: {  	p0 =	sne.s32 s0, $0x0;
	s0 =	rddreg [dreg:$0x3]  }
0xd1: {  	s0 =	sadd.s32 @!p0 $0x100000, s0  }
0xd2: {  	[sflag:s0] =	ssyncadd.tile.s32 @!p0 $0x1;
	_ =	shalt  }
.Lfunc_end2:
_tile_overlayer_lowered:
.L_overlay_start_2:
0xd3: {  	(tag) =	ssettag $0x2  }
0xd4: {  	s0 =	rddreg [dreg:$0x0];
	s2 =	stileid.u32  }
0xd5: {  	s1 =	rddreg [dreg:$0x1];
	p0 =	sne.s32 s2, $0x0  }
0xd6: {  	s3 =	rddreg [dreg:$0x2];
	[bflag:$0x3] =	sbarrier.arrive $0xFFFF;
	s2 =	simm.s32 @!p0 $0x1C0B  }
0xd7: {  	[timem:s3], [sflag:s2] =	dma.local @!p0 [hbm:s0], s1  }
0xd8: {  	s0 =	simm.s32 @!p0 $0xB  }
0xd9: {  	_ =	swait.ge @!p0 [sflag:s0], s1  }
0xda: {  	s1 =	ssub.s32 @!p0 $0x0, s1;
	[sflag:s0] =	ssyncset.done @!p0 $0x0  }
0xdb: {  	[sflag:s0] =	ssyncadd.s32 @!p0 s1  }
0xdc: {  	[bflag:$0x3] =	sbarrier.arrive $0xFFFF  }
0xdd: {  	_ =	shalt  }

// kernel: kernel.14.cloned.1.call-start
scs
__scs_entry_jumppad:
0x0: {  	(pc) =	sbr.rel $0x88, $3  }
0x1: {  	(tag) =	ssettag $0x0;
	lr =	simm.s32 $0x1  }
0x2: {  	[smem:$0x3F9A] =	sst lr;
	_ =	strace $0xD0000000  }
0x3: {  	_ = 	snop  }
0x4: {  	_ = 	snop  }
0x5: {  	_ = 	snop  }
0x6: {  	_ = 	snop  }
0x7: {  	_ = 	snop  }
__scs_overlays_trampoline_lowered:
0x8: {  	[smem:$0x3FA9] =	sst s0  }
0x9: {  	[smem:$0x3FAA] =	sst s1  }
0xa: {  	[smem:$0x3FAB] =	sst s2  }
0xb: {  	[smem:$0x3FAC] =	sst s3  }
0xc: {  	[smem:$0x3FAD] =	sst s4  }
0xd: {  	[smem:$0x3FAE] =	sst s5  }
0xe: {  	[smem:$0x3FAF] =	sst s6  }
0xf: {  	[smem:$0x3FB0] =	sst s7  }
0x10: {  	[smem:$0x3FB1] =	sst s8  }
0x11: {  	[smem:$0x3FB2] =	sst s9;
	s0 =	simm.s32 @!p0 $0x0  }
0x12: {  	s1 =	sld [smem:$0x3F98];
	s0 =	simm.s32 @p0 $0x1  }
0x13: {  	[smem:$0x3FB3] =	sst s0;
	s0 =	simm.s32 @!p1 $0x0  }
0x14: {  	s2 =	sld [smem:$0x3F97];
	s0 =	simm.s32 @p1 $0x1  }
0x15: {  	[smem:$0x3FB4] =	sst s0;
	s0 =	simm.s32 @!p2 $0x0  }
0x16: {  	s3 =	sld [smem:$0x3FDB];
	s0 =	simm.s32 @p2 $0x1  }
0x17: {  	s4 =	simm.s32 $0x1BF5;
	[smem:$0x3FB6] =	sst s0  }
0x18: {  	s0 =	sld [smem:$0x3F99];
	_ =	swait.ge [sflag:s4], $0x0  }
0x19: {  	s7 =	sld [smem:$0x3F9A]  }
0x1a: {  	s8 =	sadd.s32 $0xFFFFE003, lr  }
0x1b: {  	s9 =	sadd.s32 $0xFFFFFEF7, lr;
	s5 =	simm.s32 $0xFFFFFFFF;
	p2 =	slt.u32 s8, $0xFFFFF086  }
0x1c: {  	p1 =	slt.u32 s9, $0xF7A;
	s5 =	simm.s32 @!p2 $0x0  }
0x1d: {  	s5 =	simm.s32 @p1 $0x1;
	p0 =	seq.s32 s7, s2  }
0x1e: {  	s7 =	smul.u32 @!p0 $0xF7A, s2;
	p2 =	seq.s32 @!p0 s5, $0x0  }
0x1f: {  	s9 =	smul.u32 $0xF7A, s1;
	s8 =	simm.s32 @!p0 $0x1BF5;
	p2 =	por !p2, p0  }
0x20: {  	[sflag:s8] =	ssyncset.s32 @!p0 $0xFFFFF086;
	s6 =	sadd.s32 @!p0 s3, s7;
	s7 =	simm.s32 @!p0 $0x108  }
0x21: {  	s3 =	sadd.s32 s3, s9;
	s6 =	sadd.s32 @!p0 $0x88, s6;
	s7 =	simm.s32 @p2 $0x1082  }
0x22: {  	[simem:s7], [sflag:s8] =	dma.local @!p0 [hbm:s6], $0xF7A  }
0x23: {  	s9 =	sor.u32 $0xD0000000, s2;
	s6 =	simm.s32 $0x108;
	_ =	swait.ge @!p0 [sflag:s8], $0x0  }
0x24: {  	s3 =	sadd.s32 $0x88, s3;
	s6 =	simm.s32 @!p1 $0x1082;
	[sflag:s4] =	ssyncset.s32 $0xFFFFF086  }
0x25: {  	[simem:s6], [sflag:s4] =	dma.local [hbm:s3], $0xF7A  }
0x26: {  	[smem:$0x3F9A] =	sst s1;
	(tag) =	ssettag s2;
	_ =	strace s9  }
0x27: {  	s1 =	sld [smem:$0x3FAA]  }
0x28: {  	s2 =	sld [smem:$0x3FAB]  }
0x29: {  	s4 =	sld [smem:$0x3FAD]  }
0x2a: {  	p0 =	seq.s32 s5, $0x0;
	s5 =	sld [smem:$0x3FAE]  }
0x2b: {  	s6 =	sld [smem:$0x3FAF]  }
0x2c: {  	s7 =	sld [smem:$0x3FB0]  }
0x2d: {  	s3 =	simm.s32 $0x108;
	s8 =	sld [smem:$0x3FB1]  }
0x2e: {  	s3 =	simm.s32 @!p0 $0x1082;
	s9 =	sld [smem:$0x3FB2]  }
0x2f: {  	lr =	sadd.s32 s0, s3;
	s0 =	sld [smem:$0x3FA9]  }
0x30: {  	s3 =	sld [smem:$0x3FAC]  }
0x31: {  	[smem:$0x3FB5] =	sst s10  }
0x32: {  	s10 =	sld [smem:$0x3FB3];
	_ =	sdelay $0x3  }
0x33: {  	p0 =	seq.s32 s10, $0x1;
	s10 =	sld [smem:$0x3FB5];
	_ =	sdelay $0x3  }
0x34: {  	[smem:$0x3FB5] =	sst s10  }
0x35: {  	s10 =	sld [smem:$0x3FB4];
	_ =	sdelay $0x3  }
0x36: {  	p1 =	seq.s32 s10, $0x1;
	s10 =	sld [smem:$0x3FB5];
	_ =	sdelay $0x3  }
0x37: {  	[smem:$0x3FB5] =	sst s10  }
0x38: {  	s10 =	sld [smem:$0x3FB6]  }
0x39: {  	_ = 	snop;
	(pc) =	sbr.ind lr, $3  }
0x3a: {  	_ = 	snop  }
0x3b: {  	_ = 	snop  }
0x3c: {  	p2 =	seq.s32 s10, $0x1;
	s10 =	sld [smem:$0x3FB5]  }
0x3d: {  	_ =	shalt  }
0x3e: {  	_ =	shalt  }
0x3f: {  	_ =	shalt  }
0x40: {  	_ =	shalt  }
0x41: {  	_ =	shalt  }
0x42: {  	_ =	shalt  }
0x43: {  	_ =	shalt  }
0x44: {  	_ =	shalt  }
0x45: {  	_ =	shalt  }
0x46: {  	_ =	shalt  }
0x47: {  	_ =	shalt  }
0x48: {  	_ =	shalt  }
0x49: {  	_ =	shalt  }
0x4a: {  	_ =	shalt  }
0x4b: {  	_ =	shalt  }
0x4c: {  	_ =	shalt  }
0x4d: {  	_ =	shalt  }
0x4e: {  	_ =	shalt  }
0x4f: {  	_ =	shalt  }
0x50: {  	_ =	shalt  }
0x51: {  	_ =	shalt  }
0x52: {  	_ =	shalt  }
0x53: {  	_ =	shalt  }
0x54: {  	_ =	shalt  }
0x55: {  	_ =	shalt  }
0x56: {  	_ =	shalt  }
0x57: {  	_ =	shalt  }
0x58: {  	_ =	shalt  }
0x59: {  	_ =	shalt  }
0x5a: {  	_ =	shalt  }
0x5b: {  	_ =	shalt  }
0x5c: {  	_ =	shalt  }
0x5d: {  	_ =	shalt  }
0x5e: {  	_ =	shalt  }
0x5f: {  	_ =	shalt  }
0x60: {  	_ =	shalt  }
0x61: {  	_ =	shalt  }
0x62: {  	_ =	shalt  }
0x63: {  	_ =	shalt  }
0x64: {  	_ =	shalt  }
0x65: {  	_ =	shalt  }
0x66: {  	_ =	shalt  }
0x67: {  	_ =	shalt  }
0x68: {  	_ =	shalt  }
0x69: {  	_ =	shalt  }
0x6a: {  	_ =	shalt  }
0x6b: {  	_ =	shalt  }
0x6c: {  	_ =	shalt  }
0x6d: {  	_ =	shalt  }
0x6e: {  	_ =	shalt  }
0x6f: {  	_ =	shalt  }
0x70: {  	_ =	shalt  }
0x71: {  	_ =	shalt  }
0x72: {  	_ =	shalt  }
0x73: {  	_ =	shalt  }
0x74: {  	_ =	shalt  }
0x75: {  	_ =	shalt  }
0x76: {  	_ =	shalt  }
0x77: {  	_ =	shalt  }
0x78: {  	_ =	shalt  }
0x79: {  	_ =	shalt  }
0x7a: {  	_ =	shalt  }
0x7b: {  	_ =	shalt  }
0x7c: {  	_ =	shalt  }
0x7d: {  	_ =	shalt  }
0x7e: {  	_ =	shalt  }
0x7f: {  	_ =	shalt  }
0x80: {  	_ =	shalt  }
0x81: {  	_ =	shalt  }
0x82: {  	_ =	shalt  }
0x83: {  	_ =	shalt  }
0x84: {  	_ =	shalt  }
0x85: {  	_ =	shalt  }
0x86: {  	_ =	shalt  }
0x87: {  	_ =	shalt  }
.Lfunc_end0:
.L_simem_size_0:
called_computation.2_lowered:
.L_overlay_start_0:
0x88: {  	s2 =	sld [smem:$0x3FD9]  }
0x89: {  	s3 =	sld [smem:$0x3FFE];
	_ =	sdelay $0x1  }
0x8a: {  	s1 =	srdreg.scid  }
0x8b: {  	s0 =	sand.u32 $0x1, s1  }
0x8c: {  	s17 =	sshll.u32 s0, $0xA;
	s2 =	sadd.s32 s3, s2  }
0x8d: {  	s2 =	sadd.s32 s2, s17  }
0x8e: {  	[smem:$0x3FC1] =	sst s2  }
0x8f: {  	_ = 	snop  }
0x90: {  	s2 =	sld [smem:$0x3FD0];
	(tm) =	ssettm $0x1  }
0x91: {  	s18 =	sld [smem:$0x3FFB];
	_ =	sdelay $0x3  }
0x92: {  	_ =	strace s18  }
0x93: {  	s3 =	sld [smem:$0x3FFC];
	_ =	sdelay $0x3  }
0x94: {  	_ =	strace s3  }
0x95: {  	s3 =	sld [smem:$0x3FFD];
	_ =	sdelay $0x3  }
0x96: {  	_ =	strace s3  }
0x97: {  	_ =	strace $0x8FFFFFFF  }
0x98: {  	s19 =	sld [smem:$0x3FDB];
	_ =	sdelay $0x1  }
0x99: {  	s4 =	simm.s32 $_scs_section_size  }
0x9a: {  	s5 =	simm.s32 $_size__tile_overlayer_lowered;
	s6 =	simm.s32 $_tile_overlayer_lowered  }
0x9b: {  	s22 =	simm.s32 $0x1BFF;
	s21 =	sshll.u32 s6, $0x1;
	s3 =	sadd.s32 s4, s19  }
0x9c: {  	s7 =	simm.s32 $0x0;
	s20 =	sshll.u32 s5, $0x1;
	s5 =	sadd.s32 s21, s3  }
0x9d: {  	[timem:s7], [sflag:s22] =	dma.local [hbm:s5], s20  }
0x9e: {  	_ =	swait.ge [sflag:s22], s20  }
0x9f: {  	s4 =	ssub.s32 $0x0, s20;
	[sflag:s22] =	ssyncset.done $0x0  }
0xa0: {  	[sflag:s22] =	ssyncadd.s32 s4;
	_ =	sdelay $0x1  }
0xa1: {  	s23 =	simm.s32 $0x1B8B  }
0xa2: {  	_ =	swait.ge [sflag:s23], $0x1  }
0xa3: {  	[sflag:s23] =	ssyncset.done $0x0  }
0xa4: {  	s25 =	simm.s32 $0x1B8E;
	s24 =	sld [smem:$0x3FFE];
	[sflag:s23] =	ssyncadd.s32 $0xFFFFFFFF  }
0xa5: {  	s26 =	simm.s32 $execute0_lowered;
	[smem:$0x3FD2] =	sst s25  }
0xa6: {  	s5 =	sshll.u32 s26, $0x1;
	_ =	strace $0x8000004C;
	[dreg:$0x1] =	wrdreg $0xFFFFFFFF  }
0xa7: {  	s28 =	simm.s32 $_size_execute0_lowered;
	s3 =	sadd.s32 s3, s5;
	[dreg:$0x0] =	wrdreg $0x0  }
0xa8: {  	s5 =	sshll.u32 s28, $0x1;
	[dreg:$0x2] =	wrdreg s3  }
0xa9: {  	[dreg:$0x3] =	wrdreg s5  }
0xaa: {  	[dreg:$0x4] =	wrdreg $0xC0  }
0xab: {  	_ =	task [dreg:s7], $0x5FFFF  }
0xac: {  	[dreg:$0x1] =	wrdreg $0xFFFFFFFF  }
0xad: {  	[dreg:$0x0] =	wrdreg $0x60  }
0xae: {  	[dreg:$0x2] =	wrdreg s2  }
0xaf: {  	[dreg:$0x3] =	wrdreg s24  }
0xb0: {  	[dreg:$0x4] =	wrdreg $0x133800  }
0xb1: {  	[dreg:$0x5] =	wrdreg $0x9  }
0xb2: {  	_ =	task.clear_ibuf [dreg:s7], $0x6FFFF;
	_ =	strace $0x9000004C  }
0xb3: {  	s29 =	simm.s32 $0x9;
	_ =	strace $0x8000004E  }
0xb4: {  	_ =	swait.ge [sflag:s29], $0x1  }
0xb5: {  	[sflag:s29] =	ssyncadd.s32 $0xFFFFFFFF  }
0xb6: {  	_ =	strace $0x9000004E  }
0xb7: {  	_ =	sfence  }
0xb8: {  	s30 =	sld [smem:$0x0];
	_ =	sdelay $0x2  }
0xb9: {  	s31 =	sshll.u32 s1, $0xD;
	s1 =	sshrl.u32 s1, $0x2  }
0xba: {  	s3 =	sand.u32 $0x4000, s31;
	s1 =	sadd.s32 s1, s30  }
0xbb: {  	s0 =	sor.u32 s3, s0;
	s1 =	sshll.u32 s1, $0x11  }
0xbc: {  	s0 =	sor.u32 s1, s0  }
0xbd: {  	s0 =	sadd.s32 $0x8F2B, s0  }
0xbe: {  	[sflag:s0] =	ssyncadd.remote.s32 $0x1  }
0xbf: {  	_ =	sfence.sel $0xFFFF  }
0xc0: {  	[dreg:$0x0] =	wrdreg $0xFFFFFFFF;
	(pc) =	sbr.abs _section_cstart, $3  }
0xc1: {  	[dreg:$0x1] =	wrdreg $0xFFFFFFFF  }
0xc2: {  	_ =	task.clear_ibuf [dreg:s7], $0x2FFFF;
	_ =	strace $0x9FFFFFFF  }
0xc3: {  	(tm) =	ssettm $0x7FFFFFFF  }
tec
execute0_lowered:
.L_overlay_start_1:
0x0: {  	(tag) =	ssettag $0x1  }
0x1: {  	s0 =	rddreg [dreg:$0x0]  }
0x2: {  	s1 =	rddreg [dreg:$0x1]  }
0x3: {  	s2 =	rddreg [dreg:$0x2]  }
0x4: {  	s9 =	stileid.u32;
	s4 =	srdreg.scid  }
0x5: {  	s3 =	simm.s32 $0x0;
	s16 =	simm.s32 $0xB;
	s28 =	simm.s32 $0xED80  }
0x6: {  	s30 =	simm.s32 $0x10680;
	s31 =	simm.s32 $0x1;
	s5 =	smul.u32 $0xA28, s9  }
0x7: {  	s17 =	simm.s32 $0x2;
	s29 =	simm.s32 $0x9;
	s8 =	smul.u32 $0x27800, s9  }
0x8: {  	s4 =	sand.u32 $0x1, s4;
	[smem:$0x7FF] =	sst s3;
	s15 =	smul.u32 $0x9E00, s9  }
0x9: {  	s6 =	smul.u32 $0x13C00, s4;
	_ =	strace $0x8000004D;
	s7 =	ssub.s32 $0x2, s4  }
0xa: {  	s4 =	smul.u32 $0x13880, s4;
	s5 =	sadd.s32 s5, s1;
	s18 =	sshrl.u32 s7, $0x1  }
0xb: {  	s19 =	sshrl.u32 s8, $0x2;
	s26 =	sshrl.u32 s15, $0x3;
	s1 =	sadd.s32 s6, s1  }
0xc: {  	s7 =	ssub.s32 s7, s18;
	s20 =	sadd.s32 $0xB200, s5;
	s5 =	sadd.s32 $0x15600, s5  }
0xd: {  	s21 =	sadd.s32 s19, s2;
	s6 =	sadd.s32 s15, s2;
	s14 =	sadd.s32 s0, s4  }
0xe: {  	s18 =	simm.s32 $0x11F80;
	s19 =	simm.s32 $0x64;
	[dreg:$0x4] =	wrdreg s20  }
0xf: {  	s0 =	simm.s32 $0x6;
	s4 =	simm.s32 $0x5;
	[dreg:$0x5] =	wrdreg s5  }
0x10: {  	s22 =	sadd.s32 $0x1400, s21;
	s23 =	sadd.s32 $0x2800, s21;
	s24 =	sadd.s32 $0x3C00, s21  }
0x11: {  	s10 =	sadd.s32 $0x5000, s21;
	s11 =	sadd.s32 $0x6400, s21;
	s12 =	sadd.s32 $0x7800, s21  }
0x12: {  	s13 =	sadd.s32 $0x8C00, s21;
	s25 =	sadd.s32 $0x6EA00, s1;
	s15 =	smax.u32 s7, $0x1  }
0x13: {  	s20 =	simm.s32 $0xA280;
	s1 =	simm.s32 $0x7;
	[dreg:$0x6] =	wrdreg s22  }
0x14: {  	s21 =	simm.s32 $0x3;
	s5 =	simm.s32 $0xA;
	[dreg:$0x7] =	wrdreg s23  }
0x15: {  	[dreg:$0x8] =	wrdreg s24;
	s22 =	simm.s32 $0xBB80;
	s24 =	sadd.s32 s26, s25  }
0x16: {  	v0 =	vimm.f32 $0.0e+00;
	s25 =	simm.s32 $0xD480;
	s23 =	simm.s32 $0x8;
	s26 =	simm.s32 $0x4  }
.LBB2_1:
0x17: {  	s8 =	simm.s32 $0x100;
	s7 =	simm.s32 $0x0  }
.LBB2_2:
0x18: {  	p0 =	sne.s32 s8, $0x4F00;
	[tilespmem:s7+$0x11FB0] =	vst v0;
	s9 =	smov.u32 s8;
	s8 =	sadd.s32 $0x100, s8  }
.Ltmp0:
0x19: {  	[tilespmem:s7+$0x11FA0] =	vst v0;
	(pc) =	sbr.rel @p0 .LBB2_2-.Ltmp0, $3  }
0x1a: {  	[tilespmem:s7+$0x11F80] =	vst v0  }
0x1b: {  	[tilespmem:s7+$0x11F90] =	vst v0;
	_ =	sdelay $0x1  }
0x1c: {  	s7 =	sshra.s32 s9, $0x2  }
0x1d: {  	[tilespmem:s7+$0x11FB0] =	vst v0  }
0x1e: {  	[tilespmem:s7+$0x11FA0] =	vst v0  }
0x1f: {  	[tilespmem:s7+$0x11F80] =	vst v0  }
0x20: {  	[tilespmem:s7+$0x11F90] =	vst v0;
	s7 =	simm.s32 $0x0;
	s8 =	rddreg [dreg:$0x4]  }
0x21: {  	[tilespmem:s7], [sflag:$0xB] =	stream.linear.gather [hbm4b:s8+s7], $0x5140, $0x38;
	[tilespmem:$0x1D180] =	vst v63  }
0x22: {  	_ =	swait.ge [sflag:s16], $0x5140  }
0x23: {  	[sflag:s16] =	ssyncset.done $0x0  }
0x24: {  	s9 =	simm.s32 $0x5140;
	s8 =	rddreg [dreg:$0x5];
	[sflag:s16] =	ssyncadd.s32 $0xFFFFAEC0  }
0x25: {  	[tilespmem:s9], [sflag:$0xB] =	stream.linear.gather [hbm4b:s8+s7], $0x5140, $0x38;
	[tilespmem:$0x1D180] =	vst v63  }
0x26: {  	_ =	swait.ge [sflag:s16], $0x5140  }
0x27: {  	[sflag:s16] =	ssyncset.done $0x0  }
0x28: {  	[sflag:s16] =	ssyncadd.s32 $0xFFFFAEC0  }
0x29: {  	[spmem:s6] =	stream.linear.scatter [tilespmem:s18], [sflag:$0xB], $0x1400, $0x38;
	[tilespmem:$0x1D180] =	vst v63  }
0x2a: {  	_ =	swait.ge [sflag:s16], $0x1400  }
0x2b: {  	[sflag:s16] =	ssyncset.done $0x0  }
0x2c: {  	s9 =	rddreg [dreg:$0x6];
	[sflag:s16] =	ssyncadd.s32 $0xFFFFEC00  }
0x2d: {  	[spmem:s9] =	stream.linear.scatter [tilespmem:s18], [sflag:$0xB], $0x1400, $0x38;
	[tilespmem:$0x1D180] =	vst v63  }
0x2e: {  	_ =	swait.ge [sflag:s16], $0x1400  }
0x2f: {  	[sflag:s16] =	ssyncset.done $0x0  }
0x30: {  	s9 =	rddreg [dreg:$0x7];
	[sflag:s16] =	ssyncadd.s32 $0xFFFFEC00  }
0x31: {  	[spmem:s9] =	stream.linear.scatter [tilespmem:s18], [sflag:$0xB], $0x1400, $0x38;
	[tilespmem:$0x1D180] =	vst v63  }
0x32: {  	_ =	swait.ge [sflag:s16], $0x1400  }
0x33: {  	[sflag:s16] =	ssyncset.done $0x0  }
0x34: {  	s9 =	rddreg [dreg:$0x8];
	[sflag:s16] =	ssyncadd.s32 $0xFFFFEC00  }
0x35: {  	[spmem:s9] =	stream.linear.scatter [tilespmem:s18], [sflag:$0xB], $0x1400, $0x38;
	[tilespmem:$0x1D180] =	vst v63  }
0x36: {  	_ =	swait.ge [sflag:s16], $0x1400  }
0x37: {  	[sflag:s16] =	ssyncset.done $0x0  }
0x38: {  	[sflag:s16] =	ssyncadd.s32 $0xFFFFEC00  }
0x39: {  	[spmem:s10] =	stream.linear.scatter [tilespmem:s18], [sflag:$0xB], $0x1400, $0x38;
	[tilespmem:$0x1D180] =	vst v63  }
0x3a: {  	_ =	swait.ge [sflag:s16], $0x1400  }
0x3b: {  	[sflag:s16] =	ssyncset.done $0x0  }
0x3c: {  	[sflag:s16] =	ssyncadd.s32 $0xFFFFEC00  }
0x3d: {  	[spmem:s11] =	stream.linear.scatter [tilespmem:s18], [sflag:$0xB], $0x1400, $0x38;
	[tilespmem:$0x1D180] =	vst v63  }
0x3e: {  	_ =	swait.ge [sflag:s16], $0x1400  }
0x3f: {  	[sflag:s16] =	ssyncset.done $0x0  }
0x40: {  	[sflag:s16] =	ssyncadd.s32 $0xFFFFEC00  }
0x41: {  	[spmem:s12] =	stream.linear.scatter [tilespmem:s18], [sflag:$0xB], $0x1400, $0x38;
	[tilespmem:$0x1D180] =	vst v63  }
0x42: {  	_ =	swait.ge [sflag:s16], $0x1400  }
0x43: {  	[sflag:s16] =	ssyncset.done $0x0  }
0x44: {  	[sflag:s16] =	ssyncadd.s32 $0xFFFFEC00  }
0x45: {  	[spmem:s13] =	stream.linear.scatter [tilespmem:s18], [sflag:$0xB], $0x1200, $0x38;
	[tilespmem:$0x1D180] =	vst v63  }
0x46: {  	_ =	swait.ge [sflag:s16], $0x1200  }
0x47: {  	[sflag:s16] =	ssyncset.done $0x0  }
0x48: {  	[sflag:s16] =	ssyncadd.s32 $0xFFFFEE00  }
0x49: {  	[bflag:$0x0] =	sbarrier.arrive $0xFFFF  }
0x4a: {  	[tilespmem:s20], [sflag:$0x1] =	stream.indirect.gather [hbm4b:s14+s19], $0x40, s7, s19, $0xb8;
	[tilespmem:$0x1D180] =	vst v63  }
0x4b: {  	s9 =	simm.s32 $0x68  }
0x4c: {  	[tilespmem:s22], [sflag:$0x2] =	stream.indirect.gather [hbm4b:s14+s19], $0x40, s9, s19, $0xb8;
	[tilespmem:$0x1D180] =	vst v63  }
0x4d: {  	s8 =	simm.s32 $0xD0  }
0x4e: {  	[tilespmem:s25], [sflag:$0x3] =	stream.indirect.gather [hbm4b:s14+s19], $0x40, s8, s19, $0xb8;
	[tilespmem:$0x1D180] =	vst v63  }
0x4f: {  	s9 =	simm.s32 $0x138  }
0x50: {  	[tilespmem:s28], [sflag:$0x4] =	stream.indirect.gather [hbm4b:s14+s19], $0x40, s9, s19, $0xb8;
	[tilespmem:$0x1D180] =	vst v63  }
0x51: {  	s8 =	simm.s32 $0x1A0  }
0x52: {  	[tilespmem:s30], [sflag:$0x5] =	stream.indirect.gather [hbm4b:s14+s19], $0x40, s8, s19, $0xb8;
	[tilespmem:$0x1D180] =	vst v63  }
0x53: {  	_ =	swait.ge [sflag:s31], $0x1900  }
0x54: {  	[sflag:s31] =	ssyncset.done $0x0  }
0x55: {  	s9 =	simm.s32 $0x5140;
	[sflag:s31] =	ssyncadd.s32 $0xFFFFE700  }
0x56: {  	[spmem:s2] =	stream.indirect.scatter.add.f32 [tilespmem:s20], [sflag:$0x6], $0x40, s9, s19, $0xb8;
	[tilespmem:$0x1D180] =	vst v63  }
0x57: {  	_ =	swait.ge [sflag:s0], $0x1900  }
0x58: {  	[sflag:s0] =	ssyncset.done $0x0  }
0x59: {  	s8 =	simm.s32 $0x208;
	[sflag:s0] =	ssyncadd.s32 $0xFFFFE700  }
0x5a: {  	[tilespmem:s20], [sflag:$0x1] =	stream.indirect.gather [hbm4b:s14+s19], $0x40, s8, s19, $0xb8;
	[tilespmem:$0x1D180] =	vst v63  }
0x5b: {  	_ =	swait.ge [sflag:s17], $0x1900  }
0x5c: {  	[sflag:s17] =	ssyncset.done $0x0  }
0x5d: {  	s9 =	simm.s32 $0x51A8;
	[sflag:s17] =	ssyncadd.s32 $0xFFFFE700  }
0x5e: {  	[spmem:s2] =	stream.indirect.scatter.add.f32 [tilespmem:s22], [sflag:$0x7], $0x40, s9, s19, $0xb8;
	[tilespmem:$0x1D180] =	vst v63  }
0x5f: {  	_ =	swait.ge [sflag:s1], $0x1900  }
0x60: {  	[sflag:s1] =	ssyncset.done $0x0  }
0x61: {  	s8 =	simm.s32 $0x270;
	[sflag:s1] =	ssyncadd.s32 $0xFFFFE700  }
0x62: {  	[tilespmem:s22], [sflag:$0x2] =	stream.indirect.gather [hbm4b:s14+s19], $0x40, s8, s19, $0xb8;
	[tilespmem:$0x1D180] =	vst v63  }
0x63: {  	_ =	swait.ge [sflag:s21], $0x1900  }
0x64: {  	[sflag:s21] =	ssyncset.done $0x0  }
0x65: {  	s9 =	simm.s32 $0x5210;
	[sflag:s21] =	ssyncadd.s32 $0xFFFFE700  }
0x66: {  	[spmem:s2] =	stream.indirect.scatter.add.f32 [tilespmem:s25], [sflag:$0x8], $0x40, s9, s19, $0xb8;
	[tilespmem:$0x1D180] =	vst v63  }
0x67: {  	_ =	swait.ge [sflag:s23], $0x1900  }
0x68: {  	[sflag:s23] =	ssyncset.done $0x0  }
0x69: {  	s8 =	simm.s32 $0x2D8;
	[sflag:s23] =	ssyncadd.s32 $0xFFFFE700  }
0x6a: {  	[tilespmem:s25], [sflag:$0x3] =	stream.indirect.gather [hbm4b:s14+s19], $0x40, s8, s19, $0xb8;
	[tilespmem:$0x1D180] =	vst v63  }
0x6b: {  	_ =	swait.ge [sflag:s26], $0x1900  }
0x6c: {  	[sflag:s26] =	ssyncset.done $0x0  }
0x6d: {  	s9 =	simm.s32 $0x5278;
	[sflag:s26] =	ssyncadd.s32 $0xFFFFE700  }
0x6e: {  	[spmem:s2] =	stream.indirect.scatter.add.f32 [tilespmem:s28], [sflag:$0x9], $0x40, s9, s19, $0xb8;
	[tilespmem:$0x1D180] =	vst v63  }
0x6f: {  	_ =	swait.ge [sflag:s29], $0x1900  }
0x70: {  	[sflag:s29] =	ssyncset.done $0x0  }
0x71: {  	s8 =	simm.s32 $0x340;
	[sflag:s29] =	ssyncadd.s32 $0xFFFFE700  }
0x72: {  	[tilespmem:s28], [sflag:$0x4] =	stream.indirect.gather [hbm4b:s14+s19], $0x40, s8, s19, $0xb8;
	[tilespmem:$0x1D180] =	vst v63  }
0x73: {  	_ =	swait.ge [sflag:s4], $0x1900  }
0x74: {  	[sflag:s4] =	ssyncset.done $0x0  }
0x75: {  	s9 =	simm.s32 $0x52E0;
	[sflag:s4] =	ssyncadd.s32 $0xFFFFE700  }
0x76: {  	[spmem:s2] =	stream.indirect.scatter.add.f32 [tilespmem:s30], [sflag:$0xA], $0x40, s9, s19, $0xb8;
	[tilespmem:$0x1D180] =	vst v63  }
0x77: {  	_ =	swait.ge [sflag:s5], $0x1900  }
0x78: {  	[sflag:s5] =	ssyncset.done $0x0  }
0x79: {  	s7 =	simm.s32 $0x820;
	s8 =	simm.s32 $0x3A8;
	[sflag:s5] =	ssyncadd.s32 $0xFFFFE700  }
.LBB2_4:
0x7a: {  	[tilespmem:s30], [sflag:$0x5] =	stream.indirect.gather [hbm4b:s14+s19], $0x40, s8, s19, $0xb8;
	[tilespmem:$0x1D180] =	vst v63  }
0x7b: {  	s8 =	smov.u32 s7  }
0x7c: {  	p0 =	sne.s32 s7, $0x134C0;
	s7 =	sadd.s32 $0x820, s7;
	_ =	swait.ge [sflag:s31], $0x1900  }
0x7d: {  	s8 =	sshra.s32 s8, $0x2;
	[sflag:s31] =	ssyncset.done $0x0  }
0x7e: {  	s9 =	sadd.s32 $0x5140, s8;
	[sflag:s31] =	ssyncadd.s32 $0xFFFFE700  }
0x7f: {  	[spmem:s2] =	stream.indirect.scatter.add.f32 [tilespmem:s20], [sflag:$0x6], $0x40, s9, s19, $0xb8;
	[tilespmem:$0x1D180] =	vst v63  }
0x80: {  	_ =	swait.ge [sflag:s0], $0x1900  }
0x81: {  	[sflag:s0] =	ssyncset.done $0x0  }
0x82: {  	s9 =	sadd.s32 $0x208, s8;
	[sflag:s0] =	ssyncadd.s32 $0xFFFFE700  }
0x83: {  	[tilespmem:s20], [sflag:$0x1] =	stream.indirect.gather [hbm4b:s14+s19], $0x40, s9, s19, $0xb8;
	[tilespmem:$0x1D180] =	vst v63  }
0x84: {  	_ =	swait.ge [sflag:s17], $0x1900  }
0x85: {  	[sflag:s17] =	ssyncset.done $0x0  }
0x86: {  	s9 =	sadd.s32 $0x51A8, s8;
	[sflag:s17] =	ssyncadd.s32 $0xFFFFE700  }
0x87: {  	[spmem:s2] =	stream.indirect.scatter.add.f32 [tilespmem:s22], [sflag:$0x7], $0x40, s9, s19, $0xb8;
	[tilespmem:$0x1D180] =	vst v63  }
0x88: {  	_ =	swait.ge [sflag:s1], $0x1900  }
0x89: {  	[sflag:s1] =	ssyncset.done $0x0  }
0x8a: {  	s9 =	sadd.s32 $0x270, s8;
	[sflag:s1] =	ssyncadd.s32 $0xFFFFE700  }
0x8b: {  	[tilespmem:s22], [sflag:$0x2] =	stream.indirect.gather [hbm4b:s14+s19], $0x40, s9, s19, $0xb8;
	[tilespmem:$0x1D180] =	vst v63  }
0x8c: {  	_ =	swait.ge [sflag:s21], $0x1900  }
0x8d: {  	[sflag:s21] =	ssyncset.done $0x0  }
0x8e: {  	s9 =	sadd.s32 $0x5210, s8;
	[sflag:s21] =	ssyncadd.s32 $0xFFFFE700  }
0x8f: {  	[spmem:s2] =	stream.indirect.scatter.add.f32 [tilespmem:s25], [sflag:$0x8], $0x40, s9, s19, $0xb8;
	[tilespmem:$0x1D180] =	vst v63  }
0x90: {  	_ =	swait.ge [sflag:s23], $0x1900  }
0x91: {  	[sflag:s23] =	ssyncset.done $0x0  }
0x92: {  	s9 =	sadd.s32 $0x2D8, s8;
	[sflag:s23] =	ssyncadd.s32 $0xFFFFE700  }
0x93: {  	[tilespmem:s25], [sflag:$0x3] =	stream.indirect.gather [hbm4b:s14+s19], $0x40, s9, s19, $0xb8;
	[tilespmem:$0x1D180] =	vst v63  }
0x94: {  	_ =	swait.ge [sflag:s26], $0x1900  }
0x95: {  	[sflag:s26] =	ssyncset.done $0x0  }
0x96: {  	s9 =	sadd.s32 $0x5278, s8;
	[sflag:s26] =	ssyncadd.s32 $0xFFFFE700  }
0x97: {  	[spmem:s2] =	stream.indirect.scatter.add.f32 [tilespmem:s28], [sflag:$0x9], $0x40, s9, s19, $0xb8;
	[tilespmem:$0x1D180] =	vst v63  }
0x98: {  	_ =	swait.ge [sflag:s29], $0x1900  }
0x99: {  	[sflag:s29] =	ssyncset.done $0x0  }
0x9a: {  	s9 =	sadd.s32 $0x340, s8;
	[sflag:s29] =	ssyncadd.s32 $0xFFFFE700  }
0x9b: {  	[tilespmem:s28], [sflag:$0x4] =	stream.indirect.gather [hbm4b:s14+s19], $0x40, s9, s19, $0xb8;
	[tilespmem:$0x1D180] =	vst v63  }
0x9c: {  	_ =	swait.ge [sflag:s4], $0x1900  }
0x9d: {  	[sflag:s4] =	ssyncset.done $0x0  }
.Ltmp1:
0x9e: {  	s9 =	sadd.s32 $0x52E0, s8;
	[sflag:s4] =	ssyncadd.s32 $0xFFFFE700;
	(pc) =	sbr.rel @p0 .LBB2_4-.Ltmp1, $4  }
0x9f: {  	[spmem:s2] =	stream.indirect.scatter.add.f32 [tilespmem:s30], [sflag:$0xA], $0x40, s9, s19, $0xb8;
	[tilespmem:$0x1D180] =	vst v63  }
0xa0: {  	_ =	swait.ge [sflag:s5], $0x1900  }
0xa1: {  	[sflag:s5] =	ssyncset.done $0x0  }
0xa2: {  	s8 =	sadd.s32 $0x3A8, s8;
	[sflag:s5] =	ssyncadd.s32 $0xFFFFE700  }
0xa3: {  	[tilespmem:s30], [sflag:$0x5] =	stream.indirect.gather [hbm4b:s14+s19], $0x40, s8, s19, $0xb8;
	[tilespmem:$0x1D180] =	vst v63  }
0xa4: {  	_ =	swait.ge [sflag:s31], $0x1900  }
0xa5: {  	[sflag:s31] =	ssyncset.done $0x0  }
0xa6: {  	s7 =	simm.s32 $0xA078;
	[sflag:s31] =	ssyncadd.s32 $0xFFFFE700  }
0xa7: {  	[spmem:s2] =	stream.indirect.scatter.add.f32 [tilespmem:s20], [sflag:$0x6], $0x40, s7, s19, $0xb8;
	[tilespmem:$0x1D180] =	vst v63  }
0xa8: {  	_ =	swait.ge [sflag:s17], $0x1900  }
0xa9: {  	[sflag:s17] =	ssyncset.done $0x0  }
0xaa: {  	s8 =	simm.s32 $0xA0E0;
	[sflag:s17] =	ssyncadd.s32 $0xFFFFE700  }
0xab: {  	[spmem:s2] =	stream.indirect.scatter.add.f32 [tilespmem:s22], [sflag:$0x7], $0x40, s8, s19, $0xb8;
	[tilespmem:$0x1D180] =	vst v63  }
0xac: {  	_ =	swait.ge [sflag:s21], $0x1900  }
0xad: {  	[sflag:s21] =	ssyncset.done $0x0  }
0xae: {  	s9 =	simm.s32 $0xA148;
	[sflag:s21] =	ssyncadd.s32 $0xFFFFE700  }
0xaf: {  	[spmem:s2] =	stream.indirect.scatter.add.f32 [tilespmem:s25], [sflag:$0x8], $0x40, s9, s19, $0xb8;
	[tilespmem:$0x1D180] =	vst v63  }
0xb0: {  	_ =	swait.ge [sflag:s26], $0x1900  }
0xb1: {  	[sflag:s26] =	ssyncset.done $0x0  }
0xb2: {  	s8 =	simm.s32 $0xA1B0;
	[sflag:s26] =	ssyncadd.s32 $0xFFFFE700  }
0xb3: {  	[spmem:s2] =	stream.indirect.scatter.add.f32 [tilespmem:s28], [sflag:$0x9], $0x40, s8, s19, $0xb8;
	[tilespmem:$0x1D180] =	vst v63  }
0xb4: {  	_ =	swait.ge [sflag:s4], $0x1900  }
0xb5: {  	[sflag:s4] =	ssyncset.done $0x0  }
0xb6: {  	s9 =	simm.s32 $0xA218;
	[sflag:s4] =	ssyncadd.s32 $0xFFFFE700  }
0xb7: {  	[spmem:s2] =	stream.indirect.scatter.add.f32 [tilespmem:s30], [sflag:$0xA], $0x40, s9, s19, $0xb8;
	[tilespmem:$0x1D180] =	vst v63  }
0xb8: {  	_ =	swait.ge [sflag:s0], $0x1900  }
0xb9: {  	[sflag:s0] =	ssyncset.done $0x0  }
0xba: {  	[sflag:s0] =	ssyncadd.s32 $0xFFFFE700  }
0xbb: {  	_ =	swait.ge [sflag:s1], $0x1900  }
0xbc: {  	[sflag:s1] =	ssyncset.done $0x0  }
0xbd: {  	[sflag:s1] =	ssyncadd.s32 $0xFFFFE700  }
0xbe: {  	_ =	swait.ge [sflag:s23], $0x1900  }
0xbf: {  	[sflag:s23] =	ssyncset.done $0x0  }
0xc0: {  	[sflag:s23] =	ssyncadd.s32 $0xFFFFE700  }
0xc1: {  	_ =	swait.ge [sflag:s29], $0x1900  }
0xc2: {  	[sflag:s29] =	ssyncset.done $0x0  }
0xc3: {  	[sflag:s29] =	ssyncadd.s32 $0xFFFFE700  }
0xc4: {  	s8 =	stileid.u32;
	_ =	swait.ge [sflag:s5], $0x1900  }
0xc5: {  	s3 =	sadd.s32 $0x1, s3;
	s7 =	sshll.u32 s8, $0x6;
	[sflag:s5] =	ssyncset.done $0x0  }
0xc6: {  	p0 =	sne.s32 s3, s15;
	s7 =	sor.u32 $0x1C0B, s7;
	[sflag:s5] =	ssyncadd.s32 $0xFFFFE700  }
.Ltmp2:
0xc7: {  	s9 =	sshrl.u32 s6, $0x3;
	[bflag:$0x0] =	sbarrier.arrive $0xFFFF;
	(pc) =	sbr.rel @p0 .LBB2_1-.Ltmp2, $4  }
0xc8: {  	[hbm:s24], [sflag:s7] =	dma.local [spmem:s9], $0x13C0  }
0xc9: {  	_ =	swait.ge [sflag:s16], $0x13C0  }
0xca: {  	[sflag:s16] =	ssyncset.done $0x0  }
0xcb: {  	[sflag:s16] =	ssyncadd.s32 $0xFFFFEC40  }
0xcc: {  	_ =	sfence.sel $0x180000  }
0xcd: {  	[bflag:$0x0] =	sbarrier.arrive $0xFFFF  }
0xce: {  	_ =	strace $0x9000004D  }
0xcf: {  	s0 =	stileid.u32;
	[bflag:$0x2] =	sbarrier.arrive $0xFFFF  }
0xd0: {  	p0 =	sne.s32 s0, $0x0;
	s0 =	rddreg [dreg:$0x3]  }
0xd1: {  	s0 =	sadd.s32 @!p0 $0x100000, s0  }
0xd2: {  	[sflag:s0] =	ssyncadd.tile.s32 @!p0 $0x1;
	_ =	shalt  }
.Lfunc_end2:
_tile_overlayer_lowered:
.L_overlay_start_2:
0xd3: {  	(tag) =	ssettag $0x2  }
0xd4: {  	s0 =	rddreg [dreg:$0x0];
	s2 =	stileid.u32  }
0xd5: {  	s1 =	rddreg [dreg:$0x1];
	p0 =	sne.s32 s2, $0x0  }
0xd6: {  	s3 =	rddreg [dreg:$0x2];
	[bflag:$0x3] =	sbarrier.arrive $0xFFFF;
	s2 =	simm.s32 @!p0 $0x1C0B  }
0xd7: {  	[timem:s3], [sflag:s2] =	dma.local @!p0 [hbm:s0], s1  }
0xd8: {  	s0 =	simm.s32 @!p0 $0xB  }
0xd9: {  	_ =	swait.ge @!p0 [sflag:s0], s1  }
0xda: {  	s1 =	ssub.s32 @!p0 $0x0, s1;
	[sflag:s0] =	ssyncset.done @!p0 $0x0  }
0xdb: {  	[sflag:s0] =	ssyncadd.s32 @!p0 s1  }
0xdc: {  	[bflag:$0x3] =	sbarrier.arrive $0xFFFF  }
0xdd: {  	_ =	shalt  }

// kernel: kernel.8.cloned.1.call-start
scs
__scs_entry_jumppad:
0x0: {  	(pc) =	sbr.rel $0x88, $3  }
0x1: {  	(tag) =	ssettag $0x0;
	lr =	simm.s32 $0x1  }
0x2: {  	[smem:$0x3F9A] =	sst lr;
	_ =	strace $0xD0000000  }
0x3: {  	_ = 	snop  }
0x4: {  	_ = 	snop  }
0x5: {  	_ = 	snop  }
0x6: {  	_ = 	snop  }
0x7: {  	_ = 	snop  }
__scs_overlays_trampoline_lowered:
0x8: {  	[smem:$0x3FA9] =	sst s0  }
0x9: {  	[smem:$0x3FAA] =	sst s1  }
0xa: {  	[smem:$0x3FAB] =	sst s2  }
0xb: {  	[smem:$0x3FAC] =	sst s3  }
0xc: {  	[smem:$0x3FAD] =	sst s4  }
0xd: {  	[smem:$0x3FAE] =	sst s5  }
0xe: {  	[smem:$0x3FAF] =	sst s6  }
0xf: {  	[smem:$0x3FB0] =	sst s7  }
0x10: {  	[smem:$0x3FB1] =	sst s8  }
0x11: {  	[smem:$0x3FB2] =	sst s9;
	s0 =	simm.s32 @!p0 $0x0  }
0x12: {  	s1 =	sld [smem:$0x3F98];
	s0 =	simm.s32 @p0 $0x1  }
0x13: {  	[smem:$0x3FB3] =	sst s0;
	s0 =	simm.s32 @!p1 $0x0  }
0x14: {  	s2 =	sld [smem:$0x3F97];
	s0 =	simm.s32 @p1 $0x1  }
0x15: {  	[smem:$0x3FB4] =	sst s0;
	s0 =	simm.s32 @!p2 $0x0  }
0x16: {  	s3 =	sld [smem:$0x3FDB];
	s0 =	simm.s32 @p2 $0x1  }
0x17: {  	s4 =	simm.s32 $0x1BF5;
	[smem:$0x3FB6] =	sst s0  }
0x18: {  	s0 =	sld [smem:$0x3F99];
	_ =	swait.ge [sflag:s4], $0x0  }
0x19: {  	s7 =	sld [smem:$0x3F9A]  }
0x1a: {  	s8 =	sadd.s32 $0xFFFFE003, lr  }
0x1b: {  	s9 =	sadd.s32 $0xFFFFFEF7, lr;
	s5 =	simm.s32 $0xFFFFFFFF;
	p2 =	slt.u32 s8, $0xFFFFF086  }
0x1c: {  	p1 =	slt.u32 s9, $0xF7A;
	s5 =	simm.s32 @!p2 $0x0  }
0x1d: {  	s5 =	simm.s32 @p1 $0x1;
	p0 =	seq.s32 s7, s2  }
0x1e: {  	s7 =	smul.u32 @!p0 $0xF7A, s2;
	p2 =	seq.s32 @!p0 s5, $0x0  }
0x1f: {  	s9 =	smul.u32 $0xF7A, s1;
	s8 =	simm.s32 @!p0 $0x1BF5;
	p2 =	por !p2, p0  }
0x20: {  	[sflag:s8] =	ssyncset.s32 @!p0 $0xFFFFF086;
	s6 =	sadd.s32 @!p0 s3, s7;
	s7 =	simm.s32 @!p0 $0x108  }
0x21: {  	s3 =	sadd.s32 s3, s9;
	s6 =	sadd.s32 @!p0 $0x88, s6;
	s7 =	simm.s32 @p2 $0x1082  }
0x22: {  	[simem:s7], [sflag:s8] =	dma.local @!p0 [hbm:s6], $0xF7A  }
0x23: {  	s9 =	sor.u32 $0xD0000000, s2;
	s6 =	simm.s32 $0x108;
	_ =	swait.ge @!p0 [sflag:s8], $0x0  }
0x24: {  	s3 =	sadd.s32 $0x88, s3;
	s6 =	simm.s32 @!p1 $0x1082;
	[sflag:s4] =	ssyncset.s32 $0xFFFFF086  }
0x25: {  	[simem:s6], [sflag:s4] =	dma.local [hbm:s3], $0xF7A  }
0x26: {  	[smem:$0x3F9A] =	sst s1;
	(tag) =	ssettag s2;
	_ =	strace s9  }
0x27: {  	s1 =	sld [smem:$0x3FAA]  }
0x28: {  	s2 =	sld [smem:$0x3FAB]  }
0x29: {  	s4 =	sld [smem:$0x3FAD]  }
0x2a: {  	p0 =	seq.s32 s5, $0x0;
	s5 =	sld [smem:$0x3FAE]  }
0x2b: {  	s6 =	sld [smem:$0x3FAF]  }
0x2c: {  	s7 =	sld [smem:$0x3FB0]  }
0x2d: {  	s3 =	simm.s32 $0x108;
	s8 =	sld [smem:$0x3FB1]  }
0x2e: {  	s3 =	simm.s32 @!p0 $0x1082;
	s9 =	sld [smem:$0x3FB2]  }
0x2f: {  	lr =	sadd.s32 s0, s3;
	s0 =	sld [smem:$0x3FA9]  }
0x30: {  	s3 =	sld [smem:$0x3FAC]  }
0x31: {  	[smem:$0x3FB5] =	sst s10  }
0x32: {  	s10 =	sld [smem:$0x3FB3];
	_ =	sdelay $0x3  }
0x33: {  	p0 =	seq.s32 s10, $0x1;
	s10 =	sld [smem:$0x3FB5];
	_ =	sdelay $0x3  }
0x34: {  	[smem:$0x3FB5] =	sst s10  }
0x35: {  	s10 =	sld [smem:$0x3FB4];
	_ =	sdelay $0x3  }
0x36: {  	p1 =	seq.s32 s10, $0x1;
	s10 =	sld [smem:$0x3FB5];
	_ =	sdelay $0x3  }
0x37: {  	[smem:$0x3FB5] =	sst s10  }
0x38: {  	s10 =	sld [smem:$0x3FB6]  }
0x39: {  	_ = 	snop;
	(pc) =	sbr.ind lr, $3  }
0x3a: {  	_ = 	snop  }
0x3b: {  	_ = 	snop  }
0x3c: {  	p2 =	seq.s32 s10, $0x1;
	s10 =	sld [smem:$0x3FB5]  }
0x3d: {  	_ =	shalt  }
0x3e: {  	_ =	shalt  }
0x3f: {  	_ =	shalt  }
0x40: {  	_ =	shalt  }
0x41: {  	_ =	shalt  }
0x42: {  	_ =	shalt  }
0x43: {  	_ =	shalt  }
0x44: {  	_ =	shalt  }
0x45: {  	_ =	shalt  }
0x46: {  	_ =	shalt  }
0x47: {  	_ =	shalt  }
0x48: {  	_ =	shalt  }
0x49: {  	_ =	shalt  }
0x4a: {  	_ =	shalt  }
0x4b: {  	_ =	shalt  }
0x4c: {  	_ =	shalt  }
0x4d: {  	_ =	shalt  }
0x4e: {  	_ =	shalt  }
0x4f: {  	_ =	shalt  }
0x50: {  	_ =	shalt  }
0x51: {  	_ =	shalt  }
0x52: {  	_ =	shalt  }
0x53: {  	_ =	shalt  }
0x54: {  	_ =	shalt  }
0x55: {  	_ =	shalt  }
0x56: {  	_ =	shalt  }
0x57: {  	_ =	shalt  }
0x58: {  	_ =	shalt  }
0x59: {  	_ =	shalt  }
0x5a: {  	_ =	shalt  }
0x5b: {  	_ =	shalt  }
0x5c: {  	_ =	shalt  }
0x5d: {  	_ =	shalt  }
0x5e: {  	_ =	shalt  }
0x5f: {  	_ =	shalt  }
0x60: {  	_ =	shalt  }
0x61: {  	_ =	shalt  }
0x62: {  	_ =	shalt  }
0x63: {  	_ =	shalt  }
0x64: {  	_ =	shalt  }
0x65: {  	_ =	shalt  }
0x66: {  	_ =	shalt  }
0x67: {  	_ =	shalt  }
0x68: {  	_ =	shalt  }
0x69: {  	_ =	shalt  }
0x6a: {  	_ =	shalt  }
0x6b: {  	_ =	shalt  }
0x6c: {  	_ =	shalt  }
0x6d: {  	_ =	shalt  }
0x6e: {  	_ =	shalt  }
0x6f: {  	_ =	shalt  }
0x70: {  	_ =	shalt  }
0x71: {  	_ =	shalt  }
0x72: {  	_ =	shalt  }
0x73: {  	_ =	shalt  }
0x74: {  	_ =	shalt  }
0x75: {  	_ =	shalt  }
0x76: {  	_ =	shalt  }
0x77: {  	_ =	shalt  }
0x78: {  	_ =	shalt  }
0x79: {  	_ =	shalt  }
0x7a: {  	_ =	shalt  }
0x7b: {  	_ =	shalt  }
0x7c: {  	_ =	shalt  }
0x7d: {  	_ =	shalt  }
0x7e: {  	_ =	shalt  }
0x7f: {  	_ =	shalt  }
0x80: {  	_ =	shalt  }
0x81: {  	_ =	shalt  }
0x82: {  	_ =	shalt  }
0x83: {  	_ =	shalt  }
0x84: {  	_ =	shalt  }
0x85: {  	_ =	shalt  }
0x86: {  	_ =	shalt  }
0x87: {  	_ =	shalt  }
.Lfunc_end0:
.L_simem_size_0:
called_computation_lowered:
.L_overlay_start_0:
0x88: {  	s2 =	sld [smem:$0x3FD9]  }
0x89: {  	s3 =	sld [smem:$0x3FFE];
	_ =	sdelay $0x1  }
0x8a: {  	s1 =	srdreg.scid  }
0x8b: {  	s0 =	sand.u32 $0x1, s1  }
0x8c: {  	s17 =	sshll.u32 s0, $0xA;
	s2 =	sadd.s32 s3, s2  }
0x8d: {  	s2 =	sadd.s32 s2, s17  }
0x8e: {  	[smem:$0x3FC1] =	sst s2  }
0x8f: {  	_ = 	snop  }
0x90: {  	s2 =	sld [smem:$0x3FD0];
	(tm) =	ssettm $0x1  }
0x91: {  	s18 =	sld [smem:$0x3FFB];
	_ =	sdelay $0x3  }
0x92: {  	_ =	strace s18  }
0x93: {  	s3 =	sld [smem:$0x3FFC];
	_ =	sdelay $0x3  }
0x94: {  	_ =	strace s3  }
0x95: {  	s3 =	sld [smem:$0x3FFD];
	_ =	sdelay $0x3  }
0x96: {  	_ =	strace s3  }
0x97: {  	_ =	strace $0x8FFFFFFF  }
0x98: {  	s19 =	sld [smem:$0x3FDB];
	_ =	sdelay $0x1  }
0x99: {  	s4 =	simm.s32 $_scs_section_size  }
0x9a: {  	s5 =	simm.s32 $_size__tile_overlayer_lowered;
	s6 =	simm.s32 $_tile_overlayer_lowered  }
0x9b: {  	s22 =	simm.s32 $0x1BFF;
	s21 =	sshll.u32 s6, $0x1;
	s3 =	sadd.s32 s4, s19  }
0x9c: {  	s7 =	simm.s32 $0x0;
	s20 =	sshll.u32 s5, $0x1;
	s5 =	sadd.s32 s21, s3  }
0x9d: {  	[timem:s7], [sflag:s22] =	dma.local [hbm:s5], s20  }
0x9e: {  	_ =	swait.ge [sflag:s22], s20  }
0x9f: {  	s4 =	ssub.s32 $0x0, s20;
	[sflag:s22] =	ssyncset.done $0x0  }
0xa0: {  	[sflag:s22] =	ssyncadd.s32 s4;
	_ =	sdelay $0x1  }
0xa1: {  	s23 =	simm.s32 $0x1B8B  }
0xa2: {  	_ =	swait.ge [sflag:s23], $0x1  }
0xa3: {  	[sflag:s23] =	ssyncset.done $0x0  }
0xa4: {  	s25 =	simm.s32 $0x1B8E;
	s24 =	sld [smem:$0x3FFE];
	[sflag:s23] =	ssyncadd.s32 $0xFFFFFFFF  }
0xa5: {  	s26 =	simm.s32 $execute0_lowered;
	[smem:$0x3FD2] =	sst s25  }
0xa6: {  	s5 =	sshll.u32 s26, $0x1;
	_ =	strace $0x80000046;
	[dreg:$0x1] =	wrdreg $0xFFFFFFFF  }
0xa7: {  	s28 =	simm.s32 $_size_execute0_lowered;
	s3 =	sadd.s32 s3, s5;
	[dreg:$0x0] =	wrdreg $0x0  }
0xa8: {  	s5 =	sshll.u32 s28, $0x1;
	[dreg:$0x2] =	wrdreg s3  }
0xa9: {  	[dreg:$0x3] =	wrdreg s5  }
0xaa: {  	[dreg:$0x4] =	wrdreg $0xC0  }
0xab: {  	_ =	task [dreg:s7], $0x5FFFF  }
0xac: {  	[dreg:$0x1] =	wrdreg $0xFFFFFFFF  }
0xad: {  	[dreg:$0x0] =	wrdreg $0x60  }
0xae: {  	[dreg:$0x2] =	wrdreg s2  }
0xaf: {  	[dreg:$0x3] =	wrdreg s24  }
0xb0: {  	[dreg:$0x4] =	wrdreg $0x56600  }
0xb1: {  	[dreg:$0x5] =	wrdreg $0x9  }
0xb2: {  	_ =	task.clear_ibuf [dreg:s7], $0x6FFFF;
	_ =	strace $0x90000046  }
0xb3: {  	s29 =	simm.s32 $0x9;
	_ =	strace $0x80000048  }
0xb4: {  	_ =	swait.ge [sflag:s29], $0x1  }
0xb5: {  	[sflag:s29] =	ssyncadd.s32 $0xFFFFFFFF  }
0xb6: {  	_ =	strace $0x90000048  }
0xb7: {  	_ =	sfence  }
0xb8: {  	s30 =	sld [smem:$0x0];
	_ =	sdelay $0x2  }
0xb9: {  	s31 =	sshll.u32 s1, $0xD;
	s1 =	sshrl.u32 s1, $0x2  }
0xba: {  	s3 =	sand.u32 $0x4000, s31;
	s1 =	sadd.s32 s1, s30  }
0xbb: {  	s0 =	sor.u32 s3, s0;
	s1 =	sshll.u32 s1, $0x11  }
0xbc: {  	s0 =	sor.u32 s1, s0  }
0xbd: {  	s0 =	sadd.s32 $0x8F2B, s0  }
0xbe: {  	[sflag:s0] =	ssyncadd.remote.s32 $0x1  }
0xbf: {  	_ =	sfence.sel $0xFFFF  }
0xc0: {  	[dreg:$0x0] =	wrdreg $0xFFFFFFFF;
	(pc) =	sbr.abs _section_cstart, $3  }
0xc1: {  	[dreg:$0x1] =	wrdreg $0xFFFFFFFF  }
0xc2: {  	_ =	task.clear_ibuf [dreg:s7], $0x2FFFF;
	_ =	strace $0x9FFFFFFF  }
0xc3: {  	(tm) =	ssettm $0x7FFFFFFF  }
tec
execute0_lowered:
.L_overlay_start_1:
0x0: {  	(tag) =	ssettag $0x1  }
0x1: {  	s4 =	rddreg [dreg:$0x0]  }
0x2: {  	s5 =	rddreg [dreg:$0x1]  }
0x3: {  	s1 =	srdreg.scid;
	s0 =	stileid.u32  }
0x4: {  	s2 =	rddreg [dreg:$0x2];
	s11 =	simm.s32 $0x68;
	s12 =	simm.s32 $0xD0  }
0x5: {  	s13 =	simm.s32 $0x138;
	s14 =	simm.s32 $0x1A0;
	s15 =	simm.s32 $0x208  }
0x6: {  	s16 =	simm.s32 $0x270;
	s17 =	simm.s32 $0x2D8;
	s18 =	simm.s32 $0x340  }
0x7: {  	s19 =	simm.s32 $0x3A8;
	s20 =	simm.s32 $0x410;
	s21 =	simm.s32 $0x478  }
0x8: {  	s22 =	simm.s32 $0x4E0;
	s23 =	simm.s32 $0x548;
	s26 =	simm.s32 $0x618  }
0x9: {  	s28 =	simm.s32 $0x1;
	s29 =	simm.s32 $0x0;
	s6 =	sand.u32 $0x1, s1  }
0xa: {  	s3 =	sshll.u32 s0, $0x1;
	s1 =	rddreg [dreg:$0x3];
	s10 =	smul.u32 $0x2780, s0  }
0xb: {  	s7 =	smul.u32 $0x4F00, s6;
	s8 =	sor.u32 s6, s3;
	s3 =	simm.s32 $0x0  }
0xc: {  	s6 =	ssub.s32 $0x2, s6;
	s8 =	smul.u32 $0x514, s8;
	[smem:$0x7FF] =	sst s3  }
0xd: {  	s9 =	sshrl.u32 s6, $0x1;
	s25 =	sshrl.u32 s10, $0x3;
	_ =	strace $0x80000047  }
0xe: {  	s7 =	sadd.s32 s7, s5;
	s6 =	ssub.s32 s6, s9;
	s5 =	sadd.s32 s10, s2  }
0xf: {  	s9 =	simm.s32 $0x64;
	s10 =	simm.s32 $0x28A0;
	s4 =	sadd.s32 s4, s8  }
0x10: {  	s24 =	sadd.s32 $0x1400, s7;
	s6 =	smax.u32 s6, $0x1;
	s7 =	simm.s32 $0x2  }
0x11: {  	v0 =	vimm.f32 $1.000000000e+00;
	v1 =	vimm.f32 $0.0e+00;
	s8 =	simm.s32 $0x2EE0;
	s24 =	sadd.s32 s25, s24;
	s25 =	simm.s32 $0x5B0  }
.LBB2_1:
0x12: {  	s30 =	simm.s32 $0x0  }
.LBB2_2:
0x13: {  	p0 =	sne.s32 s30, $0x18C0  }
.Ltmp0:
0x14: {  	_ = 	snop;
	(pc) =	sbr.rel @p0 .LBB2_2-.Ltmp0, $3  }
0x15: {  	_ =	sdelay $0x1  }
0x16: {  	s31 =	sshra.s32 s30, $0x2  }
0x17: {  	s30 =	sadd.s32 $0x40, s30;
	[tilespmem:s31+$0x28A0] =	vst v0  }
0x18: {  	s30 =	simm.s32 $0x40;
	s31 =	simm.s32 $0x0  }
.LBB2_4:
0x19: {  	p0 =	sne.s32 s30, $0x9DC0;
	[tilespmem:s31+$0x2EE0] =	vst v1;
	s31 =	smov.u32 s30;
	s30 =	sadd.s32 $0x40, s30  }
.Ltmp1:
0x1a: {  	(pc) =	sbr.rel @p0 .LBB2_4-.Ltmp1, $2  }
0x1b: {  	_ =	sdelay $0x2  }
0x1c: {  	s31 =	sshra.s32 s31, $0x2  }
0x1d: {  	[tilespmem:s31+$0x2EE0] =	vst v1  }
0x1e: {  	[tilespmem:s3], [sflag:$0x2] =	stream.linear.gather [hbm4b:s4+s3], $0x28A0, $0x38;
	[tilespmem:$0x7DE0] =	vst v63  }
0x1f: {  	_ =	swait.ge [sflag:s7], $0x28A0  }
0x20: {  	[sflag:s7] =	ssyncset.done $0x0  }
0x21: {  	[sflag:s7] =	ssyncadd.s32 $0xFFFFD760  }
0x22: {  	[spmem:s5] =	stream.linear.scatter [tilespmem:s8], [sflag:$0x2], $0x2780, $0x38;
	[tilespmem:$0x7DE0] =	vst v63  }
0x23: {  	_ =	swait.ge [sflag:s7], $0x2780  }
0x24: {  	[sflag:s7] =	ssyncset.done $0x0  }
0x25: {  	[sflag:s7] =	ssyncadd.s32 $0xFFFFD880  }
0x26: {  	[bflag:$0x0] =	sbarrier.arrive $0xFFFF  }
0x27: {  	[spmem:s2] =	stream.indirect.scatter.add.f32 [tilespmem:s10], [sflag:$0x1], $0x10, s3, s9, $0xb8;
	[tilespmem:$0x7DE0] =	vst v63  }
0x28: {  	_ = 	snop  }
0x29: {  	[spmem:s2] =	stream.indirect.scatter.add.f32 [tilespmem:s10], [sflag:$0x1], $0x10, s11, s9, $0xb8;
	[tilespmem:$0x7DE0] =	vst v63  }
0x2a: {  	_ = 	snop  }
0x2b: {  	[spmem:s2] =	stream.indirect.scatter.add.f32 [tilespmem:s10], [sflag:$0x1], $0x10, s12, s9, $0xb8;
	[tilespmem:$0x7DE0] =	vst v63  }
0x2c: {  	_ = 	snop  }
0x2d: {  	[spmem:s2] =	stream.indirect.scatter.add.f32 [tilespmem:s10], [sflag:$0x1], $0x10, s13, s9, $0xb8;
	[tilespmem:$0x7DE0] =	vst v63  }
0x2e: {  	_ = 	snop  }
0x2f: {  	[spmem:s2] =	stream.indirect.scatter.add.f32 [tilespmem:s10], [sflag:$0x1], $0x10, s14, s9, $0xb8;
	[tilespmem:$0x7DE0] =	vst v63  }
0x30: {  	_ = 	snop  }
0x31: {  	[spmem:s2] =	stream.indirect.scatter.add.f32 [tilespmem:s10], [sflag:$0x1], $0x10, s15, s9, $0xb8;
	[tilespmem:$0x7DE0] =	vst v63  }
0x32: {  	_ = 	snop  }
0x33: {  	[spmem:s2] =	stream.indirect.scatter.add.f32 [tilespmem:s10], [sflag:$0x1], $0x10, s16, s9, $0xb8;
	[tilespmem:$0x7DE0] =	vst v63  }
0x34: {  	_ = 	snop  }
0x35: {  	[spmem:s2] =	stream.indirect.scatter.add.f32 [tilespmem:s10], [sflag:$0x1], $0x10, s17, s9, $0xb8;
	[tilespmem:$0x7DE0] =	vst v63  }
0x36: {  	_ = 	snop  }
0x37: {  	[spmem:s2] =	stream.indirect.scatter.add.f32 [tilespmem:s10], [sflag:$0x1], $0x10, s18, s9, $0xb8;
	[tilespmem:$0x7DE0] =	vst v63  }
0x38: {  	_ = 	snop  }
0x39: {  	[spmem:s2] =	stream.indirect.scatter.add.f32 [tilespmem:s10], [sflag:$0x1], $0x10, s19, s9, $0xb8;
	[tilespmem:$0x7DE0] =	vst v63  }
0x3a: {  	_ = 	snop  }
0x3b: {  	[spmem:s2] =	stream.indirect.scatter.add.f32 [tilespmem:s10], [sflag:$0x1], $0x10, s20, s9, $0xb8;
	[tilespmem:$0x7DE0] =	vst v63  }
0x3c: {  	_ = 	snop  }
0x3d: {  	[spmem:s2] =	stream.indirect.scatter.add.f32 [tilespmem:s10], [sflag:$0x1], $0x10, s21, s9, $0xb8;
	[tilespmem:$0x7DE0] =	vst v63  }
0x3e: {  	_ = 	snop  }
0x3f: {  	[spmem:s2] =	stream.indirect.scatter.add.f32 [tilespmem:s10], [sflag:$0x1], $0x10, s22, s9, $0xb8;
	[tilespmem:$0x7DE0] =	vst v63  }
0x40: {  	_ = 	snop  }
0x41: {  	[spmem:s2] =	stream.indirect.scatter.add.f32 [tilespmem:s10], [sflag:$0x1], $0x10, s23, s9, $0xb8;
	[tilespmem:$0x7DE0] =	vst v63  }
0x42: {  	_ = 	snop  }
0x43: {  	[spmem:s2] =	stream.indirect.scatter.add.f32 [tilespmem:s10], [sflag:$0x1], $0x10, s25, s9, $0xb8;
	[tilespmem:$0x7DE0] =	vst v63  }
0x44: {  	_ = 	snop  }
0x45: {  	[spmem:s2] =	stream.indirect.scatter.add.f32 [tilespmem:s10], [sflag:$0x1], $0x10, s26, s9, $0xb8;
	[tilespmem:$0x7DE0] =	vst v63  }
0x46: {  	_ =	swait.ge [sflag:s28], $0x640  }
0x47: {  	[sflag:s28] =	ssyncset.done $0x0  }
0x48: {  	s30 =	simm.s32 $0x1BA0;
	s31 =	simm.s32 $0x680;
	[sflag:s28] =	ssyncadd.s32 $0xFFFFF9C0  }
.LBB2_6:
0x49: {  	[spmem:s2] =	stream.indirect.scatter.add.f32 [tilespmem:s10], [sflag:$0x1], $0x10, s31, s9, $0xb8;
	[tilespmem:$0x7DE0] =	vst v63  }
0x4a: {  	s31 =	smov.u32 s30;
	p0 =	sne.s32 s30, $0xA0E0  }
.Ltmp2:
0x4b: {  	s30 =	sadd.s32 $0x1A0, s30;
	(pc) =	sbr.rel @p0 .LBB2_6-.Ltmp2, $4  }
0x4c: {  	_ = 	snop  }
0x4d: {  	_ =	swait.ge [sflag:s28], $0x640  }
0x4e: {  	[sflag:s28] =	ssyncset.done $0x0  }
0x4f: {  	s31 =	sshra.s32 s31, $0x2;
	[sflag:s28] =	ssyncadd.s32 $0xFFFFF9C0  }
0x50: {  	[spmem:s2] =	stream.indirect.scatter.add.f32 [tilespmem:s10], [sflag:$0x1], $0x10, s31, s9, $0xb8;
	[tilespmem:$0x7DE0] =	vst v63  }
0x51: {  	_ =	swait.ge [sflag:s28], $0x640  }
0x52: {  	[sflag:s28] =	ssyncset.done $0x0  }
0x53: {  	[sflag:s28] =	ssyncadd.s32 $0xFFFFF9C0  }
0x54: {  	_ =	swait.ge [sflag:s28], $0x640  }
0x55: {  	[sflag:s28] =	ssyncset.done $0x0  }
0x56: {  	[sflag:s28] =	ssyncadd.s32 $0xFFFFF9C0  }
0x57: {  	_ =	swait.ge [sflag:s28], $0x640  }
0x58: {  	[sflag:s28] =	ssyncset.done $0x0  }
0x59: {  	[sflag:s28] =	ssyncadd.s32 $0xFFFFF9C0  }
0x5a: {  	_ =	swait.ge [sflag:s28], $0x640  }
0x5b: {  	[sflag:s28] =	ssyncset.done $0x0  }
0x5c: {  	[sflag:s28] =	ssyncadd.s32 $0xFFFFF9C0  }
0x5d: {  	_ =	swait.ge [sflag:s28], $0x640  }
0x5e: {  	[sflag:s28] =	ssyncset.done $0x0  }
0x5f: {  	[sflag:s28] =	ssyncadd.s32 $0xFFFFF9C0  }
0x60: {  	_ =	swait.ge [sflag:s28], $0x640  }
0x61: {  	[sflag:s28] =	ssyncset.done $0x0  }
0x62: {  	[sflag:s28] =	ssyncadd.s32 $0xFFFFF9C0  }
0x63: {  	_ =	swait.ge [sflag:s28], $0x640  }
0x64: {  	[sflag:s28] =	ssyncset.done $0x0  }
0x65: {  	[sflag:s28] =	ssyncadd.s32 $0xFFFFF9C0  }
0x66: {  	_ =	swait.ge [sflag:s28], $0x640  }
0x67: {  	[sflag:s28] =	ssyncset.done $0x0  }
0x68: {  	[sflag:s28] =	ssyncadd.s32 $0xFFFFF9C0  }
0x69: {  	_ =	swait.ge [sflag:s28], $0x640  }
0x6a: {  	[sflag:s28] =	ssyncset.done $0x0  }
0x6b: {  	[sflag:s28] =	ssyncadd.s32 $0xFFFFF9C0  }
0x6c: {  	_ =	swait.ge [sflag:s28], $0x640  }
0x6d: {  	[sflag:s28] =	ssyncset.done $0x0  }
0x6e: {  	[sflag:s28] =	ssyncadd.s32 $0xFFFFF9C0  }
0x6f: {  	_ =	swait.ge [sflag:s28], $0x640  }
0x70: {  	[sflag:s28] =	ssyncset.done $0x0  }
0x71: {  	[sflag:s28] =	ssyncadd.s32 $0xFFFFF9C0  }
0x72: {  	_ =	swait.ge [sflag:s28], $0x640  }
0x73: {  	[sflag:s28] =	ssyncset.done $0x0  }
0x74: {  	[sflag:s28] =	ssyncadd.s32 $0xFFFFF9C0  }
0x75: {  	_ =	swait.ge [sflag:s28], $0x640  }
0x76: {  	[sflag:s28] =	ssyncset.done $0x0  }
0x77: {  	[sflag:s28] =	ssyncadd.s32 $0xFFFFF9C0  }
0x78: {  	_ =	swait.ge [sflag:s28], $0x640  }
0x79: {  	[sflag:s28] =	ssyncset.done $0x0  }
0x7a: {  	[sflag:s28] =	ssyncadd.s32 $0xFFFFF9C0  }
0x7b: {  	_ =	swait.ge [sflag:s28], $0x640  }
0x7c: {  	[sflag:s28] =	ssyncset.done $0x0  }
0x7d: {  	[sflag:s28] =	ssyncadd.s32 $0xFFFFF9C0  }
0x7e: {  	_ =	swait.ge [sflag:s28], $0x640  }
0x7f: {  	s30 =	sshll.u32 s0, $0x6;
	s29 =	sadd.s32 $0x1, s29;
	[sflag:s28] =	ssyncset.done $0x0  }
0x80: {  	s31 =	sshrl.u32 s5, $0x3;
	p0 =	sne.s32 s29, s6;
	[sflag:s28] =	ssyncadd.s32 $0xFFFFF9C0  }
.Ltmp3:
0x81: {  	s30 =	sor.u32 $0x1C02, s30;
	[bflag:$0x0] =	sbarrier.arrive $0xFFFF;
	(pc) =	sbr.rel @p0 .LBB2_1-.Ltmp3, $4  }
0x82: {  	[hbm:s24], [sflag:s30] =	dma.local [spmem:s31], $0x4F0  }
0x83: {  	_ =	swait.ge [sflag:s7], $0x4F0  }
0x84: {  	[sflag:s7] =	ssyncset.done $0x0  }
0x85: {  	[sflag:s7] =	ssyncadd.s32 $0xFFFFFB10  }
0x86: {  	_ =	sfence.sel $0x180000  }
0x87: {  	[bflag:$0x0] =	sbarrier.arrive $0xFFFF  }
0x88: {  	p0 =	sne.s32 s0, $0x0;
	_ =	strace $0x90000047  }
0x89: {  	s0 =	sadd.s32 @!p0 $0x100000, s1;
	[bflag:$0x2] =	sbarrier.arrive $0xFFFF  }
0x8a: {  	[sflag:s0] =	ssyncadd.tile.s32 @!p0 $0x1;
	_ =	shalt  }
.Lfunc_end2:
_tile_overlayer_lowered:
.L_overlay_start_2:
0x8b: {  	(tag) =	ssettag $0x2  }
0x8c: {  	s0 =	rddreg [dreg:$0x0];
	s2 =	stileid.u32  }
0x8d: {  	s1 =	rddreg [dreg:$0x1];
	p0 =	sne.s32 s2, $0x0  }
0x8e: {  	s3 =	rddreg [dreg:$0x2];
	[bflag:$0x3] =	sbarrier.arrive $0xFFFF;
	s2 =	simm.s32 @!p0 $0x1C02  }
0x8f: {  	[timem:s3], [sflag:s2] =	dma.local @!p0 [hbm:s0], s1  }
0x90: {  	s0 =	simm.s32 @!p0 $0x2  }
0x91: {  	_ =	swait.ge @!p0 [sflag:s0], s1  }
0x92: {  	s1 =	ssub.s32 @!p0 $0x0, s1;
	[sflag:s0] =	ssyncset.done @!p0 $0x0  }
0x93: {  	[sflag:s0] =	ssyncadd.s32 @!p0 s1  }
0x94: {  	[bflag:$0x3] =	sbarrier.arrive $0xFFFF  }
0x95: {  	_ =	shalt  }

</sc_bundles>
